<compile_context>
chip_gen: v7x
topology: tpu7x:2x2x1
jax: 0.10.2.dev20260603
libtpu: 0.0.44.dev20260713+nightly
codegen_flags: <defaults>
</compile_context>

<pallas_src>
import jax
import jax.numpy as jnp
from jax import lax
from jax.experimental import pallas as pl
from jax.experimental.pallas import tpu as pltpu
from jax.experimental.pallas import tpu_sc as plsc

_VOCAB = 100000
_DIM = 64
_BATCH = 1024
_CTX = 50

_NC = 2
_NS = 16
_NW = _NC * _NS
_LANES = 16

_D_PER_W = _DIM // _NW
_BCHUNK = 128
_NBCHUNK = _BATCH // _BCHUNK
_NGROUP = _BCHUNK // _LANES


def _sc_pool_kernel(
    ctxT_hbm, tableT_hbm, out_hbm, row_v, idx0_v, idx1_v, out_v, semr, sem0, sem1
):
    wid = lax.axis_index("s") * _NC + lax.axis_index("c")
    inv_ctx = jnp.float32(1.0 / _CTX)
    sems = (sem0, sem1)
    bufs = (idx0_v, idx1_v)

    def stage_idx(c):
        return pltpu.async_copy(
            ctxT_hbm.at[:, pl.ds(c * _BCHUNK, _BCHUNK)],
            bufs[c % 2],
            sems[c % 2],
        )

    for k in range(_D_PER_W):
        d = wid * _D_PER_W + k
        row_cp = pltpu.async_copy(tableT_hbm.at[d], row_v, semr)
        idx_cp = stage_idx(0)
        for c in range(_NBCHUNK):
            idx_cp.wait()
            if c + 1 < _NBCHUNK:
                idx_cp = stage_idx(c + 1)
            if c == 0:
                row_cp.wait()
            buf = c % 2

            def jbody(j, accs):
                return tuple(
                    accs[g]
                    + plsc.load_gather(
                        row_v, [bufs[buf][j, pl.ds(g * _LANES, _LANES)]]
                    )
                    for g in range(_NGROUP)
                )

            accs = tuple(
                jnp.zeros((_LANES,), jnp.float32) for _ in range(_NGROUP)
            )
            accs = lax.fori_loop(0, _CTX, jbody, accs)
            for g in range(_NGROUP):
                out_v[k, pl.ds(c * _BCHUNK + g * _LANES, _LANES)] = (
                    accs[g] * inv_ctx
                )

    pltpu.sync_copy(out_v, out_hbm.at[pl.ds(wid * _D_PER_W, _D_PER_W)])


@jax.jit
def _sc_pool_t(ctxT, tableT):
    mesh = plsc.VectorSubcoreMesh(
        core_axis_name="c", subcore_axis_name="s",
        num_cores=_NC, num_subcores=_NS,
    )
    return pl.kernel(
        _sc_pool_kernel,
        out_type=jax.ShapeDtypeStruct((_DIM, _BATCH), jnp.float32),
        mesh=mesh,
        scratch_types=[
            pltpu.VMEM((_VOCAB,), jnp.float32),
            pltpu.VMEM((_CTX, _BCHUNK), jnp.int32),
            pltpu.VMEM((_CTX, _BCHUNK), jnp.int32),
            pltpu.VMEM((_D_PER_W, _BATCH), jnp.float32),
            pltpu.SemaphoreType.DMA,
            pltpu.SemaphoreType.DMA,
            pltpu.SemaphoreType.DMA,
        ],
        compiler_params=pltpu.CompilerParams(
            use_tc_tiling_on_sc=True, needs_layout_passes=False,
        ),
    )(ctxT, tableT)


_VB = 4096


def _mm_kernel(wt_ref, x_ref, b_ref, o_ref):
    o_ref[...] = lax.dot_general(
        wt_ref[...], x_ref[...],
        dimension_numbers=(((0,), (0,)), ((), ())),
        preferred_element_type=jnp.float32,
    ) + b_ref[...].T


@jax.jit
def _project_t(WT, poolT, b2):
    return pl.pallas_call(
        _mm_kernel,
        grid=(pl.cdiv(_VOCAB, _VB),),
        in_specs=[
            pl.BlockSpec((_DIM, _VB), lambda i: (0, i)),
            pl.BlockSpec((_DIM, _BATCH), lambda i: (0, 0)),
            pl.BlockSpec((1, _VB), lambda i: (0, i)),
        ],
        out_specs=pl.BlockSpec((_VB, _BATCH), lambda i: (i, 0)),
        out_shape=jax.ShapeDtypeStruct((_VOCAB, _BATCH), jnp.float32),
    )(WT, poolT, b2)


def kernel(context, emb_table, W, b):
    context = context.astype(jnp.int32)
    poolT = _sc_pool_t(context.T, emb_table.T)
    outT = _project_t(W.T, poolT, b.reshape(1, _VOCAB))
    return outT.T

# --- scband reference (transcript-rebuilt; emitter-appended) ---
"""Pipeline reference for scband-cbowmodel-36155034698017 (READ-ONLY COPY).

The authoritative reference and input builder live on the scoring server;
editing this copy changes nothing except your own understanding.
"""

import jax, jax.numpy as jnp
import numpy as np

VOCAB = 100000
DIM = 64
BATCH = 1024
CTX = 50

def setup_inputs(seed: int = 0) -> dict:
    key = jax.random.key(seed)
    k1, k2, k3, k4 = jax.random.split(key, 4)
    context = jax.random.randint(k1, (BATCH, CTX), 0, VOCAB, dtype=jnp.int64 if jax.config.jax_enable_x64 else jnp.int32)
    emb_table = jax.random.normal(k2, (VOCAB, DIM), dtype=jnp.float32) * 0.02
    W = jax.random.normal(k3, (VOCAB, DIM), dtype=jnp.float32) * (1.0 / np.sqrt(DIM))
    b = jax.random.normal(k4, (VOCAB,), dtype=jnp.float32) * 0.01
    return {"context": context, "emb_table": emb_table, "W": W, "b": b}

def reference(context, emb_table, W, b):
    # nn.Embedding lookup: gather rows of the table
    embeds = jnp.take(emb_table, context, axis=0)          # [B, CTX, DIM]
    embeds = embeds.mean(axis=1)                            # [B, DIM]
    # nn.Linear(embedding_dim, vocab_size): x @ W.T + b
    out = embeds @ W.T + b                                  # [B, VOCAB]
    return out

if __name__ == "__main__":
    import jax
    _d = setup_inputs()
    print(jax.jit(kernel)(*tuple(_d.values())))

</pallas_src>

<mosaic_0001>
#map = affine_map<(d0, d1) -> (0, 0)>
module attributes {stable_mosaic.version = 14 : i64} {
  func.func @_sc_pool_kernel(%arg0: i32, %arg1: i32, %arg2: memref<50x1024xi32, #tpu.memory_space<hbm>>, %arg3: memref<64x100000xf32, #tpu.memory_space<hbm>>, %arg4: memref<64x1024xf32, #tpu.memory_space<hbm>>, %arg5: memref<100000xf32, #tpu.memory_space<vmem>>, %arg6: memref<50x128xi32, #tpu.memory_space<vmem>>, %arg7: memref<50x128xi32, #tpu.memory_space<vmem>>, %arg8: memref<2x1024xf32, #tpu.memory_space<vmem>>, %arg9: memref<!tpu.dma_semaphore, #tpu.memory_space<semaphore_mem>>, %arg10: memref<!tpu.dma_semaphore, #tpu.memory_space<semaphore_mem>>, %arg11: memref<!tpu.dma_semaphore, #tpu.memory_space<semaphore_mem>>) attributes {dimension_semantics = [#tpu.dimension_semantics<core_parallel>, #tpu.dimension_semantics<subcore_parallel>], iteration_bounds = array<i64: 2, 16>, scalar_prefetch = 0 : i64, scratch_operands = 7 : i64, tpu.core_type = #tpu.core_type<sc_vector_subcore>, window_params = [{transform_indices = #map}, {transform_indices = #map}, {transform_indices = #map}]} {
    %mul3A = arith.constant 2 : i32
    %mul3A_0 = arith.muli %arg1, %mul3A : i32
    %add3A = arith.addi %mul3A_0, %arg0 : i32
    %mul3A_1 = arith.constant 2 : i32
    %mul3A_2 = arith.muli %add3A, %mul3A_1 : i32
    %add3A_3 = arith.constant 0 : i32
    %add3A_4 = arith.addi %mul3A_2, %add3A_3 : i32
    %dma_start3A = arith.constant 0 : i32
    %dma_start3A_5 = tpu.memref_slice %arg3[%add3A_4, %dma_start3A] : memref<64x100000xf32, #tpu.memory_space<hbm>> -> memref<1x100000xf32, #tpu.memory_space<hbm>>
    %dma_start3A_6 = tpu.memref_squeeze %dma_start3A_5 : memref<1x100000xf32, #tpu.memory_space<hbm>> -> memref<100000xf32, #tpu.memory_space<hbm>>
    %dma_start3A_7 = arith.constant 0 : i32
    %dma_start3A_8 = tpu.memref_slice %arg3[%add3A_4, %dma_start3A_7] : memref<64x100000xf32, #tpu.memory_space<hbm>> -> memref<1x100000xf32, #tpu.memory_space<hbm>>
    %dma_start3A_9 = tpu.memref_squeeze %dma_start3A_8 : memref<1x100000xf32, #tpu.memory_space<hbm>> -> memref<100000xf32, #tpu.memory_space<hbm>>
    tpu.enqueue_dma source(%dma_start3A_9 : memref<100000xf32, #tpu.memory_space<hbm>>) target(%arg5 : memref<100000xf32, #tpu.memory_space<vmem>>) target_semaphore(%arg9 : memref<!tpu.dma_semaphore, #tpu.memory_space<semaphore_mem>>)
    %dma_start3A_10 = arith.constant 0 : i32
    %dma_start3A_11 = arith.constant 0 : i32
    %dma_start3A_12 = tpu.memref_slice %arg2[%dma_start3A_10, %dma_start3A_11] : memref<50x1024xi32, #tpu.memory_space<hbm>> -> memref<50x128xi32, #tpu.memory_space<hbm>>
    %dma_start3A_13 = arith.constant 0 : i32
    %dma_start3A_14 = arith.constant 0 : i32
    %dma_start3A_15 = tpu.memref_slice %arg2[%dma_start3A_13, %dma_start3A_14] : memref<50x1024xi32, #tpu.memory_space<hbm>> -> memref<50x128xi32, #tpu.memory_space<hbm>>
    tpu.enqueue_dma source(%dma_start3A_15 : memref<50x128xi32, #tpu.memory_space<hbm>>) target(%arg6 : memref<50x128xi32, #tpu.memory_space<vmem>>) target_semaphore(%arg10 : memref<!tpu.dma_semaphore, #tpu.memory_space<semaphore_mem>>)
    %dma_wait3A = arith.constant 0 : i32
    %dma_wait3A_16 = arith.constant 0 : i32
    %dma_wait3A_17 = tpu.memref_slice %arg2[%dma_wait3A, %dma_wait3A_16] : memref<50x1024xi32, #tpu.memory_space<hbm>> -> memref<50x128xi32, #tpu.memory_space<hbm>>
    %dma_wait3A_18 = arith.constant 0 : i32
    %dma_wait3A_19 = arith.constant 0 : i32
    %dma_wait3A_20 = tpu.memref_slice %arg2[%dma_wait3A_18, %dma_wait3A_19] : memref<50x1024xi32, #tpu.memory_space<hbm>> -> memref<50x128xi32, #tpu.memory_space<hbm>>
    tpu.wait_dma2 semaphore(%arg10 : memref<!tpu.dma_semaphore, #tpu.memory_space<semaphore_mem>>) src(%dma_wait3A_20 : memref<50x128xi32, #tpu.memory_space<hbm>>) dst(%arg6 : memref<50x128xi32, #tpu.memory_space<vmem>>)
    %dma_start3A_21 = arith.constant 0 : i32
    %dma_start3A_22 = arith.constant 128 : i32
    %dma_start3A_23 = tpu.memref_slice %arg2[%dma_start3A_21, %dma_start3A_22] : memref<50x1024xi32, #tpu.memory_space<hbm>> -> memref<50x128xi32, #tpu.memory_space<hbm>>
    %dma_start3A_24 = arith.constant 0 : i32
    %dma_start3A_25 = arith.constant 128 : i32
    %dma_start3A_26 = tpu.memref_slice %arg2[%dma_start3A_24, %dma_start3A_25] : memref<50x1024xi32, #tpu.memory_space<hbm>> -> memref<50x128xi32, #tpu.memory_space<hbm>>
    tpu.enqueue_dma source(%dma_start3A_26 : memref<50x128xi32, #tpu.memory_space<hbm>>) target(%arg7 : memref<50x128xi32, #tpu.memory_space<vmem>>) target_semaphore(%arg11 : memref<!tpu.dma_semaphore, #tpu.memory_space<semaphore_mem>>)
    %dma_wait3A_27 = arith.constant 0 : i32
    %dma_wait3A_28 = tpu.memref_slice %arg3[%add3A_4, %dma_wait3A_27] : memref<64x100000xf32, #tpu.memory_space<hbm>> -> memref<1x100000xf32, #tpu.memory_space<hbm>>
    %dma_wait3A_29 = tpu.memref_squeeze %dma_wait3A_28 : memref<1x100000xf32, #tpu.memory_space<hbm>> -> memref<100000xf32, #tpu.memory_space<hbm>>
    %dma_wait3A_30 = arith.constant 0 : i32
    %dma_wait3A_31 = tpu.memref_slice %arg3[%add3A_4, %dma_wait3A_30] : memref<64x100000xf32, #tpu.memory_space<hbm>> -> memref<1x100000xf32, #tpu.memory_space<hbm>>
    %dma_wait3A_32 = tpu.memref_squeeze %dma_wait3A_31 : memref<1x100000xf32, #tpu.memory_space<hbm>> -> memref<100000xf32, #tpu.memory_space<hbm>>
    tpu.wait_dma2 semaphore(%arg9 : memref<!tpu.dma_semaphore, #tpu.memory_space<semaphore_mem>>) src(%dma_wait3A_32 : memref<100000xf32, #tpu.memory_space<hbm>>) dst(%arg5 : memref<100000xf32, #tpu.memory_space<vmem>>)
    %broadcast_in_dim3A = arith.constant 0.000000e+00 : f32
    %broadcast_in_dim3A_33 = vector.broadcast %broadcast_in_dim3A : f32 to vector<16xf32>
    %broadcast_in_dim3A_34 = arith.constant 0.000000e+00 : f32
    %broadcast_in_dim3A_35 = vector.broadcast %broadcast_in_dim3A_34 : f32 to vector<16xf32>
    %broadcast_in_dim3A_36 = arith.constant 0.000000e+00 : f32
    %broadcast_in_dim3A_37 = vector.broadcast %broadcast_in_dim3A_36 : f32 to vector<16xf32>
    %broadcast_in_dim3A_38 = arith.constant 0.000000e+00 : f32
    %broadcast_in_dim3A_39 = vector.broadcast %broadcast_in_dim3A_38 : f32 to vector<16xf32>
    %broadcast_in_dim3A_40 = arith.constant 0.000000e+00 : f32
    %broadcast_in_dim3A_41 = vector.broadcast %broadcast_in_dim3A_40 : f32 to vector<16xf32>
    %broadcast_in_dim3A_42 = arith.constant 0.000000e+00 : f32
    %broadcast_in_dim3A_43 = vector.broadcast %broadcast_in_dim3A_42 : f32 to vector<16xf32>
    %broadcast_in_dim3A_44 = arith.constant 0.000000e+00 : f32
    %broadcast_in_dim3A_45 = vector.broadcast %broadcast_in_dim3A_44 : f32 to vector<16xf32>
    %broadcast_in_dim3A_46 = arith.constant 0.000000e+00 : f32
    %broadcast_in_dim3A_47 = vector.broadcast %broadcast_in_dim3A_46 : f32 to vector<16xf32>
    %scan3A = arith.constant 0 : i32
    %scan3A_48 = arith.constant 50 : i32
    %scan3A_49 = arith.addi %scan3A, %scan3A_48 : i32
    %scan3A_50 = arith.constant 1 : i32
    %scan3A_51:8 = scf.for %scan3A_1470 = %scan3A to %scan3A_49 step %scan3A_50 iter_args(%scan3A_1471 = %broadcast_in_dim3A_33, %scan3A_1472 = %broadcast_in_dim3A_35, %scan3A_1473 = %broadcast_in_dim3A_37, %scan3A_1474 = %broadcast_in_dim3A_39, %scan3A_1475 = %broadcast_in_dim3A_41, %scan3A_1476 = %broadcast_in_dim3A_43, %scan3A_1477 = %broadcast_in_dim3A_45, %scan3A_1478 = %broadcast_in_dim3A_47) -> (vector<16xf32>, vector<16xf32>, vector<16xf32>, vector<16xf32>, vector<16xf32>, vector<16xf32>, vector<16xf32>, vector<16xf32>)  : i32 {
      %get3A = arith.index_cast %scan3A_1470 : i32 to index
      %get3A_1479 = arith.constant 0 : index
      %get3A_1480 = tpu.vector_load %arg6[%get3A, %get3A_1479] {strides = array<i32>} : memref<50x128xi32, #tpu.memory_space<vmem>>, vector<16xi32>,
      %gather3A = tpu.vector_load_idx %arg5[%get3A_1480] : memref<100000xf32, #tpu.memory_space<vmem>>[vector<16xi32>], vector<16xf32>,
      %add3A_1481 = arith.addf %scan3A_1471, %gather3A : vector<16xf32>
      %get3A_1482 = arith.index_cast %scan3A_1470 : i32 to index
      %get3A_1483 = arith.constant 16 : index
      %get3A_1484 = tpu.vector_load %arg6[%get3A_1482, %get3A_1483] {strides = array<i32>} : memref<50x128xi32, #tpu.memory_space<vmem>>, vector<16xi32>,
      %gather3A_1485 = tpu.vector_load_idx %arg5[%get3A_1484] : memref<100000xf32, #tpu.memory_space<vmem>>[vector<16xi32>], vector<16xf32>,
      %add3A_1486 = arith.addf %scan3A_1472, %gather3A_1485 : vector<16xf32>
      %get3A_1487 = arith.index_cast %scan3A_1470 : i32 to index
      %get3A_1488 = arith.constant 32 : index
      %get3A_1489 = tpu.vector_load %arg6[%get3A_1487, %get3A_1488] {strides = array<i32>} : memref<50x128xi32, #tpu.memory_space<vmem>>, vector<16xi32>,
      %gather3A_1490 = tpu.vector_load_idx %arg5[%get3A_1489] : memref<100000xf32, #tpu.memory_space<vmem>>[vector<16xi32>], vector<16xf32>,
      %add3A_1491 = arith.addf %scan3A_1473, %gather3A_1490 : vector<16xf32>
      %get3A_1492 = arith.index_cast %scan3A_1470 : i32 to index
      %get3A_1493 = arith.constant 48 : index
      %get3A_1494 = tpu.vector_load %arg6[%get3A_1492, %get3A_1493] {strides = array<i32>} : memref<50x128xi32, #tpu.memory_space<vmem>>, vector<16xi32>,
      %gather3A_1495 = tpu.vector_load_idx %arg5[%get3A_1494] : memref<100000xf32, #tpu.memory_space<vmem>>[vector<16xi32>], vector<16xf32>,
      %add3A_1496 = arith.addf %scan3A_1474, %gather3A_1495 : vector<16xf32>
      %get3A_1497 = arith.index_cast %scan3A_1470 : i32 to index
      %get3A_1498 = arith.constant 64 : index
      %get3A_1499 = tpu.vector_load %arg6[%get3A_1497, %get3A_1498] {strides = array<i32>} : memref<50x128xi32, #tpu.memory_space<vmem>>, vector<16xi32>,
      %gather3A_1500 = tpu.vector_load_idx %arg5[%get3A_1499] : memref<100000xf32, #tpu.memory_space<vmem>>[vector<16xi32>], vector<16xf32>,
      %add3A_1501 = arith.addf %scan3A_1475, %gather3A_1500 : vector<16xf32>
      %get3A_1502 = arith.index_cast %scan3A_1470 : i32 to index
      %get3A_1503 = arith.constant 80 : index
      %get3A_1504 = tpu.vector_load %arg6[%get3A_1502, %get3A_1503] {strides = array<i32>} : memref<50x128xi32, #tpu.memory_space<vmem>>, vector<16xi32>,
      %gather3A_1505 = tpu.vector_load_idx %arg5[%get3A_1504] : memref<100000xf32, #tpu.memory_space<vmem>>[vector<16xi32>], vector<16xf32>,
      %add3A_1506 = arith.addf %scan3A_1476, %gather3A_1505 : vector<16xf32>
      %get3A_1507 = arith.index_cast %scan3A_1470 : i32 to index
      %get3A_1508 = arith.constant 96 : index
      %get3A_1509 = tpu.vector_load %arg6[%get3A_1507, %get3A_1508] {strides = array<i32>} : memref<50x128xi32, #tpu.memory_space<vmem>>, vector<16xi32>,
      %gather3A_1510 = tpu.vector_load_idx %arg5[%get3A_1509] : memref<100000xf32, #tpu.memory_space<vmem>>[vector<16xi32>], vector<16xf32>,
      %add3A_1511 = arith.addf %scan3A_1477, %gather3A_1510 : vector<16xf32>
      %get3A_1512 = arith.index_cast %scan3A_1470 : i32 to index
      %get3A_1513 = arith.constant 112 : index
      %get3A_1514 = tpu.vector_load %arg6[%get3A_1512, %get3A_1513] {strides = array<i32>} : memref<50x128xi32, #tpu.memory_space<vmem>>, vector<16xi32>,
      %gather3A_1515 = tpu.vector_load_idx %arg5[%get3A_1514] : memref<100000xf32, #tpu.memory_space<vmem>>[vector<16xi32>], vector<16xf32>,
      %add3A_1516 = arith.addf %scan3A_1478, %gather3A_1515 : vector<16xf32>
      scf.yield %add3A_1481, %add3A_1486, %add3A_1491, %add3A_1496, %add3A_1501, %add3A_1506, %add3A_1511, %add3A_1516 : vector<16xf32>, vector<16xf32>, vector<16xf32>, vector<16xf32>, vector<16xf32>, vector<16xf32>, vector<16xf32>, vector<16xf32>
    }
    %scan3A_52 = arith.constant 50 : i32
    %mul3A_53 = arith.constant 2.000000e-02 : f32
    %mul3A_54 = vector.broadcast %mul3A_53 : f32 to vector<16xf32>
    %mul3A_55 = arith.mulf %scan3A_51#0, %mul3A_54 : vector<16xf32>
    %swap3A = arith.constant 0 : i32
    %swap3A_56 = arith.index_cast %swap3A : i32 to index
    %swap3A_57 = arith.constant 0 : index
    %swap3A_58 = tpu.vector_load %arg8[%swap3A_56, %swap3A_57] {strides = array<i32>} : memref<2x1024xf32, #tpu.memory_space<vmem>>, vector<16xf32>,
    tpu.vector_store %arg8[%swap3A_56, %swap3A_57], %mul3A_55 {strides = array<i32>} : memref<2x1024xf32, #tpu.memory_space<vmem>>, vector<16xf32>,
    %mul3A_59 = arith.constant 2.000000e-02 : f32
    %mul3A_60 = vector.broadcast %mul3A_59 : f32 to vector<16xf32>
    %mul3A_61 = arith.mulf %scan3A_51#1, %mul3A_60 : vector<16xf32>
    %swap3A_62 = arith.constant 0 : i32
    %swap3A_63 = arith.index_cast %swap3A_62 : i32 to index
    %swap3A_64 = arith.constant 16 : index
    %swap3A_65 = tpu.vector_load %arg8[%swap3A_63, %swap3A_64] {strides = array<i32>} : memref<2x1024xf32, #tpu.memory_space<vmem>>, vector<16xf32>,
    tpu.vector_store %arg8[%swap3A_63, %swap3A_64], %mul3A_61 {strides = array<i32>} : memref<2x1024xf32, #tpu.memory_space<vmem>>, vector<16xf32>,
    %mul3A_66 = arith.constant 2.000000e-02 : f32
    %mul3A_67 = vector.broadcast %mul3A_66 : f32 to vector<16xf32>
    %mul3A_68 = arith.mulf %scan3A_51#2, %mul3A_67 : vector<16xf32>
    %swap3A_69 = arith.constant 0 : i32
    %swap3A_70 = arith.index_cast %swap3A_69 : i32 to index
    %swap3A_71 = arith.constant 32 : index
    %swap3A_72 = tpu.vector_load %arg8[%swap3A_70, %swap3A_71] {strides = array<i32>} : memref<2x1024xf32, #tpu.memory_space<vmem>>, vector<16xf32>,
    tpu.vector_store %arg8[%swap3A_70, %swap3A_71], %mul3A_68 {strides = array<i32>} : memref<2x1024xf32, #tpu.memory_space<vmem>>, vector<16xf32>,
    %mul3A_73 = arith.constant 2.000000e-02 : f32
    %mul3A_74 = vector.broadcast %mul3A_73 : f32 to vector<16xf32>
    %mul3A_75 = arith.mulf %scan3A_51#3, %mul3A_74 : vector<16xf32>
    %swap3A_76 = arith.constant 0 : i32
    %swap3A_77 = arith.index_cast %swap3A_76 : i32 to index
    %swap3A_78 = arith.constant 48 : index
    %swap3A_79 = tpu.vector_load %arg8[%swap3A_77, %swap3A_78] {strides = array<i32>} : memref<2x1024xf32, #tpu.memory_space<vmem>>, vector<16xf32>,
    tpu.vector_store %arg8[%swap3A_77, %swap3A_78], %mul3A_75 {strides = array<i32>} : memref<2x1024xf32, #tpu.memory_space<vmem>>, vector<16xf32>,
    %mul3A_80 = arith.constant 2.000000e-02 : f32
    %mul3A_81 = vector.broadcast %mul3A_80 : f32 to vector<16xf32>
    %mul3A_82 = arith.mulf %scan3A_51#4, %mul3A_81 : vector<16xf32>
    %swap3A_83 = arith.constant 0 : i32
    %swap3A_84 = arith.index_cast %swap3A_83 : i32 to index
    %swap3A_85 = arith.constant 64 : index
    %swap3A_86 = tpu.vector_load %arg8[%swap3A_84, %swap3A_85] {strides = array<i32>} : memref<2x1024xf32, #tpu.memory_space<vmem>>, vector<16xf32>,
    tpu.vector_store %arg8[%swap3A_84, %swap3A_85], %mul3A_82 {strides = array<i32>} : memref<2x1024xf32, #tpu.memory_space<vmem>>, vector<16xf32>,
    %mul3A_87 = arith.constant 2.000000e-02 : f32
    %mul3A_88 = vector.broadcast %mul3A_87 : f32 to vector<16xf32>
    %mul3A_89 = arith.mulf %scan3A_51#5, %mul3A_88 : vector<16xf32>
    %swap3A_90 = arith.constant 0 : i32
    %swap3A_91 = arith.index_cast %swap3A_90 : i32 to index
    %swap3A_92 = arith.constant 80 : index
    %swap3A_93 = tpu.vector_load %arg8[%swap3A_91, %swap3A_92] {strides = array<i32>} : memref<2x1024xf32, #tpu.memory_space<vmem>>, vector<16xf32>,
    tpu.vector_store %arg8[%swap3A_91, %swap3A_92], %mul3A_89 {strides = array<i32>} : memref<2x1024xf32, #tpu.memory_space<vmem>>, vector<16xf32>,
    %mul3A_94 = arith.constant 2.000000e-02 : f32
    %mul3A_95 = vector.broadcast %mul3A_94 : f32 to vector<16xf32>
    %mul3A_96 = arith.mulf %scan3A_51#6, %mul3A_95 : vector<16xf32>
    %swap3A_97 = arith.constant 0 : i32
    %swap3A_98 = arith.index_cast %swap3A_97 : i32 to index
    %swap3A_99 = arith.constant 96 : index
    %swap3A_100 = tpu.vector_load %arg8[%swap3A_98, %swap3A_99] {strides = array<i32>} : memref<2x1024xf32, #tpu.memory_space<vmem>>, vector<16xf32>,
    tpu.vector_store %arg8[%swap3A_98, %swap3A_99], %mul3A_96 {strides = array<i32>} : memref<2x1024xf32, #tpu.memory_space<vmem>>, vector<16xf32>,
    %mul3A_101 = arith.constant 2.000000e-02 : f32
    %mul3A_102 = vector.broadcast %mul3A_101 : f32 to vector<16xf32>
    %mul3A_103 = arith.mulf %scan3A_51#7, %mul3A_102 : vector<16xf32>
    %swap3A_104 = arith.constant 0 : i32
    %swap3A_105 = arith.index_cast %swap3A_104 : i32 to index
    %swap3A_106 = arith.constant 112 : index
    %swap3A_107 = tpu.vector_load %arg8[%swap3A_105, %swap3A_106] {strides = array<i32>} : memref<2x1024xf32, #tpu.memory_space<vmem>>, vector<16xf32>,
    tpu.vector_store %arg8[%swap3A_105, %swap3A_106], %mul3A_103 {strides = array<i32>} : memref<2x1024xf32, #tpu.memory_space<vmem>>, vector<16xf32>,
    %dma_wait3A_108 = arith.constant 0 : i32
    %dma_wait3A_109 = arith.constant 128 : i32
    %dma_wait3A_110 = tpu.memref_slice %arg2[%dma_wait3A_108, %dma_wait3A_109] : memref<50x1024xi32, #tpu.memory_space<hbm>> -> memref<50x128xi32, #tpu.memory_space<hbm>>
    %dma_wait3A_111 = arith.constant 0 : i32
    %dma_wait3A_112 = arith.constant 128 : i32
    %dma_wait3A_113 = tpu.memref_slice %arg2[%dma_wait3A_111, %dma_wait3A_112] : memref<50x1024xi32, #tpu.memory_space<hbm>> -> memref<50x128xi32, #tpu.memory_space<hbm>>
    tpu.wait_dma2 semaphore(%arg11 : memref<!tpu.dma_semaphore, #tpu.memory_space<semaphore_mem>>) src(%dma_wait3A_113 : memref<50x128xi32, #tpu.memory_space<hbm>>) dst(%arg7 : memref<50x128xi32, #tpu.memory_space<vmem>>)
    %dma_start3A_114 = arith.constant 0 : i32
    %dma_start3A_115 = arith.constant 256 : i32
    %dma_start3A_116 = tpu.memref_slice %arg2[%dma_start3A_114, %dma_start3A_115] : memref<50x1024xi32, #tpu.memory_space<hbm>> -> memref<50x128xi32, #tpu.memory_space<hbm>>
    %dma_start3A_117 = arith.constant 0 : i32
    %dma_start3A_118 = arith.constant 256 : i32
    %dma_start3A_119 = tpu.memref_slice %arg2[%dma_start3A_117, %dma_start3A_118] : memref<50x1024xi32, #tpu.memory_space<hbm>> -> memref<50x128xi32, #tpu.memory_space<hbm>>
    tpu.enqueue_dma source(%dma_start3A_119 : memref<50x128xi32, #tpu.memory_space<hbm>>) target(%arg6 : memref<50x128xi32, #tpu.memory_space<vmem>>) target_semaphore(%arg10 : memref<!tpu.dma_semaphore, #tpu.memory_space<semaphore_mem>>)
    %broadcast_in_dim3A_120 = arith.constant 0.000000e+00 : f32
    %broadcast_in_dim3A_121 = vector.broadcast %broadcast_in_dim3A_120 : f32 to vector<16xf32>
    %broadcast_in_dim3A_122 = arith.constant 0.000000e+00 : f32
    %broadcast_in_dim3A_123 = vector.broadcast %broadcast_in_dim3A_122 : f32 to vector<16xf32>
    %broadcast_in_dim3A_124 = arith.constant 0.000000e+00 : f32
    %broadcast_in_dim3A_125 = vector.broadcast %broadcast_in_dim3A_124 : f32 to vector<16xf32>
    %broadcast_in_dim3A_126 = arith.constant 0.000000e+00 : f32
    %broadcast_in_dim3A_127 = vector.broadcast %broadcast_in_dim3A_126 : f32 to vector<16xf32>
    %broadcast_in_dim3A_128 = arith.constant 0.000000e+00 : f32
    %broadcast_in_dim3A_129 = vector.broadcast %broadcast_in_dim3A_128 : f32 to vector<16xf32>
    %broadcast_in_dim3A_130 = arith.constant 0.000000e+00 : f32
    %broadcast_in_dim3A_131 = vector.broadcast %broadcast_in_dim3A_130 : f32 to vector<16xf32>
    %broadcast_in_dim3A_132 = arith.constant 0.000000e+00 : f32
    %broadcast_in_dim3A_133 = vector.broadcast %broadcast_in_dim3A_132 : f32 to vector<16xf32>
    %broadcast_in_dim3A_134 = arith.constant 0.000000e+00 : f32
    %broadcast_in_dim3A_135 = vector.broadcast %broadcast_in_dim3A_134 : f32 to vector<16xf32>
    %scan3A_136 = arith.constant 0 : i32
    %scan3A_137 = arith.constant 50 : i32
    %scan3A_138 = arith.addi %scan3A_136, %scan3A_137 : i32
    %scan3A_139 = arith.constant 1 : i32
    %scan3A_140:8 = scf.for %scan3A_1470 = %scan3A_136 to %scan3A_138 step %scan3A_139 iter_args(%scan3A_1471 = %broadcast_in_dim3A_121, %scan3A_1472 = %broadcast_in_dim3A_123, %scan3A_1473 = %broadcast_in_dim3A_125, %scan3A_1474 = %broadcast_in_dim3A_127, %scan3A_1475 = %broadcast_in_dim3A_129, %scan3A_1476 = %broadcast_in_dim3A_131, %scan3A_1477 = %broadcast_in_dim3A_133, %scan3A_1478 = %broadcast_in_dim3A_135) -> (vector<16xf32>, vector<16xf32>, vector<16xf32>, vector<16xf32>, vector<16xf32>, vector<16xf32>, vector<16xf32>, vector<16xf32>)  : i32 {
      %get3A = arith.index_cast %scan3A_1470 : i32 to index
      %get3A_1479 = arith.constant 0 : index
      %get3A_1480 = tpu.vector_load %arg7[%get3A, %get3A_1479] {strides = array<i32>} : memref<50x128xi32, #tpu.memory_space<vmem>>, vector<16xi32>,
      %gather3A = tpu.vector_load_idx %arg5[%get3A_1480] : memref<100000xf32, #tpu.memory_space<vmem>>[vector<16xi32>], vector<16xf32>,
      %add3A_1481 = arith.addf %scan3A_1471, %gather3A : vector<16xf32>
      %get3A_1482 = arith.index_cast %scan3A_1470 : i32 to index
      %get3A_1483 = arith.constant 16 : index
      %get3A_1484 = tpu.vector_load %arg7[%get3A_1482, %get3A_1483] {strides = array<i32>} : memref<50x128xi32, #tpu.memory_space<vmem>>, vector<16xi32>,
      %gather3A_1485 = tpu.vector_load_idx %arg5[%get3A_1484] : memref<100000xf32, #tpu.memory_space<vmem>>[vector<16xi32>], vector<16xf32>,
      %add3A_1486 = arith.addf %scan3A_1472, %gather3A_1485 : vector<16xf32>
      %get3A_1487 = arith.index_cast %scan3A_1470 : i32 to index
      %get3A_1488 = arith.constant 32 : index
      %get3A_1489 = tpu.vector_load %arg7[%get3A_1487, %get3A_1488] {strides = array<i32>} : memref<50x128xi32, #tpu.memory_space<vmem>>, vector<16xi32>,
      %gather3A_1490 = tpu.vector_load_idx %arg5[%get3A_1489] : memref<100000xf32, #tpu.memory_space<vmem>>[vector<16xi32>], vector<16xf32>,
      %add3A_1491 = arith.addf %scan3A_1473, %gather3A_1490 : vector<16xf32>
      %get3A_1492 = arith.index_cast %scan3A_1470 : i32 to index
      %get3A_1493 = arith.constant 48 : index
      %get3A_1494 = tpu.vector_load %arg7[%get3A_1492, %get3A_1493] {strides = array<i32>} : memref<50x128xi32, #tpu.memory_space<vmem>>, vector<16xi32>,
      %gather3A_1495 = tpu.vector_load_idx %arg5[%get3A_1494] : memref<100000xf32, #tpu.memory_space<vmem>>[vector<16xi32>], vector<16xf32>,
      %add3A_1496 = arith.addf %scan3A_1474, %gather3A_1495 : vector<16xf32>
      %get3A_1497 = arith.index_cast %scan3A_1470 : i32 to index
      %get3A_1498 = arith.constant 64 : index
      %get3A_1499 = tpu.vector_load %arg7[%get3A_1497, %get3A_1498] {strides = array<i32>} : memref<50x128xi32, #tpu.memory_space<vmem>>, vector<16xi32>,
      %gather3A_1500 = tpu.vector_load_idx %arg5[%get3A_1499] : memref<100000xf32, #tpu.memory_space<vmem>>[vector<16xi32>], vector<16xf32>,
      %add3A_1501 = arith.addf %scan3A_1475, %gather3A_1500 : vector<16xf32>
      %get3A_1502 = arith.index_cast %scan3A_1470 : i32 to index
      %get3A_1503 = arith.constant 80 : index
      %get3A_1504 = tpu.vector_load %arg7[%get3A_1502, %get3A_1503] {strides = array<i32>} : memref<50x128xi32, #tpu.memory_space<vmem>>, vector<16xi32>,
      %gather3A_1505 = tpu.vector_load_idx %arg5[%get3A_1504] : memref<100000xf32, #tpu.memory_space<vmem>>[vector<16xi32>], vector<16xf32>,
      %add3A_1506 = arith.addf %scan3A_1476, %gather3A_1505 : vector<16xf32>
      %get3A_1507 = arith.index_cast %scan3A_1470 : i32 to index
      %get3A_1508 = arith.constant 96 : index
      %get3A_1509 = tpu.vector_load %arg7[%get3A_1507, %get3A_1508] {strides = array<i32>} : memref<50x128xi32, #tpu.memory_space<vmem>>, vector<16xi32>,
      %gather3A_1510 = tpu.vector_load_idx %arg5[%get3A_1509] : memref<100000xf32, #tpu.memory_space<vmem>>[vector<16xi32>], vector<16xf32>,
      %add3A_1511 = arith.addf %scan3A_1477, %gather3A_1510 : vector<16xf32>
      %get3A_1512 = arith.index_cast %scan3A_1470 : i32 to index
      %get3A_1513 = arith.constant 112 : index
      %get3A_1514 = tpu.vector_load %arg7[%get3A_1512, %get3A_1513] {strides = array<i32>} : memref<50x128xi32, #tpu.memory_space<vmem>>, vector<16xi32>,
      %gather3A_1515 = tpu.vector_load_idx %arg5[%get3A_1514] : memref<100000xf32, #tpu.memory_space<vmem>>[vector<16xi32>], vector<16xf32>,
      %add3A_1516 = arith.addf %scan3A_1478, %gather3A_1515 : vector<16xf32>
      scf.yield %add3A_1481, %add3A_1486, %add3A_1491, %add3A_1496, %add3A_1501, %add3A_1506, %add3A_1511, %add3A_1516 : vector<16xf32>, vector<16xf32>, vector<16xf32>, vector<16xf32>, vector<16xf32>, vector<16xf32>, vector<16xf32>, vector<16xf32>
    }
    %scan3A_141 = arith.constant 50 : i32
    %mul3A_142 = arith.constant 2.000000e-02 : f32
    %mul3A_143 = vector.broadcast %mul3A_142 : f32 to vector<16xf32>
    %mul3A_144 = arith.mulf %scan3A_140#0, %mul3A_143 : vector<16xf32>
    %swap3A_145 = arith.constant 0 : i32
    %swap3A_146 = arith.index_cast %swap3A_145 : i32 to index
    %swap3A_147 = arith.constant 128 : index
    %swap3A_148 = tpu.vector_load %arg8[%swap3A_146, %swap3A_147] {strides = array<i32>} : memref<2x1024xf32, #tpu.memory_space<vmem>>, vector<16xf32>,
    tpu.vector_store %arg8[%swap3A_146, %swap3A_147], %mul3A_144 {strides = array<i32>} : memref<2x1024xf32, #tpu.memory_space<vmem>>, vector<16xf32>,
    %mul3A_149 = arith.constant 2.000000e-02 : f32
    %mul3A_150 = vector.broadcast %mul3A_149 : f32 to vector<16xf32>
    %mul3A_151 = arith.mulf %scan3A_140#1, %mul3A_150 : vector<16xf32>
    %swap3A_152 = arith.constant 0 : i32
    %swap3A_153 = arith.index_cast %swap3A_152 : i32 to index
    %swap3A_154 = arith.constant 144 : index
    %swap3A_155 = tpu.vector_load %arg8[%swap3A_153, %swap3A_154] {strides = array<i32>} : memref<2x1024xf32, #tpu.memory_space<vmem>>, vector<16xf32>,
    tpu.vector_store %arg8[%swap3A_153, %swap3A_154], %mul3A_151 {strides = array<i32>} : memref<2x1024xf32, #tpu.memory_space<vmem>>, vector<16xf32>,
    %mul3A_156 = arith.constant 2.000000e-02 : f32
    %mul3A_157 = vector.broadcast %mul3A_156 : f32 to vector<16xf32>
    %mul3A_158 = arith.mulf %scan3A_140#2, %mul3A_157 : vector<16xf32>
    %swap3A_159 = arith.constant 0 : i32
    %swap3A_160 = arith.index_cast %swap3A_159 : i32 to index
    %swap3A_161 = arith.constant 160 : index
    %swap3A_162 = tpu.vector_load %arg8[%swap3A_160, %swap3A_161] {strides = array<i32>} : memref<2x1024xf32, #tpu.memory_space<vmem>>, vector<16xf32>,
    tpu.vector_store %arg8[%swap3A_160, %swap3A_161], %mul3A_158 {strides = array<i32>} : memref<2x1024xf32, #tpu.memory_space<vmem>>, vector<16xf32>,
    %mul3A_163 = arith.constant 2.000000e-02 : f32
    %mul3A_164 = vector.broadcast %mul3A_163 : f32 to vector<16xf32>
    %mul3A_165 = arith.mulf %scan3A_140#3, %mul3A_164 : vector<16xf32>
    %swap3A_166 = arith.constant 0 : i32
    %swap3A_167 = arith.index_cast %swap3A_166 : i32 to index
    %swap3A_168 = arith.constant 176 : index
    %swap3A_169 = tpu.vector_load %arg8[%swap3A_167, %swap3A_168] {strides = array<i32>} : memref<2x1024xf32, #tpu.memory_space<vmem>>, vector<16xf32>,
    tpu.vector_store %arg8[%swap3A_167, %swap3A_168], %mul3A_165 {strides = array<i32>} : memref<2x1024xf32, #tpu.memory_space<vmem>>, vector<16xf32>,
    %mul3A_170 = arith.constant 2.000000e-02 : f32
    %mul3A_171 = vector.broadcast %mul3A_170 : f32 to vector<16xf32>
    %mul3A_172 = arith.mulf %scan3A_140#4, %mul3A_171 : vector<16xf32>
    %swap3A_173 = arith.constant 0 : i32
    %swap3A_174 = arith.index_cast %swap3A_173 : i32 to index
    %swap3A_175 = arith.constant 192 : index
    %swap3A_176 = tpu.vector_load %arg8[%swap3A_174, %swap3A_175] {strides = array<i32>} : memref<2x1024xf32, #tpu.memory_space<vmem>>, vector<16xf32>,
    tpu.vector_store %arg8[%swap3A_174, %swap3A_175], %mul3A_172 {strides = array<i32>} : memref<2x1024xf32, #tpu.memory_space<vmem>>, vector<16xf32>,
    %mul3A_177 = arith.constant 2.000000e-02 : f32
    %mul3A_178 = vector.broadcast %mul3A_177 : f32 to vector<16xf32>
    %mul3A_179 = arith.mulf %scan3A_140#5, %mul3A_178 : vector<16xf32>
    %swap3A_180 = arith.constant 0 : i32
    %swap3A_181 = arith.index_cast %swap3A_180 : i32 to index
    %swap3A_182 = arith.constant 208 : index
    %swap3A_183 = tpu.vector_load %arg8[%swap3A_181, %swap3A_182] {strides = array<i32>} : memref<2x1024xf32, #tpu.memory_space<vmem>>, vector<16xf32>,
    tpu.vector_store %arg8[%swap3A_181, %swap3A_182], %mul3A_179 {strides = array<i32>} : memref<2x1024xf32, #tpu.memory_space<vmem>>, vector<16xf32>,
    %mul3A_184 = arith.constant 2.000000e-02 : f32
    %mul3A_185 = vector.broadcast %mul3A_184 : f32 to vector<16xf32>
    %mul3A_186 = arith.mulf %scan3A_140#6, %mul3A_185 : vector<16xf32>
    %swap3A_187 = arith.constant 0 : i32
    %swap3A_188 = arith.index_cast %swap3A_187 : i32 to index
    %swap3A_189 = arith.constant 224 : index
    %swap3A_190 = tpu.vector_load %arg8[%swap3A_188, %swap3A_189] {strides = array<i32>} : memref<2x1024xf32, #tpu.memory_space<vmem>>, vector<16xf32>,
    tpu.vector_store %arg8[%swap3A_188, %swap3A_189], %mul3A_186 {strides = array<i32>} : memref<2x1024xf32, #tpu.memory_space<vmem>>, vector<16xf32>,
    %mul3A_191 = arith.constant 2.000000e-02 : f32
    %mul3A_192 = vector.broadcast %mul3A_191 : f32 to vector<16xf32>
    %mul3A_193 = arith.mulf %scan3A_140#7, %mul3A_192 : vector<16xf32>
    %swap3A_194 = arith.constant 0 : i32
    %swap3A_195 = arith.index_cast %swap3A_194 : i32 to index
    %swap3A_196 = arith.constant 240 : index
    %swap3A_197 = tpu.vector_load %arg8[%swap3A_195, %swap3A_196] {strides = array<i32>} : memref<2x1024xf32, #tpu.memory_space<vmem>>, vector<16xf32>,
    tpu.vector_store %arg8[%swap3A_195, %swap3A_196], %mul3A_193 {strides = array<i32>} : memref<2x1024xf32, #tpu.memory_space<vmem>>, vector<16xf32>,
    %dma_wait3A_198 = arith.constant 0 : i32
    %dma_wait3A_199 = arith.constant 256 : i32
    %dma_wait3A_200 = tpu.memref_slice %arg2[%dma_wait3A_198, %dma_wait3A_199] : memref<50x1024xi32, #tpu.memory_space<hbm>> -> memref<50x128xi32, #tpu.memory_space<hbm>>
    %dma_wait3A_201 = arith.constant 0 : i32
    %dma_wait3A_202 = arith.constant 256 : i32
    %dma_wait3A_203 = tpu.memref_slice %arg2[%dma_wait3A_201, %dma_wait3A_202] : memref<50x1024xi32, #tpu.memory_space<hbm>> -> memref<50x128xi32, #tpu.memory_space<hbm>>
    tpu.wait_dma2 semaphore(%arg10 : memref<!tpu.dma_semaphore, #tpu.memory_space<semaphore_mem>>) src(%dma_wait3A_203 : memref<50x128xi32, #tpu.memory_space<hbm>>) dst(%arg6 : memref<50x128xi32, #tpu.memory_space<vmem>>)
    %dma_start3A_204 = arith.constant 0 : i32
    %dma_start3A_205 = arith.constant 384 : i32
    %dma_start3A_206 = tpu.memref_slice %arg2[%dma_start3A_204, %dma_start3A_205] : memref<50x1024xi32, #tpu.memory_space<hbm>> -> memref<50x128xi32, #tpu.memory_space<hbm>>
    %dma_start3A_207 = arith.constant 0 : i32
    %dma_start3A_208 = arith.constant 384 : i32
    %dma_start3A_209 = tpu.memref_slice %arg2[%dma_start3A_207, %dma_start3A_208] : memref<50x1024xi32, #tpu.memory_space<hbm>> -> memref<50x128xi32, #tpu.memory_space<hbm>>
    tpu.enqueue_dma source(%dma_start3A_209 : memref<50x128xi32, #tpu.memory_space<hbm>>) target(%arg7 : memref<50x128xi32, #tpu.memory_space<vmem>>) target_semaphore(%arg11 : memref<!tpu.dma_semaphore, #tpu.memory_space<semaphore_mem>>)
    %broadcast_in_dim3A_210 = arith.constant 0.000000e+00 : f32
    %broadcast_in_dim3A_211 = vector.broadcast %broadcast_in_dim3A_210 : f32 to vector<16xf32>
    %broadcast_in_dim3A_212 = arith.constant 0.000000e+00 : f32
    %broadcast_in_dim3A_213 = vector.broadcast %broadcast_in_dim3A_212 : f32 to vector<16xf32>
    %broadcast_in_dim3A_214 = arith.constant 0.000000e+00 : f32
    %broadcast_in_dim3A_215 = vector.broadcast %broadcast_in_dim3A_214 : f32 to vector<16xf32>
    %broadcast_in_dim3A_216 = arith.constant 0.000000e+00 : f32
    %broadcast_in_dim3A_217 = vector.broadcast %broadcast_in_dim3A_216 : f32 to vector<16xf32>
    %broadcast_in_dim3A_218 = arith.constant 0.000000e+00 : f32
    %broadcast_in_dim3A_219 = vector.broadcast %broadcast_in_dim3A_218 : f32 to vector<16xf32>
    %broadcast_in_dim3A_220 = arith.constant 0.000000e+00 : f32
    %broadcast_in_dim3A_221 = vector.broadcast %broadcast_in_dim3A_220 : f32 to vector<16xf32>
    %broadcast_in_dim3A_222 = arith.constant 0.000000e+00 : f32
    %broadcast_in_dim3A_223 = vector.broadcast %broadcast_in_dim3A_222 : f32 to vector<16xf32>
    %broadcast_in_dim3A_224 = arith.constant 0.000000e+00 : f32
    %broadcast_in_dim3A_225 = vector.broadcast %broadcast_in_dim3A_224 : f32 to vector<16xf32>
    %scan3A_226 = arith.constant 0 : i32
    %scan3A_227 = arith.constant 50 : i32
    %scan3A_228 = arith.addi %scan3A_226, %scan3A_227 : i32
    %scan3A_229 = arith.constant 1 : i32
    %scan3A_230:8 = scf.for %scan3A_1470 = %scan3A_226 to %scan3A_228 step %scan3A_229 iter_args(%scan3A_1471 = %broadcast_in_dim3A_211, %scan3A_1472 = %broadcast_in_dim3A_213, %scan3A_1473 = %broadcast_in_dim3A_215, %scan3A_1474 = %broadcast_in_dim3A_217, %scan3A_1475 = %broadcast_in_dim3A_219, %scan3A_1476 = %broadcast_in_dim3A_221, %scan3A_1477 = %broadcast_in_dim3A_223, %scan3A_1478 = %broadcast_in_dim3A_225) -> (vector<16xf32>, vector<16xf32>, vector<16xf32>, vector<16xf32>, vector<16xf32>, vector<16xf32>, vector<16xf32>, vector<16xf32>)  : i32 {
      %get3A = arith.index_cast %scan3A_1470 : i32 to index
      %get3A_1479 = arith.constant 0 : index
      %get3A_1480 = tpu.vector_load %arg6[%get3A, %get3A_1479] {strides = array<i32>} : memref<50x128xi32, #tpu.memory_space<vmem>>, vector<16xi32>,
      %gather3A = tpu.vector_load_idx %arg5[%get3A_1480] : memref<100000xf32, #tpu.memory_space<vmem>>[vector<16xi32>], vector<16xf32>,
      %add3A_1481 = arith.addf %scan3A_1471, %gather3A : vector<16xf32>
      %get3A_1482 = arith.index_cast %scan3A_1470 : i32 to index
      %get3A_1483 = arith.constant 16 : index
      %get3A_1484 = tpu.vector_load %arg6[%get3A_1482, %get3A_1483] {strides = array<i32>} : memref<50x128xi32, #tpu.memory_space<vmem>>, vector<16xi32>,
      %gather3A_1485 = tpu.vector_load_idx %arg5[%get3A_1484] : memref<100000xf32, #tpu.memory_space<vmem>>[vector<16xi32>], vector<16xf32>,
      %add3A_1486 = arith.addf %scan3A_1472, %gather3A_1485 : vector<16xf32>
      %get3A_1487 = arith.index_cast %scan3A_1470 : i32 to index
      %get3A_1488 = arith.constant 32 : index
      %get3A_1489 = tpu.vector_load %arg6[%get3A_1487, %get3A_1488] {strides = array<i32>} : memref<50x128xi32, #tpu.memory_space<vmem>>, vector<16xi32>,
      %gather3A_1490 = tpu.vector_load_idx %arg5[%get3A_1489] : memref<100000xf32, #tpu.memory_space<vmem>>[vector<16xi32>], vector<16xf32>,
      %add3A_1491 = arith.addf %scan3A_1473, %gather3A_1490 : vector<16xf32>
      %get3A_1492 = arith.index_cast %scan3A_1470 : i32 to index
      %get3A_1493 = arith.constant 48 : index
      %get3A_1494 = tpu.vector_load %arg6[%get3A_1492, %get3A_1493] {strides = array<i32>} : memref<50x128xi32, #tpu.memory_space<vmem>>, vector<16xi32>,
      %gather3A_1495 = tpu.vector_load_idx %arg5[%get3A_1494] : memref<100000xf32, #tpu.memory_space<vmem>>[vector<16xi32>], vector<16xf32>,
      %add3A_1496 = arith.addf %scan3A_1474, %gather3A_1495 : vector<16xf32>
      %get3A_1497 = arith.index_cast %scan3A_1470 : i32 to index
      %get3A_1498 = arith.constant 64 : index
      %get3A_1499 = tpu.vector_load %arg6[%get3A_1497, %get3A_1498] {strides = array<i32>} : memref<50x128xi32, #tpu.memory_space<vmem>>, vector<16xi32>,
      %gather3A_1500 = tpu.vector_load_idx %arg5[%get3A_1499] : memref<100000xf32, #tpu.memory_space<vmem>>[vector<16xi32>], vector<16xf32>,
      %add3A_1501 = arith.addf %scan3A_1475, %gather3A_1500 : vector<16xf32>
      %get3A_1502 = arith.index_cast %scan3A_1470 : i32 to index
      %get3A_1503 = arith.constant 80 : index
      %get3A_1504 = tpu.vector_load %arg6[%get3A_1502, %get3A_1503] {strides = array<i32>} : memref<50x128xi32, #tpu.memory_space<vmem>>, vector<16xi32>,
      %gather3A_1505 = tpu.vector_load_idx %arg5[%get3A_1504] : memref<100000xf32, #tpu.memory_space<vmem>>[vector<16xi32>], vector<16xf32>,
      %add3A_1506 = arith.addf %scan3A_1476, %gather3A_1505 : vector<16xf32>
      %get3A_1507 = arith.index_cast %scan3A_1470 : i32 to index
      %get3A_1508 = arith.constant 96 : index
      %get3A_1509 = tpu.vector_load %arg6[%get3A_1507, %get3A_1508] {strides = array<i32>} : memref<50x128xi32, #tpu.memory_space<vmem>>, vector<16xi32>,
      %gather3A_1510 = tpu.vector_load_idx %arg5[%get3A_1509] : memref<100000xf32, #tpu.memory_space<vmem>>[vector<16xi32>], vector<16xf32>,
      %add3A_1511 = arith.addf %scan3A_1477, %gather3A_1510 : vector<16xf32>
      %get3A_1512 = arith.index_cast %scan3A_1470 : i32 to index
      %get3A_1513 = arith.constant 112 : index
      %get3A_1514 = tpu.vector_load %arg6[%get3A_1512, %get3A_1513] {strides = array<i32>} : memref<50x128xi32, #tpu.memory_space<vmem>>, vector<16xi32>,
      %gather3A_1515 = tpu.vector_load_idx %arg5[%get3A_1514] : memref<100000xf32, #tpu.memory_space<vmem>>[vector<16xi32>], vector<16xf32>,
      %add3A_1516 = arith.addf %scan3A_1478, %gather3A_1515 : vector<16xf32>
      scf.yield %add3A_1481, %add3A_1486, %add3A_1491, %add3A_1496, %add3A_1501, %add3A_1506, %add3A_1511, %add3A_1516 : vector<16xf32>, vector<16xf32>, vector<16xf32>, vector<16xf32>, vector<16xf32>, vector<16xf32>, vector<16xf32>, vector<16xf32>
    }
    %scan3A_231 = arith.constant 50 : i32
    %mul3A_232 = arith.constant 2.000000e-02 : f32
    %mul3A_233 = vector.broadcast %mul3A_232 : f32 to vector<16xf32>
    %mul3A_234 = arith.mulf %scan3A_230#0, %mul3A_233 : vector<16xf32>
    %swap3A_235 = arith.constant 0 : i32
    %swap3A_236 = arith.index_cast %swap3A_235 : i32 to index
    %swap3A_237 = arith.constant 256 : index
    %swap3A_238 = tpu.vector_load %arg8[%swap3A_236, %swap3A_237] {strides = array<i32>} : memref<2x1024xf32, #tpu.memory_space<vmem>>, vector<16xf32>,
    tpu.vector_store %arg8[%swap3A_236, %swap3A_237], %mul3A_234 {strides = array<i32>} : memref<2x1024xf32, #tpu.memory_space<vmem>>, vector<16xf32>,
    %mul3A_239 = arith.constant 2.000000e-02 : f32
    %mul3A_240 = vector.broadcast %mul3A_239 : f32 to vector<16xf32>
    %mul3A_241 = arith.mulf %scan3A_230#1, %mul3A_240 : vector<16xf32>
    %swap3A_242 = arith.constant 0 : i32
    %swap3A_243 = arith.index_cast %swap3A_242 : i32 to index
    %swap3A_244 = arith.constant 272 : index
    %swap3A_245 = tpu.vector_load %arg8[%swap3A_243, %swap3A_244] {strides = array<i32>} : memref<2x1024xf32, #tpu.memory_space<vmem>>, vector<16xf32>,
    tpu.vector_store %arg8[%swap3A_243, %swap3A_244], %mul3A_241 {strides = array<i32>} : memref<2x1024xf32, #tpu.memory_space<vmem>>, vector<16xf32>,
    %mul3A_246 = arith.constant 2.000000e-02 : f32
    %mul3A_247 = vector.broadcast %mul3A_246 : f32 to vector<16xf32>
    %mul3A_248 = arith.mulf %scan3A_230#2, %mul3A_247 : vector<16xf32>
    %swap3A_249 = arith.constant 0 : i32
    %swap3A_250 = arith.index_cast %swap3A_249 : i32 to index
    %swap3A_251 = arith.constant 288 : index
    %swap3A_252 = tpu.vector_load %arg8[%swap3A_250, %swap3A_251] {strides = array<i32>} : memref<2x1024xf32, #tpu.memory_space<vmem>>, vector<16xf32>,
    tpu.vector_store %arg8[%swap3A_250, %swap3A_251], %mul3A_248 {strides = array<i32>} : memref<2x1024xf32, #tpu.memory_space<vmem>>, vector<16xf32>,
    %mul3A_253 = arith.constant 2.000000e-02 : f32
    %mul3A_254 = vector.broadcast %mul3A_253 : f32 to vector<16xf32>
    %mul3A_255 = arith.mulf %scan3A_230#3, %mul3A_254 : vector<16xf32>
    %swap3A_256 = arith.constant 0 : i32
    %swap3A_257 = arith.index_cast %swap3A_256 : i32 to index
    %swap3A_258 = arith.constant 304 : index
    %swap3A_259 = tpu.vector_load %arg8[%swap3A_257, %swap3A_258] {strides = array<i32>} : memref<2x1024xf32, #tpu.memory_space<vmem>>, vector<16xf32>,
    tpu.vector_store %arg8[%swap3A_257, %swap3A_258], %mul3A_255 {strides = array<i32>} : memref<2x1024xf32, #tpu.memory_space<vmem>>, vector<16xf32>,
    %mul3A_260 = arith.constant 2.000000e-02 : f32
    %mul3A_261 = vector.broadcast %mul3A_260 : f32 to vector<16xf32>
    %mul3A_262 = arith.mulf %scan3A_230#4, %mul3A_261 : vector<16xf32>
    %swap3A_263 = arith.constant 0 : i32
    %swap3A_264 = arith.index_cast %swap3A_263 : i32 to index
    %swap3A_265 = arith.constant 320 : index
    %swap3A_266 = tpu.vector_load %arg8[%swap3A_264, %swap3A_265] {strides = array<i32>} : memref<2x1024xf32, #tpu.memory_space<vmem>>, vector<16xf32>,
    tpu.vector_store %arg8[%swap3A_264, %swap3A_265], %mul3A_262 {strides = array<i32>} : memref<2x1024xf32, #tpu.memory_space<vmem>>, vector<16xf32>,
    %mul3A_267 = arith.constant 2.000000e-02 : f32
    %mul3A_268 = vector.broadcast %mul3A_267 : f32 to vector<16xf32>
    %mul3A_269 = arith.mulf %scan3A_230#5, %mul3A_268 : vector<16xf32>
    %swap3A_270 = arith.constant 0 : i32
    %swap3A_271 = arith.index_cast %swap3A_270 : i32 to index
    %swap3A_272 = arith.constant 336 : index
    %swap3A_273 = tpu.vector_load %arg8[%swap3A_271, %swap3A_272] {strides = array<i32>} : memref<2x1024xf32, #tpu.memory_space<vmem>>, vector<16xf32>,
    tpu.vector_store %arg8[%swap3A_271, %swap3A_272], %mul3A_269 {strides = array<i32>} : memref<2x1024xf32, #tpu.memory_space<vmem>>, vector<16xf32>,
    %mul3A_274 = arith.constant 2.000000e-02 : f32
    %mul3A_275 = vector.broadcast %mul3A_274 : f32 to vector<16xf32>
    %mul3A_276 = arith.mulf %scan3A_230#6, %mul3A_275 : vector<16xf32>
    %swap3A_277 = arith.constant 0 : i32
    %swap3A_278 = arith.index_cast %swap3A_277 : i32 to index
    %swap3A_279 = arith.constant 352 : index
    %swap3A_280 = tpu.vector_load %arg8[%swap3A_278, %swap3A_279] {strides = array<i32>} : memref<2x1024xf32, #tpu.memory_space<vmem>>, vector<16xf32>,
    tpu.vector_store %arg8[%swap3A_278, %swap3A_279], %mul3A_276 {strides = array<i32>} : memref<2x1024xf32, #tpu.memory_space<vmem>>, vector<16xf32>,
    %mul3A_281 = arith.constant 2.000000e-02 : f32
    %mul3A_282 = vector.broadcast %mul3A_281 : f32 to vector<16xf32>
    %mul3A_283 = arith.mulf %scan3A_230#7, %mul3A_282 : vector<16xf32>
    %swap3A_284 = arith.constant 0 : i32
    %swap3A_285 = arith.index_cast %swap3A_284 : i32 to index
    %swap3A_286 = arith.constant 368 : index
    %swap3A_287 = tpu.vector_load %arg8[%swap3A_285, %swap3A_286] {strides = array<i32>} : memref<2x1024xf32, #tpu.memory_space<vmem>>, vector<16xf32>,
    tpu.vector_store %arg8[%swap3A_285, %swap3A_286], %mul3A_283 {strides = array<i32>} : memref<2x1024xf32, #tpu.memory_space<vmem>>, vector<16xf32>,
    %dma_wait3A_288 = arith.constant 0 : i32
    %dma_wait3A_289 = arith.constant 384 : i32
    %dma_wait3A_290 = tpu.memref_slice %arg2[%dma_wait3A_288, %dma_wait3A_289] : memref<50x1024xi32, #tpu.memory_space<hbm>> -> memref<50x128xi32, #tpu.memory_space<hbm>>
    %dma_wait3A_291 = arith.constant 0 : i32
    %dma_wait3A_292 = arith.constant 384 : i32
    %dma_wait3A_293 = tpu.memref_slice %arg2[%dma_wait3A_291, %dma_wait3A_292] : memref<50x1024xi32, #tpu.memory_space<hbm>> -> memref<50x128xi32, #tpu.memory_space<hbm>>
    tpu.wait_dma2 semaphore(%arg11 : memref<!tpu.dma_semaphore, #tpu.memory_space<semaphore_mem>>) src(%dma_wait3A_293 : memref<50x128xi32, #tpu.memory_space<hbm>>) dst(%arg7 : memref<50x128xi32, #tpu.memory_space<vmem>>)
    %dma_start3A_294 = arith.constant 0 : i32
    %dma_start3A_295 = arith.constant 512 : i32
    %dma_start3A_296 = tpu.memref_slice %arg2[%dma_start3A_294, %dma_start3A_295] : memref<50x1024xi32, #tpu.memory_space<hbm>> -> memref<50x128xi32, #tpu.memory_space<hbm>>
    %dma_start3A_297 = arith.constant 0 : i32
    %dma_start3A_298 = arith.constant 512 : i32
    %dma_start3A_299 = tpu.memref_slice %arg2[%dma_start3A_297, %dma_start3A_298] : memref<50x1024xi32, #tpu.memory_space<hbm>> -> memref<50x128xi32, #tpu.memory_space<hbm>>
    tpu.enqueue_dma source(%dma_start3A_299 : memref<50x128xi32, #tpu.memory_space<hbm>>) target(%arg6 : memref<50x128xi32, #tpu.memory_space<vmem>>) target_semaphore(%arg10 : memref<!tpu.dma_semaphore, #tpu.memory_space<semaphore_mem>>)
    %broadcast_in_dim3A_300 = arith.constant 0.000000e+00 : f32
    %broadcast_in_dim3A_301 = vector.broadcast %broadcast_in_dim3A_300 : f32 to vector<16xf32>
    %broadcast_in_dim3A_302 = arith.constant 0.000000e+00 : f32
    %broadcast_in_dim3A_303 = vector.broadcast %broadcast_in_dim3A_302 : f32 to vector<16xf32>
    %broadcast_in_dim3A_304 = arith.constant 0.000000e+00 : f32
    %broadcast_in_dim3A_305 = vector.broadcast %broadcast_in_dim3A_304 : f32 to vector<16xf32>
    %broadcast_in_dim3A_306 = arith.constant 0.000000e+00 : f32
    %broadcast_in_dim3A_307 = vector.broadcast %broadcast_in_dim3A_306 : f32 to vector<16xf32>
    %broadcast_in_dim3A_308 = arith.constant 0.000000e+00 : f32
    %broadcast_in_dim3A_309 = vector.broadcast %broadcast_in_dim3A_308 : f32 to vector<16xf32>
    %broadcast_in_dim3A_310 = arith.constant 0.000000e+00 : f32
    %broadcast_in_dim3A_311 = vector.broadcast %broadcast_in_dim3A_310 : f32 to vector<16xf32>
    %broadcast_in_dim3A_312 = arith.constant 0.000000e+00 : f32
    %broadcast_in_dim3A_313 = vector.broadcast %broadcast_in_dim3A_312 : f32 to vector<16xf32>
    %broadcast_in_dim3A_314 = arith.constant 0.000000e+00 : f32
    %broadcast_in_dim3A_315 = vector.broadcast %broadcast_in_dim3A_314 : f32 to vector<16xf32>
    %scan3A_316 = arith.constant 0 : i32
    %scan3A_317 = arith.constant 50 : i32
    %scan3A_318 = arith.addi %scan3A_316, %scan3A_317 : i32
    %scan3A_319 = arith.constant 1 : i32
    %scan3A_320:8 = scf.for %scan3A_1470 = %scan3A_316 to %scan3A_318 step %scan3A_319 iter_args(%scan3A_1471 = %broadcast_in_dim3A_301, %scan3A_1472 = %broadcast_in_dim3A_303, %scan3A_1473 = %broadcast_in_dim3A_305, %scan3A_1474 = %broadcast_in_dim3A_307, %scan3A_1475 = %broadcast_in_dim3A_309, %scan3A_1476 = %broadcast_in_dim3A_311, %scan3A_1477 = %broadcast_in_dim3A_313, %scan3A_1478 = %broadcast_in_dim3A_315) -> (vector<16xf32>, vector<16xf32>, vector<16xf32>, vector<16xf32>, vector<16xf32>, vector<16xf32>, vector<16xf32>, vector<16xf32>)  : i32 {
      %get3A = arith.index_cast %scan3A_1470 : i32 to index
      %get3A_1479 = arith.constant 0 : index
      %get3A_1480 = tpu.vector_load %arg7[%get3A, %get3A_1479] {strides = array<i32>} : memref<50x128xi32, #tpu.memory_space<vmem>>, vector<16xi32>,
      %gather3A = tpu.vector_load_idx %arg5[%get3A_1480] : memref<100000xf32, #tpu.memory_space<vmem>>[vector<16xi32>], vector<16xf32>,
      %add3A_1481 = arith.addf %scan3A_1471, %gather3A : vector<16xf32>
      %get3A_1482 = arith.index_cast %scan3A_1470 : i32 to index
      %get3A_1483 = arith.constant 16 : index
      %get3A_1484 = tpu.vector_load %arg7[%get3A_1482, %get3A_1483] {strides = array<i32>} : memref<50x128xi32, #tpu.memory_space<vmem>>, vector<16xi32>,
      %gather3A_1485 = tpu.vector_load_idx %arg5[%get3A_1484] : memref<100000xf32, #tpu.memory_space<vmem>>[vector<16xi32>], vector<16xf32>,
      %add3A_1486 = arith.addf %scan3A_1472, %gather3A_1485 : vector<16xf32>
      %get3A_1487 = arith.index_cast %scan3A_1470 : i32 to index
      %get3A_1488 = arith.constant 32 : index
      %get3A_1489 = tpu.vector_load %arg7[%get3A_1487, %get3A_1488] {strides = array<i32>} : memref<50x128xi32, #tpu.memory_space<vmem>>, vector<16xi32>,
      %gather3A_1490 = tpu.vector_load_idx %arg5[%get3A_1489] : memref<100000xf32, #tpu.memory_space<vmem>>[vector<16xi32>], vector<16xf32>,
      %add3A_1491 = arith.addf %scan3A_1473, %gather3A_1490 : vector<16xf32>
      %get3A_1492 = arith.index_cast %scan3A_1470 : i32 to index
      %get3A_1493 = arith.constant 48 : index
      %get3A_1494 = tpu.vector_load %arg7[%get3A_1492, %get3A_1493] {strides = array<i32>} : memref<50x128xi32, #tpu.memory_space<vmem>>, vector<16xi32>,
      %gather3A_1495 = tpu.vector_load_idx %arg5[%get3A_1494] : memref<100000xf32, #tpu.memory_space<vmem>>[vector<16xi32>], vector<16xf32>,
      %add3A_1496 = arith.addf %scan3A_1474, %gather3A_1495 : vector<16xf32>
      %get3A_1497 = arith.index_cast %scan3A_1470 : i32 to index
      %get3A_1498 = arith.constant 64 : index
      %get3A_1499 = tpu.vector_load %arg7[%get3A_1497, %get3A_1498] {strides = array<i32>} : memref<50x128xi32, #tpu.memory_space<vmem>>, vector<16xi32>,
      %gather3A_1500 = tpu.vector_load_idx %arg5[%get3A_1499] : memref<100000xf32, #tpu.memory_space<vmem>>[vector<16xi32>], vector<16xf32>,
      %add3A_1501 = arith.addf %scan3A_1475, %gather3A_1500 : vector<16xf32>
      %get3A_1502 = arith.index_cast %scan3A_1470 : i32 to index
      %get3A_1503 = arith.constant 80 : index
      %get3A_1504 = tpu.vector_load %arg7[%get3A_1502, %get3A_1503] {strides = array<i32>} : memref<50x128xi32, #tpu.memory_space<vmem>>, vector<16xi32>,
      %gather3A_1505 = tpu.vector_load_idx %arg5[%get3A_1504] : memref<100000xf32, #tpu.memory_space<vmem>>[vector<16xi32>], vector<16xf32>,
      %add3A_1506 = arith.addf %scan3A_1476, %gather3A_1505 : vector<16xf32>
      %get3A_1507 = arith.index_cast %scan3A_1470 : i32 to index
      %get3A_1508 = arith.constant 96 : index
      %get3A_1509 = tpu.vector_load %arg7[%get3A_1507, %get3A_1508] {strides = array<i32>} : memref<50x128xi32, #tpu.memory_space<vmem>>, vector<16xi32>,
      %gather3A_1510 = tpu.vector_load_idx %arg5[%get3A_1509] : memref<100000xf32, #tpu.memory_space<vmem>>[vector<16xi32>], vector<16xf32>,
      %add3A_1511 = arith.addf %scan3A_1477, %gather3A_1510 : vector<16xf32>
      %get3A_1512 = arith.index_cast %scan3A_1470 : i32 to index
      %get3A_1513 = arith.constant 112 : index
      %get3A_1514 = tpu.vector_load %arg7[%get3A_1512, %get3A_1513] {strides = array<i32>} : memref<50x128xi32, #tpu.memory_space<vmem>>, vector<16xi32>,
      %gather3A_1515 = tpu.vector_load_idx %arg5[%get3A_1514] : memref<100000xf32, #tpu.memory_space<vmem>>[vector<16xi32>], vector<16xf32>,
      %add3A_1516 = arith.addf %scan3A_1478, %gather3A_1515 : vector<16xf32>
      scf.yield %add3A_1481, %add3A_1486, %add3A_1491, %add3A_1496, %add3A_1501, %add3A_1506, %add3A_1511, %add3A_1516 : vector<16xf32>, vector<16xf32>, vector<16xf32>, vector<16xf32>, vector<16xf32>, vector<16xf32>, vector<16xf32>, vector<16xf32>
    }
    %scan3A_321 = arith.constant 50 : i32
    %mul3A_322 = arith.constant 2.000000e-02 : f32
    %mul3A_323 = vector.broadcast %mul3A_322 : f32 to vector<16xf32>
    %mul3A_324 = arith.mulf %scan3A_320#0, %mul3A_323 : vector<16xf32>
    %swap3A_325 = arith.constant 0 : i32
    %swap3A_326 = arith.index_cast %swap3A_325 : i32 to index
    %swap3A_327 = arith.constant 384 : index
    %swap3A_328 = tpu.vector_load %arg8[%swap3A_326, %swap3A_327] {strides = array<i32>} : memref<2x1024xf32, #tpu.memory_space<vmem>>, vector<16xf32>,
    tpu.vector_store %arg8[%swap3A_326, %swap3A_327], %mul3A_324 {strides = array<i32>} : memref<2x1024xf32, #tpu.memory_space<vmem>>, vector<16xf32>,
    %mul3A_329 = arith.constant 2.000000e-02 : f32
    %mul3A_330 = vector.broadcast %mul3A_329 : f32 to vector<16xf32>
    %mul3A_331 = arith.mulf %scan3A_320#1, %mul3A_330 : vector<16xf32>
    %swap3A_332 = arith.constant 0 : i32
    %swap3A_333 = arith.index_cast %swap3A_332 : i32 to index
    %swap3A_334 = arith.constant 400 : index
    %swap3A_335 = tpu.vector_load %arg8[%swap3A_333, %swap3A_334] {strides = array<i32>} : memref<2x1024xf32, #tpu.memory_space<vmem>>, vector<16xf32>,
    tpu.vector_store %arg8[%swap3A_333, %swap3A_334], %mul3A_331 {strides = array<i32>} : memref<2x1024xf32, #tpu.memory_space<vmem>>, vector<16xf32>,
    %mul3A_336 = arith.constant 2.000000e-02 : f32
    %mul3A_337 = vector.broadcast %mul3A_336 : f32 to vector<16xf32>
    %mul3A_338 = arith.mulf %scan3A_320#2, %mul3A_337 : vector<16xf32>
    %swap3A_339 = arith.constant 0 : i32
    %swap3A_340 = arith.index_cast %swap3A_339 : i32 to index
    %swap3A_341 = arith.constant 416 : index
    %swap3A_342 = tpu.vector_load %arg8[%swap3A_340, %swap3A_341] {strides = array<i32>} : memref<2x1024xf32, #tpu.memory_space<vmem>>, vector<16xf32>,
    tpu.vector_store %arg8[%swap3A_340, %swap3A_341], %mul3A_338 {strides = array<i32>} : memref<2x1024xf32, #tpu.memory_space<vmem>>, vector<16xf32>,
    %mul3A_343 = arith.constant 2.000000e-02 : f32
    %mul3A_344 = vector.broadcast %mul3A_343 : f32 to vector<16xf32>
    %mul3A_345 = arith.mulf %scan3A_320#3, %mul3A_344 : vector<16xf32>
    %swap3A_346 = arith.constant 0 : i32
    %swap3A_347 = arith.index_cast %swap3A_346 : i32 to index
    %swap3A_348 = arith.constant 432 : index
    %swap3A_349 = tpu.vector_load %arg8[%swap3A_347, %swap3A_348] {strides = array<i32>} : memref<2x1024xf32, #tpu.memory_space<vmem>>, vector<16xf32>,
    tpu.vector_store %arg8[%swap3A_347, %swap3A_348], %mul3A_345 {strides = array<i32>} : memref<2x1024xf32, #tpu.memory_space<vmem>>, vector<16xf32>,
    %mul3A_350 = arith.constant 2.000000e-02 : f32
    %mul3A_351 = vector.broadcast %mul3A_350 : f32 to vector<16xf32>
    %mul3A_352 = arith.mulf %scan3A_320#4, %mul3A_351 : vector<16xf32>
    %swap3A_353 = arith.constant 0 : i32
    %swap3A_354 = arith.index_cast %swap3A_353 : i32 to index
    %swap3A_355 = arith.constant 448 : index
    %swap3A_356 = tpu.vector_load %arg8[%swap3A_354, %swap3A_355] {strides = array<i32>} : memref<2x1024xf32, #tpu.memory_space<vmem>>, vector<16xf32>,
    tpu.vector_store %arg8[%swap3A_354, %swap3A_355], %mul3A_352 {strides = array<i32>} : memref<2x1024xf32, #tpu.memory_space<vmem>>, vector<16xf32>,
    %mul3A_357 = arith.constant 2.000000e-02 : f32
    %mul3A_358 = vector.broadcast %mul3A_357 : f32 to vector<16xf32>
    %mul3A_359 = arith.mulf %scan3A_320#5, %mul3A_358 : vector<16xf32>
    %swap3A_360 = arith.constant 0 : i32
    %swap3A_361 = arith.index_cast %swap3A_360 : i32 to index
    %swap3A_362 = arith.constant 464 : index
    %swap3A_363 = tpu.vector_load %arg8[%swap3A_361, %swap3A_362] {strides = array<i32>} : memref<2x1024xf32, #tpu.memory_space<vmem>>, vector<16xf32>,
    tpu.vector_store %arg8[%swap3A_361, %swap3A_362], %mul3A_359 {strides = array<i32>} : memref<2x1024xf32, #tpu.memory_space<vmem>>, vector<16xf32>,
    %mul3A_364 = arith.constant 2.000000e-02 : f32
    %mul3A_365 = vector.broadcast %mul3A_364 : f32 to vector<16xf32>
    %mul3A_366 = arith.mulf %scan3A_320#6, %mul3A_365 : vector<16xf32>
    %swap3A_367 = arith.constant 0 : i32
    %swap3A_368 = arith.index_cast %swap3A_367 : i32 to index
    %swap3A_369 = arith.constant 480 : index
    %swap3A_370 = tpu.vector_load %arg8[%swap3A_368, %swap3A_369] {strides = array<i32>} : memref<2x1024xf32, #tpu.memory_space<vmem>>, vector<16xf32>,
    tpu.vector_store %arg8[%swap3A_368, %swap3A_369], %mul3A_366 {strides = array<i32>} : memref<2x1024xf32, #tpu.memory_space<vmem>>, vector<16xf32>,
    %mul3A_371 = arith.constant 2.000000e-02 : f32
    %mul3A_372 = vector.broadcast %mul3A_371 : f32 to vector<16xf32>
    %mul3A_373 = arith.mulf %scan3A_320#7, %mul3A_372 : vector<16xf32>
    %swap3A_374 = arith.constant 0 : i32
    %swap3A_375 = arith.index_cast %swap3A_374 : i32 to index
    %swap3A_376 = arith.constant 496 : index
    %swap3A_377 = tpu.vector_load %arg8[%swap3A_375, %swap3A_376] {strides = array<i32>} : memref<2x1024xf32, #tpu.memory_space<vmem>>, vector<16xf32>,
    tpu.vector_store %arg8[%swap3A_375, %swap3A_376], %mul3A_373 {strides = array<i32>} : memref<2x1024xf32, #tpu.memory_space<vmem>>, vector<16xf32>,
    %dma_wait3A_378 = arith.constant 0 : i32
    %dma_wait3A_379 = arith.constant 512 : i32
    %dma_wait3A_380 = tpu.memref_slice %arg2[%dma_wait3A_378, %dma_wait3A_379] : memref<50x1024xi32, #tpu.memory_space<hbm>> -> memref<50x128xi32, #tpu.memory_space<hbm>>
    %dma_wait3A_381 = arith.constant 0 : i32
    %dma_wait3A_382 = arith.constant 512 : i32
    %dma_wait3A_383 = tpu.memref_slice %arg2[%dma_wait3A_381, %dma_wait3A_382] : memref<50x1024xi32, #tpu.memory_space<hbm>> -> memref<50x128xi32, #tpu.memory_space<hbm>>
    tpu.wait_dma2 semaphore(%arg10 : memref<!tpu.dma_semaphore, #tpu.memory_space<semaphore_mem>>) src(%dma_wait3A_383 : memref<50x128xi32, #tpu.memory_space<hbm>>) dst(%arg6 : memref<50x128xi32, #tpu.memory_space<vmem>>)
    %dma_start3A_384 = arith.constant 0 : i32
    %dma_start3A_385 = arith.constant 640 : i32
    %dma_start3A_386 = tpu.memref_slice %arg2[%dma_start3A_384, %dma_start3A_385] : memref<50x1024xi32, #tpu.memory_space<hbm>> -> memref<50x128xi32, #tpu.memory_space<hbm>>
    %dma_start3A_387 = arith.constant 0 : i32
    %dma_start3A_388 = arith.constant 640 : i32
    %dma_start3A_389 = tpu.memref_slice %arg2[%dma_start3A_387, %dma_start3A_388] : memref<50x1024xi32, #tpu.memory_space<hbm>> -> memref<50x128xi32, #tpu.memory_space<hbm>>
    tpu.enqueue_dma source(%dma_start3A_389 : memref<50x128xi32, #tpu.memory_space<hbm>>) target(%arg7 : memref<50x128xi32, #tpu.memory_space<vmem>>) target_semaphore(%arg11 : memref<!tpu.dma_semaphore, #tpu.memory_space<semaphore_mem>>)
    %broadcast_in_dim3A_390 = arith.constant 0.000000e+00 : f32
    %broadcast_in_dim3A_391 = vector.broadcast %broadcast_in_dim3A_390 : f32 to vector<16xf32>
    %broadcast_in_dim3A_392 = arith.constant 0.000000e+00 : f32
    %broadcast_in_dim3A_393 = vector.broadcast %broadcast_in_dim3A_392 : f32 to vector<16xf32>
    %broadcast_in_dim3A_394 = arith.constant 0.000000e+00 : f32
    %broadcast_in_dim3A_395 = vector.broadcast %broadcast_in_dim3A_394 : f32 to vector<16xf32>
    %broadcast_in_dim3A_396 = arith.constant 0.000000e+00 : f32
    %broadcast_in_dim3A_397 = vector.broadcast %broadcast_in_dim3A_396 : f32 to vector<16xf32>
    %broadcast_in_dim3A_398 = arith.constant 0.000000e+00 : f32
    %broadcast_in_dim3A_399 = vector.broadcast %broadcast_in_dim3A_398 : f32 to vector<16xf32>
    %broadcast_in_dim3A_400 = arith.constant 0.000000e+00 : f32
    %broadcast_in_dim3A_401 = vector.broadcast %broadcast_in_dim3A_400 : f32 to vector<16xf32>
    %broadcast_in_dim3A_402 = arith.constant 0.000000e+00 : f32
    %broadcast_in_dim3A_403 = vector.broadcast %broadcast_in_dim3A_402 : f32 to vector<16xf32>
    %broadcast_in_dim3A_404 = arith.constant 0.000000e+00 : f32
    %broadcast_in_dim3A_405 = vector.broadcast %broadcast_in_dim3A_404 : f32 to vector<16xf32>
    %scan3A_406 = arith.constant 0 : i32
    %scan3A_407 = arith.constant 50 : i32
    %scan3A_408 = arith.addi %scan3A_406, %scan3A_407 : i32
    %scan3A_409 = arith.constant 1 : i32
    %scan3A_410:8 = scf.for %scan3A_1470 = %scan3A_406 to %scan3A_408 step %scan3A_409 iter_args(%scan3A_1471 = %broadcast_in_dim3A_391, %scan3A_1472 = %broadcast_in_dim3A_393, %scan3A_1473 = %broadcast_in_dim3A_395, %scan3A_1474 = %broadcast_in_dim3A_397, %scan3A_1475 = %broadcast_in_dim3A_399, %scan3A_1476 = %broadcast_in_dim3A_401, %scan3A_1477 = %broadcast_in_dim3A_403, %scan3A_1478 = %broadcast_in_dim3A_405) -> (vector<16xf32>, vector<16xf32>, vector<16xf32>, vector<16xf32>, vector<16xf32>, vector<16xf32>, vector<16xf32>, vector<16xf32>)  : i32 {
      %get3A = arith.index_cast %scan3A_1470 : i32 to index
      %get3A_1479 = arith.constant 0 : index
      %get3A_1480 = tpu.vector_load %arg6[%get3A, %get3A_1479] {strides = array<i32>} : memref<50x128xi32, #tpu.memory_space<vmem>>, vector<16xi32>,
      %gather3A = tpu.vector_load_idx %arg5[%get3A_1480] : memref<100000xf32, #tpu.memory_space<vmem>>[vector<16xi32>], vector<16xf32>,
      %add3A_1481 = arith.addf %scan3A_1471, %gather3A : vector<16xf32>
      %get3A_1482 = arith.index_cast %scan3A_1470 : i32 to index
      %get3A_1483 = arith.constant 16 : index
      %get3A_1484 = tpu.vector_load %arg6[%get3A_1482, %get3A_1483] {strides = array<i32>} : memref<50x128xi32, #tpu.memory_space<vmem>>, vector<16xi32>,
      %gather3A_1485 = tpu.vector_load_idx %arg5[%get3A_1484] : memref<100000xf32, #tpu.memory_space<vmem>>[vector<16xi32>], vector<16xf32>,
      %add3A_1486 = arith.addf %scan3A_1472, %gather3A_1485 : vector<16xf32>
      %get3A_1487 = arith.index_cast %scan3A_1470 : i32 to index
      %get3A_1488 = arith.constant 32 : index
      %get3A_1489 = tpu.vector_load %arg6[%get3A_1487, %get3A_1488] {strides = array<i32>} : memref<50x128xi32, #tpu.memory_space<vmem>>, vector<16xi32>,
      %gather3A_1490 = tpu.vector_load_idx %arg5[%get3A_1489] : memref<100000xf32, #tpu.memory_space<vmem>>[vector<16xi32>], vector<16xf32>,
      %add3A_1491 = arith.addf %scan3A_1473, %gather3A_1490 : vector<16xf32>
      %get3A_1492 = arith.index_cast %scan3A_1470 : i32 to index
      %get3A_1493 = arith.constant 48 : index
      %get3A_1494 = tpu.vector_load %arg6[%get3A_1492, %get3A_1493] {strides = array<i32>} : memref<50x128xi32, #tpu.memory_space<vmem>>, vector<16xi32>,
      %gather3A_1495 = tpu.vector_load_idx %arg5[%get3A_1494] : memref<100000xf32, #tpu.memory_space<vmem>>[vector<16xi32>], vector<16xf32>,
      %add3A_1496 = arith.addf %scan3A_1474, %gather3A_1495 : vector<16xf32>
      %get3A_1497 = arith.index_cast %scan3A_1470 : i32 to index
      %get3A_1498 = arith.constant 64 : index
      %get3A_1499 = tpu.vector_load %arg6[%get3A_1497, %get3A_1498] {strides = array<i32>} : memref<50x128xi32, #tpu.memory_space<vmem>>, vector<16xi32>,
      %gather3A_1500 = tpu.vector_load_idx %arg5[%get3A_1499] : memref<100000xf32, #tpu.memory_space<vmem>>[vector<16xi32>], vector<16xf32>,
      %add3A_1501 = arith.addf %scan3A_1475, %gather3A_1500 : vector<16xf32>
      %get3A_1502 = arith.index_cast %scan3A_1470 : i32 to index
      %get3A_1503 = arith.constant 80 : index
      %get3A_1504 = tpu.vector_load %arg6[%get3A_1502, %get3A_1503] {strides = array<i32>} : memref<50x128xi32, #tpu.memory_space<vmem>>, vector<16xi32>,
      %gather3A_1505 = tpu.vector_load_idx %arg5[%get3A_1504] : memref<100000xf32, #tpu.memory_space<vmem>>[vector<16xi32>], vector<16xf32>,
      %add3A_1506 = arith.addf %scan3A_1476, %gather3A_1505 : vector<16xf32>
      %get3A_1507 = arith.index_cast %scan3A_1470 : i32 to index
      %get3A_1508 = arith.constant 96 : index
      %get3A_1509 = tpu.vector_load %arg6[%get3A_1507, %get3A_1508] {strides = array<i32>} : memref<50x128xi32, #tpu.memory_space<vmem>>, vector<16xi32>,
      %gather3A_1510 = tpu.vector_load_idx %arg5[%get3A_1509] : memref<100000xf32, #tpu.memory_space<vmem>>[vector<16xi32>], vector<16xf32>,
      %add3A_1511 = arith.addf %scan3A_1477, %gather3A_1510 : vector<16xf32>
      %get3A_1512 = arith.index_cast %scan3A_1470 : i32 to index
      %get3A_1513 = arith.constant 112 : index
      %get3A_1514 = tpu.vector_load %arg6[%get3A_1512, %get3A_1513] {strides = array<i32>} : memref<50x128xi32, #tpu.memory_space<vmem>>, vector<16xi32>,
      %gather3A_1515 = tpu.vector_load_idx %arg5[%get3A_1514] : memref<100000xf32, #tpu.memory_space<vmem>>[vector<16xi32>], vector<16xf32>,
      %add3A_1516 = arith.addf %scan3A_1478, %gather3A_1515 : vector<16xf32>
      scf.yield %add3A_1481, %add3A_1486, %add3A_1491, %add3A_1496, %add3A_1501, %add3A_1506, %add3A_1511, %add3A_1516 : vector<16xf32>, vector<16xf32>, vector<16xf32>, vector<16xf32>, vector<16xf32>, vector<16xf32>, vector<16xf32>, vector<16xf32>
    }
    %scan3A_411 = arith.constant 50 : i32
    %mul3A_412 = arith.constant 2.000000e-02 : f32
    %mul3A_413 = vector.broadcast %mul3A_412 : f32 to vector<16xf32>
    %mul3A_414 = arith.mulf %scan3A_410#0, %mul3A_413 : vector<16xf32>
    %swap3A_415 = arith.constant 0 : i32
    %swap3A_416 = arith.index_cast %swap3A_415 : i32 to index
    %swap3A_417 = arith.constant 512 : index
    %swap3A_418 = tpu.vector_load %arg8[%swap3A_416, %swap3A_417] {strides = array<i32>} : memref<2x1024xf32, #tpu.memory_space<vmem>>, vector<16xf32>,
    tpu.vector_store %arg8[%swap3A_416, %swap3A_417], %mul3A_414 {strides = array<i32>} : memref<2x1024xf32, #tpu.memory_space<vmem>>, vector<16xf32>,
    %mul3A_419 = arith.constant 2.000000e-02 : f32
    %mul3A_420 = vector.broadcast %mul3A_419 : f32 to vector<16xf32>
    %mul3A_421 = arith.mulf %scan3A_410#1, %mul3A_420 : vector<16xf32>
    %swap3A_422 = arith.constant 0 : i32
    %swap3A_423 = arith.index_cast %swap3A_422 : i32 to index
    %swap3A_424 = arith.constant 528 : index
    %swap3A_425 = tpu.vector_load %arg8[%swap3A_423, %swap3A_424] {strides = array<i32>} : memref<2x1024xf32, #tpu.memory_space<vmem>>, vector<16xf32>,
    tpu.vector_store %arg8[%swap3A_423, %swap3A_424], %mul3A_421 {strides = array<i32>} : memref<2x1024xf32, #tpu.memory_space<vmem>>, vector<16xf32>,
    %mul3A_426 = arith.constant 2.000000e-02 : f32
    %mul3A_427 = vector.broadcast %mul3A_426 : f32 to vector<16xf32>
    %mul3A_428 = arith.mulf %scan3A_410#2, %mul3A_427 : vector<16xf32>
    %swap3A_429 = arith.constant 0 : i32
    %swap3A_430 = arith.index_cast %swap3A_429 : i32 to index
    %swap3A_431 = arith.constant 544 : index
    %swap3A_432 = tpu.vector_load %arg8[%swap3A_430, %swap3A_431] {strides = array<i32>} : memref<2x1024xf32, #tpu.memory_space<vmem>>, vector<16xf32>,
    tpu.vector_store %arg8[%swap3A_430, %swap3A_431], %mul3A_428 {strides = array<i32>} : memref<2x1024xf32, #tpu.memory_space<vmem>>, vector<16xf32>,
    %mul3A_433 = arith.constant 2.000000e-02 : f32
    %mul3A_434 = vector.broadcast %mul3A_433 : f32 to vector<16xf32>
    %mul3A_435 = arith.mulf %scan3A_410#3, %mul3A_434 : vector<16xf32>
    %swap3A_436 = arith.constant 0 : i32
    %swap3A_437 = arith.index_cast %swap3A_436 : i32 to index
    %swap3A_438 = arith.constant 560 : index
    %swap3A_439 = tpu.vector_load %arg8[%swap3A_437, %swap3A_438] {strides = array<i32>} : memref<2x1024xf32, #tpu.memory_space<vmem>>, vector<16xf32>,
    tpu.vector_store %arg8[%swap3A_437, %swap3A_438], %mul3A_435 {strides = array<i32>} : memref<2x1024xf32, #tpu.memory_space<vmem>>, vector<16xf32>,
    %mul3A_440 = arith.constant 2.000000e-02 : f32
    %mul3A_441 = vector.broadcast %mul3A_440 : f32 to vector<16xf32>
    %mul3A_442 = arith.mulf %scan3A_410#4, %mul3A_441 : vector<16xf32>
    %swap3A_443 = arith.constant 0 : i32
    %swap3A_444 = arith.index_cast %swap3A_443 : i32 to index
    %swap3A_445 = arith.constant 576 : index
    %swap3A_446 = tpu.vector_load %arg8[%swap3A_444, %swap3A_445] {strides = array<i32>} : memref<2x1024xf32, #tpu.memory_space<vmem>>, vector<16xf32>,
    tpu.vector_store %arg8[%swap3A_444, %swap3A_445], %mul3A_442 {strides = array<i32>} : memref<2x1024xf32, #tpu.memory_space<vmem>>, vector<16xf32>,
    %mul3A_447 = arith.constant 2.000000e-02 : f32
    %mul3A_448 = vector.broadcast %mul3A_447 : f32 to vector<16xf32>
    %mul3A_449 = arith.mulf %scan3A_410#5, %mul3A_448 : vector<16xf32>
    %swap3A_450 = arith.constant 0 : i32
    %swap3A_451 = arith.index_cast %swap3A_450 : i32 to index
    %swap3A_452 = arith.constant 592 : index
    %swap3A_453 = tpu.vector_load %arg8[%swap3A_451, %swap3A_452] {strides = array<i32>} : memref<2x1024xf32, #tpu.memory_space<vmem>>, vector<16xf32>,
    tpu.vector_store %arg8[%swap3A_451, %swap3A_452], %mul3A_449 {strides = array<i32>} : memref<2x1024xf32, #tpu.memory_space<vmem>>, vector<16xf32>,
    %mul3A_454 = arith.constant 2.000000e-02 : f32
    %mul3A_455 = vector.broadcast %mul3A_454 : f32 to vector<16xf32>
    %mul3A_456 = arith.mulf %scan3A_410#6, %mul3A_455 : vector<16xf32>
    %swap3A_457 = arith.constant 0 : i32
    %swap3A_458 = arith.index_cast %swap3A_457 : i32 to index
    %swap3A_459 = arith.constant 608 : index
    %swap3A_460 = tpu.vector_load %arg8[%swap3A_458, %swap3A_459] {strides = array<i32>} : memref<2x1024xf32, #tpu.memory_space<vmem>>, vector<16xf32>,
    tpu.vector_store %arg8[%swap3A_458, %swap3A_459], %mul3A_456 {strides = array<i32>} : memref<2x1024xf32, #tpu.memory_space<vmem>>, vector<16xf32>,
    %mul3A_461 = arith.constant 2.000000e-02 : f32
    %mul3A_462 = vector.broadcast %mul3A_461 : f32 to vector<16xf32>
    %mul3A_463 = arith.mulf %scan3A_410#7, %mul3A_462 : vector<16xf32>
    %swap3A_464 = arith.constant 0 : i32
    %swap3A_465 = arith.index_cast %swap3A_464 : i32 to index
    %swap3A_466 = arith.constant 624 : index
    %swap3A_467 = tpu.vector_load %arg8[%swap3A_465, %swap3A_466] {strides = array<i32>} : memref<2x1024xf32, #tpu.memory_space<vmem>>, vector<16xf32>,
    tpu.vector_store %arg8[%swap3A_465, %swap3A_466], %mul3A_463 {strides = array<i32>} : memref<2x1024xf32, #tpu.memory_space<vmem>>, vector<16xf32>,
    %dma_wait3A_468 = arith.constant 0 : i32
    %dma_wait3A_469 = arith.constant 640 : i32
    %dma_wait3A_470 = tpu.memref_slice %arg2[%dma_wait3A_468, %dma_wait3A_469] : memref<50x1024xi32, #tpu.memory_space<hbm>> -> memref<50x128xi32, #tpu.memory_space<hbm>>
    %dma_wait3A_471 = arith.constant 0 : i32
    %dma_wait3A_472 = arith.constant 640 : i32
    %dma_wait3A_473 = tpu.memref_slice %arg2[%dma_wait3A_471, %dma_wait3A_472] : memref<50x1024xi32, #tpu.memory_space<hbm>> -> memref<50x128xi32, #tpu.memory_space<hbm>>
    tpu.wait_dma2 semaphore(%arg11 : memref<!tpu.dma_semaphore, #tpu.memory_space<semaphore_mem>>) src(%dma_wait3A_473 : memref<50x128xi32, #tpu.memory_space<hbm>>) dst(%arg7 : memref<50x128xi32, #tpu.memory_space<vmem>>)
    %dma_start3A_474 = arith.constant 0 : i32
    %dma_start3A_475 = arith.constant 768 : i32
    %dma_start3A_476 = tpu.memref_slice %arg2[%dma_start3A_474, %dma_start3A_475] : memref<50x1024xi32, #tpu.memory_space<hbm>> -> memref<50x128xi32, #tpu.memory_space<hbm>>
    %dma_start3A_477 = arith.constant 0 : i32
    %dma_start3A_478 = arith.constant 768 : i32
    %dma_start3A_479 = tpu.memref_slice %arg2[%dma_start3A_477, %dma_start3A_478] : memref<50x1024xi32, #tpu.memory_space<hbm>> -> memref<50x128xi32, #tpu.memory_space<hbm>>
    tpu.enqueue_dma source(%dma_start3A_479 : memref<50x128xi32, #tpu.memory_space<hbm>>) target(%arg6 : memref<50x128xi32, #tpu.memory_space<vmem>>) target_semaphore(%arg10 : memref<!tpu.dma_semaphore, #tpu.memory_space<semaphore_mem>>)
    %broadcast_in_dim3A_480 = arith.constant 0.000000e+00 : f32
    %broadcast_in_dim3A_481 = vector.broadcast %broadcast_in_dim3A_480 : f32 to vector<16xf32>
    %broadcast_in_dim3A_482 = arith.constant 0.000000e+00 : f32
    %broadcast_in_dim3A_483 = vector.broadcast %broadcast_in_dim3A_482 : f32 to vector<16xf32>
    %broadcast_in_dim3A_484 = arith.constant 0.000000e+00 : f32
    %broadcast_in_dim3A_485 = vector.broadcast %broadcast_in_dim3A_484 : f32 to vector<16xf32>
    %broadcast_in_dim3A_486 = arith.constant 0.000000e+00 : f32
    %broadcast_in_dim3A_487 = vector.broadcast %broadcast_in_dim3A_486 : f32 to vector<16xf32>
    %broadcast_in_dim3A_488 = arith.constant 0.000000e+00 : f32
    %broadcast_in_dim3A_489 = vector.broadcast %broadcast_in_dim3A_488 : f32 to vector<16xf32>
    %broadcast_in_dim3A_490 = arith.constant 0.000000e+00 : f32
    %broadcast_in_dim3A_491 = vector.broadcast %broadcast_in_dim3A_490 : f32 to vector<16xf32>
    %broadcast_in_dim3A_492 = arith.constant 0.000000e+00 : f32
    %broadcast_in_dim3A_493 = vector.broadcast %broadcast_in_dim3A_492 : f32 to vector<16xf32>
    %broadcast_in_dim3A_494 = arith.constant 0.000000e+00 : f32
    %broadcast_in_dim3A_495 = vector.broadcast %broadcast_in_dim3A_494 : f32 to vector<16xf32>
    %scan3A_496 = arith.constant 0 : i32
    %scan3A_497 = arith.constant 50 : i32
    %scan3A_498 = arith.addi %scan3A_496, %scan3A_497 : i32
    %scan3A_499 = arith.constant 1 : i32
    %scan3A_500:8 = scf.for %scan3A_1470 = %scan3A_496 to %scan3A_498 step %scan3A_499 iter_args(%scan3A_1471 = %broadcast_in_dim3A_481, %scan3A_1472 = %broadcast_in_dim3A_483, %scan3A_1473 = %broadcast_in_dim3A_485, %scan3A_1474 = %broadcast_in_dim3A_487, %scan3A_1475 = %broadcast_in_dim3A_489, %scan3A_1476 = %broadcast_in_dim3A_491, %scan3A_1477 = %broadcast_in_dim3A_493, %scan3A_1478 = %broadcast_in_dim3A_495) -> (vector<16xf32>, vector<16xf32>, vector<16xf32>, vector<16xf32>, vector<16xf32>, vector<16xf32>, vector<16xf32>, vector<16xf32>)  : i32 {
      %get3A = arith.index_cast %scan3A_1470 : i32 to index
      %get3A_1479 = arith.constant 0 : index
      %get3A_1480 = tpu.vector_load %arg7[%get3A, %get3A_1479] {strides = array<i32>} : memref<50x128xi32, #tpu.memory_space<vmem>>, vector<16xi32>,
      %gather3A = tpu.vector_load_idx %arg5[%get3A_1480] : memref<100000xf32, #tpu.memory_space<vmem>>[vector<16xi32>], vector<16xf32>,
      %add3A_1481 = arith.addf %scan3A_1471, %gather3A : vector<16xf32>
      %get3A_1482 = arith.index_cast %scan3A_1470 : i32 to index
      %get3A_1483 = arith.constant 16 : index
      %get3A_1484 = tpu.vector_load %arg7[%get3A_1482, %get3A_1483] {strides = array<i32>} : memref<50x128xi32, #tpu.memory_space<vmem>>, vector<16xi32>,
      %gather3A_1485 = tpu.vector_load_idx %arg5[%get3A_1484] : memref<100000xf32, #tpu.memory_space<vmem>>[vector<16xi32>], vector<16xf32>,
      %add3A_1486 = arith.addf %scan3A_1472, %gather3A_1485 : vector<16xf32>
      %get3A_1487 = arith.index_cast %scan3A_1470 : i32 to index
      %get3A_1488 = arith.constant 32 : index
      %get3A_1489 = tpu.vector_load %arg7[%get3A_1487, %get3A_1488] {strides = array<i32>} : memref<50x128xi32, #tpu.memory_space<vmem>>, vector<16xi32>,
      %gather3A_1490 = tpu.vector_load_idx %arg5[%get3A_1489] : memref<100000xf32, #tpu.memory_space<vmem>>[vector<16xi32>], vector<16xf32>,
      %add3A_1491 = arith.addf %scan3A_1473, %gather3A_1490 : vector<16xf32>
      %get3A_1492 = arith.index_cast %scan3A_1470 : i32 to index
      %get3A_1493 = arith.constant 48 : index
      %get3A_1494 = tpu.vector_load %arg7[%get3A_1492, %get3A_1493] {strides = array<i32>} : memref<50x128xi32, #tpu.memory_space<vmem>>, vector<16xi32>,
      %gather3A_1495 = tpu.vector_load_idx %arg5[%get3A_1494] : memref<100000xf32, #tpu.memory_space<vmem>>[vector<16xi32>], vector<16xf32>,
      %add3A_1496 = arith.addf %scan3A_1474, %gather3A_1495 : vector<16xf32>
      %get3A_1497 = arith.index_cast %scan3A_1470 : i32 to index
      %get3A_1498 = arith.constant 64 : index
      %get3A_1499 = tpu.vector_load %arg7[%get3A_1497, %get3A_1498] {strides = array<i32>} : memref<50x128xi32, #tpu.memory_space<vmem>>, vector<16xi32>,
      %gather3A_1500 = tpu.vector_load_idx %arg5[%get3A_1499] : memref<100000xf32, #tpu.memory_space<vmem>>[vector<16xi32>], vector<16xf32>,
      %add3A_1501 = arith.addf %scan3A_1475, %gather3A_1500 : vector<16xf32>
      %get3A_1502 = arith.index_cast %scan3A_1470 : i32 to index
      %get3A_1503 = arith.constant 80 : index
      %get3A_1504 = tpu.vector_load %arg7[%get3A_1502, %get3A_1503] {strides = array<i32>} : memref<50x128xi32, #tpu.memory_space<vmem>>, vector<16xi32>,
      %gather3A_1505 = tpu.vector_load_idx %arg5[%get3A_1504] : memref<100000xf32, #tpu.memory_space<vmem>>[vector<16xi32>], vector<16xf32>,
      %add3A_1506 = arith.addf %scan3A_1476, %gather3A_1505 : vector<16xf32>
      %get3A_1507 = arith.index_cast %scan3A_1470 : i32 to index
      %get3A_1508 = arith.constant 96 : index
      %get3A_1509 = tpu.vector_load %arg7[%get3A_1507, %get3A_1508] {strides = array<i32>} : memref<50x128xi32, #tpu.memory_space<vmem>>, vector<16xi32>,
      %gather3A_1510 = tpu.vector_load_idx %arg5[%get3A_1509] : memref<100000xf32, #tpu.memory_space<vmem>>[vector<16xi32>], vector<16xf32>,
      %add3A_1511 = arith.addf %scan3A_1477, %gather3A_1510 : vector<16xf32>
      %get3A_1512 = arith.index_cast %scan3A_1470 : i32 to index
      %get3A_1513 = arith.constant 112 : index
      %get3A_1514 = tpu.vector_load %arg7[%get3A_1512, %get3A_1513] {strides = array<i32>} : memref<50x128xi32, #tpu.memory_space<vmem>>, vector<16xi32>,
      %gather3A_1515 = tpu.vector_load_idx %arg5[%get3A_1514] : memref<100000xf32, #tpu.memory_space<vmem>>[vector<16xi32>], vector<16xf32>,
      %add3A_1516 = arith.addf %scan3A_1478, %gather3A_1515 : vector<16xf32>
      scf.yield %add3A_1481, %add3A_1486, %add3A_1491, %add3A_1496, %add3A_1501, %add3A_1506, %add3A_1511, %add3A_1516 : vector<16xf32>, vector<16xf32>, vector<16xf32>, vector<16xf32>, vector<16xf32>, vector<16xf32>, vector<16xf32>, vector<16xf32>
    }
    %scan3A_501 = arith.constant 50 : i32
    %mul3A_502 = arith.constant 2.000000e-02 : f32
    %mul3A_503 = vector.broadcast %mul3A_502 : f32 to vector<16xf32>
    %mul3A_504 = arith.mulf %scan3A_500#0, %mul3A_503 : vector<16xf32>
    %swap3A_505 = arith.constant 0 : i32
    %swap3A_506 = arith.index_cast %swap3A_505 : i32 to index
    %swap3A_507 = arith.constant 640 : index
    %swap3A_508 = tpu.vector_load %arg8[%swap3A_506, %swap3A_507] {strides = array<i32>} : memref<2x1024xf32, #tpu.memory_space<vmem>>, vector<16xf32>,
    tpu.vector_store %arg8[%swap3A_506, %swap3A_507], %mul3A_504 {strides = array<i32>} : memref<2x1024xf32, #tpu.memory_space<vmem>>, vector<16xf32>,
    %mul3A_509 = arith.constant 2.000000e-02 : f32
    %mul3A_510 = vector.broadcast %mul3A_509 : f32 to vector<16xf32>
    %mul3A_511 = arith.mulf %scan3A_500#1, %mul3A_510 : vector<16xf32>
    %swap3A_512 = arith.constant 0 : i32
    %swap3A_513 = arith.index_cast %swap3A_512 : i32 to index
    %swap3A_514 = arith.constant 656 : index
    %swap3A_515 = tpu.vector_load %arg8[%swap3A_513, %swap3A_514] {strides = array<i32>} : memref<2x1024xf32, #tpu.memory_space<vmem>>, vector<16xf32>,
    tpu.vector_store %arg8[%swap3A_513, %swap3A_514], %mul3A_511 {strides = array<i32>} : memref<2x1024xf32, #tpu.memory_space<vmem>>, vector<16xf32>,
    %mul3A_516 = arith.constant 2.000000e-02 : f32
    %mul3A_517 = vector.broadcast %mul3A_516 : f32 to vector<16xf32>
    %mul3A_518 = arith.mulf %scan3A_500#2, %mul3A_517 : vector<16xf32>
    %swap3A_519 = arith.constant 0 : i32
    %swap3A_520 = arith.index_cast %swap3A_519 : i32 to index
    %swap3A_521 = arith.constant 672 : index
    %swap3A_522 = tpu.vector_load %arg8[%swap3A_520, %swap3A_521] {strides = array<i32>} : memref<2x1024xf32, #tpu.memory_space<vmem>>, vector<16xf32>,
    tpu.vector_store %arg8[%swap3A_520, %swap3A_521], %mul3A_518 {strides = array<i32>} : memref<2x1024xf32, #tpu.memory_space<vmem>>, vector<16xf32>,
    %mul3A_523 = arith.constant 2.000000e-02 : f32
    %mul3A_524 = vector.broadcast %mul3A_523 : f32 to vector<16xf32>
    %mul3A_525 = arith.mulf %scan3A_500#3, %mul3A_524 : vector<16xf32>
    %swap3A_526 = arith.constant 0 : i32
    %swap3A_527 = arith.index_cast %swap3A_526 : i32 to index
    %swap3A_528 = arith.constant 688 : index
    %swap3A_529 = tpu.vector_load %arg8[%swap3A_527, %swap3A_528] {strides = array<i32>} : memref<2x1024xf32, #tpu.memory_space<vmem>>, vector<16xf32>,
    tpu.vector_store %arg8[%swap3A_527, %swap3A_528], %mul3A_525 {strides = array<i32>} : memref<2x1024xf32, #tpu.memory_space<vmem>>, vector<16xf32>,
    %mul3A_530 = arith.constant 2.000000e-02 : f32
    %mul3A_531 = vector.broadcast %mul3A_530 : f32 to vector<16xf32>
    %mul3A_532 = arith.mulf %scan3A_500#4, %mul3A_531 : vector<16xf32>
    %swap3A_533 = arith.constant 0 : i32
    %swap3A_534 = arith.index_cast %swap3A_533 : i32 to index
    %swap3A_535 = arith.constant 704 : index
    %swap3A_536 = tpu.vector_load %arg8[%swap3A_534, %swap3A_535] {strides = array<i32>} : memref<2x1024xf32, #tpu.memory_space<vmem>>, vector<16xf32>,
    tpu.vector_store %arg8[%swap3A_534, %swap3A_535], %mul3A_532 {strides = array<i32>} : memref<2x1024xf32, #tpu.memory_space<vmem>>, vector<16xf32>,
    %mul3A_537 = arith.constant 2.000000e-02 : f32
    %mul3A_538 = vector.broadcast %mul3A_537 : f32 to vector<16xf32>
    %mul3A_539 = arith.mulf %scan3A_500#5, %mul3A_538 : vector<16xf32>
    %swap3A_540 = arith.constant 0 : i32
    %swap3A_541 = arith.index_cast %swap3A_540 : i32 to index
    %swap3A_542 = arith.constant 720 : index
    %swap3A_543 = tpu.vector_load %arg8[%swap3A_541, %swap3A_542] {strides = array<i32>} : memref<2x1024xf32, #tpu.memory_space<vmem>>, vector<16xf32>,
    tpu.vector_store %arg8[%swap3A_541, %swap3A_542], %mul3A_539 {strides = array<i32>} : memref<2x1024xf32, #tpu.memory_space<vmem>>, vector<16xf32>,
    %mul3A_544 = arith.constant 2.000000e-02 : f32
    %mul3A_545 = vector.broadcast %mul3A_544 : f32 to vector<16xf32>
    %mul3A_546 = arith.mulf %scan3A_500#6, %mul3A_545 : vector<16xf32>
    %swap3A_547 = arith.constant 0 : i32
    %swap3A_548 = arith.index_cast %swap3A_547 : i32 to index
    %swap3A_549 = arith.constant 736 : index
    %swap3A_550 = tpu.vector_load %arg8[%swap3A_548, %swap3A_549] {strides = array<i32>} : memref<2x1024xf32, #tpu.memory_space<vmem>>, vector<16xf32>,
    tpu.vector_store %arg8[%swap3A_548, %swap3A_549], %mul3A_546 {strides = array<i32>} : memref<2x1024xf32, #tpu.memory_space<vmem>>, vector<16xf32>,
    %mul3A_551 = arith.constant 2.000000e-02 : f32
    %mul3A_552 = vector.broadcast %mul3A_551 : f32 to vector<16xf32>
    %mul3A_553 = arith.mulf %scan3A_500#7, %mul3A_552 : vector<16xf32>
    %swap3A_554 = arith.constant 0 : i32
    %swap3A_555 = arith.index_cast %swap3A_554 : i32 to index
    %swap3A_556 = arith.constant 752 : index
    %swap3A_557 = tpu.vector_load %arg8[%swap3A_555, %swap3A_556] {strides = array<i32>} : memref<2x1024xf32, #tpu.memory_space<vmem>>, vector<16xf32>,
    tpu.vector_store %arg8[%swap3A_555, %swap3A_556], %mul3A_553 {strides = array<i32>} : memref<2x1024xf32, #tpu.memory_space<vmem>>, vector<16xf32>,
    %dma_wait3A_558 = arith.constant 0 : i32
    %dma_wait3A_559 = arith.constant 768 : i32
    %dma_wait3A_560 = tpu.memref_slice %arg2[%dma_wait3A_558, %dma_wait3A_559] : memref<50x1024xi32, #tpu.memory_space<hbm>> -> memref<50x128xi32, #tpu.memory_space<hbm>>
    %dma_wait3A_561 = arith.constant 0 : i32
    %dma_wait3A_562 = arith.constant 768 : i32
    %dma_wait3A_563 = tpu.memref_slice %arg2[%dma_wait3A_561, %dma_wait3A_562] : memref<50x1024xi32, #tpu.memory_space<hbm>> -> memref<50x128xi32, #tpu.memory_space<hbm>>
    tpu.wait_dma2 semaphore(%arg10 : memref<!tpu.dma_semaphore, #tpu.memory_space<semaphore_mem>>) src(%dma_wait3A_563 : memref<50x128xi32, #tpu.memory_space<hbm>>) dst(%arg6 : memref<50x128xi32, #tpu.memory_space<vmem>>)
    %dma_start3A_564 = arith.constant 0 : i32
    %dma_start3A_565 = arith.constant 896 : i32
    %dma_start3A_566 = tpu.memref_slice %arg2[%dma_start3A_564, %dma_start3A_565] : memref<50x1024xi32, #tpu.memory_space<hbm>> -> memref<50x128xi32, #tpu.memory_space<hbm>>
    %dma_start3A_567 = arith.constant 0 : i32
    %dma_start3A_568 = arith.constant 896 : i32
    %dma_start3A_569 = tpu.memref_slice %arg2[%dma_start3A_567, %dma_start3A_568] : memref<50x1024xi32, #tpu.memory_space<hbm>> -> memref<50x128xi32, #tpu.memory_space<hbm>>
    tpu.enqueue_dma source(%dma_start3A_569 : memref<50x128xi32, #tpu.memory_space<hbm>>) target(%arg7 : memref<50x128xi32, #tpu.memory_space<vmem>>) target_semaphore(%arg11 : memref<!tpu.dma_semaphore, #tpu.memory_space<semaphore_mem>>)
    %broadcast_in_dim3A_570 = arith.constant 0.000000e+00 : f32
    %broadcast_in_dim3A_571 = vector.broadcast %broadcast_in_dim3A_570 : f32 to vector<16xf32>
    %broadcast_in_dim3A_572 = arith.constant 0.000000e+00 : f32
    %broadcast_in_dim3A_573 = vector.broadcast %broadcast_in_dim3A_572 : f32 to vector<16xf32>
    %broadcast_in_dim3A_574 = arith.constant 0.000000e+00 : f32
    %broadcast_in_dim3A_575 = vector.broadcast %broadcast_in_dim3A_574 : f32 to vector<16xf32>
    %broadcast_in_dim3A_576 = arith.constant 0.000000e+00 : f32
    %broadcast_in_dim3A_577 = vector.broadcast %broadcast_in_dim3A_576 : f32 to vector<16xf32>
    %broadcast_in_dim3A_578 = arith.constant 0.000000e+00 : f32
    %broadcast_in_dim3A_579 = vector.broadcast %broadcast_in_dim3A_578 : f32 to vector<16xf32>
    %broadcast_in_dim3A_580 = arith.constant 0.000000e+00 : f32
    %broadcast_in_dim3A_581 = vector.broadcast %broadcast_in_dim3A_580 : f32 to vector<16xf32>
    %broadcast_in_dim3A_582 = arith.constant 0.000000e+00 : f32
    %broadcast_in_dim3A_583 = vector.broadcast %broadcast_in_dim3A_582 : f32 to vector<16xf32>
    %broadcast_in_dim3A_584 = arith.constant 0.000000e+00 : f32
    %broadcast_in_dim3A_585 = vector.broadcast %broadcast_in_dim3A_584 : f32 to vector<16xf32>
    %scan3A_586 = arith.constant 0 : i32
    %scan3A_587 = arith.constant 50 : i32
    %scan3A_588 = arith.addi %scan3A_586, %scan3A_587 : i32
    %scan3A_589 = arith.constant 1 : i32
    %scan3A_590:8 = scf.for %scan3A_1470 = %scan3A_586 to %scan3A_588 step %scan3A_589 iter_args(%scan3A_1471 = %broadcast_in_dim3A_571, %scan3A_1472 = %broadcast_in_dim3A_573, %scan3A_1473 = %broadcast_in_dim3A_575, %scan3A_1474 = %broadcast_in_dim3A_577, %scan3A_1475 = %broadcast_in_dim3A_579, %scan3A_1476 = %broadcast_in_dim3A_581, %scan3A_1477 = %broadcast_in_dim3A_583, %scan3A_1478 = %broadcast_in_dim3A_585) -> (vector<16xf32>, vector<16xf32>, vector<16xf32>, vector<16xf32>, vector<16xf32>, vector<16xf32>, vector<16xf32>, vector<16xf32>)  : i32 {
      %get3A = arith.index_cast %scan3A_1470 : i32 to index
      %get3A_1479 = arith.constant 0 : index
      %get3A_1480 = tpu.vector_load %arg6[%get3A, %get3A_1479] {strides = array<i32>} : memref<50x128xi32, #tpu.memory_space<vmem>>, vector<16xi32>,
      %gather3A = tpu.vector_load_idx %arg5[%get3A_1480] : memref<100000xf32, #tpu.memory_space<vmem>>[vector<16xi32>], vector<16xf32>,
      %add3A_1481 = arith.addf %scan3A_1471, %gather3A : vector<16xf32>
      %get3A_1482 = arith.index_cast %scan3A_1470 : i32 to index
      %get3A_1483 = arith.constant 16 : index
      %get3A_1484 = tpu.vector_load %arg6[%get3A_1482, %get3A_1483] {strides = array<i32>} : memref<50x128xi32, #tpu.memory_space<vmem>>, vector<16xi32>,
      %gather3A_1485 = tpu.vector_load_idx %arg5[%get3A_1484] : memref<100000xf32, #tpu.memory_space<vmem>>[vector<16xi32>], vector<16xf32>,
      %add3A_1486 = arith.addf %scan3A_1472, %gather3A_1485 : vector<16xf32>
      %get3A_1487 = arith.index_cast %scan3A_1470 : i32 to index
      %get3A_1488 = arith.constant 32 : index
      %get3A_1489 = tpu.vector_load %arg6[%get3A_1487, %get3A_1488] {strides = array<i32>} : memref<50x128xi32, #tpu.memory_space<vmem>>, vector<16xi32>,
      %gather3A_1490 = tpu.vector_load_idx %arg5[%get3A_1489] : memref<100000xf32, #tpu.memory_space<vmem>>[vector<16xi32>], vector<16xf32>,
      %add3A_1491 = arith.addf %scan3A_1473, %gather3A_1490 : vector<16xf32>
      %get3A_1492 = arith.index_cast %scan3A_1470 : i32 to index
      %get3A_1493 = arith.constant 48 : index
      %get3A_1494 = tpu.vector_load %arg6[%get3A_1492, %get3A_1493] {strides = array<i32>} : memref<50x128xi32, #tpu.memory_space<vmem>>, vector<16xi32>,
      %gather3A_1495 = tpu.vector_load_idx %arg5[%get3A_1494] : memref<100000xf32, #tpu.memory_space<vmem>>[vector<16xi32>], vector<16xf32>,
      %add3A_1496 = arith.addf %scan3A_1474, %gather3A_1495 : vector<16xf32>
      %get3A_1497 = arith.index_cast %scan3A_1470 : i32 to index
      %get3A_1498 = arith.constant 64 : index
      %get3A_1499 = tpu.vector_load %arg6[%get3A_1497, %get3A_1498] {strides = array<i32>} : memref<50x128xi32, #tpu.memory_space<vmem>>, vector<16xi32>,
      %gather3A_1500 = tpu.vector_load_idx %arg5[%get3A_1499] : memref<100000xf32, #tpu.memory_space<vmem>>[vector<16xi32>], vector<16xf32>,
      %add3A_1501 = arith.addf %scan3A_1475, %gather3A_1500 : vector<16xf32>
      %get3A_1502 = arith.index_cast %scan3A_1470 : i32 to index
      %get3A_1503 = arith.constant 80 : index
      %get3A_1504 = tpu.vector_load %arg6[%get3A_1502, %get3A_1503] {strides = array<i32>} : memref<50x128xi32, #tpu.memory_space<vmem>>, vector<16xi32>,
      %gather3A_1505 = tpu.vector_load_idx %arg5[%get3A_1504] : memref<100000xf32, #tpu.memory_space<vmem>>[vector<16xi32>], vector<16xf32>,
      %add3A_1506 = arith.addf %scan3A_1476, %gather3A_1505 : vector<16xf32>
      %get3A_1507 = arith.index_cast %scan3A_1470 : i32 to index
      %get3A_1508 = arith.constant 96 : index
      %get3A_1509 = tpu.vector_load %arg6[%get3A_1507, %get3A_1508] {strides = array<i32>} : memref<50x128xi32, #tpu.memory_space<vmem>>, vector<16xi32>,
      %gather3A_1510 = tpu.vector_load_idx %arg5[%get3A_1509] : memref<100000xf32, #tpu.memory_space<vmem>>[vector<16xi32>], vector<16xf32>,
      %add3A_1511 = arith.addf %scan3A_1477, %gather3A_1510 : vector<16xf32>
      %get3A_1512 = arith.index_cast %scan3A_1470 : i32 to index
      %get3A_1513 = arith.constant 112 : index
      %get3A_1514 = tpu.vector_load %arg6[%get3A_1512, %get3A_1513] {strides = array<i32>} : memref<50x128xi32, #tpu.memory_space<vmem>>, vector<16xi32>,
      %gather3A_1515 = tpu.vector_load_idx %arg5[%get3A_1514] : memref<100000xf32, #tpu.memory_space<vmem>>[vector<16xi32>], vector<16xf32>,
      %add3A_1516 = arith.addf %scan3A_1478, %gather3A_1515 : vector<16xf32>
      scf.yield %add3A_1481, %add3A_1486, %add3A_1491, %add3A_1496, %add3A_1501, %add3A_1506, %add3A_1511, %add3A_1516 : vector<16xf32>, vector<16xf32>, vector<16xf32>, vector<16xf32>, vector<16xf32>, vector<16xf32>, vector<16xf32>, vector<16xf32>
    }
    %scan3A_591 = arith.constant 50 : i32
    %mul3A_592 = arith.constant 2.000000e-02 : f32
    %mul3A_593 = vector.broadcast %mul3A_592 : f32 to vector<16xf32>
    %mul3A_594 = arith.mulf %scan3A_590#0, %mul3A_593 : vector<16xf32>
    %swap3A_595 = arith.constant 0 : i32
    %swap3A_596 = arith.index_cast %swap3A_595 : i32 to index
    %swap3A_597 = arith.constant 768 : index
    %swap3A_598 = tpu.vector_load %arg8[%swap3A_596, %swap3A_597] {strides = array<i32>} : memref<2x1024xf32, #tpu.memory_space<vmem>>, vector<16xf32>,
    tpu.vector_store %arg8[%swap3A_596, %swap3A_597], %mul3A_594 {strides = array<i32>} : memref<2x1024xf32, #tpu.memory_space<vmem>>, vector<16xf32>,
    %mul3A_599 = arith.constant 2.000000e-02 : f32
    %mul3A_600 = vector.broadcast %mul3A_599 : f32 to vector<16xf32>
    %mul3A_601 = arith.mulf %scan3A_590#1, %mul3A_600 : vector<16xf32>
    %swap3A_602 = arith.constant 0 : i32
    %swap3A_603 = arith.index_cast %swap3A_602 : i32 to index
    %swap3A_604 = arith.constant 784 : index
    %swap3A_605 = tpu.vector_load %arg8[%swap3A_603, %swap3A_604] {strides = array<i32>} : memref<2x1024xf32, #tpu.memory_space<vmem>>, vector<16xf32>,
    tpu.vector_store %arg8[%swap3A_603, %swap3A_604], %mul3A_601 {strides = array<i32>} : memref<2x1024xf32, #tpu.memory_space<vmem>>, vector<16xf32>,
    %mul3A_606 = arith.constant 2.000000e-02 : f32
    %mul3A_607 = vector.broadcast %mul3A_606 : f32 to vector<16xf32>
    %mul3A_608 = arith.mulf %scan3A_590#2, %mul3A_607 : vector<16xf32>
    %swap3A_609 = arith.constant 0 : i32
    %swap3A_610 = arith.index_cast %swap3A_609 : i32 to index
    %swap3A_611 = arith.constant 800 : index
    %swap3A_612 = tpu.vector_load %arg8[%swap3A_610, %swap3A_611] {strides = array<i32>} : memref<2x1024xf32, #tpu.memory_space<vmem>>, vector<16xf32>,
    tpu.vector_store %arg8[%swap3A_610, %swap3A_611], %mul3A_608 {strides = array<i32>} : memref<2x1024xf32, #tpu.memory_space<vmem>>, vector<16xf32>,
    %mul3A_613 = arith.constant 2.000000e-02 : f32
    %mul3A_614 = vector.broadcast %mul3A_613 : f32 to vector<16xf32>
    %mul3A_615 = arith.mulf %scan3A_590#3, %mul3A_614 : vector<16xf32>
    %swap3A_616 = arith.constant 0 : i32
    %swap3A_617 = arith.index_cast %swap3A_616 : i32 to index
    %swap3A_618 = arith.constant 816 : index
    %swap3A_619 = tpu.vector_load %arg8[%swap3A_617, %swap3A_618] {strides = array<i32>} : memref<2x1024xf32, #tpu.memory_space<vmem>>, vector<16xf32>,
    tpu.vector_store %arg8[%swap3A_617, %swap3A_618], %mul3A_615 {strides = array<i32>} : memref<2x1024xf32, #tpu.memory_space<vmem>>, vector<16xf32>,
    %mul3A_620 = arith.constant 2.000000e-02 : f32
    %mul3A_621 = vector.broadcast %mul3A_620 : f32 to vector<16xf32>
    %mul3A_622 = arith.mulf %scan3A_590#4, %mul3A_621 : vector<16xf32>
    %swap3A_623 = arith.constant 0 : i32
    %swap3A_624 = arith.index_cast %swap3A_623 : i32 to index
    %swap3A_625 = arith.constant 832 : index
    %swap3A_626 = tpu.vector_load %arg8[%swap3A_624, %swap3A_625] {strides = array<i32>} : memref<2x1024xf32, #tpu.memory_space<vmem>>, vector<16xf32>,
    tpu.vector_store %arg8[%swap3A_624, %swap3A_625], %mul3A_622 {strides = array<i32>} : memref<2x1024xf32, #tpu.memory_space<vmem>>, vector<16xf32>,
    %mul3A_627 = arith.constant 2.000000e-02 : f32
    %mul3A_628 = vector.broadcast %mul3A_627 : f32 to vector<16xf32>
    %mul3A_629 = arith.mulf %scan3A_590#5, %mul3A_628 : vector<16xf32>
    %swap3A_630 = arith.constant 0 : i32
    %swap3A_631 = arith.index_cast %swap3A_630 : i32 to index
    %swap3A_632 = arith.constant 848 : index
    %swap3A_633 = tpu.vector_load %arg8[%swap3A_631, %swap3A_632] {strides = array<i32>} : memref<2x1024xf32, #tpu.memory_space<vmem>>, vector<16xf32>,
    tpu.vector_store %arg8[%swap3A_631, %swap3A_632], %mul3A_629 {strides = array<i32>} : memref<2x1024xf32, #tpu.memory_space<vmem>>, vector<16xf32>,
    %mul3A_634 = arith.constant 2.000000e-02 : f32
    %mul3A_635 = vector.broadcast %mul3A_634 : f32 to vector<16xf32>
    %mul3A_636 = arith.mulf %scan3A_590#6, %mul3A_635 : vector<16xf32>
    %swap3A_637 = arith.constant 0 : i32
    %swap3A_638 = arith.index_cast %swap3A_637 : i32 to index
    %swap3A_639 = arith.constant 864 : index
    %swap3A_640 = tpu.vector_load %arg8[%swap3A_638, %swap3A_639] {strides = array<i32>} : memref<2x1024xf32, #tpu.memory_space<vmem>>, vector<16xf32>,
    tpu.vector_store %arg8[%swap3A_638, %swap3A_639], %mul3A_636 {strides = array<i32>} : memref<2x1024xf32, #tpu.memory_space<vmem>>, vector<16xf32>,
    %mul3A_641 = arith.constant 2.000000e-02 : f32
    %mul3A_642 = vector.broadcast %mul3A_641 : f32 to vector<16xf32>
    %mul3A_643 = arith.mulf %scan3A_590#7, %mul3A_642 : vector<16xf32>
    %swap3A_644 = arith.constant 0 : i32
    %swap3A_645 = arith.index_cast %swap3A_644 : i32 to index
    %swap3A_646 = arith.constant 880 : index
    %swap3A_647 = tpu.vector_load %arg8[%swap3A_645, %swap3A_646] {strides = array<i32>} : memref<2x1024xf32, #tpu.memory_space<vmem>>, vector<16xf32>,
    tpu.vector_store %arg8[%swap3A_645, %swap3A_646], %mul3A_643 {strides = array<i32>} : memref<2x1024xf32, #tpu.memory_space<vmem>>, vector<16xf32>,
    %dma_wait3A_648 = arith.constant 0 : i32
    %dma_wait3A_649 = arith.constant 896 : i32
    %dma_wait3A_650 = tpu.memref_slice %arg2[%dma_wait3A_648, %dma_wait3A_649] : memref<50x1024xi32, #tpu.memory_space<hbm>> -> memref<50x128xi32, #tpu.memory_space<hbm>>
    %dma_wait3A_651 = arith.constant 0 : i32
    %dma_wait3A_652 = arith.constant 896 : i32
    %dma_wait3A_653 = tpu.memref_slice %arg2[%dma_wait3A_651, %dma_wait3A_652] : memref<50x1024xi32, #tpu.memory_space<hbm>> -> memref<50x128xi32, #tpu.memory_space<hbm>>
    tpu.wait_dma2 semaphore(%arg11 : memref<!tpu.dma_semaphore, #tpu.memory_space<semaphore_mem>>) src(%dma_wait3A_653 : memref<50x128xi32, #tpu.memory_space<hbm>>) dst(%arg7 : memref<50x128xi32, #tpu.memory_space<vmem>>)
    %broadcast_in_dim3A_654 = arith.constant 0.000000e+00 : f32
    %broadcast_in_dim3A_655 = vector.broadcast %broadcast_in_dim3A_654 : f32 to vector<16xf32>
    %broadcast_in_dim3A_656 = arith.constant 0.000000e+00 : f32
    %broadcast_in_dim3A_657 = vector.broadcast %broadcast_in_dim3A_656 : f32 to vector<16xf32>
    %broadcast_in_dim3A_658 = arith.constant 0.000000e+00 : f32
    %broadcast_in_dim3A_659 = vector.broadcast %broadcast_in_dim3A_658 : f32 to vector<16xf32>
    %broadcast_in_dim3A_660 = arith.constant 0.000000e+00 : f32
    %broadcast_in_dim3A_661 = vector.broadcast %broadcast_in_dim3A_660 : f32 to vector<16xf32>
    %broadcast_in_dim3A_662 = arith.constant 0.000000e+00 : f32
    %broadcast_in_dim3A_663 = vector.broadcast %broadcast_in_dim3A_662 : f32 to vector<16xf32>
    %broadcast_in_dim3A_664 = arith.constant 0.000000e+00 : f32
    %broadcast_in_dim3A_665 = vector.broadcast %broadcast_in_dim3A_664 : f32 to vector<16xf32>
    %broadcast_in_dim3A_666 = arith.constant 0.000000e+00 : f32
    %broadcast_in_dim3A_667 = vector.broadcast %broadcast_in_dim3A_666 : f32 to vector<16xf32>
    %broadcast_in_dim3A_668 = arith.constant 0.000000e+00 : f32
    %broadcast_in_dim3A_669 = vector.broadcast %broadcast_in_dim3A_668 : f32 to vector<16xf32>
    %scan3A_670 = arith.constant 0 : i32
    %scan3A_671 = arith.constant 50 : i32
    %scan3A_672 = arith.addi %scan3A_670, %scan3A_671 : i32
    %scan3A_673 = arith.constant 1 : i32
    %scan3A_674:8 = scf.for %scan3A_1470 = %scan3A_670 to %scan3A_672 step %scan3A_673 iter_args(%scan3A_1471 = %broadcast_in_dim3A_655, %scan3A_1472 = %broadcast_in_dim3A_657, %scan3A_1473 = %broadcast_in_dim3A_659, %scan3A_1474 = %broadcast_in_dim3A_661, %scan3A_1475 = %broadcast_in_dim3A_663, %scan3A_1476 = %broadcast_in_dim3A_665, %scan3A_1477 = %broadcast_in_dim3A_667, %scan3A_1478 = %broadcast_in_dim3A_669) -> (vector<16xf32>, vector<16xf32>, vector<16xf32>, vector<16xf32>, vector<16xf32>, vector<16xf32>, vector<16xf32>, vector<16xf32>)  : i32 {
      %get3A = arith.index_cast %scan3A_1470 : i32 to index
      %get3A_1479 = arith.constant 0 : index
      %get3A_1480 = tpu.vector_load %arg7[%get3A, %get3A_1479] {strides = array<i32>} : memref<50x128xi32, #tpu.memory_space<vmem>>, vector<16xi32>,
      %gather3A = tpu.vector_load_idx %arg5[%get3A_1480] : memref<100000xf32, #tpu.memory_space<vmem>>[vector<16xi32>], vector<16xf32>,
      %add3A_1481 = arith.addf %scan3A_1471, %gather3A : vector<16xf32>
      %get3A_1482 = arith.index_cast %scan3A_1470 : i32 to index
      %get3A_1483 = arith.constant 16 : index
      %get3A_1484 = tpu.vector_load %arg7[%get3A_1482, %get3A_1483] {strides = array<i32>} : memref<50x128xi32, #tpu.memory_space<vmem>>, vector<16xi32>,
      %gather3A_1485 = tpu.vector_load_idx %arg5[%get3A_1484] : memref<100000xf32, #tpu.memory_space<vmem>>[vector<16xi32>], vector<16xf32>,
      %add3A_1486 = arith.addf %scan3A_1472, %gather3A_1485 : vector<16xf32>
      %get3A_1487 = arith.index_cast %scan3A_1470 : i32 to index
      %get3A_1488 = arith.constant 32 : index
      %get3A_1489 = tpu.vector_load %arg7[%get3A_1487, %get3A_1488] {strides = array<i32>} : memref<50x128xi32, #tpu.memory_space<vmem>>, vector<16xi32>,
      %gather3A_1490 = tpu.vector_load_idx %arg5[%get3A_1489] : memref<100000xf32, #tpu.memory_space<vmem>>[vector<16xi32>], vector<16xf32>,
      %add3A_1491 = arith.addf %scan3A_1473, %gather3A_1490 : vector<16xf32>
      %get3A_1492 = arith.index_cast %scan3A_1470 : i32 to index
      %get3A_1493 = arith.constant 48 : index
      %get3A_1494 = tpu.vector_load %arg7[%get3A_1492, %get3A_1493] {strides = array<i32>} : memref<50x128xi32, #tpu.memory_space<vmem>>, vector<16xi32>,
      %gather3A_1495 = tpu.vector_load_idx %arg5[%get3A_1494] : memref<100000xf32, #tpu.memory_space<vmem>>[vector<16xi32>], vector<16xf32>,
      %add3A_1496 = arith.addf %scan3A_1474, %gather3A_1495 : vector<16xf32>
      %get3A_1497 = arith.index_cast %scan3A_1470 : i32 to index
      %get3A_1498 = arith.constant 64 : index
      %get3A_1499 = tpu.vector_load %arg7[%get3A_1497, %get3A_1498] {strides = array<i32>} : memref<50x128xi32, #tpu.memory_space<vmem>>, vector<16xi32>,
      %gather3A_1500 = tpu.vector_load_idx %arg5[%get3A_1499] : memref<100000xf32, #tpu.memory_space<vmem>>[vector<16xi32>], vector<16xf32>,
      %add3A_1501 = arith.addf %scan3A_1475, %gather3A_1500 : vector<16xf32>
      %get3A_1502 = arith.index_cast %scan3A_1470 : i32 to index
      %get3A_1503 = arith.constant 80 : index
      %get3A_1504 = tpu.vector_load %arg7[%get3A_1502, %get3A_1503] {strides = array<i32>} : memref<50x128xi32, #tpu.memory_space<vmem>>, vector<16xi32>,
      %gather3A_1505 = tpu.vector_load_idx %arg5[%get3A_1504] : memref<100000xf32, #tpu.memory_space<vmem>>[vector<16xi32>], vector<16xf32>,
      %add3A_1506 = arith.addf %scan3A_1476, %gather3A_1505 : vector<16xf32>
      %get3A_1507 = arith.index_cast %scan3A_1470 : i32 to index
      %get3A_1508 = arith.constant 96 : index
      %get3A_1509 = tpu.vector_load %arg7[%get3A_1507, %get3A_1508] {strides = array<i32>} : memref<50x128xi32, #tpu.memory_space<vmem>>, vector<16xi32>,
      %gather3A_1510 = tpu.vector_load_idx %arg5[%get3A_1509] : memref<100000xf32, #tpu.memory_space<vmem>>[vector<16xi32>], vector<16xf32>,
      %add3A_1511 = arith.addf %scan3A_1477, %gather3A_1510 : vector<16xf32>
      %get3A_1512 = arith.index_cast %scan3A_1470 : i32 to index
      %get3A_1513 = arith.constant 112 : index
      %get3A_1514 = tpu.vector_load %arg7[%get3A_1512, %get3A_1513] {strides = array<i32>} : memref<50x128xi32, #tpu.memory_space<vmem>>, vector<16xi32>,
      %gather3A_1515 = tpu.vector_load_idx %arg5[%get3A_1514] : memref<100000xf32, #tpu.memory_space<vmem>>[vector<16xi32>], vector<16xf32>,
      %add3A_1516 = arith.addf %scan3A_1478, %gather3A_1515 : vector<16xf32>
      scf.yield %add3A_1481, %add3A_1486, %add3A_1491, %add3A_1496, %add3A_1501, %add3A_1506, %add3A_1511, %add3A_1516 : vector<16xf32>, vector<16xf32>, vector<16xf32>, vector<16xf32>, vector<16xf32>, vector<16xf32>, vector<16xf32>, vector<16xf32>
    }
    %scan3A_675 = arith.constant 50 : i32
    %mul3A_676 = arith.constant 2.000000e-02 : f32
    %mul3A_677 = vector.broadcast %mul3A_676 : f32 to vector<16xf32>
    %mul3A_678 = arith.mulf %scan3A_674#0, %mul3A_677 : vector<16xf32>
    %swap3A_679 = arith.constant 0 : i32
    %swap3A_680 = arith.index_cast %swap3A_679 : i32 to index
    %swap3A_681 = arith.constant 896 : index
    %swap3A_682 = tpu.vector_load %arg8[%swap3A_680, %swap3A_681] {strides = array<i32>} : memref<2x1024xf32, #tpu.memory_space<vmem>>, vector<16xf32>,
    tpu.vector_store %arg8[%swap3A_680, %swap3A_681], %mul3A_678 {strides = array<i32>} : memref<2x1024xf32, #tpu.memory_space<vmem>>, vector<16xf32>,
    %mul3A_683 = arith.constant 2.000000e-02 : f32
    %mul3A_684 = vector.broadcast %mul3A_683 : f32 to vector<16xf32>
    %mul3A_685 = arith.mulf %scan3A_674#1, %mul3A_684 : vector<16xf32>
    %swap3A_686 = arith.constant 0 : i32
    %swap3A_687 = arith.index_cast %swap3A_686 : i32 to index
    %swap3A_688 = arith.constant 912 : index
    %swap3A_689 = tpu.vector_load %arg8[%swap3A_687, %swap3A_688] {strides = array<i32>} : memref<2x1024xf32, #tpu.memory_space<vmem>>, vector<16xf32>,
    tpu.vector_store %arg8[%swap3A_687, %swap3A_688], %mul3A_685 {strides = array<i32>} : memref<2x1024xf32, #tpu.memory_space<vmem>>, vector<16xf32>,
    %mul3A_690 = arith.constant 2.000000e-02 : f32
    %mul3A_691 = vector.broadcast %mul3A_690 : f32 to vector<16xf32>
    %mul3A_692 = arith.mulf %scan3A_674#2, %mul3A_691 : vector<16xf32>
    %swap3A_693 = arith.constant 0 : i32
    %swap3A_694 = arith.index_cast %swap3A_693 : i32 to index
    %swap3A_695 = arith.constant 928 : index
    %swap3A_696 = tpu.vector_load %arg8[%swap3A_694, %swap3A_695] {strides = array<i32>} : memref<2x1024xf32, #tpu.memory_space<vmem>>, vector<16xf32>,
    tpu.vector_store %arg8[%swap3A_694, %swap3A_695], %mul3A_692 {strides = array<i32>} : memref<2x1024xf32, #tpu.memory_space<vmem>>, vector<16xf32>,
    %mul3A_697 = arith.constant 2.000000e-02 : f32
    %mul3A_698 = vector.broadcast %mul3A_697 : f32 to vector<16xf32>
    %mul3A_699 = arith.mulf %scan3A_674#3, %mul3A_698 : vector<16xf32>
    %swap3A_700 = arith.constant 0 : i32
    %swap3A_701 = arith.index_cast %swap3A_700 : i32 to index
    %swap3A_702 = arith.constant 944 : index
    %swap3A_703 = tpu.vector_load %arg8[%swap3A_701, %swap3A_702] {strides = array<i32>} : memref<2x1024xf32, #tpu.memory_space<vmem>>, vector<16xf32>,
    tpu.vector_store %arg8[%swap3A_701, %swap3A_702], %mul3A_699 {strides = array<i32>} : memref<2x1024xf32, #tpu.memory_space<vmem>>, vector<16xf32>,
    %mul3A_704 = arith.constant 2.000000e-02 : f32
    %mul3A_705 = vector.broadcast %mul3A_704 : f32 to vector<16xf32>
    %mul3A_706 = arith.mulf %scan3A_674#4, %mul3A_705 : vector<16xf32>
    %swap3A_707 = arith.constant 0 : i32
    %swap3A_708 = arith.index_cast %swap3A_707 : i32 to index
    %swap3A_709 = arith.constant 960 : index
    %swap3A_710 = tpu.vector_load %arg8[%swap3A_708, %swap3A_709] {strides = array<i32>} : memref<2x1024xf32, #tpu.memory_space<vmem>>, vector<16xf32>,
    tpu.vector_store %arg8[%swap3A_708, %swap3A_709], %mul3A_706 {strides = array<i32>} : memref<2x1024xf32, #tpu.memory_space<vmem>>, vector<16xf32>,
    %mul3A_711 = arith.constant 2.000000e-02 : f32
    %mul3A_712 = vector.broadcast %mul3A_711 : f32 to vector<16xf32>
    %mul3A_713 = arith.mulf %scan3A_674#5, %mul3A_712 : vector<16xf32>
    %swap3A_714 = arith.constant 0 : i32
    %swap3A_715 = arith.index_cast %swap3A_714 : i32 to index
    %swap3A_716 = arith.constant 976 : index
    %swap3A_717 = tpu.vector_load %arg8[%swap3A_715, %swap3A_716] {strides = array<i32>} : memref<2x1024xf32, #tpu.memory_space<vmem>>, vector<16xf32>,
    tpu.vector_store %arg8[%swap3A_715, %swap3A_716], %mul3A_713 {strides = array<i32>} : memref<2x1024xf32, #tpu.memory_space<vmem>>, vector<16xf32>,
    %mul3A_718 = arith.constant 2.000000e-02 : f32
    %mul3A_719 = vector.broadcast %mul3A_718 : f32 to vector<16xf32>
    %mul3A_720 = arith.mulf %scan3A_674#6, %mul3A_719 : vector<16xf32>
    %swap3A_721 = arith.constant 0 : i32
    %swap3A_722 = arith.index_cast %swap3A_721 : i32 to index
    %swap3A_723 = arith.constant 992 : index
    %swap3A_724 = tpu.vector_load %arg8[%swap3A_722, %swap3A_723] {strides = array<i32>} : memref<2x1024xf32, #tpu.memory_space<vmem>>, vector<16xf32>,
    tpu.vector_store %arg8[%swap3A_722, %swap3A_723], %mul3A_720 {strides = array<i32>} : memref<2x1024xf32, #tpu.memory_space<vmem>>, vector<16xf32>,
    %mul3A_725 = arith.constant 2.000000e-02 : f32
    %mul3A_726 = vector.broadcast %mul3A_725 : f32 to vector<16xf32>
    %mul3A_727 = arith.mulf %scan3A_674#7, %mul3A_726 : vector<16xf32>
    %swap3A_728 = arith.constant 0 : i32
    %swap3A_729 = arith.index_cast %swap3A_728 : i32 to index
    %swap3A_730 = arith.constant 1008 : index
    %swap3A_731 = tpu.vector_load %arg8[%swap3A_729, %swap3A_730] {strides = array<i32>} : memref<2x1024xf32, #tpu.memory_space<vmem>>, vector<16xf32>,
    tpu.vector_store %arg8[%swap3A_729, %swap3A_730], %mul3A_727 {strides = array<i32>} : memref<2x1024xf32, #tpu.memory_space<vmem>>, vector<16xf32>,
    %mul3A_732 = arith.constant 2 : i32
    %mul3A_733 = arith.muli %add3A, %mul3A_732 : i32
    %add3A_734 = arith.constant 1 : i32
    %add3A_735 = arith.addi %mul3A_733, %add3A_734 : i32
    %dma_start3A_736 = arith.constant 0 : i32
    %dma_start3A_737 = tpu.memref_slice %arg3[%add3A_735, %dma_start3A_736] : memref<64x100000xf32, #tpu.memory_space<hbm>> -> memref<1x100000xf32, #tpu.memory_space<hbm>>
    %dma_start3A_738 = tpu.memref_squeeze %dma_start3A_737 : memref<1x100000xf32, #tpu.memory_space<hbm>> -> memref<100000xf32, #tpu.memory_space<hbm>>
    %dma_start3A_739 = arith.constant 0 : i32
    %dma_start3A_740 = tpu.memref_slice %arg3[%add3A_735, %dma_start3A_739] : memref<64x100000xf32, #tpu.memory_space<hbm>> -> memref<1x100000xf32, #tpu.memory_space<hbm>>
    %dma_start3A_741 = tpu.memref_squeeze %dma_start3A_740 : memref<1x100000xf32, #tpu.memory_space<hbm>> -> memref<100000xf32, #tpu.memory_space<hbm>>
    tpu.enqueue_dma source(%dma_start3A_741 : memref<100000xf32, #tpu.memory_space<hbm>>) target(%arg5 : memref<100000xf32, #tpu.memory_space<vmem>>) target_semaphore(%arg9 : memref<!tpu.dma_semaphore, #tpu.memory_space<semaphore_mem>>)
    %dma_start3A_742 = arith.constant 0 : i32
    %dma_start3A_743 = arith.constant 0 : i32
    %dma_start3A_744 = tpu.memref_slice %arg2[%dma_start3A_742, %dma_start3A_743] : memref<50x1024xi32, #tpu.memory_space<hbm>> -> memref<50x128xi32, #tpu.memory_space<hbm>>
    %dma_start3A_745 = arith.constant 0 : i32
    %dma_start3A_746 = arith.constant 0 : i32
    %dma_start3A_747 = tpu.memref_slice %arg2[%dma_start3A_745, %dma_start3A_746] : memref<50x1024xi32, #tpu.memory_space<hbm>> -> memref<50x128xi32, #tpu.memory_space<hbm>>
    tpu.enqueue_dma source(%dma_start3A_747 : memref<50x128xi32, #tpu.memory_space<hbm>>) target(%arg6 : memref<50x128xi32, #tpu.memory_space<vmem>>) target_semaphore(%arg10 : memref<!tpu.dma_semaphore, #tpu.memory_space<semaphore_mem>>)
    %dma_wait3A_748 = arith.constant 0 : i32
    %dma_wait3A_749 = arith.constant 0 : i32
    %dma_wait3A_750 = tpu.memref_slice %arg2[%dma_wait3A_748, %dma_wait3A_749] : memref<50x1024xi32, #tpu.memory_space<hbm>> -> memref<50x128xi32, #tpu.memory_space<hbm>>
    %dma_wait3A_751 = arith.constant 0 : i32
    %dma_wait3A_752 = arith.constant 0 : i32
    %dma_wait3A_753 = tpu.memref_slice %arg2[%dma_wait3A_751, %dma_wait3A_752] : memref<50x1024xi32, #tpu.memory_space<hbm>> -> memref<50x128xi32, #tpu.memory_space<hbm>>
    tpu.wait_dma2 semaphore(%arg10 : memref<!tpu.dma_semaphore, #tpu.memory_space<semaphore_mem>>) src(%dma_wait3A_753 : memref<50x128xi32, #tpu.memory_space<hbm>>) dst(%arg6 : memref<50x128xi32, #tpu.memory_space<vmem>>)
    %dma_start3A_754 = arith.constant 0 : i32
    %dma_start3A_755 = arith.constant 128 : i32
    %dma_start3A_756 = tpu.memref_slice %arg2[%dma_start3A_754, %dma_start3A_755] : memref<50x1024xi32, #tpu.memory_space<hbm>> -> memref<50x128xi32, #tpu.memory_space<hbm>>
    %dma_start3A_757 = arith.constant 0 : i32
    %dma_start3A_758 = arith.constant 128 : i32
    %dma_start3A_759 = tpu.memref_slice %arg2[%dma_start3A_757, %dma_start3A_758] : memref<50x1024xi32, #tpu.memory_space<hbm>> -> memref<50x128xi32, #tpu.memory_space<hbm>>
    tpu.enqueue_dma source(%dma_start3A_759 : memref<50x128xi32, #tpu.memory_space<hbm>>) target(%arg7 : memref<50x128xi32, #tpu.memory_space<vmem>>) target_semaphore(%arg11 : memref<!tpu.dma_semaphore, #tpu.memory_space<semaphore_mem>>)
    %dma_wait3A_760 = arith.constant 0 : i32
    %dma_wait3A_761 = tpu.memref_slice %arg3[%add3A_735, %dma_wait3A_760] : memref<64x100000xf32, #tpu.memory_space<hbm>> -> memref<1x100000xf32, #tpu.memory_space<hbm>>
    %dma_wait3A_762 = tpu.memref_squeeze %dma_wait3A_761 : memref<1x100000xf32, #tpu.memory_space<hbm>> -> memref<100000xf32, #tpu.memory_space<hbm>>
    %dma_wait3A_763 = arith.constant 0 : i32
    %dma_wait3A_764 = tpu.memref_slice %arg3[%add3A_735, %dma_wait3A_763] : memref<64x100000xf32, #tpu.memory_space<hbm>> -> memref<1x100000xf32, #tpu.memory_space<hbm>>
    %dma_wait3A_765 = tpu.memref_squeeze %dma_wait3A_764 : memref<1x100000xf32, #tpu.memory_space<hbm>> -> memref<100000xf32, #tpu.memory_space<hbm>>
    tpu.wait_dma2 semaphore(%arg9 : memref<!tpu.dma_semaphore, #tpu.memory_space<semaphore_mem>>) src(%dma_wait3A_765 : memref<100000xf32, #tpu.memory_space<hbm>>) dst(%arg5 : memref<100000xf32, #tpu.memory_space<vmem>>)
    %broadcast_in_dim3A_766 = arith.constant 0.000000e+00 : f32
    %broadcast_in_dim3A_767 = vector.broadcast %broadcast_in_dim3A_766 : f32 to vector<16xf32>
    %broadcast_in_dim3A_768 = arith.constant 0.000000e+00 : f32
    %broadcast_in_dim3A_769 = vector.broadcast %broadcast_in_dim3A_768 : f32 to vector<16xf32>
    %broadcast_in_dim3A_770 = arith.constant 0.000000e+00 : f32
    %broadcast_in_dim3A_771 = vector.broadcast %broadcast_in_dim3A_770 : f32 to vector<16xf32>
    %broadcast_in_dim3A_772 = arith.constant 0.000000e+00 : f32
    %broadcast_in_dim3A_773 = vector.broadcast %broadcast_in_dim3A_772 : f32 to vector<16xf32>
    %broadcast_in_dim3A_774 = arith.constant 0.000000e+00 : f32
    %broadcast_in_dim3A_775 = vector.broadcast %broadcast_in_dim3A_774 : f32 to vector<16xf32>
    %broadcast_in_dim3A_776 = arith.constant 0.000000e+00 : f32
    %broadcast_in_dim3A_777 = vector.broadcast %broadcast_in_dim3A_776 : f32 to vector<16xf32>
    %broadcast_in_dim3A_778 = arith.constant 0.000000e+00 : f32
    %broadcast_in_dim3A_779 = vector.broadcast %broadcast_in_dim3A_778 : f32 to vector<16xf32>
    %broadcast_in_dim3A_780 = arith.constant 0.000000e+00 : f32
    %broadcast_in_dim3A_781 = vector.broadcast %broadcast_in_dim3A_780 : f32 to vector<16xf32>
    %scan3A_782 = arith.constant 0 : i32
    %scan3A_783 = arith.constant 50 : i32
    %scan3A_784 = arith.addi %scan3A_782, %scan3A_783 : i32
    %scan3A_785 = arith.constant 1 : i32
    %scan3A_786:8 = scf.for %scan3A_1470 = %scan3A_782 to %scan3A_784 step %scan3A_785 iter_args(%scan3A_1471 = %broadcast_in_dim3A_767, %scan3A_1472 = %broadcast_in_dim3A_769, %scan3A_1473 = %broadcast_in_dim3A_771, %scan3A_1474 = %broadcast_in_dim3A_773, %scan3A_1475 = %broadcast_in_dim3A_775, %scan3A_1476 = %broadcast_in_dim3A_777, %scan3A_1477 = %broadcast_in_dim3A_779, %scan3A_1478 = %broadcast_in_dim3A_781) -> (vector<16xf32>, vector<16xf32>, vector<16xf32>, vector<16xf32>, vector<16xf32>, vector<16xf32>, vector<16xf32>, vector<16xf32>)  : i32 {
      %get3A = arith.index_cast %scan3A_1470 : i32 to index
      %get3A_1479 = arith.constant 0 : index
      %get3A_1480 = tpu.vector_load %arg6[%get3A, %get3A_1479] {strides = array<i32>} : memref<50x128xi32, #tpu.memory_space<vmem>>, vector<16xi32>,
      %gather3A = tpu.vector_load_idx %arg5[%get3A_1480] : memref<100000xf32, #tpu.memory_space<vmem>>[vector<16xi32>], vector<16xf32>,
      %add3A_1481 = arith.addf %scan3A_1471, %gather3A : vector<16xf32>
      %get3A_1482 = arith.index_cast %scan3A_1470 : i32 to index
      %get3A_1483 = arith.constant 16 : index
      %get3A_1484 = tpu.vector_load %arg6[%get3A_1482, %get3A_1483] {strides = array<i32>} : memref<50x128xi32, #tpu.memory_space<vmem>>, vector<16xi32>,
      %gather3A_1485 = tpu.vector_load_idx %arg5[%get3A_1484] : memref<100000xf32, #tpu.memory_space<vmem>>[vector<16xi32>], vector<16xf32>,
      %add3A_1486 = arith.addf %scan3A_1472, %gather3A_1485 : vector<16xf32>
      %get3A_1487 = arith.index_cast %scan3A_1470 : i32 to index
      %get3A_1488 = arith.constant 32 : index
      %get3A_1489 = tpu.vector_load %arg6[%get3A_1487, %get3A_1488] {strides = array<i32>} : memref<50x128xi32, #tpu.memory_space<vmem>>, vector<16xi32>,
      %gather3A_1490 = tpu.vector_load_idx %arg5[%get3A_1489] : memref<100000xf32, #tpu.memory_space<vmem>>[vector<16xi32>], vector<16xf32>,
      %add3A_1491 = arith.addf %scan3A_1473, %gather3A_1490 : vector<16xf32>
      %get3A_1492 = arith.index_cast %scan3A_1470 : i32 to index
      %get3A_1493 = arith.constant 48 : index
      %get3A_1494 = tpu.vector_load %arg6[%get3A_1492, %get3A_1493] {strides = array<i32>} : memref<50x128xi32, #tpu.memory_space<vmem>>, vector<16xi32>,
      %gather3A_1495 = tpu.vector_load_idx %arg5[%get3A_1494] : memref<100000xf32, #tpu.memory_space<vmem>>[vector<16xi32>], vector<16xf32>,
      %add3A_1496 = arith.addf %scan3A_1474, %gather3A_1495 : vector<16xf32>
      %get3A_1497 = arith.index_cast %scan3A_1470 : i32 to index
      %get3A_1498 = arith.constant 64 : index
      %get3A_1499 = tpu.vector_load %arg6[%get3A_1497, %get3A_1498] {strides = array<i32>} : memref<50x128xi32, #tpu.memory_space<vmem>>, vector<16xi32>,
      %gather3A_1500 = tpu.vector_load_idx %arg5[%get3A_1499] : memref<100000xf32, #tpu.memory_space<vmem>>[vector<16xi32>], vector<16xf32>,
      %add3A_1501 = arith.addf %scan3A_1475, %gather3A_1500 : vector<16xf32>
      %get3A_1502 = arith.index_cast %scan3A_1470 : i32 to index
      %get3A_1503 = arith.constant 80 : index
      %get3A_1504 = tpu.vector_load %arg6[%get3A_1502, %get3A_1503] {strides = array<i32>} : memref<50x128xi32, #tpu.memory_space<vmem>>, vector<16xi32>,
      %gather3A_1505 = tpu.vector_load_idx %arg5[%get3A_1504] : memref<100000xf32, #tpu.memory_space<vmem>>[vector<16xi32>], vector<16xf32>,
      %add3A_1506 = arith.addf %scan3A_1476, %gather3A_1505 : vector<16xf32>
      %get3A_1507 = arith.index_cast %scan3A_1470 : i32 to index
      %get3A_1508 = arith.constant 96 : index
      %get3A_1509 = tpu.vector_load %arg6[%get3A_1507, %get3A_1508] {strides = array<i32>} : memref<50x128xi32, #tpu.memory_space<vmem>>, vector<16xi32>,
      %gather3A_1510 = tpu.vector_load_idx %arg5[%get3A_1509] : memref<100000xf32, #tpu.memory_space<vmem>>[vector<16xi32>], vector<16xf32>,
      %add3A_1511 = arith.addf %scan3A_1477, %gather3A_1510 : vector<16xf32>
      %get3A_1512 = arith.index_cast %scan3A_1470 : i32 to index
      %get3A_1513 = arith.constant 112 : index
      %get3A_1514 = tpu.vector_load %arg6[%get3A_1512, %get3A_1513] {strides = array<i32>} : memref<50x128xi32, #tpu.memory_space<vmem>>, vector<16xi32>,
      %gather3A_1515 = tpu.vector_load_idx %arg5[%get3A_1514] : memref<100000xf32, #tpu.memory_space<vmem>>[vector<16xi32>], vector<16xf32>,
      %add3A_1516 = arith.addf %scan3A_1478, %gather3A_1515 : vector<16xf32>
      scf.yield %add3A_1481, %add3A_1486, %add3A_1491, %add3A_1496, %add3A_1501, %add3A_1506, %add3A_1511, %add3A_1516 : vector<16xf32>, vector<16xf32>, vector<16xf32>, vector<16xf32>, vector<16xf32>, vector<16xf32>, vector<16xf32>, vector<16xf32>
    }
    %scan3A_787 = arith.constant 50 : i32
    %mul3A_788 = arith.constant 2.000000e-02 : f32
    %mul3A_789 = vector.broadcast %mul3A_788 : f32 to vector<16xf32>
    %mul3A_790 = arith.mulf %scan3A_786#0, %mul3A_789 : vector<16xf32>
    %swap3A_791 = arith.constant 1 : i32
    %swap3A_792 = arith.index_cast %swap3A_791 : i32 to index
    %swap3A_793 = arith.constant 0 : index
    %swap3A_794 = tpu.vector_load %arg8[%swap3A_792, %swap3A_793] {strides = array<i32>} : memref<2x1024xf32, #tpu.memory_space<vmem>>, vector<16xf32>,
    tpu.vector_store %arg8[%swap3A_792, %swap3A_793], %mul3A_790 {strides = array<i32>} : memref<2x1024xf32, #tpu.memory_space<vmem>>, vector<16xf32>,
    %mul3A_795 = arith.constant 2.000000e-02 : f32
    %mul3A_796 = vector.broadcast %mul3A_795 : f32 to vector<16xf32>
    %mul3A_797 = arith.mulf %scan3A_786#1, %mul3A_796 : vector<16xf32>
    %swap3A_798 = arith.constant 1 : i32
    %swap3A_799 = arith.index_cast %swap3A_798 : i32 to index
    %swap3A_800 = arith.constant 16 : index
    %swap3A_801 = tpu.vector_load %arg8[%swap3A_799, %swap3A_800] {strides = array<i32>} : memref<2x1024xf32, #tpu.memory_space<vmem>>, vector<16xf32>,
    tpu.vector_store %arg8[%swap3A_799, %swap3A_800], %mul3A_797 {strides = array<i32>} : memref<2x1024xf32, #tpu.memory_space<vmem>>, vector<16xf32>,
    %mul3A_802 = arith.constant 2.000000e-02 : f32
    %mul3A_803 = vector.broadcast %mul3A_802 : f32 to vector<16xf32>
    %mul3A_804 = arith.mulf %scan3A_786#2, %mul3A_803 : vector<16xf32>
    %swap3A_805 = arith.constant 1 : i32
    %swap3A_806 = arith.index_cast %swap3A_805 : i32 to index
    %swap3A_807 = arith.constant 32 : index
    %swap3A_808 = tpu.vector_load %arg8[%swap3A_806, %swap3A_807] {strides = array<i32>} : memref<2x1024xf32, #tpu.memory_space<vmem>>, vector<16xf32>,
    tpu.vector_store %arg8[%swap3A_806, %swap3A_807], %mul3A_804 {strides = array<i32>} : memref<2x1024xf32, #tpu.memory_space<vmem>>, vector<16xf32>,
    %mul3A_809 = arith.constant 2.000000e-02 : f32
    %mul3A_810 = vector.broadcast %mul3A_809 : f32 to vector<16xf32>
    %mul3A_811 = arith.mulf %scan3A_786#3, %mul3A_810 : vector<16xf32>
    %swap3A_812 = arith.constant 1 : i32
    %swap3A_813 = arith.index_cast %swap3A_812 : i32 to index
    %swap3A_814 = arith.constant 48 : index
    %swap3A_815 = tpu.vector_load %arg8[%swap3A_813, %swap3A_814] {strides = array<i32>} : memref<2x1024xf32, #tpu.memory_space<vmem>>, vector<16xf32>,
    tpu.vector_store %arg8[%swap3A_813, %swap3A_814], %mul3A_811 {strides = array<i32>} : memref<2x1024xf32, #tpu.memory_space<vmem>>, vector<16xf32>,
    %mul3A_816 = arith.constant 2.000000e-02 : f32
    %mul3A_817 = vector.broadcast %mul3A_816 : f32 to vector<16xf32>
    %mul3A_818 = arith.mulf %scan3A_786#4, %mul3A_817 : vector<16xf32>
    %swap3A_819 = arith.constant 1 : i32
    %swap3A_820 = arith.index_cast %swap3A_819 : i32 to index
    %swap3A_821 = arith.constant 64 : index
    %swap3A_822 = tpu.vector_load %arg8[%swap3A_820, %swap3A_821] {strides = array<i32>} : memref<2x1024xf32, #tpu.memory_space<vmem>>, vector<16xf32>,
    tpu.vector_store %arg8[%swap3A_820, %swap3A_821], %mul3A_818 {strides = array<i32>} : memref<2x1024xf32, #tpu.memory_space<vmem>>, vector<16xf32>,
    %mul3A_823 = arith.constant 2.000000e-02 : f32
    %mul3A_824 = vector.broadcast %mul3A_823 : f32 to vector<16xf32>
    %mul3A_825 = arith.mulf %scan3A_786#5, %mul3A_824 : vector<16xf32>
    %swap3A_826 = arith.constant 1 : i32
    %swap3A_827 = arith.index_cast %swap3A_826 : i32 to index
    %swap3A_828 = arith.constant 80 : index
    %swap3A_829 = tpu.vector_load %arg8[%swap3A_827, %swap3A_828] {strides = array<i32>} : memref<2x1024xf32, #tpu.memory_space<vmem>>, vector<16xf32>,
    tpu.vector_store %arg8[%swap3A_827, %swap3A_828], %mul3A_825 {strides = array<i32>} : memref<2x1024xf32, #tpu.memory_space<vmem>>, vector<16xf32>,
    %mul3A_830 = arith.constant 2.000000e-02 : f32
    %mul3A_831 = vector.broadcast %mul3A_830 : f32 to vector<16xf32>
    %mul3A_832 = arith.mulf %scan3A_786#6, %mul3A_831 : vector<16xf32>
    %swap3A_833 = arith.constant 1 : i32
    %swap3A_834 = arith.index_cast %swap3A_833 : i32 to index
    %swap3A_835 = arith.constant 96 : index
    %swap3A_836 = tpu.vector_load %arg8[%swap3A_834, %swap3A_835] {strides = array<i32>} : memref<2x1024xf32, #tpu.memory_space<vmem>>, vector<16xf32>,
    tpu.vector_store %arg8[%swap3A_834, %swap3A_835], %mul3A_832 {strides = array<i32>} : memref<2x1024xf32, #tpu.memory_space<vmem>>, vector<16xf32>,
    %mul3A_837 = arith.constant 2.000000e-02 : f32
    %mul3A_838 = vector.broadcast %mul3A_837 : f32 to vector<16xf32>
    %mul3A_839 = arith.mulf %scan3A_786#7, %mul3A_838 : vector<16xf32>
    %swap3A_840 = arith.constant 1 : i32
    %swap3A_841 = arith.index_cast %swap3A_840 : i32 to index
    %swap3A_842 = arith.constant 112 : index
    %swap3A_843 = tpu.vector_load %arg8[%swap3A_841, %swap3A_842] {strides = array<i32>} : memref<2x1024xf32, #tpu.memory_space<vmem>>, vector<16xf32>,
    tpu.vector_store %arg8[%swap3A_841, %swap3A_842], %mul3A_839 {strides = array<i32>} : memref<2x1024xf32, #tpu.memory_space<vmem>>, vector<16xf32>,
    %dma_wait3A_844 = arith.constant 0 : i32
    %dma_wait3A_845 = arith.constant 128 : i32
    %dma_wait3A_846 = tpu.memref_slice %arg2[%dma_wait3A_844, %dma_wait3A_845] : memref<50x1024xi32, #tpu.memory_space<hbm>> -> memref<50x128xi32, #tpu.memory_space<hbm>>
    %dma_wait3A_847 = arith.constant 0 : i32
    %dma_wait3A_848 = arith.constant 128 : i32
    %dma_wait3A_849 = tpu.memref_slice %arg2[%dma_wait3A_847, %dma_wait3A_848] : memref<50x1024xi32, #tpu.memory_space<hbm>> -> memref<50x128xi32, #tpu.memory_space<hbm>>
    tpu.wait_dma2 semaphore(%arg11 : memref<!tpu.dma_semaphore, #tpu.memory_space<semaphore_mem>>) src(%dma_wait3A_849 : memref<50x128xi32, #tpu.memory_space<hbm>>) dst(%arg7 : memref<50x128xi32, #tpu.memory_space<vmem>>)
    %dma_start3A_850 = arith.constant 0 : i32
    %dma_start3A_851 = arith.constant 256 : i32
    %dma_start3A_852 = tpu.memref_slice %arg2[%dma_start3A_850, %dma_start3A_851] : memref<50x1024xi32, #tpu.memory_space<hbm>> -> memref<50x128xi32, #tpu.memory_space<hbm>>
    %dma_start3A_853 = arith.constant 0 : i32
    %dma_start3A_854 = arith.constant 256 : i32
    %dma_start3A_855 = tpu.memref_slice %arg2[%dma_start3A_853, %dma_start3A_854] : memref<50x1024xi32, #tpu.memory_space<hbm>> -> memref<50x128xi32, #tpu.memory_space<hbm>>
    tpu.enqueue_dma source(%dma_start3A_855 : memref<50x128xi32, #tpu.memory_space<hbm>>) target(%arg6 : memref<50x128xi32, #tpu.memory_space<vmem>>) target_semaphore(%arg10 : memref<!tpu.dma_semaphore, #tpu.memory_space<semaphore_mem>>)
    %broadcast_in_dim3A_856 = arith.constant 0.000000e+00 : f32
    %broadcast_in_dim3A_857 = vector.broadcast %broadcast_in_dim3A_856 : f32 to vector<16xf32>
    %broadcast_in_dim3A_858 = arith.constant 0.000000e+00 : f32
    %broadcast_in_dim3A_859 = vector.broadcast %broadcast_in_dim3A_858 : f32 to vector<16xf32>
    %broadcast_in_dim3A_860 = arith.constant 0.000000e+00 : f32
    %broadcast_in_dim3A_861 = vector.broadcast %broadcast_in_dim3A_860 : f32 to vector<16xf32>
    %broadcast_in_dim3A_862 = arith.constant 0.000000e+00 : f32
    %broadcast_in_dim3A_863 = vector.broadcast %broadcast_in_dim3A_862 : f32 to vector<16xf32>
    %broadcast_in_dim3A_864 = arith.constant 0.000000e+00 : f32
    %broadcast_in_dim3A_865 = vector.broadcast %broadcast_in_dim3A_864 : f32 to vector<16xf32>
    %broadcast_in_dim3A_866 = arith.constant 0.000000e+00 : f32
    %broadcast_in_dim3A_867 = vector.broadcast %broadcast_in_dim3A_866 : f32 to vector<16xf32>
    %broadcast_in_dim3A_868 = arith.constant 0.000000e+00 : f32
    %broadcast_in_dim3A_869 = vector.broadcast %broadcast_in_dim3A_868 : f32 to vector<16xf32>
    %broadcast_in_dim3A_870 = arith.constant 0.000000e+00 : f32
    %broadcast_in_dim3A_871 = vector.broadcast %broadcast_in_dim3A_870 : f32 to vector<16xf32>
    %scan3A_872 = arith.constant 0 : i32
    %scan3A_873 = arith.constant 50 : i32
    %scan3A_874 = arith.addi %scan3A_872, %scan3A_873 : i32
    %scan3A_875 = arith.constant 1 : i32
    %scan3A_876:8 = scf.for %scan3A_1470 = %scan3A_872 to %scan3A_874 step %scan3A_875 iter_args(%scan3A_1471 = %broadcast_in_dim3A_857, %scan3A_1472 = %broadcast_in_dim3A_859, %scan3A_1473 = %broadcast_in_dim3A_861, %scan3A_1474 = %broadcast_in_dim3A_863, %scan3A_1475 = %broadcast_in_dim3A_865, %scan3A_1476 = %broadcast_in_dim3A_867, %scan3A_1477 = %broadcast_in_dim3A_869, %scan3A_1478 = %broadcast_in_dim3A_871) -> (vector<16xf32>, vector<16xf32>, vector<16xf32>, vector<16xf32>, vector<16xf32>, vector<16xf32>, vector<16xf32>, vector<16xf32>)  : i32 {
      %get3A = arith.index_cast %scan3A_1470 : i32 to index
      %get3A_1479 = arith.constant 0 : index
      %get3A_1480 = tpu.vector_load %arg7[%get3A, %get3A_1479] {strides = array<i32>} : memref<50x128xi32, #tpu.memory_space<vmem>>, vector<16xi32>,
      %gather3A = tpu.vector_load_idx %arg5[%get3A_1480] : memref<100000xf32, #tpu.memory_space<vmem>>[vector<16xi32>], vector<16xf32>,
      %add3A_1481 = arith.addf %scan3A_1471, %gather3A : vector<16xf32>
      %get3A_1482 = arith.index_cast %scan3A_1470 : i32 to index
      %get3A_1483 = arith.constant 16 : index
      %get3A_1484 = tpu.vector_load %arg7[%get3A_1482, %get3A_1483] {strides = array<i32>} : memref<50x128xi32, #tpu.memory_space<vmem>>, vector<16xi32>,
      %gather3A_1485 = tpu.vector_load_idx %arg5[%get3A_1484] : memref<100000xf32, #tpu.memory_space<vmem>>[vector<16xi32>], vector<16xf32>,
      %add3A_1486 = arith.addf %scan3A_1472, %gather3A_1485 : vector<16xf32>
      %get3A_1487 = arith.index_cast %scan3A_1470 : i32 to index
      %get3A_1488 = arith.constant 32 : index
      %get3A_1489 = tpu.vector_load %arg7[%get3A_1487, %get3A_1488] {strides = array<i32>} : memref<50x128xi32, #tpu.memory_space<vmem>>, vector<16xi32>,
      %gather3A_1490 = tpu.vector_load_idx %arg5[%get3A_1489] : memref<100000xf32, #tpu.memory_space<vmem>>[vector<16xi32>], vector<16xf32>,
      %add3A_1491 = arith.addf %scan3A_1473, %gather3A_1490 : vector<16xf32>
      %get3A_1492 = arith.index_cast %scan3A_1470 : i32 to index
      %get3A_1493 = arith.constant 48 : index
      %get3A_1494 = tpu.vector_load %arg7[%get3A_1492, %get3A_1493] {strides = array<i32>} : memref<50x128xi32, #tpu.memory_space<vmem>>, vector<16xi32>,
      %gather3A_1495 = tpu.vector_load_idx %arg5[%get3A_1494] : memref<100000xf32, #tpu.memory_space<vmem>>[vector<16xi32>], vector<16xf32>,
      %add3A_1496 = arith.addf %scan3A_1474, %gather3A_1495 : vector<16xf32>
      %get3A_1497 = arith.index_cast %scan3A_1470 : i32 to index
      %get3A_1498 = arith.constant 64 : index
      %get3A_1499 = tpu.vector_load %arg7[%get3A_1497, %get3A_1498] {strides = array<i32>} : memref<50x128xi32, #tpu.memory_space<vmem>>, vector<16xi32>,
      %gather3A_1500 = tpu.vector_load_idx %arg5[%get3A_1499] : memref<100000xf32, #tpu.memory_space<vmem>>[vector<16xi32>], vector<16xf32>,
      %add3A_1501 = arith.addf %scan3A_1475, %gather3A_1500 : vector<16xf32>
      %get3A_1502 = arith.index_cast %scan3A_1470 : i32 to index
      %get3A_1503 = arith.constant 80 : index
      %get3A_1504 = tpu.vector_load %arg7[%get3A_1502, %get3A_1503] {strides = array<i32>} : memref<50x128xi32, #tpu.memory_space<vmem>>, vector<16xi32>,
      %gather3A_1505 = tpu.vector_load_idx %arg5[%get3A_1504] : memref<100000xf32, #tpu.memory_space<vmem>>[vector<16xi32>], vector<16xf32>,
      %add3A_1506 = arith.addf %scan3A_1476, %gather3A_1505 : vector<16xf32>
      %get3A_1507 = arith.index_cast %scan3A_1470 : i32 to index
      %get3A_1508 = arith.constant 96 : index
      %get3A_1509 = tpu.vector_load %arg7[%get3A_1507, %get3A_1508] {strides = array<i32>} : memref<50x128xi32, #tpu.memory_space<vmem>>, vector<16xi32>,
      %gather3A_1510 = tpu.vector_load_idx %arg5[%get3A_1509] : memref<100000xf32, #tpu.memory_space<vmem>>[vector<16xi32>], vector<16xf32>,
      %add3A_1511 = arith.addf %scan3A_1477, %gather3A_1510 : vector<16xf32>
      %get3A_1512 = arith.index_cast %scan3A_1470 : i32 to index
      %get3A_1513 = arith.constant 112 : index
      %get3A_1514 = tpu.vector_load %arg7[%get3A_1512, %get3A_1513] {strides = array<i32>} : memref<50x128xi32, #tpu.memory_space<vmem>>, vector<16xi32>,
      %gather3A_1515 = tpu.vector_load_idx %arg5[%get3A_1514] : memref<100000xf32, #tpu.memory_space<vmem>>[vector<16xi32>], vector<16xf32>,
      %add3A_1516 = arith.addf %scan3A_1478, %gather3A_1515 : vector<16xf32>
      scf.yield %add3A_1481, %add3A_1486, %add3A_1491, %add3A_1496, %add3A_1501, %add3A_1506, %add3A_1511, %add3A_1516 : vector<16xf32>, vector<16xf32>, vector<16xf32>, vector<16xf32>, vector<16xf32>, vector<16xf32>, vector<16xf32>, vector<16xf32>
    }
    %scan3A_877 = arith.constant 50 : i32
    %mul3A_878 = arith.constant 2.000000e-02 : f32
    %mul3A_879 = vector.broadcast %mul3A_878 : f32 to vector<16xf32>
    %mul3A_880 = arith.mulf %scan3A_876#0, %mul3A_879 : vector<16xf32>
    %swap3A_881 = arith.constant 1 : i32
    %swap3A_882 = arith.index_cast %swap3A_881 : i32 to index
    %swap3A_883 = arith.constant 128 : index
    %swap3A_884 = tpu.vector_load %arg8[%swap3A_882, %swap3A_883] {strides = array<i32>} : memref<2x1024xf32, #tpu.memory_space<vmem>>, vector<16xf32>,
    tpu.vector_store %arg8[%swap3A_882, %swap3A_883], %mul3A_880 {strides = array<i32>} : memref<2x1024xf32, #tpu.memory_space<vmem>>, vector<16xf32>,
    %mul3A_885 = arith.constant 2.000000e-02 : f32
    %mul3A_886 = vector.broadcast %mul3A_885 : f32 to vector<16xf32>
    %mul3A_887 = arith.mulf %scan3A_876#1, %mul3A_886 : vector<16xf32>
    %swap3A_888 = arith.constant 1 : i32
    %swap3A_889 = arith.index_cast %swap3A_888 : i32 to index
    %swap3A_890 = arith.constant 144 : index
    %swap3A_891 = tpu.vector_load %arg8[%swap3A_889, %swap3A_890] {strides = array<i32>} : memref<2x1024xf32, #tpu.memory_space<vmem>>, vector<16xf32>,
    tpu.vector_store %arg8[%swap3A_889, %swap3A_890], %mul3A_887 {strides = array<i32>} : memref<2x1024xf32, #tpu.memory_space<vmem>>, vector<16xf32>,
    %mul3A_892 = arith.constant 2.000000e-02 : f32
    %mul3A_893 = vector.broadcast %mul3A_892 : f32 to vector<16xf32>
    %mul3A_894 = arith.mulf %scan3A_876#2, %mul3A_893 : vector<16xf32>
    %swap3A_895 = arith.constant 1 : i32
    %swap3A_896 = arith.index_cast %swap3A_895 : i32 to index
    %swap3A_897 = arith.constant 160 : index
    %swap3A_898 = tpu.vector_load %arg8[%swap3A_896, %swap3A_897] {strides = array<i32>} : memref<2x1024xf32, #tpu.memory_space<vmem>>, vector<16xf32>,
    tpu.vector_store %arg8[%swap3A_896, %swap3A_897], %mul3A_894 {strides = array<i32>} : memref<2x1024xf32, #tpu.memory_space<vmem>>, vector<16xf32>,
    %mul3A_899 = arith.constant 2.000000e-02 : f32
    %mul3A_900 = vector.broadcast %mul3A_899 : f32 to vector<16xf32>
    %mul3A_901 = arith.mulf %scan3A_876#3, %mul3A_900 : vector<16xf32>
    %swap3A_902 = arith.constant 1 : i32
    %swap3A_903 = arith.index_cast %swap3A_902 : i32 to index
    %swap3A_904 = arith.constant 176 : index
    %swap3A_905 = tpu.vector_load %arg8[%swap3A_903, %swap3A_904] {strides = array<i32>} : memref<2x1024xf32, #tpu.memory_space<vmem>>, vector<16xf32>,
    tpu.vector_store %arg8[%swap3A_903, %swap3A_904], %mul3A_901 {strides = array<i32>} : memref<2x1024xf32, #tpu.memory_space<vmem>>, vector<16xf32>,
    %mul3A_906 = arith.constant 2.000000e-02 : f32
    %mul3A_907 = vector.broadcast %mul3A_906 : f32 to vector<16xf32>
    %mul3A_908 = arith.mulf %scan3A_876#4, %mul3A_907 : vector<16xf32>
    %swap3A_909 = arith.constant 1 : i32
    %swap3A_910 = arith.index_cast %swap3A_909 : i32 to index
    %swap3A_911 = arith.constant 192 : index
    %swap3A_912 = tpu.vector_load %arg8[%swap3A_910, %swap3A_911] {strides = array<i32>} : memref<2x1024xf32, #tpu.memory_space<vmem>>, vector<16xf32>,
    tpu.vector_store %arg8[%swap3A_910, %swap3A_911], %mul3A_908 {strides = array<i32>} : memref<2x1024xf32, #tpu.memory_space<vmem>>, vector<16xf32>,
    %mul3A_913 = arith.constant 2.000000e-02 : f32
    %mul3A_914 = vector.broadcast %mul3A_913 : f32 to vector<16xf32>
    %mul3A_915 = arith.mulf %scan3A_876#5, %mul3A_914 : vector<16xf32>
    %swap3A_916 = arith.constant 1 : i32
    %swap3A_917 = arith.index_cast %swap3A_916 : i32 to index
    %swap3A_918 = arith.constant 208 : index
    %swap3A_919 = tpu.vector_load %arg8[%swap3A_917, %swap3A_918] {strides = array<i32>} : memref<2x1024xf32, #tpu.memory_space<vmem>>, vector<16xf32>,
    tpu.vector_store %arg8[%swap3A_917, %swap3A_918], %mul3A_915 {strides = array<i32>} : memref<2x1024xf32, #tpu.memory_space<vmem>>, vector<16xf32>,
    %mul3A_920 = arith.constant 2.000000e-02 : f32
    %mul3A_921 = vector.broadcast %mul3A_920 : f32 to vector<16xf32>
    %mul3A_922 = arith.mulf %scan3A_876#6, %mul3A_921 : vector<16xf32>
    %swap3A_923 = arith.constant 1 : i32
    %swap3A_924 = arith.index_cast %swap3A_923 : i32 to index
    %swap3A_925 = arith.constant 224 : index
    %swap3A_926 = tpu.vector_load %arg8[%swap3A_924, %swap3A_925] {strides = array<i32>} : memref<2x1024xf32, #tpu.memory_space<vmem>>, vector<16xf32>,
    tpu.vector_store %arg8[%swap3A_924, %swap3A_925], %mul3A_922 {strides = array<i32>} : memref<2x1024xf32, #tpu.memory_space<vmem>>, vector<16xf32>,
    %mul3A_927 = arith.constant 2.000000e-02 : f32
    %mul3A_928 = vector.broadcast %mul3A_927 : f32 to vector<16xf32>
    %mul3A_929 = arith.mulf %scan3A_876#7, %mul3A_928 : vector<16xf32>
    %swap3A_930 = arith.constant 1 : i32
    %swap3A_931 = arith.index_cast %swap3A_930 : i32 to index
    %swap3A_932 = arith.constant 240 : index
    %swap3A_933 = tpu.vector_load %arg8[%swap3A_931, %swap3A_932] {strides = array<i32>} : memref<2x1024xf32, #tpu.memory_space<vmem>>, vector<16xf32>,
    tpu.vector_store %arg8[%swap3A_931, %swap3A_932], %mul3A_929 {strides = array<i32>} : memref<2x1024xf32, #tpu.memory_space<vmem>>, vector<16xf32>,
    %dma_wait3A_934 = arith.constant 0 : i32
    %dma_wait3A_935 = arith.constant 256 : i32
    %dma_wait3A_936 = tpu.memref_slice %arg2[%dma_wait3A_934, %dma_wait3A_935] : memref<50x1024xi32, #tpu.memory_space<hbm>> -> memref<50x128xi32, #tpu.memory_space<hbm>>
    %dma_wait3A_937 = arith.constant 0 : i32
    %dma_wait3A_938 = arith.constant 256 : i32
    %dma_wait3A_939 = tpu.memref_slice %arg2[%dma_wait3A_937, %dma_wait3A_938] : memref<50x1024xi32, #tpu.memory_space<hbm>> -> memref<50x128xi32, #tpu.memory_space<hbm>>
    tpu.wait_dma2 semaphore(%arg10 : memref<!tpu.dma_semaphore, #tpu.memory_space<semaphore_mem>>) src(%dma_wait3A_939 : memref<50x128xi32, #tpu.memory_space<hbm>>) dst(%arg6 : memref<50x128xi32, #tpu.memory_space<vmem>>)
    %dma_start3A_940 = arith.constant 0 : i32
    %dma_start3A_941 = arith.constant 384 : i32
    %dma_start3A_942 = tpu.memref_slice %arg2[%dma_start3A_940, %dma_start3A_941] : memref<50x1024xi32, #tpu.memory_space<hbm>> -> memref<50x128xi32, #tpu.memory_space<hbm>>
    %dma_start3A_943 = arith.constant 0 : i32
    %dma_start3A_944 = arith.constant 384 : i32
    %dma_start3A_945 = tpu.memref_slice %arg2[%dma_start3A_943, %dma_start3A_944] : memref<50x1024xi32, #tpu.memory_space<hbm>> -> memref<50x128xi32, #tpu.memory_space<hbm>>
    tpu.enqueue_dma source(%dma_start3A_945 : memref<50x128xi32, #tpu.memory_space<hbm>>) target(%arg7 : memref<50x128xi32, #tpu.memory_space<vmem>>) target_semaphore(%arg11 : memref<!tpu.dma_semaphore, #tpu.memory_space<semaphore_mem>>)
    %broadcast_in_dim3A_946 = arith.constant 0.000000e+00 : f32
    %broadcast_in_dim3A_947 = vector.broadcast %broadcast_in_dim3A_946 : f32 to vector<16xf32>
    %broadcast_in_dim3A_948 = arith.constant 0.000000e+00 : f32
    %broadcast_in_dim3A_949 = vector.broadcast %broadcast_in_dim3A_948 : f32 to vector<16xf32>
    %broadcast_in_dim3A_950 = arith.constant 0.000000e+00 : f32
    %broadcast_in_dim3A_951 = vector.broadcast %broadcast_in_dim3A_950 : f32 to vector<16xf32>
    %broadcast_in_dim3A_952 = arith.constant 0.000000e+00 : f32
    %broadcast_in_dim3A_953 = vector.broadcast %broadcast_in_dim3A_952 : f32 to vector<16xf32>
    %broadcast_in_dim3A_954 = arith.constant 0.000000e+00 : f32
    %broadcast_in_dim3A_955 = vector.broadcast %broadcast_in_dim3A_954 : f32 to vector<16xf32>
    %broadcast_in_dim3A_956 = arith.constant 0.000000e+00 : f32
    %broadcast_in_dim3A_957 = vector.broadcast %broadcast_in_dim3A_956 : f32 to vector<16xf32>
    %broadcast_in_dim3A_958 = arith.constant 0.000000e+00 : f32
    %broadcast_in_dim3A_959 = vector.broadcast %broadcast_in_dim3A_958 : f32 to vector<16xf32>
    %broadcast_in_dim3A_960 = arith.constant 0.000000e+00 : f32
    %broadcast_in_dim3A_961 = vector.broadcast %broadcast_in_dim3A_960 : f32 to vector<16xf32>
    %scan3A_962 = arith.constant 0 : i32
    %scan3A_963 = arith.constant 50 : i32
    %scan3A_964 = arith.addi %scan3A_962, %scan3A_963 : i32
    %scan3A_965 = arith.constant 1 : i32
    %scan3A_966:8 = scf.for %scan3A_1470 = %scan3A_962 to %scan3A_964 step %scan3A_965 iter_args(%scan3A_1471 = %broadcast_in_dim3A_947, %scan3A_1472 = %broadcast_in_dim3A_949, %scan3A_1473 = %broadcast_in_dim3A_951, %scan3A_1474 = %broadcast_in_dim3A_953, %scan3A_1475 = %broadcast_in_dim3A_955, %scan3A_1476 = %broadcast_in_dim3A_957, %scan3A_1477 = %broadcast_in_dim3A_959, %scan3A_1478 = %broadcast_in_dim3A_961) -> (vector<16xf32>, vector<16xf32>, vector<16xf32>, vector<16xf32>, vector<16xf32>, vector<16xf32>, vector<16xf32>, vector<16xf32>)  : i32 {
      %get3A = arith.index_cast %scan3A_1470 : i32 to index
      %get3A_1479 = arith.constant 0 : index
      %get3A_1480 = tpu.vector_load %arg6[%get3A, %get3A_1479] {strides = array<i32>} : memref<50x128xi32, #tpu.memory_space<vmem>>, vector<16xi32>,
      %gather3A = tpu.vector_load_idx %arg5[%get3A_1480] : memref<100000xf32, #tpu.memory_space<vmem>>[vector<16xi32>], vector<16xf32>,
      %add3A_1481 = arith.addf %scan3A_1471, %gather3A : vector<16xf32>
      %get3A_1482 = arith.index_cast %scan3A_1470 : i32 to index
      %get3A_1483 = arith.constant 16 : index
      %get3A_1484 = tpu.vector_load %arg6[%get3A_1482, %get3A_1483] {strides = array<i32>} : memref<50x128xi32, #tpu.memory_space<vmem>>, vector<16xi32>,
      %gather3A_1485 = tpu.vector_load_idx %arg5[%get3A_1484] : memref<100000xf32, #tpu.memory_space<vmem>>[vector<16xi32>], vector<16xf32>,
      %add3A_1486 = arith.addf %scan3A_1472, %gather3A_1485 : vector<16xf32>
      %get3A_1487 = arith.index_cast %scan3A_1470 : i32 to index
      %get3A_1488 = arith.constant 32 : index
      %get3A_1489 = tpu.vector_load %arg6[%get3A_1487, %get3A_1488] {strides = array<i32>} : memref<50x128xi32, #tpu.memory_space<vmem>>, vector<16xi32>,
      %gather3A_1490 = tpu.vector_load_idx %arg5[%get3A_1489] : memref<100000xf32, #tpu.memory_space<vmem>>[vector<16xi32>], vector<16xf32>,
      %add3A_1491 = arith.addf %scan3A_1473, %gather3A_1490 : vector<16xf32>
      %get3A_1492 = arith.index_cast %scan3A_1470 : i32 to index
      %get3A_1493 = arith.constant 48 : index
      %get3A_1494 = tpu.vector_load %arg6[%get3A_1492, %get3A_1493] {strides = array<i32>} : memref<50x128xi32, #tpu.memory_space<vmem>>, vector<16xi32>,
      %gather3A_1495 = tpu.vector_load_idx %arg5[%get3A_1494] : memref<100000xf32, #tpu.memory_space<vmem>>[vector<16xi32>], vector<16xf32>,
      %add3A_1496 = arith.addf %scan3A_1474, %gather3A_1495 : vector<16xf32>
      %get3A_1497 = arith.index_cast %scan3A_1470 : i32 to index
      %get3A_1498 = arith.constant 64 : index
      %get3A_1499 = tpu.vector_load %arg6[%get3A_1497, %get3A_1498] {strides = array<i32>} : memref<50x128xi32, #tpu.memory_space<vmem>>, vector<16xi32>,
      %gather3A_1500 = tpu.vector_load_idx %arg5[%get3A_1499] : memref<100000xf32, #tpu.memory_space<vmem>>[vector<16xi32>], vector<16xf32>,
      %add3A_1501 = arith.addf %scan3A_1475, %gather3A_1500 : vector<16xf32>
      %get3A_1502 = arith.index_cast %scan3A_1470 : i32 to index
      %get3A_1503 = arith.constant 80 : index
      %get3A_1504 = tpu.vector_load %arg6[%get3A_1502, %get3A_1503] {strides = array<i32>} : memref<50x128xi32, #tpu.memory_space<vmem>>, vector<16xi32>,
      %gather3A_1505 = tpu.vector_load_idx %arg5[%get3A_1504] : memref<100000xf32, #tpu.memory_space<vmem>>[vector<16xi32>], vector<16xf32>,
      %add3A_1506 = arith.addf %scan3A_1476, %gather3A_1505 : vector<16xf32>
      %get3A_1507 = arith.index_cast %scan3A_1470 : i32 to index
      %get3A_1508 = arith.constant 96 : index
      %get3A_1509 = tpu.vector_load %arg6[%get3A_1507, %get3A_1508] {strides = array<i32>} : memref<50x128xi32, #tpu.memory_space<vmem>>, vector<16xi32>,
      %gather3A_1510 = tpu.vector_load_idx %arg5[%get3A_1509] : memref<100000xf32, #tpu.memory_space<vmem>>[vector<16xi32>], vector<16xf32>,
      %add3A_1511 = arith.addf %scan3A_1477, %gather3A_1510 : vector<16xf32>
      %get3A_1512 = arith.index_cast %scan3A_1470 : i32 to index
      %get3A_1513 = arith.constant 112 : index
      %get3A_1514 = tpu.vector_load %arg6[%get3A_1512, %get3A_1513] {strides = array<i32>} : memref<50x128xi32, #tpu.memory_space<vmem>>, vector<16xi32>,
      %gather3A_1515 = tpu.vector_load_idx %arg5[%get3A_1514] : memref<100000xf32, #tpu.memory_space<vmem>>[vector<16xi32>], vector<16xf32>,
      %add3A_1516 = arith.addf %scan3A_1478, %gather3A_1515 : vector<16xf32>
      scf.yield %add3A_1481, %add3A_1486, %add3A_1491, %add3A_1496, %add3A_1501, %add3A_1506, %add3A_1511, %add3A_1516 : vector<16xf32>, vector<16xf32>, vector<16xf32>, vector<16xf32>, vector<16xf32>, vector<16xf32>, vector<16xf32>, vector<16xf32>
    }
    %scan3A_967 = arith.constant 50 : i32
    %mul3A_968 = arith.constant 2.000000e-02 : f32
    %mul3A_969 = vector.broadcast %mul3A_968 : f32 to vector<16xf32>
    %mul3A_970 = arith.mulf %scan3A_966#0, %mul3A_969 : vector<16xf32>
    %swap3A_971 = arith.constant 1 : i32
    %swap3A_972 = arith.index_cast %swap3A_971 : i32 to index
    %swap3A_973 = arith.constant 256 : index
    %swap3A_974 = tpu.vector_load %arg8[%swap3A_972, %swap3A_973] {strides = array<i32>} : memref<2x1024xf32, #tpu.memory_space<vmem>>, vector<16xf32>,
    tpu.vector_store %arg8[%swap3A_972, %swap3A_973], %mul3A_970 {strides = array<i32>} : memref<2x1024xf32, #tpu.memory_space<vmem>>, vector<16xf32>,
    %mul3A_975 = arith.constant 2.000000e-02 : f32
    %mul3A_976 = vector.broadcast %mul3A_975 : f32 to vector<16xf32>
    %mul3A_977 = arith.mulf %scan3A_966#1, %mul3A_976 : vector<16xf32>
    %swap3A_978 = arith.constant 1 : i32
    %swap3A_979 = arith.index_cast %swap3A_978 : i32 to index
    %swap3A_980 = arith.constant 272 : index
    %swap3A_981 = tpu.vector_load %arg8[%swap3A_979, %swap3A_980] {strides = array<i32>} : memref<2x1024xf32, #tpu.memory_space<vmem>>, vector<16xf32>,
    tpu.vector_store %arg8[%swap3A_979, %swap3A_980], %mul3A_977 {strides = array<i32>} : memref<2x1024xf32, #tpu.memory_space<vmem>>, vector<16xf32>,
    %mul3A_982 = arith.constant 2.000000e-02 : f32
    %mul3A_983 = vector.broadcast %mul3A_982 : f32 to vector<16xf32>
    %mul3A_984 = arith.mulf %scan3A_966#2, %mul3A_983 : vector<16xf32>
    %swap3A_985 = arith.constant 1 : i32
    %swap3A_986 = arith.index_cast %swap3A_985 : i32 to index
    %swap3A_987 = arith.constant 288 : index
    %swap3A_988 = tpu.vector_load %arg8[%swap3A_986, %swap3A_987] {strides = array<i32>} : memref<2x1024xf32, #tpu.memory_space<vmem>>, vector<16xf32>,
    tpu.vector_store %arg8[%swap3A_986, %swap3A_987], %mul3A_984 {strides = array<i32>} : memref<2x1024xf32, #tpu.memory_space<vmem>>, vector<16xf32>,
    %mul3A_989 = arith.constant 2.000000e-02 : f32
    %mul3A_990 = vector.broadcast %mul3A_989 : f32 to vector<16xf32>
    %mul3A_991 = arith.mulf %scan3A_966#3, %mul3A_990 : vector<16xf32>
    %swap3A_992 = arith.constant 1 : i32
    %swap3A_993 = arith.index_cast %swap3A_992 : i32 to index
    %swap3A_994 = arith.constant 304 : index
    %swap3A_995 = tpu.vector_load %arg8[%swap3A_993, %swap3A_994] {strides = array<i32>} : memref<2x1024xf32, #tpu.memory_space<vmem>>, vector<16xf32>,
    tpu.vector_store %arg8[%swap3A_993, %swap3A_994], %mul3A_991 {strides = array<i32>} : memref<2x1024xf32, #tpu.memory_space<vmem>>, vector<16xf32>,
    %mul3A_996 = arith.constant 2.000000e-02 : f32
    %mul3A_997 = vector.broadcast %mul3A_996 : f32 to vector<16xf32>
    %mul3A_998 = arith.mulf %scan3A_966#4, %mul3A_997 : vector<16xf32>
    %swap3A_999 = arith.constant 1 : i32
    %swap3A_1000 = arith.index_cast %swap3A_999 : i32 to index
    %swap3A_1001 = arith.constant 320 : index
    %swap3A_1002 = tpu.vector_load %arg8[%swap3A_1000, %swap3A_1001] {strides = array<i32>} : memref<2x1024xf32, #tpu.memory_space<vmem>>, vector<16xf32>,
    tpu.vector_store %arg8[%swap3A_1000, %swap3A_1001], %mul3A_998 {strides = array<i32>} : memref<2x1024xf32, #tpu.memory_space<vmem>>, vector<16xf32>,
    %mul3A_1003 = arith.constant 2.000000e-02 : f32
    %mul3A_1004 = vector.broadcast %mul3A_1003 : f32 to vector<16xf32>
    %mul3A_1005 = arith.mulf %scan3A_966#5, %mul3A_1004 : vector<16xf32>
    %swap3A_1006 = arith.constant 1 : i32
    %swap3A_1007 = arith.index_cast %swap3A_1006 : i32 to index
    %swap3A_1008 = arith.constant 336 : index
    %swap3A_1009 = tpu.vector_load %arg8[%swap3A_1007, %swap3A_1008] {strides = array<i32>} : memref<2x1024xf32, #tpu.memory_space<vmem>>, vector<16xf32>,
    tpu.vector_store %arg8[%swap3A_1007, %swap3A_1008], %mul3A_1005 {strides = array<i32>} : memref<2x1024xf32, #tpu.memory_space<vmem>>, vector<16xf32>,
    %mul3A_1010 = arith.constant 2.000000e-02 : f32
    %mul3A_1011 = vector.broadcast %mul3A_1010 : f32 to vector<16xf32>
    %mul3A_1012 = arith.mulf %scan3A_966#6, %mul3A_1011 : vector<16xf32>
    %swap3A_1013 = arith.constant 1 : i32
    %swap3A_1014 = arith.index_cast %swap3A_1013 : i32 to index
    %swap3A_1015 = arith.constant 352 : index
    %swap3A_1016 = tpu.vector_load %arg8[%swap3A_1014, %swap3A_1015] {strides = array<i32>} : memref<2x1024xf32, #tpu.memory_space<vmem>>, vector<16xf32>,
    tpu.vector_store %arg8[%swap3A_1014, %swap3A_1015], %mul3A_1012 {strides = array<i32>} : memref<2x1024xf32, #tpu.memory_space<vmem>>, vector<16xf32>,
    %mul3A_1017 = arith.constant 2.000000e-02 : f32
    %mul3A_1018 = vector.broadcast %mul3A_1017 : f32 to vector<16xf32>
    %mul3A_1019 = arith.mulf %scan3A_966#7, %mul3A_1018 : vector<16xf32>
    %swap3A_1020 = arith.constant 1 : i32
    %swap3A_1021 = arith.index_cast %swap3A_1020 : i32 to index
    %swap3A_1022 = arith.constant 368 : index
    %swap3A_1023 = tpu.vector_load %arg8[%swap3A_1021, %swap3A_1022] {strides = array<i32>} : memref<2x1024xf32, #tpu.memory_space<vmem>>, vector<16xf32>,
    tpu.vector_store %arg8[%swap3A_1021, %swap3A_1022], %mul3A_1019 {strides = array<i32>} : memref<2x1024xf32, #tpu.memory_space<vmem>>, vector<16xf32>,
    %dma_wait3A_1024 = arith.constant 0 : i32
    %dma_wait3A_1025 = arith.constant 384 : i32
    %dma_wait3A_1026 = tpu.memref_slice %arg2[%dma_wait3A_1024, %dma_wait3A_1025] : memref<50x1024xi32, #tpu.memory_space<hbm>> -> memref<50x128xi32, #tpu.memory_space<hbm>>
    %dma_wait3A_1027 = arith.constant 0 : i32
    %dma_wait3A_1028 = arith.constant 384 : i32
    %dma_wait3A_1029 = tpu.memref_slice %arg2[%dma_wait3A_1027, %dma_wait3A_1028] : memref<50x1024xi32, #tpu.memory_space<hbm>> -> memref<50x128xi32, #tpu.memory_space<hbm>>
    tpu.wait_dma2 semaphore(%arg11 : memref<!tpu.dma_semaphore, #tpu.memory_space<semaphore_mem>>) src(%dma_wait3A_1029 : memref<50x128xi32, #tpu.memory_space<hbm>>) dst(%arg7 : memref<50x128xi32, #tpu.memory_space<vmem>>)
    %dma_start3A_1030 = arith.constant 0 : i32
    %dma_start3A_1031 = arith.constant 512 : i32
    %dma_start3A_1032 = tpu.memref_slice %arg2[%dma_start3A_1030, %dma_start3A_1031] : memref<50x1024xi32, #tpu.memory_space<hbm>> -> memref<50x128xi32, #tpu.memory_space<hbm>>
    %dma_start3A_1033 = arith.constant 0 : i32
    %dma_start3A_1034 = arith.constant 512 : i32
    %dma_start3A_1035 = tpu.memref_slice %arg2[%dma_start3A_1033, %dma_start3A_1034] : memref<50x1024xi32, #tpu.memory_space<hbm>> -> memref<50x128xi32, #tpu.memory_space<hbm>>
    tpu.enqueue_dma source(%dma_start3A_1035 : memref<50x128xi32, #tpu.memory_space<hbm>>) target(%arg6 : memref<50x128xi32, #tpu.memory_space<vmem>>) target_semaphore(%arg10 : memref<!tpu.dma_semaphore, #tpu.memory_space<semaphore_mem>>)
    %broadcast_in_dim3A_1036 = arith.constant 0.000000e+00 : f32
    %broadcast_in_dim3A_1037 = vector.broadcast %broadcast_in_dim3A_1036 : f32 to vector<16xf32>
    %broadcast_in_dim3A_1038 = arith.constant 0.000000e+00 : f32
    %broadcast_in_dim3A_1039 = vector.broadcast %broadcast_in_dim3A_1038 : f32 to vector<16xf32>
    %broadcast_in_dim3A_1040 = arith.constant 0.000000e+00 : f32
    %broadcast_in_dim3A_1041 = vector.broadcast %broadcast_in_dim3A_1040 : f32 to vector<16xf32>
    %broadcast_in_dim3A_1042 = arith.constant 0.000000e+00 : f32
    %broadcast_in_dim3A_1043 = vector.broadcast %broadcast_in_dim3A_1042 : f32 to vector<16xf32>
    %broadcast_in_dim3A_1044 = arith.constant 0.000000e+00 : f32
    %broadcast_in_dim3A_1045 = vector.broadcast %broadcast_in_dim3A_1044 : f32 to vector<16xf32>
    %broadcast_in_dim3A_1046 = arith.constant 0.000000e+00 : f32
    %broadcast_in_dim3A_1047 = vector.broadcast %broadcast_in_dim3A_1046 : f32 to vector<16xf32>
    %broadcast_in_dim3A_1048 = arith.constant 0.000000e+00 : f32
    %broadcast_in_dim3A_1049 = vector.broadcast %broadcast_in_dim3A_1048 : f32 to vector<16xf32>
    %broadcast_in_dim3A_1050 = arith.constant 0.000000e+00 : f32
    %broadcast_in_dim3A_1051 = vector.broadcast %broadcast_in_dim3A_1050 : f32 to vector<16xf32>
    %scan3A_1052 = arith.constant 0 : i32
    %scan3A_1053 = arith.constant 50 : i32
    %scan3A_1054 = arith.addi %scan3A_1052, %scan3A_1053 : i32
    %scan3A_1055 = arith.constant 1 : i32
    %scan3A_1056:8 = scf.for %scan3A_1470 = %scan3A_1052 to %scan3A_1054 step %scan3A_1055 iter_args(%scan3A_1471 = %broadcast_in_dim3A_1037, %scan3A_1472 = %broadcast_in_dim3A_1039, %scan3A_1473 = %broadcast_in_dim3A_1041, %scan3A_1474 = %broadcast_in_dim3A_1043, %scan3A_1475 = %broadcast_in_dim3A_1045, %scan3A_1476 = %broadcast_in_dim3A_1047, %scan3A_1477 = %broadcast_in_dim3A_1049, %scan3A_1478 = %broadcast_in_dim3A_1051) -> (vector<16xf32>, vector<16xf32>, vector<16xf32>, vector<16xf32>, vector<16xf32>, vector<16xf32>, vector<16xf32>, vector<16xf32>)  : i32 {
      %get3A = arith.index_cast %scan3A_1470 : i32 to index
      %get3A_1479 = arith.constant 0 : index
      %get3A_1480 = tpu.vector_load %arg7[%get3A, %get3A_1479] {strides = array<i32>} : memref<50x128xi32, #tpu.memory_space<vmem>>, vector<16xi32>,
      %gather3A = tpu.vector_load_idx %arg5[%get3A_1480] : memref<100000xf32, #tpu.memory_space<vmem>>[vector<16xi32>], vector<16xf32>,
      %add3A_1481 = arith.addf %scan3A_1471, %gather3A : vector<16xf32>
      %get3A_1482 = arith.index_cast %scan3A_1470 : i32 to index
      %get3A_1483 = arith.constant 16 : index
      %get3A_1484 = tpu.vector_load %arg7[%get3A_1482, %get3A_1483] {strides = array<i32>} : memref<50x128xi32, #tpu.memory_space<vmem>>, vector<16xi32>,
      %gather3A_1485 = tpu.vector_load_idx %arg5[%get3A_1484] : memref<100000xf32, #tpu.memory_space<vmem>>[vector<16xi32>], vector<16xf32>,
      %add3A_1486 = arith.addf %scan3A_1472, %gather3A_1485 : vector<16xf32>
      %get3A_1487 = arith.index_cast %scan3A_1470 : i32 to index
      %get3A_1488 = arith.constant 32 : index
      %get3A_1489 = tpu.vector_load %arg7[%get3A_1487, %get3A_1488] {strides = array<i32>} : memref<50x128xi32, #tpu.memory_space<vmem>>, vector<16xi32>,
      %gather3A_1490 = tpu.vector_load_idx %arg5[%get3A_1489] : memref<100000xf32, #tpu.memory_space<vmem>>[vector<16xi32>], vector<16xf32>,
      %add3A_1491 = arith.addf %scan3A_1473, %gather3A_1490 : vector<16xf32>
      %get3A_1492 = arith.index_cast %scan3A_1470 : i32 to index
      %get3A_1493 = arith.constant 48 : index
      %get3A_1494 = tpu.vector_load %arg7[%get3A_1492, %get3A_1493] {strides = array<i32>} : memref<50x128xi32, #tpu.memory_space<vmem>>, vector<16xi32>,
      %gather3A_1495 = tpu.vector_load_idx %arg5[%get3A_1494] : memref<100000xf32, #tpu.memory_space<vmem>>[vector<16xi32>], vector<16xf32>,
      %add3A_1496 = arith.addf %scan3A_1474, %gather3A_1495 : vector<16xf32>
      %get3A_1497 = arith.index_cast %scan3A_1470 : i32 to index
      %get3A_1498 = arith.constant 64 : index
      %get3A_1499 = tpu.vector_load %arg7[%get3A_1497, %get3A_1498] {strides = array<i32>} : memref<50x128xi32, #tpu.memory_space<vmem>>, vector<16xi32>,
      %gather3A_1500 = tpu.vector_load_idx %arg5[%get3A_1499] : memref<100000xf32, #tpu.memory_space<vmem>>[vector<16xi32>], vector<16xf32>,
      %add3A_1501 = arith.addf %scan3A_1475, %gather3A_1500 : vector<16xf32>
      %get3A_1502 = arith.index_cast %scan3A_1470 : i32 to index
      %get3A_1503 = arith.constant 80 : index
      %get3A_1504 = tpu.vector_load %arg7[%get3A_1502, %get3A_1503] {strides = array<i32>} : memref<50x128xi32, #tpu.memory_space<vmem>>, vector<16xi32>,
      %gather3A_1505 = tpu.vector_load_idx %arg5[%get3A_1504] : memref<100000xf32, #tpu.memory_space<vmem>>[vector<16xi32>], vector<16xf32>,
      %add3A_1506 = arith.addf %scan3A_1476, %gather3A_1505 : vector<16xf32>
      %get3A_1507 = arith.index_cast %scan3A_1470 : i32 to index
      %get3A_1508 = arith.constant 96 : index
      %get3A_1509 = tpu.vector_load %arg7[%get3A_1507, %get3A_1508] {strides = array<i32>} : memref<50x128xi32, #tpu.memory_space<vmem>>, vector<16xi32>,
      %gather3A_1510 = tpu.vector_load_idx %arg5[%get3A_1509] : memref<100000xf32, #tpu.memory_space<vmem>>[vector<16xi32>], vector<16xf32>,
      %add3A_1511 = arith.addf %scan3A_1477, %gather3A_1510 : vector<16xf32>
      %get3A_1512 = arith.index_cast %scan3A_1470 : i32 to index
      %get3A_1513 = arith.constant 112 : index
      %get3A_1514 = tpu.vector_load %arg7[%get3A_1512, %get3A_1513] {strides = array<i32>} : memref<50x128xi32, #tpu.memory_space<vmem>>, vector<16xi32>,
      %gather3A_1515 = tpu.vector_load_idx %arg5[%get3A_1514] : memref<100000xf32, #tpu.memory_space<vmem>>[vector<16xi32>], vector<16xf32>,
      %add3A_1516 = arith.addf %scan3A_1478, %gather3A_1515 : vector<16xf32>
      scf.yield %add3A_1481, %add3A_1486, %add3A_1491, %add3A_1496, %add3A_1501, %add3A_1506, %add3A_1511, %add3A_1516 : vector<16xf32>, vector<16xf32>, vector<16xf32>, vector<16xf32>, vector<16xf32>, vector<16xf32>, vector<16xf32>, vector<16xf32>
    }
    %scan3A_1057 = arith.constant 50 : i32
    %mul3A_1058 = arith.constant 2.000000e-02 : f32
    %mul3A_1059 = vector.broadcast %mul3A_1058 : f32 to vector<16xf32>
    %mul3A_1060 = arith.mulf %scan3A_1056#0, %mul3A_1059 : vector<16xf32>
    %swap3A_1061 = arith.constant 1 : i32
    %swap3A_1062 = arith.index_cast %swap3A_1061 : i32 to index
    %swap3A_1063 = arith.constant 384 : index
    %swap3A_1064 = tpu.vector_load %arg8[%swap3A_1062, %swap3A_1063] {strides = array<i32>} : memref<2x1024xf32, #tpu.memory_space<vmem>>, vector<16xf32>,
    tpu.vector_store %arg8[%swap3A_1062, %swap3A_1063], %mul3A_1060 {strides = array<i32>} : memref<2x1024xf32, #tpu.memory_space<vmem>>, vector<16xf32>,
    %mul3A_1065 = arith.constant 2.000000e-02 : f32
    %mul3A_1066 = vector.broadcast %mul3A_1065 : f32 to vector<16xf32>
    %mul3A_1067 = arith.mulf %scan3A_1056#1, %mul3A_1066 : vector<16xf32>
    %swap3A_1068 = arith.constant 1 : i32
    %swap3A_1069 = arith.index_cast %swap3A_1068 : i32 to index
    %swap3A_1070 = arith.constant 400 : index
    %swap3A_1071 = tpu.vector_load %arg8[%swap3A_1069, %swap3A_1070] {strides = array<i32>} : memref<2x1024xf32, #tpu.memory_space<vmem>>, vector<16xf32>,
    tpu.vector_store %arg8[%swap3A_1069, %swap3A_1070], %mul3A_1067 {strides = array<i32>} : memref<2x1024xf32, #tpu.memory_space<vmem>>, vector<16xf32>,
    %mul3A_1072 = arith.constant 2.000000e-02 : f32
    %mul3A_1073 = vector.broadcast %mul3A_1072 : f32 to vector<16xf32>
    %mul3A_1074 = arith.mulf %scan3A_1056#2, %mul3A_1073 : vector<16xf32>
    %swap3A_1075 = arith.constant 1 : i32
    %swap3A_1076 = arith.index_cast %swap3A_1075 : i32 to index
    %swap3A_1077 = arith.constant 416 : index
    %swap3A_1078 = tpu.vector_load %arg8[%swap3A_1076, %swap3A_1077] {strides = array<i32>} : memref<2x1024xf32, #tpu.memory_space<vmem>>, vector<16xf32>,
    tpu.vector_store %arg8[%swap3A_1076, %swap3A_1077], %mul3A_1074 {strides = array<i32>} : memref<2x1024xf32, #tpu.memory_space<vmem>>, vector<16xf32>,
    %mul3A_1079 = arith.constant 2.000000e-02 : f32
    %mul3A_1080 = vector.broadcast %mul3A_1079 : f32 to vector<16xf32>
    %mul3A_1081 = arith.mulf %scan3A_1056#3, %mul3A_1080 : vector<16xf32>
    %swap3A_1082 = arith.constant 1 : i32
    %swap3A_1083 = arith.index_cast %swap3A_1082 : i32 to index
    %swap3A_1084 = arith.constant 432 : index
    %swap3A_1085 = tpu.vector_load %arg8[%swap3A_1083, %swap3A_1084] {strides = array<i32>} : memref<2x1024xf32, #tpu.memory_space<vmem>>, vector<16xf32>,
    tpu.vector_store %arg8[%swap3A_1083, %swap3A_1084], %mul3A_1081 {strides = array<i32>} : memref<2x1024xf32, #tpu.memory_space<vmem>>, vector<16xf32>,
    %mul3A_1086 = arith.constant 2.000000e-02 : f32
    %mul3A_1087 = vector.broadcast %mul3A_1086 : f32 to vector<16xf32>
    %mul3A_1088 = arith.mulf %scan3A_1056#4, %mul3A_1087 : vector<16xf32>
    %swap3A_1089 = arith.constant 1 : i32
    %swap3A_1090 = arith.index_cast %swap3A_1089 : i32 to index
    %swap3A_1091 = arith.constant 448 : index
    %swap3A_1092 = tpu.vector_load %arg8[%swap3A_1090, %swap3A_1091] {strides = array<i32>} : memref<2x1024xf32, #tpu.memory_space<vmem>>, vector<16xf32>,
    tpu.vector_store %arg8[%swap3A_1090, %swap3A_1091], %mul3A_1088 {strides = array<i32>} : memref<2x1024xf32, #tpu.memory_space<vmem>>, vector<16xf32>,
    %mul3A_1093 = arith.constant 2.000000e-02 : f32
    %mul3A_1094 = vector.broadcast %mul3A_1093 : f32 to vector<16xf32>
    %mul3A_1095 = arith.mulf %scan3A_1056#5, %mul3A_1094 : vector<16xf32>
    %swap3A_1096 = arith.constant 1 : i32
    %swap3A_1097 = arith.index_cast %swap3A_1096 : i32 to index
    %swap3A_1098 = arith.constant 464 : index
    %swap3A_1099 = tpu.vector_load %arg8[%swap3A_1097, %swap3A_1098] {strides = array<i32>} : memref<2x1024xf32, #tpu.memory_space<vmem>>, vector<16xf32>,
    tpu.vector_store %arg8[%swap3A_1097, %swap3A_1098], %mul3A_1095 {strides = array<i32>} : memref<2x1024xf32, #tpu.memory_space<vmem>>, vector<16xf32>,
    %mul3A_1100 = arith.constant 2.000000e-02 : f32
    %mul3A_1101 = vector.broadcast %mul3A_1100 : f32 to vector<16xf32>
    %mul3A_1102 = arith.mulf %scan3A_1056#6, %mul3A_1101 : vector<16xf32>
    %swap3A_1103 = arith.constant 1 : i32
    %swap3A_1104 = arith.index_cast %swap3A_1103 : i32 to index
    %swap3A_1105 = arith.constant 480 : index
    %swap3A_1106 = tpu.vector_load %arg8[%swap3A_1104, %swap3A_1105] {strides = array<i32>} : memref<2x1024xf32, #tpu.memory_space<vmem>>, vector<16xf32>,
    tpu.vector_store %arg8[%swap3A_1104, %swap3A_1105], %mul3A_1102 {strides = array<i32>} : memref<2x1024xf32, #tpu.memory_space<vmem>>, vector<16xf32>,
    %mul3A_1107 = arith.constant 2.000000e-02 : f32
    %mul3A_1108 = vector.broadcast %mul3A_1107 : f32 to vector<16xf32>
    %mul3A_1109 = arith.mulf %scan3A_1056#7, %mul3A_1108 : vector<16xf32>
    %swap3A_1110 = arith.constant 1 : i32
    %swap3A_1111 = arith.index_cast %swap3A_1110 : i32 to index
    %swap3A_1112 = arith.constant 496 : index
    %swap3A_1113 = tpu.vector_load %arg8[%swap3A_1111, %swap3A_1112] {strides = array<i32>} : memref<2x1024xf32, #tpu.memory_space<vmem>>, vector<16xf32>,
    tpu.vector_store %arg8[%swap3A_1111, %swap3A_1112], %mul3A_1109 {strides = array<i32>} : memref<2x1024xf32, #tpu.memory_space<vmem>>, vector<16xf32>,
    %dma_wait3A_1114 = arith.constant 0 : i32
    %dma_wait3A_1115 = arith.constant 512 : i32
    %dma_wait3A_1116 = tpu.memref_slice %arg2[%dma_wait3A_1114, %dma_wait3A_1115] : memref<50x1024xi32, #tpu.memory_space<hbm>> -> memref<50x128xi32, #tpu.memory_space<hbm>>
    %dma_wait3A_1117 = arith.constant 0 : i32
    %dma_wait3A_1118 = arith.constant 512 : i32
    %dma_wait3A_1119 = tpu.memref_slice %arg2[%dma_wait3A_1117, %dma_wait3A_1118] : memref<50x1024xi32, #tpu.memory_space<hbm>> -> memref<50x128xi32, #tpu.memory_space<hbm>>
    tpu.wait_dma2 semaphore(%arg10 : memref<!tpu.dma_semaphore, #tpu.memory_space<semaphore_mem>>) src(%dma_wait3A_1119 : memref<50x128xi32, #tpu.memory_space<hbm>>) dst(%arg6 : memref<50x128xi32, #tpu.memory_space<vmem>>)
    %dma_start3A_1120 = arith.constant 0 : i32
    %dma_start3A_1121 = arith.constant 640 : i32
    %dma_start3A_1122 = tpu.memref_slice %arg2[%dma_start3A_1120, %dma_start3A_1121] : memref<50x1024xi32, #tpu.memory_space<hbm>> -> memref<50x128xi32, #tpu.memory_space<hbm>>
    %dma_start3A_1123 = arith.constant 0 : i32
    %dma_start3A_1124 = arith.constant 640 : i32
    %dma_start3A_1125 = tpu.memref_slice %arg2[%dma_start3A_1123, %dma_start3A_1124] : memref<50x1024xi32, #tpu.memory_space<hbm>> -> memref<50x128xi32, #tpu.memory_space<hbm>>
    tpu.enqueue_dma source(%dma_start3A_1125 : memref<50x128xi32, #tpu.memory_space<hbm>>) target(%arg7 : memref<50x128xi32, #tpu.memory_space<vmem>>) target_semaphore(%arg11 : memref<!tpu.dma_semaphore, #tpu.memory_space<semaphore_mem>>)
    %broadcast_in_dim3A_1126 = arith.constant 0.000000e+00 : f32
    %broadcast_in_dim3A_1127 = vector.broadcast %broadcast_in_dim3A_1126 : f32 to vector<16xf32>
    %broadcast_in_dim3A_1128 = arith.constant 0.000000e+00 : f32
    %broadcast_in_dim3A_1129 = vector.broadcast %broadcast_in_dim3A_1128 : f32 to vector<16xf32>
    %broadcast_in_dim3A_1130 = arith.constant 0.000000e+00 : f32
    %broadcast_in_dim3A_1131 = vector.broadcast %broadcast_in_dim3A_1130 : f32 to vector<16xf32>
    %broadcast_in_dim3A_1132 = arith.constant 0.000000e+00 : f32
    %broadcast_in_dim3A_1133 = vector.broadcast %broadcast_in_dim3A_1132 : f32 to vector<16xf32>
    %broadcast_in_dim3A_1134 = arith.constant 0.000000e+00 : f32
    %broadcast_in_dim3A_1135 = vector.broadcast %broadcast_in_dim3A_1134 : f32 to vector<16xf32>
    %broadcast_in_dim3A_1136 = arith.constant 0.000000e+00 : f32
    %broadcast_in_dim3A_1137 = vector.broadcast %broadcast_in_dim3A_1136 : f32 to vector<16xf32>
    %broadcast_in_dim3A_1138 = arith.constant 0.000000e+00 : f32
    %broadcast_in_dim3A_1139 = vector.broadcast %broadcast_in_dim3A_1138 : f32 to vector<16xf32>
    %broadcast_in_dim3A_1140 = arith.constant 0.000000e+00 : f32
    %broadcast_in_dim3A_1141 = vector.broadcast %broadcast_in_dim3A_1140 : f32 to vector<16xf32>
    %scan3A_1142 = arith.constant 0 : i32
    %scan3A_1143 = arith.constant 50 : i32
    %scan3A_1144 = arith.addi %scan3A_1142, %scan3A_1143 : i32
    %scan3A_1145 = arith.constant 1 : i32
    %scan3A_1146:8 = scf.for %scan3A_1470 = %scan3A_1142 to %scan3A_1144 step %scan3A_1145 iter_args(%scan3A_1471 = %broadcast_in_dim3A_1127, %scan3A_1472 = %broadcast_in_dim3A_1129, %scan3A_1473 = %broadcast_in_dim3A_1131, %scan3A_1474 = %broadcast_in_dim3A_1133, %scan3A_1475 = %broadcast_in_dim3A_1135, %scan3A_1476 = %broadcast_in_dim3A_1137, %scan3A_1477 = %broadcast_in_dim3A_1139, %scan3A_1478 = %broadcast_in_dim3A_1141) -> (vector<16xf32>, vector<16xf32>, vector<16xf32>, vector<16xf32>, vector<16xf32>, vector<16xf32>, vector<16xf32>, vector<16xf32>)  : i32 {
      %get3A = arith.index_cast %scan3A_1470 : i32 to index
      %get3A_1479 = arith.constant 0 : index
      %get3A_1480 = tpu.vector_load %arg6[%get3A, %get3A_1479] {strides = array<i32>} : memref<50x128xi32, #tpu.memory_space<vmem>>, vector<16xi32>,
      %gather3A = tpu.vector_load_idx %arg5[%get3A_1480] : memref<100000xf32, #tpu.memory_space<vmem>>[vector<16xi32>], vector<16xf32>,
      %add3A_1481 = arith.addf %scan3A_1471, %gather3A : vector<16xf32>
      %get3A_1482 = arith.index_cast %scan3A_1470 : i32 to index
      %get3A_1483 = arith.constant 16 : index
      %get3A_1484 = tpu.vector_load %arg6[%get3A_1482, %get3A_1483] {strides = array<i32>} : memref<50x128xi32, #tpu.memory_space<vmem>>, vector<16xi32>,
      %gather3A_1485 = tpu.vector_load_idx %arg5[%get3A_1484] : memref<100000xf32, #tpu.memory_space<vmem>>[vector<16xi32>], vector<16xf32>,
      %add3A_1486 = arith.addf %scan3A_1472, %gather3A_1485 : vector<16xf32>
      %get3A_1487 = arith.index_cast %scan3A_1470 : i32 to index
      %get3A_1488 = arith.constant 32 : index
      %get3A_1489 = tpu.vector_load %arg6[%get3A_1487, %get3A_1488] {strides = array<i32>} : memref<50x128xi32, #tpu.memory_space<vmem>>, vector<16xi32>,
      %gather3A_1490 = tpu.vector_load_idx %arg5[%get3A_1489] : memref<100000xf32, #tpu.memory_space<vmem>>[vector<16xi32>], vector<16xf32>,
      %add3A_1491 = arith.addf %scan3A_1473, %gather3A_1490 : vector<16xf32>
      %get3A_1492 = arith.index_cast %scan3A_1470 : i32 to index
      %get3A_1493 = arith.constant 48 : index
      %get3A_1494 = tpu.vector_load %arg6[%get3A_1492, %get3A_1493] {strides = array<i32>} : memref<50x128xi32, #tpu.memory_space<vmem>>, vector<16xi32>,
      %gather3A_1495 = tpu.vector_load_idx %arg5[%get3A_1494] : memref<100000xf32, #tpu.memory_space<vmem>>[vector<16xi32>], vector<16xf32>,
      %add3A_1496 = arith.addf %scan3A_1474, %gather3A_1495 : vector<16xf32>
      %get3A_1497 = arith.index_cast %scan3A_1470 : i32 to index
      %get3A_1498 = arith.constant 64 : index
      %get3A_1499 = tpu.vector_load %arg6[%get3A_1497, %get3A_1498] {strides = array<i32>} : memref<50x128xi32, #tpu.memory_space<vmem>>, vector<16xi32>,
      %gather3A_1500 = tpu.vector_load_idx %arg5[%get3A_1499] : memref<100000xf32, #tpu.memory_space<vmem>>[vector<16xi32>], vector<16xf32>,
      %add3A_1501 = arith.addf %scan3A_1475, %gather3A_1500 : vector<16xf32>
      %get3A_1502 = arith.index_cast %scan3A_1470 : i32 to index
      %get3A_1503 = arith.constant 80 : index
      %get3A_1504 = tpu.vector_load %arg6[%get3A_1502, %get3A_1503] {strides = array<i32>} : memref<50x128xi32, #tpu.memory_space<vmem>>, vector<16xi32>,
      %gather3A_1505 = tpu.vector_load_idx %arg5[%get3A_1504] : memref<100000xf32, #tpu.memory_space<vmem>>[vector<16xi32>], vector<16xf32>,
      %add3A_1506 = arith.addf %scan3A_1476, %gather3A_1505 : vector<16xf32>
      %get3A_1507 = arith.index_cast %scan3A_1470 : i32 to index
      %get3A_1508 = arith.constant 96 : index
      %get3A_1509 = tpu.vector_load %arg6[%get3A_1507, %get3A_1508] {strides = array<i32>} : memref<50x128xi32, #tpu.memory_space<vmem>>, vector<16xi32>,
      %gather3A_1510 = tpu.vector_load_idx %arg5[%get3A_1509] : memref<100000xf32, #tpu.memory_space<vmem>>[vector<16xi32>], vector<16xf32>,
      %add3A_1511 = arith.addf %scan3A_1477, %gather3A_1510 : vector<16xf32>
      %get3A_1512 = arith.index_cast %scan3A_1470 : i32 to index
      %get3A_1513 = arith.constant 112 : index
      %get3A_1514 = tpu.vector_load %arg6[%get3A_1512, %get3A_1513] {strides = array<i32>} : memref<50x128xi32, #tpu.memory_space<vmem>>, vector<16xi32>,
      %gather3A_1515 = tpu.vector_load_idx %arg5[%get3A_1514] : memref<100000xf32, #tpu.memory_space<vmem>>[vector<16xi32>], vector<16xf32>,
      %add3A_1516 = arith.addf %scan3A_1478, %gather3A_1515 : vector<16xf32>
      scf.yield %add3A_1481, %add3A_1486, %add3A_1491, %add3A_1496, %add3A_1501, %add3A_1506, %add3A_1511, %add3A_1516 : vector<16xf32>, vector<16xf32>, vector<16xf32>, vector<16xf32>, vector<16xf32>, vector<16xf32>, vector<16xf32>, vector<16xf32>
    }
    %scan3A_1147 = arith.constant 50 : i32
    %mul3A_1148 = arith.constant 2.000000e-02 : f32
    %mul3A_1149 = vector.broadcast %mul3A_1148 : f32 to vector<16xf32>
    %mul3A_1150 = arith.mulf %scan3A_1146#0, %mul3A_1149 : vector<16xf32>
    %swap3A_1151 = arith.constant 1 : i32
    %swap3A_1152 = arith.index_cast %swap3A_1151 : i32 to index
    %swap3A_1153 = arith.constant 512 : index
    %swap3A_1154 = tpu.vector_load %arg8[%swap3A_1152, %swap3A_1153] {strides = array<i32>} : memref<2x1024xf32, #tpu.memory_space<vmem>>, vector<16xf32>,
    tpu.vector_store %arg8[%swap3A_1152, %swap3A_1153], %mul3A_1150 {strides = array<i32>} : memref<2x1024xf32, #tpu.memory_space<vmem>>, vector<16xf32>,
    %mul3A_1155 = arith.constant 2.000000e-02 : f32
    %mul3A_1156 = vector.broadcast %mul3A_1155 : f32 to vector<16xf32>
    %mul3A_1157 = arith.mulf %scan3A_1146#1, %mul3A_1156 : vector<16xf32>
    %swap3A_1158 = arith.constant 1 : i32
    %swap3A_1159 = arith.index_cast %swap3A_1158 : i32 to index
    %swap3A_1160 = arith.constant 528 : index
    %swap3A_1161 = tpu.vector_load %arg8[%swap3A_1159, %swap3A_1160] {strides = array<i32>} : memref<2x1024xf32, #tpu.memory_space<vmem>>, vector<16xf32>,
    tpu.vector_store %arg8[%swap3A_1159, %swap3A_1160], %mul3A_1157 {strides = array<i32>} : memref<2x1024xf32, #tpu.memory_space<vmem>>, vector<16xf32>,
    %mul3A_1162 = arith.constant 2.000000e-02 : f32
    %mul3A_1163 = vector.broadcast %mul3A_1162 : f32 to vector<16xf32>
    %mul3A_1164 = arith.mulf %scan3A_1146#2, %mul3A_1163 : vector<16xf32>
    %swap3A_1165 = arith.constant 1 : i32
    %swap3A_1166 = arith.index_cast %swap3A_1165 : i32 to index
    %swap3A_1167 = arith.constant 544 : index
    %swap3A_1168 = tpu.vector_load %arg8[%swap3A_1166, %swap3A_1167] {strides = array<i32>} : memref<2x1024xf32, #tpu.memory_space<vmem>>, vector<16xf32>,
    tpu.vector_store %arg8[%swap3A_1166, %swap3A_1167], %mul3A_1164 {strides = array<i32>} : memref<2x1024xf32, #tpu.memory_space<vmem>>, vector<16xf32>,
    %mul3A_1169 = arith.constant 2.000000e-02 : f32
    %mul3A_1170 = vector.broadcast %mul3A_1169 : f32 to vector<16xf32>
    %mul3A_1171 = arith.mulf %scan3A_1146#3, %mul3A_1170 : vector<16xf32>
    %swap3A_1172 = arith.constant 1 : i32
    %swap3A_1173 = arith.index_cast %swap3A_1172 : i32 to index
    %swap3A_1174 = arith.constant 560 : index
    %swap3A_1175 = tpu.vector_load %arg8[%swap3A_1173, %swap3A_1174] {strides = array<i32>} : memref<2x1024xf32, #tpu.memory_space<vmem>>, vector<16xf32>,
    tpu.vector_store %arg8[%swap3A_1173, %swap3A_1174], %mul3A_1171 {strides = array<i32>} : memref<2x1024xf32, #tpu.memory_space<vmem>>, vector<16xf32>,
    %mul3A_1176 = arith.constant 2.000000e-02 : f32
    %mul3A_1177 = vector.broadcast %mul3A_1176 : f32 to vector<16xf32>
    %mul3A_1178 = arith.mulf %scan3A_1146#4, %mul3A_1177 : vector<16xf32>
    %swap3A_1179 = arith.constant 1 : i32
    %swap3A_1180 = arith.index_cast %swap3A_1179 : i32 to index
    %swap3A_1181 = arith.constant 576 : index
    %swap3A_1182 = tpu.vector_load %arg8[%swap3A_1180, %swap3A_1181] {strides = array<i32>} : memref<2x1024xf32, #tpu.memory_space<vmem>>, vector<16xf32>,
    tpu.vector_store %arg8[%swap3A_1180, %swap3A_1181], %mul3A_1178 {strides = array<i32>} : memref<2x1024xf32, #tpu.memory_space<vmem>>, vector<16xf32>,
    %mul3A_1183 = arith.constant 2.000000e-02 : f32
    %mul3A_1184 = vector.broadcast %mul3A_1183 : f32 to vector<16xf32>
    %mul3A_1185 = arith.mulf %scan3A_1146#5, %mul3A_1184 : vector<16xf32>
    %swap3A_1186 = arith.constant 1 : i32
    %swap3A_1187 = arith.index_cast %swap3A_1186 : i32 to index
    %swap3A_1188 = arith.constant 592 : index
    %swap3A_1189 = tpu.vector_load %arg8[%swap3A_1187, %swap3A_1188] {strides = array<i32>} : memref<2x1024xf32, #tpu.memory_space<vmem>>, vector<16xf32>,
    tpu.vector_store %arg8[%swap3A_1187, %swap3A_1188], %mul3A_1185 {strides = array<i32>} : memref<2x1024xf32, #tpu.memory_space<vmem>>, vector<16xf32>,
    %mul3A_1190 = arith.constant 2.000000e-02 : f32
    %mul3A_1191 = vector.broadcast %mul3A_1190 : f32 to vector<16xf32>
    %mul3A_1192 = arith.mulf %scan3A_1146#6, %mul3A_1191 : vector<16xf32>
    %swap3A_1193 = arith.constant 1 : i32
    %swap3A_1194 = arith.index_cast %swap3A_1193 : i32 to index
    %swap3A_1195 = arith.constant 608 : index
    %swap3A_1196 = tpu.vector_load %arg8[%swap3A_1194, %swap3A_1195] {strides = array<i32>} : memref<2x1024xf32, #tpu.memory_space<vmem>>, vector<16xf32>,
    tpu.vector_store %arg8[%swap3A_1194, %swap3A_1195], %mul3A_1192 {strides = array<i32>} : memref<2x1024xf32, #tpu.memory_space<vmem>>, vector<16xf32>,
    %mul3A_1197 = arith.constant 2.000000e-02 : f32
    %mul3A_1198 = vector.broadcast %mul3A_1197 : f32 to vector<16xf32>
    %mul3A_1199 = arith.mulf %scan3A_1146#7, %mul3A_1198 : vector<16xf32>
    %swap3A_1200 = arith.constant 1 : i32
    %swap3A_1201 = arith.index_cast %swap3A_1200 : i32 to index
    %swap3A_1202 = arith.constant 624 : index
    %swap3A_1203 = tpu.vector_load %arg8[%swap3A_1201, %swap3A_1202] {strides = array<i32>} : memref<2x1024xf32, #tpu.memory_space<vmem>>, vector<16xf32>,
    tpu.vector_store %arg8[%swap3A_1201, %swap3A_1202], %mul3A_1199 {strides = array<i32>} : memref<2x1024xf32, #tpu.memory_space<vmem>>, vector<16xf32>,
    %dma_wait3A_1204 = arith.constant 0 : i32
    %dma_wait3A_1205 = arith.constant 640 : i32
    %dma_wait3A_1206 = tpu.memref_slice %arg2[%dma_wait3A_1204, %dma_wait3A_1205] : memref<50x1024xi32, #tpu.memory_space<hbm>> -> memref<50x128xi32, #tpu.memory_space<hbm>>
    %dma_wait3A_1207 = arith.constant 0 : i32
    %dma_wait3A_1208 = arith.constant 640 : i32
    %dma_wait3A_1209 = tpu.memref_slice %arg2[%dma_wait3A_1207, %dma_wait3A_1208] : memref<50x1024xi32, #tpu.memory_space<hbm>> -> memref<50x128xi32, #tpu.memory_space<hbm>>
    tpu.wait_dma2 semaphore(%arg11 : memref<!tpu.dma_semaphore, #tpu.memory_space<semaphore_mem>>) src(%dma_wait3A_1209 : memref<50x128xi32, #tpu.memory_space<hbm>>) dst(%arg7 : memref<50x128xi32, #tpu.memory_space<vmem>>)
    %dma_start3A_1210 = arith.constant 0 : i32
    %dma_start3A_1211 = arith.constant 768 : i32
    %dma_start3A_1212 = tpu.memref_slice %arg2[%dma_start3A_1210, %dma_start3A_1211] : memref<50x1024xi32, #tpu.memory_space<hbm>> -> memref<50x128xi32, #tpu.memory_space<hbm>>
    %dma_start3A_1213 = arith.constant 0 : i32
    %dma_start3A_1214 = arith.constant 768 : i32
    %dma_start3A_1215 = tpu.memref_slice %arg2[%dma_start3A_1213, %dma_start3A_1214] : memref<50x1024xi32, #tpu.memory_space<hbm>> -> memref<50x128xi32, #tpu.memory_space<hbm>>
    tpu.enqueue_dma source(%dma_start3A_1215 : memref<50x128xi32, #tpu.memory_space<hbm>>) target(%arg6 : memref<50x128xi32, #tpu.memory_space<vmem>>) target_semaphore(%arg10 : memref<!tpu.dma_semaphore, #tpu.memory_space<semaphore_mem>>)
    %broadcast_in_dim3A_1216 = arith.constant 0.000000e+00 : f32
    %broadcast_in_dim3A_1217 = vector.broadcast %broadcast_in_dim3A_1216 : f32 to vector<16xf32>
    %broadcast_in_dim3A_1218 = arith.constant 0.000000e+00 : f32
    %broadcast_in_dim3A_1219 = vector.broadcast %broadcast_in_dim3A_1218 : f32 to vector<16xf32>
    %broadcast_in_dim3A_1220 = arith.constant 0.000000e+00 : f32
    %broadcast_in_dim3A_1221 = vector.broadcast %broadcast_in_dim3A_1220 : f32 to vector<16xf32>
    %broadcast_in_dim3A_1222 = arith.constant 0.000000e+00 : f32
    %broadcast_in_dim3A_1223 = vector.broadcast %broadcast_in_dim3A_1222 : f32 to vector<16xf32>
    %broadcast_in_dim3A_1224 = arith.constant 0.000000e+00 : f32
    %broadcast_in_dim3A_1225 = vector.broadcast %broadcast_in_dim3A_1224 : f32 to vector<16xf32>
    %broadcast_in_dim3A_1226 = arith.constant 0.000000e+00 : f32
    %broadcast_in_dim3A_1227 = vector.broadcast %broadcast_in_dim3A_1226 : f32 to vector<16xf32>
    %broadcast_in_dim3A_1228 = arith.constant 0.000000e+00 : f32
    %broadcast_in_dim3A_1229 = vector.broadcast %broadcast_in_dim3A_1228 : f32 to vector<16xf32>
    %broadcast_in_dim3A_1230 = arith.constant 0.000000e+00 : f32
    %broadcast_in_dim3A_1231 = vector.broadcast %broadcast_in_dim3A_1230 : f32 to vector<16xf32>
    %scan3A_1232 = arith.constant 0 : i32
    %scan3A_1233 = arith.constant 50 : i32
    %scan3A_1234 = arith.addi %scan3A_1232, %scan3A_1233 : i32
    %scan3A_1235 = arith.constant 1 : i32
    %scan3A_1236:8 = scf.for %scan3A_1470 = %scan3A_1232 to %scan3A_1234 step %scan3A_1235 iter_args(%scan3A_1471 = %broadcast_in_dim3A_1217, %scan3A_1472 = %broadcast_in_dim3A_1219, %scan3A_1473 = %broadcast_in_dim3A_1221, %scan3A_1474 = %broadcast_in_dim3A_1223, %scan3A_1475 = %broadcast_in_dim3A_1225, %scan3A_1476 = %broadcast_in_dim3A_1227, %scan3A_1477 = %broadcast_in_dim3A_1229, %scan3A_1478 = %broadcast_in_dim3A_1231) -> (vector<16xf32>, vector<16xf32>, vector<16xf32>, vector<16xf32>, vector<16xf32>, vector<16xf32>, vector<16xf32>, vector<16xf32>)  : i32 {
      %get3A = arith.index_cast %scan3A_1470 : i32 to index
      %get3A_1479 = arith.constant 0 : index
      %get3A_1480 = tpu.vector_load %arg7[%get3A, %get3A_1479] {strides = array<i32>} : memref<50x128xi32, #tpu.memory_space<vmem>>, vector<16xi32>,
      %gather3A = tpu.vector_load_idx %arg5[%get3A_1480] : memref<100000xf32, #tpu.memory_space<vmem>>[vector<16xi32>], vector<16xf32>,
      %add3A_1481 = arith.addf %scan3A_1471, %gather3A : vector<16xf32>
      %get3A_1482 = arith.index_cast %scan3A_1470 : i32 to index
      %get3A_1483 = arith.constant 16 : index
      %get3A_1484 = tpu.vector_load %arg7[%get3A_1482, %get3A_1483] {strides = array<i32>} : memref<50x128xi32, #tpu.memory_space<vmem>>, vector<16xi32>,
      %gather3A_1485 = tpu.vector_load_idx %arg5[%get3A_1484] : memref<100000xf32, #tpu.memory_space<vmem>>[vector<16xi32>], vector<16xf32>,
      %add3A_1486 = arith.addf %scan3A_1472, %gather3A_1485 : vector<16xf32>
      %get3A_1487 = arith.index_cast %scan3A_1470 : i32 to index
      %get3A_1488 = arith.constant 32 : index
      %get3A_1489 = tpu.vector_load %arg7[%get3A_1487, %get3A_1488] {strides = array<i32>} : memref<50x128xi32, #tpu.memory_space<vmem>>, vector<16xi32>,
      %gather3A_1490 = tpu.vector_load_idx %arg5[%get3A_1489] : memref<100000xf32, #tpu.memory_space<vmem>>[vector<16xi32>], vector<16xf32>,
      %add3A_1491 = arith.addf %scan3A_1473, %gather3A_1490 : vector<16xf32>
      %get3A_1492 = arith.index_cast %scan3A_1470 : i32 to index
      %get3A_1493 = arith.constant 48 : index
      %get3A_1494 = tpu.vector_load %arg7[%get3A_1492, %get3A_1493] {strides = array<i32>} : memref<50x128xi32, #tpu.memory_space<vmem>>, vector<16xi32>,
      %gather3A_1495 = tpu.vector_load_idx %arg5[%get3A_1494] : memref<100000xf32, #tpu.memory_space<vmem>>[vector<16xi32>], vector<16xf32>,
      %add3A_1496 = arith.addf %scan3A_1474, %gather3A_1495 : vector<16xf32>
      %get3A_1497 = arith.index_cast %scan3A_1470 : i32 to index
      %get3A_1498 = arith.constant 64 : index
      %get3A_1499 = tpu.vector_load %arg7[%get3A_1497, %get3A_1498] {strides = array<i32>} : memref<50x128xi32, #tpu.memory_space<vmem>>, vector<16xi32>,
      %gather3A_1500 = tpu.vector_load_idx %arg5[%get3A_1499] : memref<100000xf32, #tpu.memory_space<vmem>>[vector<16xi32>], vector<16xf32>,
      %add3A_1501 = arith.addf %scan3A_1475, %gather3A_1500 : vector<16xf32>
      %get3A_1502 = arith.index_cast %scan3A_1470 : i32 to index
      %get3A_1503 = arith.constant 80 : index
      %get3A_1504 = tpu.vector_load %arg7[%get3A_1502, %get3A_1503] {strides = array<i32>} : memref<50x128xi32, #tpu.memory_space<vmem>>, vector<16xi32>,
      %gather3A_1505 = tpu.vector_load_idx %arg5[%get3A_1504] : memref<100000xf32, #tpu.memory_space<vmem>>[vector<16xi32>], vector<16xf32>,
      %add3A_1506 = arith.addf %scan3A_1476, %gather3A_1505 : vector<16xf32>
      %get3A_1507 = arith.index_cast %scan3A_1470 : i32 to index
      %get3A_1508 = arith.constant 96 : index
      %get3A_1509 = tpu.vector_load %arg7[%get3A_1507, %get3A_1508] {strides = array<i32>} : memref<50x128xi32, #tpu.memory_space<vmem>>, vector<16xi32>,
      %gather3A_1510 = tpu.vector_load_idx %arg5[%get3A_1509] : memref<100000xf32, #tpu.memory_space<vmem>>[vector<16xi32>], vector<16xf32>,
      %add3A_1511 = arith.addf %scan3A_1477, %gather3A_1510 : vector<16xf32>
      %get3A_1512 = arith.index_cast %scan3A_1470 : i32 to index
      %get3A_1513 = arith.constant 112 : index
      %get3A_1514 = tpu.vector_load %arg7[%get3A_1512, %get3A_1513] {strides = array<i32>} : memref<50x128xi32, #tpu.memory_space<vmem>>, vector<16xi32>,
      %gather3A_1515 = tpu.vector_load_idx %arg5[%get3A_1514] : memref<100000xf32, #tpu.memory_space<vmem>>[vector<16xi32>], vector<16xf32>,
      %add3A_1516 = arith.addf %scan3A_1478, %gather3A_1515 : vector<16xf32>
      scf.yield %add3A_1481, %add3A_1486, %add3A_1491, %add3A_1496, %add3A_1501, %add3A_1506, %add3A_1511, %add3A_1516 : vector<16xf32>, vector<16xf32>, vector<16xf32>, vector<16xf32>, vector<16xf32>, vector<16xf32>, vector<16xf32>, vector<16xf32>
    }
    %scan3A_1237 = arith.constant 50 : i32
    %mul3A_1238 = arith.constant 2.000000e-02 : f32
    %mul3A_1239 = vector.broadcast %mul3A_1238 : f32 to vector<16xf32>
    %mul3A_1240 = arith.mulf %scan3A_1236#0, %mul3A_1239 : vector<16xf32>
    %swap3A_1241 = arith.constant 1 : i32
    %swap3A_1242 = arith.index_cast %swap3A_1241 : i32 to index
    %swap3A_1243 = arith.constant 640 : index
    %swap3A_1244 = tpu.vector_load %arg8[%swap3A_1242, %swap3A_1243] {strides = array<i32>} : memref<2x1024xf32, #tpu.memory_space<vmem>>, vector<16xf32>,
    tpu.vector_store %arg8[%swap3A_1242, %swap3A_1243], %mul3A_1240 {strides = array<i32>} : memref<2x1024xf32, #tpu.memory_space<vmem>>, vector<16xf32>,
    %mul3A_1245 = arith.constant 2.000000e-02 : f32
    %mul3A_1246 = vector.broadcast %mul3A_1245 : f32 to vector<16xf32>
    %mul3A_1247 = arith.mulf %scan3A_1236#1, %mul3A_1246 : vector<16xf32>
    %swap3A_1248 = arith.constant 1 : i32
    %swap3A_1249 = arith.index_cast %swap3A_1248 : i32 to index
    %swap3A_1250 = arith.constant 656 : index
    %swap3A_1251 = tpu.vector_load %arg8[%swap3A_1249, %swap3A_1250] {strides = array<i32>} : memref<2x1024xf32, #tpu.memory_space<vmem>>, vector<16xf32>,
    tpu.vector_store %arg8[%swap3A_1249, %swap3A_1250], %mul3A_1247 {strides = array<i32>} : memref<2x1024xf32, #tpu.memory_space<vmem>>, vector<16xf32>,
    %mul3A_1252 = arith.constant 2.000000e-02 : f32
    %mul3A_1253 = vector.broadcast %mul3A_1252 : f32 to vector<16xf32>
    %mul3A_1254 = arith.mulf %scan3A_1236#2, %mul3A_1253 : vector<16xf32>
    %swap3A_1255 = arith.constant 1 : i32
    %swap3A_1256 = arith.index_cast %swap3A_1255 : i32 to index
    %swap3A_1257 = arith.constant 672 : index
    %swap3A_1258 = tpu.vector_load %arg8[%swap3A_1256, %swap3A_1257] {strides = array<i32>} : memref<2x1024xf32, #tpu.memory_space<vmem>>, vector<16xf32>,
    tpu.vector_store %arg8[%swap3A_1256, %swap3A_1257], %mul3A_1254 {strides = array<i32>} : memref<2x1024xf32, #tpu.memory_space<vmem>>, vector<16xf32>,
    %mul3A_1259 = arith.constant 2.000000e-02 : f32
    %mul3A_1260 = vector.broadcast %mul3A_1259 : f32 to vector<16xf32>
    %mul3A_1261 = arith.mulf %scan3A_1236#3, %mul3A_1260 : vector<16xf32>
    %swap3A_1262 = arith.constant 1 : i32
    %swap3A_1263 = arith.index_cast %swap3A_1262 : i32 to index
    %swap3A_1264 = arith.constant 688 : index
    %swap3A_1265 = tpu.vector_load %arg8[%swap3A_1263, %swap3A_1264] {strides = array<i32>} : memref<2x1024xf32, #tpu.memory_space<vmem>>, vector<16xf32>,
    tpu.vector_store %arg8[%swap3A_1263, %swap3A_1264], %mul3A_1261 {strides = array<i32>} : memref<2x1024xf32, #tpu.memory_space<vmem>>, vector<16xf32>,
    %mul3A_1266 = arith.constant 2.000000e-02 : f32
    %mul3A_1267 = vector.broadcast %mul3A_1266 : f32 to vector<16xf32>
    %mul3A_1268 = arith.mulf %scan3A_1236#4, %mul3A_1267 : vector<16xf32>
    %swap3A_1269 = arith.constant 1 : i32
    %swap3A_1270 = arith.index_cast %swap3A_1269 : i32 to index
    %swap3A_1271 = arith.constant 704 : index
    %swap3A_1272 = tpu.vector_load %arg8[%swap3A_1270, %swap3A_1271] {strides = array<i32>} : memref<2x1024xf32, #tpu.memory_space<vmem>>, vector<16xf32>,
    tpu.vector_store %arg8[%swap3A_1270, %swap3A_1271], %mul3A_1268 {strides = array<i32>} : memref<2x1024xf32, #tpu.memory_space<vmem>>, vector<16xf32>,
    %mul3A_1273 = arith.constant 2.000000e-02 : f32
    %mul3A_1274 = vector.broadcast %mul3A_1273 : f32 to vector<16xf32>
    %mul3A_1275 = arith.mulf %scan3A_1236#5, %mul3A_1274 : vector<16xf32>
    %swap3A_1276 = arith.constant 1 : i32
    %swap3A_1277 = arith.index_cast %swap3A_1276 : i32 to index
    %swap3A_1278 = arith.constant 720 : index
    %swap3A_1279 = tpu.vector_load %arg8[%swap3A_1277, %swap3A_1278] {strides = array<i32>} : memref<2x1024xf32, #tpu.memory_space<vmem>>, vector<16xf32>,
    tpu.vector_store %arg8[%swap3A_1277, %swap3A_1278], %mul3A_1275 {strides = array<i32>} : memref<2x1024xf32, #tpu.memory_space<vmem>>, vector<16xf32>,
    %mul3A_1280 = arith.constant 2.000000e-02 : f32
    %mul3A_1281 = vector.broadcast %mul3A_1280 : f32 to vector<16xf32>
    %mul3A_1282 = arith.mulf %scan3A_1236#6, %mul3A_1281 : vector<16xf32>
    %swap3A_1283 = arith.constant 1 : i32
    %swap3A_1284 = arith.index_cast %swap3A_1283 : i32 to index
    %swap3A_1285 = arith.constant 736 : index
    %swap3A_1286 = tpu.vector_load %arg8[%swap3A_1284, %swap3A_1285] {strides = array<i32>} : memref<2x1024xf32, #tpu.memory_space<vmem>>, vector<16xf32>,
    tpu.vector_store %arg8[%swap3A_1284, %swap3A_1285], %mul3A_1282 {strides = array<i32>} : memref<2x1024xf32, #tpu.memory_space<vmem>>, vector<16xf32>,
    %mul3A_1287 = arith.constant 2.000000e-02 : f32
    %mul3A_1288 = vector.broadcast %mul3A_1287 : f32 to vector<16xf32>
    %mul3A_1289 = arith.mulf %scan3A_1236#7, %mul3A_1288 : vector<16xf32>
    %swap3A_1290 = arith.constant 1 : i32
    %swap3A_1291 = arith.index_cast %swap3A_1290 : i32 to index
    %swap3A_1292 = arith.constant 752 : index
    %swap3A_1293 = tpu.vector_load %arg8[%swap3A_1291, %swap3A_1292] {strides = array<i32>} : memref<2x1024xf32, #tpu.memory_space<vmem>>, vector<16xf32>,
    tpu.vector_store %arg8[%swap3A_1291, %swap3A_1292], %mul3A_1289 {strides = array<i32>} : memref<2x1024xf32, #tpu.memory_space<vmem>>, vector<16xf32>,
    %dma_wait3A_1294 = arith.constant 0 : i32
    %dma_wait3A_1295 = arith.constant 768 : i32
    %dma_wait3A_1296 = tpu.memref_slice %arg2[%dma_wait3A_1294, %dma_wait3A_1295] : memref<50x1024xi32, #tpu.memory_space<hbm>> -> memref<50x128xi32, #tpu.memory_space<hbm>>
    %dma_wait3A_1297 = arith.constant 0 : i32
    %dma_wait3A_1298 = arith.constant 768 : i32
    %dma_wait3A_1299 = tpu.memref_slice %arg2[%dma_wait3A_1297, %dma_wait3A_1298] : memref<50x1024xi32, #tpu.memory_space<hbm>> -> memref<50x128xi32, #tpu.memory_space<hbm>>
    tpu.wait_dma2 semaphore(%arg10 : memref<!tpu.dma_semaphore, #tpu.memory_space<semaphore_mem>>) src(%dma_wait3A_1299 : memref<50x128xi32, #tpu.memory_space<hbm>>) dst(%arg6 : memref<50x128xi32, #tpu.memory_space<vmem>>)
    %dma_start3A_1300 = arith.constant 0 : i32
    %dma_start3A_1301 = arith.constant 896 : i32
    %dma_start3A_1302 = tpu.memref_slice %arg2[%dma_start3A_1300, %dma_start3A_1301] : memref<50x1024xi32, #tpu.memory_space<hbm>> -> memref<50x128xi32, #tpu.memory_space<hbm>>
    %dma_start3A_1303 = arith.constant 0 : i32
    %dma_start3A_1304 = arith.constant 896 : i32
    %dma_start3A_1305 = tpu.memref_slice %arg2[%dma_start3A_1303, %dma_start3A_1304] : memref<50x1024xi32, #tpu.memory_space<hbm>> -> memref<50x128xi32, #tpu.memory_space<hbm>>
    tpu.enqueue_dma source(%dma_start3A_1305 : memref<50x128xi32, #tpu.memory_space<hbm>>) target(%arg7 : memref<50x128xi32, #tpu.memory_space<vmem>>) target_semaphore(%arg11 : memref<!tpu.dma_semaphore, #tpu.memory_space<semaphore_mem>>)
    %broadcast_in_dim3A_1306 = arith.constant 0.000000e+00 : f32
    %broadcast_in_dim3A_1307 = vector.broadcast %broadcast_in_dim3A_1306 : f32 to vector<16xf32>
    %broadcast_in_dim3A_1308 = arith.constant 0.000000e+00 : f32
    %broadcast_in_dim3A_1309 = vector.broadcast %broadcast_in_dim3A_1308 : f32 to vector<16xf32>
    %broadcast_in_dim3A_1310 = arith.constant 0.000000e+00 : f32
    %broadcast_in_dim3A_1311 = vector.broadcast %broadcast_in_dim3A_1310 : f32 to vector<16xf32>
    %broadcast_in_dim3A_1312 = arith.constant 0.000000e+00 : f32
    %broadcast_in_dim3A_1313 = vector.broadcast %broadcast_in_dim3A_1312 : f32 to vector<16xf32>
    %broadcast_in_dim3A_1314 = arith.constant 0.000000e+00 : f32
    %broadcast_in_dim3A_1315 = vector.broadcast %broadcast_in_dim3A_1314 : f32 to vector<16xf32>
    %broadcast_in_dim3A_1316 = arith.constant 0.000000e+00 : f32
    %broadcast_in_dim3A_1317 = vector.broadcast %broadcast_in_dim3A_1316 : f32 to vector<16xf32>
    %broadcast_in_dim3A_1318 = arith.constant 0.000000e+00 : f32
    %broadcast_in_dim3A_1319 = vector.broadcast %broadcast_in_dim3A_1318 : f32 to vector<16xf32>
    %broadcast_in_dim3A_1320 = arith.constant 0.000000e+00 : f32
    %broadcast_in_dim3A_1321 = vector.broadcast %broadcast_in_dim3A_1320 : f32 to vector<16xf32>
    %scan3A_1322 = arith.constant 0 : i32
    %scan3A_1323 = arith.constant 50 : i32
    %scan3A_1324 = arith.addi %scan3A_1322, %scan3A_1323 : i32
    %scan3A_1325 = arith.constant 1 : i32
    %scan3A_1326:8 = scf.for %scan3A_1470 = %scan3A_1322 to %scan3A_1324 step %scan3A_1325 iter_args(%scan3A_1471 = %broadcast_in_dim3A_1307, %scan3A_1472 = %broadcast_in_dim3A_1309, %scan3A_1473 = %broadcast_in_dim3A_1311, %scan3A_1474 = %broadcast_in_dim3A_1313, %scan3A_1475 = %broadcast_in_dim3A_1315, %scan3A_1476 = %broadcast_in_dim3A_1317, %scan3A_1477 = %broadcast_in_dim3A_1319, %scan3A_1478 = %broadcast_in_dim3A_1321) -> (vector<16xf32>, vector<16xf32>, vector<16xf32>, vector<16xf32>, vector<16xf32>, vector<16xf32>, vector<16xf32>, vector<16xf32>)  : i32 {
      %get3A = arith.index_cast %scan3A_1470 : i32 to index
      %get3A_1479 = arith.constant 0 : index
      %get3A_1480 = tpu.vector_load %arg6[%get3A, %get3A_1479] {strides = array<i32>} : memref<50x128xi32, #tpu.memory_space<vmem>>, vector<16xi32>,
      %gather3A = tpu.vector_load_idx %arg5[%get3A_1480] : memref<100000xf32, #tpu.memory_space<vmem>>[vector<16xi32>], vector<16xf32>,
      %add3A_1481 = arith.addf %scan3A_1471, %gather3A : vector<16xf32>
      %get3A_1482 = arith.index_cast %scan3A_1470 : i32 to index
      %get3A_1483 = arith.constant 16 : index
      %get3A_1484 = tpu.vector_load %arg6[%get3A_1482, %get3A_1483] {strides = array<i32>} : memref<50x128xi32, #tpu.memory_space<vmem>>, vector<16xi32>,
      %gather3A_1485 = tpu.vector_load_idx %arg5[%get3A_1484] : memref<100000xf32, #tpu.memory_space<vmem>>[vector<16xi32>], vector<16xf32>,
      %add3A_1486 = arith.addf %scan3A_1472, %gather3A_1485 : vector<16xf32>
      %get3A_1487 = arith.index_cast %scan3A_1470 : i32 to index
      %get3A_1488 = arith.constant 32 : index
      %get3A_1489 = tpu.vector_load %arg6[%get3A_1487, %get3A_1488] {strides = array<i32>} : memref<50x128xi32, #tpu.memory_space<vmem>>, vector<16xi32>,
      %gather3A_1490 = tpu.vector_load_idx %arg5[%get3A_1489] : memref<100000xf32, #tpu.memory_space<vmem>>[vector<16xi32>], vector<16xf32>,
      %add3A_1491 = arith.addf %scan3A_1473, %gather3A_1490 : vector<16xf32>
      %get3A_1492 = arith.index_cast %scan3A_1470 : i32 to index
      %get3A_1493 = arith.constant 48 : index
      %get3A_1494 = tpu.vector_load %arg6[%get3A_1492, %get3A_1493] {strides = array<i32>} : memref<50x128xi32, #tpu.memory_space<vmem>>, vector<16xi32>,
      %gather3A_1495 = tpu.vector_load_idx %arg5[%get3A_1494] : memref<100000xf32, #tpu.memory_space<vmem>>[vector<16xi32>], vector<16xf32>,
      %add3A_1496 = arith.addf %scan3A_1474, %gather3A_1495 : vector<16xf32>
      %get3A_1497 = arith.index_cast %scan3A_1470 : i32 to index
      %get3A_1498 = arith.constant 64 : index
      %get3A_1499 = tpu.vector_load %arg6[%get3A_1497, %get3A_1498] {strides = array<i32>} : memref<50x128xi32, #tpu.memory_space<vmem>>, vector<16xi32>,
      %gather3A_1500 = tpu.vector_load_idx %arg5[%get3A_1499] : memref<100000xf32, #tpu.memory_space<vmem>>[vector<16xi32>], vector<16xf32>,
      %add3A_1501 = arith.addf %scan3A_1475, %gather3A_1500 : vector<16xf32>
      %get3A_1502 = arith.index_cast %scan3A_1470 : i32 to index
      %get3A_1503 = arith.constant 80 : index
      %get3A_1504 = tpu.vector_load %arg6[%get3A_1502, %get3A_1503] {strides = array<i32>} : memref<50x128xi32, #tpu.memory_space<vmem>>, vector<16xi32>,
      %gather3A_1505 = tpu.vector_load_idx %arg5[%get3A_1504] : memref<100000xf32, #tpu.memory_space<vmem>>[vector<16xi32>], vector<16xf32>,
      %add3A_1506 = arith.addf %scan3A_1476, %gather3A_1505 : vector<16xf32>
      %get3A_1507 = arith.index_cast %scan3A_1470 : i32 to index
      %get3A_1508 = arith.constant 96 : index
      %get3A_1509 = tpu.vector_load %arg6[%get3A_1507, %get3A_1508] {strides = array<i32>} : memref<50x128xi32, #tpu.memory_space<vmem>>, vector<16xi32>,
      %gather3A_1510 = tpu.vector_load_idx %arg5[%get3A_1509] : memref<100000xf32, #tpu.memory_space<vmem>>[vector<16xi32>], vector<16xf32>,
      %add3A_1511 = arith.addf %scan3A_1477, %gather3A_1510 : vector<16xf32>
      %get3A_1512 = arith.index_cast %scan3A_1470 : i32 to index
      %get3A_1513 = arith.constant 112 : index
      %get3A_1514 = tpu.vector_load %arg6[%get3A_1512, %get3A_1513] {strides = array<i32>} : memref<50x128xi32, #tpu.memory_space<vmem>>, vector<16xi32>,
      %gather3A_1515 = tpu.vector_load_idx %arg5[%get3A_1514] : memref<100000xf32, #tpu.memory_space<vmem>>[vector<16xi32>], vector<16xf32>,
      %add3A_1516 = arith.addf %scan3A_1478, %gather3A_1515 : vector<16xf32>
      scf.yield %add3A_1481, %add3A_1486, %add3A_1491, %add3A_1496, %add3A_1501, %add3A_1506, %add3A_1511, %add3A_1516 : vector<16xf32>, vector<16xf32>, vector<16xf32>, vector<16xf32>, vector<16xf32>, vector<16xf32>, vector<16xf32>, vector<16xf32>
    }
    %scan3A_1327 = arith.constant 50 : i32
    %mul3A_1328 = arith.constant 2.000000e-02 : f32
    %mul3A_1329 = vector.broadcast %mul3A_1328 : f32 to vector<16xf32>
    %mul3A_1330 = arith.mulf %scan3A_1326#0, %mul3A_1329 : vector<16xf32>
    %swap3A_1331 = arith.constant 1 : i32
    %swap3A_1332 = arith.index_cast %swap3A_1331 : i32 to index
    %swap3A_1333 = arith.constant 768 : index
    %swap3A_1334 = tpu.vector_load %arg8[%swap3A_1332, %swap3A_1333] {strides = array<i32>} : memref<2x1024xf32, #tpu.memory_space<vmem>>, vector<16xf32>,
    tpu.vector_store %arg8[%swap3A_1332, %swap3A_1333], %mul3A_1330 {strides = array<i32>} : memref<2x1024xf32, #tpu.memory_space<vmem>>, vector<16xf32>,
    %mul3A_1335 = arith.constant 2.000000e-02 : f32
    %mul3A_1336 = vector.broadcast %mul3A_1335 : f32 to vector<16xf32>
    %mul3A_1337 = arith.mulf %scan3A_1326#1, %mul3A_1336 : vector<16xf32>
    %swap3A_1338 = arith.constant 1 : i32
    %swap3A_1339 = arith.index_cast %swap3A_1338 : i32 to index
    %swap3A_1340 = arith.constant 784 : index
    %swap3A_1341 = tpu.vector_load %arg8[%swap3A_1339, %swap3A_1340] {strides = array<i32>} : memref<2x1024xf32, #tpu.memory_space<vmem>>, vector<16xf32>,
    tpu.vector_store %arg8[%swap3A_1339, %swap3A_1340], %mul3A_1337 {strides = array<i32>} : memref<2x1024xf32, #tpu.memory_space<vmem>>, vector<16xf32>,
    %mul3A_1342 = arith.constant 2.000000e-02 : f32
    %mul3A_1343 = vector.broadcast %mul3A_1342 : f32 to vector<16xf32>
    %mul3A_1344 = arith.mulf %scan3A_1326#2, %mul3A_1343 : vector<16xf32>
    %swap3A_1345 = arith.constant 1 : i32
    %swap3A_1346 = arith.index_cast %swap3A_1345 : i32 to index
    %swap3A_1347 = arith.constant 800 : index
    %swap3A_1348 = tpu.vector_load %arg8[%swap3A_1346, %swap3A_1347] {strides = array<i32>} : memref<2x1024xf32, #tpu.memory_space<vmem>>, vector<16xf32>,
    tpu.vector_store %arg8[%swap3A_1346, %swap3A_1347], %mul3A_1344 {strides = array<i32>} : memref<2x1024xf32, #tpu.memory_space<vmem>>, vector<16xf32>,
    %mul3A_1349 = arith.constant 2.000000e-02 : f32
    %mul3A_1350 = vector.broadcast %mul3A_1349 : f32 to vector<16xf32>
    %mul3A_1351 = arith.mulf %scan3A_1326#3, %mul3A_1350 : vector<16xf32>
    %swap3A_1352 = arith.constant 1 : i32
    %swap3A_1353 = arith.index_cast %swap3A_1352 : i32 to index
    %swap3A_1354 = arith.constant 816 : index
    %swap3A_1355 = tpu.vector_load %arg8[%swap3A_1353, %swap3A_1354] {strides = array<i32>} : memref<2x1024xf32, #tpu.memory_space<vmem>>, vector<16xf32>,
    tpu.vector_store %arg8[%swap3A_1353, %swap3A_1354], %mul3A_1351 {strides = array<i32>} : memref<2x1024xf32, #tpu.memory_space<vmem>>, vector<16xf32>,
    %mul3A_1356 = arith.constant 2.000000e-02 : f32
    %mul3A_1357 = vector.broadcast %mul3A_1356 : f32 to vector<16xf32>
    %mul3A_1358 = arith.mulf %scan3A_1326#4, %mul3A_1357 : vector<16xf32>
    %swap3A_1359 = arith.constant 1 : i32
    %swap3A_1360 = arith.index_cast %swap3A_1359 : i32 to index
    %swap3A_1361 = arith.constant 832 : index
    %swap3A_1362 = tpu.vector_load %arg8[%swap3A_1360, %swap3A_1361] {strides = array<i32>} : memref<2x1024xf32, #tpu.memory_space<vmem>>, vector<16xf32>,
    tpu.vector_store %arg8[%swap3A_1360, %swap3A_1361], %mul3A_1358 {strides = array<i32>} : memref<2x1024xf32, #tpu.memory_space<vmem>>, vector<16xf32>,
    %mul3A_1363 = arith.constant 2.000000e-02 : f32
    %mul3A_1364 = vector.broadcast %mul3A_1363 : f32 to vector<16xf32>
    %mul3A_1365 = arith.mulf %scan3A_1326#5, %mul3A_1364 : vector<16xf32>
    %swap3A_1366 = arith.constant 1 : i32
    %swap3A_1367 = arith.index_cast %swap3A_1366 : i32 to index
    %swap3A_1368 = arith.constant 848 : index
    %swap3A_1369 = tpu.vector_load %arg8[%swap3A_1367, %swap3A_1368] {strides = array<i32>} : memref<2x1024xf32, #tpu.memory_space<vmem>>, vector<16xf32>,
    tpu.vector_store %arg8[%swap3A_1367, %swap3A_1368], %mul3A_1365 {strides = array<i32>} : memref<2x1024xf32, #tpu.memory_space<vmem>>, vector<16xf32>,
    %mul3A_1370 = arith.constant 2.000000e-02 : f32
    %mul3A_1371 = vector.broadcast %mul3A_1370 : f32 to vector<16xf32>
    %mul3A_1372 = arith.mulf %scan3A_1326#6, %mul3A_1371 : vector<16xf32>
    %swap3A_1373 = arith.constant 1 : i32
    %swap3A_1374 = arith.index_cast %swap3A_1373 : i32 to index
    %swap3A_1375 = arith.constant 864 : index
    %swap3A_1376 = tpu.vector_load %arg8[%swap3A_1374, %swap3A_1375] {strides = array<i32>} : memref<2x1024xf32, #tpu.memory_space<vmem>>, vector<16xf32>,
    tpu.vector_store %arg8[%swap3A_1374, %swap3A_1375], %mul3A_1372 {strides = array<i32>} : memref<2x1024xf32, #tpu.memory_space<vmem>>, vector<16xf32>,
    %mul3A_1377 = arith.constant 2.000000e-02 : f32
    %mul3A_1378 = vector.broadcast %mul3A_1377 : f32 to vector<16xf32>
    %mul3A_1379 = arith.mulf %scan3A_1326#7, %mul3A_1378 : vector<16xf32>
    %swap3A_1380 = arith.constant 1 : i32
    %swap3A_1381 = arith.index_cast %swap3A_1380 : i32 to index
    %swap3A_1382 = arith.constant 880 : index
    %swap3A_1383 = tpu.vector_load %arg8[%swap3A_1381, %swap3A_1382] {strides = array<i32>} : memref<2x1024xf32, #tpu.memory_space<vmem>>, vector<16xf32>,
    tpu.vector_store %arg8[%swap3A_1381, %swap3A_1382], %mul3A_1379 {strides = array<i32>} : memref<2x1024xf32, #tpu.memory_space<vmem>>, vector<16xf32>,
    %dma_wait3A_1384 = arith.constant 0 : i32
    %dma_wait3A_1385 = arith.constant 896 : i32
    %dma_wait3A_1386 = tpu.memref_slice %arg2[%dma_wait3A_1384, %dma_wait3A_1385] : memref<50x1024xi32, #tpu.memory_space<hbm>> -> memref<50x128xi32, #tpu.memory_space<hbm>>
    %dma_wait3A_1387 = arith.constant 0 : i32
    %dma_wait3A_1388 = arith.constant 896 : i32
    %dma_wait3A_1389 = tpu.memref_slice %arg2[%dma_wait3A_1387, %dma_wait3A_1388] : memref<50x1024xi32, #tpu.memory_space<hbm>> -> memref<50x128xi32, #tpu.memory_space<hbm>>
    tpu.wait_dma2 semaphore(%arg11 : memref<!tpu.dma_semaphore, #tpu.memory_space<semaphore_mem>>) src(%dma_wait3A_1389 : memref<50x128xi32, #tpu.memory_space<hbm>>) dst(%arg7 : memref<50x128xi32, #tpu.memory_space<vmem>>)
    %broadcast_in_dim3A_1390 = arith.constant 0.000000e+00 : f32
    %broadcast_in_dim3A_1391 = vector.broadcast %broadcast_in_dim3A_1390 : f32 to vector<16xf32>
    %broadcast_in_dim3A_1392 = arith.constant 0.000000e+00 : f32
    %broadcast_in_dim3A_1393 = vector.broadcast %broadcast_in_dim3A_1392 : f32 to vector<16xf32>
    %broadcast_in_dim3A_1394 = arith.constant 0.000000e+00 : f32
    %broadcast_in_dim3A_1395 = vector.broadcast %broadcast_in_dim3A_1394 : f32 to vector<16xf32>
    %broadcast_in_dim3A_1396 = arith.constant 0.000000e+00 : f32
    %broadcast_in_dim3A_1397 = vector.broadcast %broadcast_in_dim3A_1396 : f32 to vector<16xf32>
    %broadcast_in_dim3A_1398 = arith.constant 0.000000e+00 : f32
    %broadcast_in_dim3A_1399 = vector.broadcast %broadcast_in_dim3A_1398 : f32 to vector<16xf32>
    %broadcast_in_dim3A_1400 = arith.constant 0.000000e+00 : f32
    %broadcast_in_dim3A_1401 = vector.broadcast %broadcast_in_dim3A_1400 : f32 to vector<16xf32>
    %broadcast_in_dim3A_1402 = arith.constant 0.000000e+00 : f32
    %broadcast_in_dim3A_1403 = vector.broadcast %broadcast_in_dim3A_1402 : f32 to vector<16xf32>
    %broadcast_in_dim3A_1404 = arith.constant 0.000000e+00 : f32
    %broadcast_in_dim3A_1405 = vector.broadcast %broadcast_in_dim3A_1404 : f32 to vector<16xf32>
    %scan3A_1406 = arith.constant 0 : i32
    %scan3A_1407 = arith.constant 50 : i32
    %scan3A_1408 = arith.addi %scan3A_1406, %scan3A_1407 : i32
    %scan3A_1409 = arith.constant 1 : i32
    %scan3A_1410:8 = scf.for %scan3A_1470 = %scan3A_1406 to %scan3A_1408 step %scan3A_1409 iter_args(%scan3A_1471 = %broadcast_in_dim3A_1391, %scan3A_1472 = %broadcast_in_dim3A_1393, %scan3A_1473 = %broadcast_in_dim3A_1395, %scan3A_1474 = %broadcast_in_dim3A_1397, %scan3A_1475 = %broadcast_in_dim3A_1399, %scan3A_1476 = %broadcast_in_dim3A_1401, %scan3A_1477 = %broadcast_in_dim3A_1403, %scan3A_1478 = %broadcast_in_dim3A_1405) -> (vector<16xf32>, vector<16xf32>, vector<16xf32>, vector<16xf32>, vector<16xf32>, vector<16xf32>, vector<16xf32>, vector<16xf32>)  : i32 {
      %get3A = arith.index_cast %scan3A_1470 : i32 to index
      %get3A_1479 = arith.constant 0 : index
      %get3A_1480 = tpu.vector_load %arg7[%get3A, %get3A_1479] {strides = array<i32>} : memref<50x128xi32, #tpu.memory_space<vmem>>, vector<16xi32>,
      %gather3A = tpu.vector_load_idx %arg5[%get3A_1480] : memref<100000xf32, #tpu.memory_space<vmem>>[vector<16xi32>], vector<16xf32>,
      %add3A_1481 = arith.addf %scan3A_1471, %gather3A : vector<16xf32>
      %get3A_1482 = arith.index_cast %scan3A_1470 : i32 to index
      %get3A_1483 = arith.constant 16 : index
      %get3A_1484 = tpu.vector_load %arg7[%get3A_1482, %get3A_1483] {strides = array<i32>} : memref<50x128xi32, #tpu.memory_space<vmem>>, vector<16xi32>,
      %gather3A_1485 = tpu.vector_load_idx %arg5[%get3A_1484] : memref<100000xf32, #tpu.memory_space<vmem>>[vector<16xi32>], vector<16xf32>,
      %add3A_1486 = arith.addf %scan3A_1472, %gather3A_1485 : vector<16xf32>
      %get3A_1487 = arith.index_cast %scan3A_1470 : i32 to index
      %get3A_1488 = arith.constant 32 : index
      %get3A_1489 = tpu.vector_load %arg7[%get3A_1487, %get3A_1488] {strides = array<i32>} : memref<50x128xi32, #tpu.memory_space<vmem>>, vector<16xi32>,
      %gather3A_1490 = tpu.vector_load_idx %arg5[%get3A_1489] : memref<100000xf32, #tpu.memory_space<vmem>>[vector<16xi32>], vector<16xf32>,
      %add3A_1491 = arith.addf %scan3A_1473, %gather3A_1490 : vector<16xf32>
      %get3A_1492 = arith.index_cast %scan3A_1470 : i32 to index
      %get3A_1493 = arith.constant 48 : index
      %get3A_1494 = tpu.vector_load %arg7[%get3A_1492, %get3A_1493] {strides = array<i32>} : memref<50x128xi32, #tpu.memory_space<vmem>>, vector<16xi32>,
      %gather3A_1495 = tpu.vector_load_idx %arg5[%get3A_1494] : memref<100000xf32, #tpu.memory_space<vmem>>[vector<16xi32>], vector<16xf32>,
      %add3A_1496 = arith.addf %scan3A_1474, %gather3A_1495 : vector<16xf32>
      %get3A_1497 = arith.index_cast %scan3A_1470 : i32 to index
      %get3A_1498 = arith.constant 64 : index
      %get3A_1499 = tpu.vector_load %arg7[%get3A_1497, %get3A_1498] {strides = array<i32>} : memref<50x128xi32, #tpu.memory_space<vmem>>, vector<16xi32>,
      %gather3A_1500 = tpu.vector_load_idx %arg5[%get3A_1499] : memref<100000xf32, #tpu.memory_space<vmem>>[vector<16xi32>], vector<16xf32>,
      %add3A_1501 = arith.addf %scan3A_1475, %gather3A_1500 : vector<16xf32>
      %get3A_1502 = arith.index_cast %scan3A_1470 : i32 to index
      %get3A_1503 = arith.constant 80 : index
      %get3A_1504 = tpu.vector_load %arg7[%get3A_1502, %get3A_1503] {strides = array<i32>} : memref<50x128xi32, #tpu.memory_space<vmem>>, vector<16xi32>,
      %gather3A_1505 = tpu.vector_load_idx %arg5[%get3A_1504] : memref<100000xf32, #tpu.memory_space<vmem>>[vector<16xi32>], vector<16xf32>,
      %add3A_1506 = arith.addf %scan3A_1476, %gather3A_1505 : vector<16xf32>
      %get3A_1507 = arith.index_cast %scan3A_1470 : i32 to index
      %get3A_1508 = arith.constant 96 : index
      %get3A_1509 = tpu.vector_load %arg7[%get3A_1507, %get3A_1508] {strides = array<i32>} : memref<50x128xi32, #tpu.memory_space<vmem>>, vector<16xi32>,
      %gather3A_1510 = tpu.vector_load_idx %arg5[%get3A_1509] : memref<100000xf32, #tpu.memory_space<vmem>>[vector<16xi32>], vector<16xf32>,
      %add3A_1511 = arith.addf %scan3A_1477, %gather3A_1510 : vector<16xf32>
      %get3A_1512 = arith.index_cast %scan3A_1470 : i32 to index
      %get3A_1513 = arith.constant 112 : index
      %get3A_1514 = tpu.vector_load %arg7[%get3A_1512, %get3A_1513] {strides = array<i32>} : memref<50x128xi32, #tpu.memory_space<vmem>>, vector<16xi32>,
      %gather3A_1515 = tpu.vector_load_idx %arg5[%get3A_1514] : memref<100000xf32, #tpu.memory_space<vmem>>[vector<16xi32>], vector<16xf32>,
      %add3A_1516 = arith.addf %scan3A_1478, %gather3A_1515 : vector<16xf32>
      scf.yield %add3A_1481, %add3A_1486, %add3A_1491, %add3A_1496, %add3A_1501, %add3A_1506, %add3A_1511, %add3A_1516 : vector<16xf32>, vector<16xf32>, vector<16xf32>, vector<16xf32>, vector<16xf32>, vector<16xf32>, vector<16xf32>, vector<16xf32>
    }
    %scan3A_1411 = arith.constant 50 : i32
    %mul3A_1412 = arith.constant 2.000000e-02 : f32
    %mul3A_1413 = vector.broadcast %mul3A_1412 : f32 to vector<16xf32>
    %mul3A_1414 = arith.mulf %scan3A_1410#0, %mul3A_1413 : vector<16xf32>
    %swap3A_1415 = arith.constant 1 : i32
    %swap3A_1416 = arith.index_cast %swap3A_1415 : i32 to index
    %swap3A_1417 = arith.constant 896 : index
    %swap3A_1418 = tpu.vector_load %arg8[%swap3A_1416, %swap3A_1417] {strides = array<i32>} : memref<2x1024xf32, #tpu.memory_space<vmem>>, vector<16xf32>,
    tpu.vector_store %arg8[%swap3A_1416, %swap3A_1417], %mul3A_1414 {strides = array<i32>} : memref<2x1024xf32, #tpu.memory_space<vmem>>, vector<16xf32>,
    %mul3A_1419 = arith.constant 2.000000e-02 : f32
    %mul3A_1420 = vector.broadcast %mul3A_1419 : f32 to vector<16xf32>
    %mul3A_1421 = arith.mulf %scan3A_1410#1, %mul3A_1420 : vector<16xf32>
    %swap3A_1422 = arith.constant 1 : i32
    %swap3A_1423 = arith.index_cast %swap3A_1422 : i32 to index
    %swap3A_1424 = arith.constant 912 : index
    %swap3A_1425 = tpu.vector_load %arg8[%swap3A_1423, %swap3A_1424] {strides = array<i32>} : memref<2x1024xf32, #tpu.memory_space<vmem>>, vector<16xf32>,
    tpu.vector_store %arg8[%swap3A_1423, %swap3A_1424], %mul3A_1421 {strides = array<i32>} : memref<2x1024xf32, #tpu.memory_space<vmem>>, vector<16xf32>,
    %mul3A_1426 = arith.constant 2.000000e-02 : f32
    %mul3A_1427 = vector.broadcast %mul3A_1426 : f32 to vector<16xf32>
    %mul3A_1428 = arith.mulf %scan3A_1410#2, %mul3A_1427 : vector<16xf32>
    %swap3A_1429 = arith.constant 1 : i32
    %swap3A_1430 = arith.index_cast %swap3A_1429 : i32 to index
    %swap3A_1431 = arith.constant 928 : index
    %swap3A_1432 = tpu.vector_load %arg8[%swap3A_1430, %swap3A_1431] {strides = array<i32>} : memref<2x1024xf32, #tpu.memory_space<vmem>>, vector<16xf32>,
    tpu.vector_store %arg8[%swap3A_1430, %swap3A_1431], %mul3A_1428 {strides = array<i32>} : memref<2x1024xf32, #tpu.memory_space<vmem>>, vector<16xf32>,
    %mul3A_1433 = arith.constant 2.000000e-02 : f32
    %mul3A_1434 = vector.broadcast %mul3A_1433 : f32 to vector<16xf32>
    %mul3A_1435 = arith.mulf %scan3A_1410#3, %mul3A_1434 : vector<16xf32>
    %swap3A_1436 = arith.constant 1 : i32
    %swap3A_1437 = arith.index_cast %swap3A_1436 : i32 to index
    %swap3A_1438 = arith.constant 944 : index
    %swap3A_1439 = tpu.vector_load %arg8[%swap3A_1437, %swap3A_1438] {strides = array<i32>} : memref<2x1024xf32, #tpu.memory_space<vmem>>, vector<16xf32>,
    tpu.vector_store %arg8[%swap3A_1437, %swap3A_1438], %mul3A_1435 {strides = array<i32>} : memref<2x1024xf32, #tpu.memory_space<vmem>>, vector<16xf32>,
    %mul3A_1440 = arith.constant 2.000000e-02 : f32
    %mul3A_1441 = vector.broadcast %mul3A_1440 : f32 to vector<16xf32>
    %mul3A_1442 = arith.mulf %scan3A_1410#4, %mul3A_1441 : vector<16xf32>
    %swap3A_1443 = arith.constant 1 : i32
    %swap3A_1444 = arith.index_cast %swap3A_1443 : i32 to index
    %swap3A_1445 = arith.constant 960 : index
    %swap3A_1446 = tpu.vector_load %arg8[%swap3A_1444, %swap3A_1445] {strides = array<i32>} : memref<2x1024xf32, #tpu.memory_space<vmem>>, vector<16xf32>,
    tpu.vector_store %arg8[%swap3A_1444, %swap3A_1445], %mul3A_1442 {strides = array<i32>} : memref<2x1024xf32, #tpu.memory_space<vmem>>, vector<16xf32>,
    %mul3A_1447 = arith.constant 2.000000e-02 : f32
    %mul3A_1448 = vector.broadcast %mul3A_1447 : f32 to vector<16xf32>
    %mul3A_1449 = arith.mulf %scan3A_1410#5, %mul3A_1448 : vector<16xf32>
    %swap3A_1450 = arith.constant 1 : i32
    %swap3A_1451 = arith.index_cast %swap3A_1450 : i32 to index
    %swap3A_1452 = arith.constant 976 : index
    %swap3A_1453 = tpu.vector_load %arg8[%swap3A_1451, %swap3A_1452] {strides = array<i32>} : memref<2x1024xf32, #tpu.memory_space<vmem>>, vector<16xf32>,
    tpu.vector_store %arg8[%swap3A_1451, %swap3A_1452], %mul3A_1449 {strides = array<i32>} : memref<2x1024xf32, #tpu.memory_space<vmem>>, vector<16xf32>,
    %mul3A_1454 = arith.constant 2.000000e-02 : f32
    %mul3A_1455 = vector.broadcast %mul3A_1454 : f32 to vector<16xf32>
    %mul3A_1456 = arith.mulf %scan3A_1410#6, %mul3A_1455 : vector<16xf32>
    %swap3A_1457 = arith.constant 1 : i32
    %swap3A_1458 = arith.index_cast %swap3A_1457 : i32 to index
    %swap3A_1459 = arith.constant 992 : index
    %swap3A_1460 = tpu.vector_load %arg8[%swap3A_1458, %swap3A_1459] {strides = array<i32>} : memref<2x1024xf32, #tpu.memory_space<vmem>>, vector<16xf32>,
    tpu.vector_store %arg8[%swap3A_1458, %swap3A_1459], %mul3A_1456 {strides = array<i32>} : memref<2x1024xf32, #tpu.memory_space<vmem>>, vector<16xf32>,
    %mul3A_1461 = arith.constant 2.000000e-02 : f32
    %mul3A_1462 = vector.broadcast %mul3A_1461 : f32 to vector<16xf32>
    %mul3A_1463 = arith.mulf %scan3A_1410#7, %mul3A_1462 : vector<16xf32>
    %swap3A_1464 = arith.constant 1 : i32
    %swap3A_1465 = arith.index_cast %swap3A_1464 : i32 to index
    %swap3A_1466 = arith.constant 1008 : index
    %swap3A_1467 = tpu.vector_load %arg8[%swap3A_1465, %swap3A_1466] {strides = array<i32>} : memref<2x1024xf32, #tpu.memory_space<vmem>>, vector<16xf32>,
    tpu.vector_store %arg8[%swap3A_1465, %swap3A_1466], %mul3A_1463 {strides = array<i32>} : memref<2x1024xf32, #tpu.memory_space<vmem>>, vector<16xf32>,
    %mul3A_1468 = arith.constant 2 : i32
    %mul3A_1469 = arith.muli %add3A, %mul3A_1468 : i32
    "tpu.region"() ({
      %run_scoped3A = tpu.sem_alloc : memref<!tpu.dma_semaphore, #tpu.memory_space<semaphore_mem>>
      %dma_start3A_1470 = arith.constant 0 : i32
      %dma_start3A_1471 = tpu.memref_slice %arg4[%mul3A_1469, %dma_start3A_1470] : memref<64x1024xf32, #tpu.memory_space<hbm>> -> memref<2x1024xf32, #tpu.memory_space<hbm>>
      %dma_start3A_1472 = arith.constant 0 : i32
      %dma_start3A_1473 = tpu.memref_slice %arg4[%mul3A_1469, %dma_start3A_1472] : memref<64x1024xf32, #tpu.memory_space<hbm>> -> memref<2x1024xf32, #tpu.memory_space<hbm>>
      tpu.enqueue_dma source(%arg8 : memref<2x1024xf32, #tpu.memory_space<vmem>>) target(%dma_start3A_1473 : memref<2x1024xf32, #tpu.memory_space<hbm>>) target_semaphore(%run_scoped3A : memref<!tpu.dma_semaphore, #tpu.memory_space<semaphore_mem>>)
      %dma_wait3A_1474 = arith.constant 0 : i32
      %dma_wait3A_1475 = tpu.memref_slice %arg4[%mul3A_1469, %dma_wait3A_1474] : memref<64x1024xf32, #tpu.memory_space<hbm>> -> memref<2x1024xf32, #tpu.memory_space<hbm>>
      %dma_wait3A_1476 = arith.constant 0 : i32
      %dma_wait3A_1477 = tpu.memref_slice %arg4[%mul3A_1469, %dma_wait3A_1476] : memref<64x1024xf32, #tpu.memory_space<hbm>> -> memref<2x1024xf32, #tpu.memory_space<hbm>>
      tpu.wait_dma2 semaphore(%run_scoped3A : memref<!tpu.dma_semaphore, #tpu.memory_space<semaphore_mem>>) src(%arg8 : memref<2x1024xf32, #tpu.memory_space<vmem>>) dst(%dma_wait3A_1477 : memref<2x1024xf32, #tpu.memory_space<hbm>>)
      tpu.yield
    }) : () -> ()
    return
  }
}

</mosaic_0001>

<sc_bundles>
// kernel: _sc_pool_t.3.cloned.1.call-start
scs
__scs_entry_jumppad:
0x0: {  	(pc) =	sbr.rel $0x88, $3  }
0x1: {  	(tag) =	ssettag $0x0;
	lr =	simm.s32 $0x1  }
0x2: {  	[smem:$0x3F9F] =	sst lr;
	_ =	strace $0xD0000000  }
0x3: {  	_ = 	snop  }
0x4: {  	_ = 	snop  }
0x5: {  	_ = 	snop  }
0x6: {  	_ = 	snop  }
0x7: {  	_ = 	snop  }
__scs_overlays_trampoline_lowered:
0x8: {  	[smem:$0x3FAE] =	sst s0  }
0x9: {  	[smem:$0x3FAF] =	sst s1  }
0xa: {  	[smem:$0x3FB0] =	sst s2  }
0xb: {  	[smem:$0x3FB1] =	sst s3  }
0xc: {  	[smem:$0x3FB2] =	sst s4  }
0xd: {  	[smem:$0x3FB3] =	sst s5  }
0xe: {  	[smem:$0x3FB4] =	sst s6  }
0xf: {  	[smem:$0x3FB5] =	sst s7  }
0x10: {  	[smem:$0x3FB6] =	sst s8  }
0x11: {  	[smem:$0x3FB7] =	sst s9;
	s0 =	simm.s32 @!p0 $0x0  }
0x12: {  	s1 =	sld [smem:$0x3F9D];
	s0 =	simm.s32 @p0 $0x1  }
0x13: {  	[smem:$0x3FB8] =	sst s0;
	s0 =	simm.s32 @!p1 $0x0  }
0x14: {  	s2 =	sld [smem:$0x3F9C];
	s0 =	simm.s32 @p1 $0x1  }
0x15: {  	[smem:$0x3FB9] =	sst s0;
	s0 =	simm.s32 @!p2 $0x0  }
0x16: {  	s3 =	sld [smem:$0x3FDB];
	s0 =	simm.s32 @p2 $0x1  }
0x17: {  	s4 =	simm.s32 $0x1BF5;
	[smem:$0x3FBB] =	sst s0  }
0x18: {  	s0 =	sld [smem:$0x3F9E];
	_ =	swait.ge [sflag:s4], $0x0  }
0x19: {  	s7 =	sld [smem:$0x3F9F]  }
0x1a: {  	s8 =	sadd.s32 $0xFFFFE003, lr  }
0x1b: {  	s9 =	sadd.s32 $0xFFFFFEF7, lr;
	s5 =	simm.s32 $0xFFFFFFFF;
	p2 =	slt.u32 s8, $0xFFFFF086  }
0x1c: {  	p1 =	slt.u32 s9, $0xF7A;
	s5 =	simm.s32 @!p2 $0x0  }
0x1d: {  	s5 =	simm.s32 @p1 $0x1;
	p0 =	seq.s32 s7, s2  }
0x1e: {  	s7 =	smul.u32 @!p0 $0xF7A, s2;
	p2 =	seq.s32 @!p0 s5, $0x0  }
0x1f: {  	s9 =	smul.u32 $0xF7A, s1;
	s8 =	simm.s32 @!p0 $0x1BF5;
	p2 =	por !p2, p0  }
0x20: {  	[sflag:s8] =	ssyncset.s32 @!p0 $0xFFFFF086;
	s6 =	sadd.s32 @!p0 s3, s7;
	s7 =	simm.s32 @!p0 $0x108  }
0x21: {  	s3 =	sadd.s32 s3, s9;
	s6 =	sadd.s32 @!p0 $0x88, s6;
	s7 =	simm.s32 @p2 $0x1082  }
0x22: {  	[simem:s7], [sflag:s8] =	dma.local @!p0 [hbm:s6], $0xF7A  }
0x23: {  	s9 =	sor.u32 $0xD0000000, s2;
	s6 =	simm.s32 $0x108;
	_ =	swait.ge @!p0 [sflag:s8], $0x0  }
0x24: {  	s3 =	sadd.s32 $0x88, s3;
	s6 =	simm.s32 @!p1 $0x1082;
	[sflag:s4] =	ssyncset.s32 $0xFFFFF086  }
0x25: {  	[simem:s6], [sflag:s4] =	dma.local [hbm:s3], $0xF7A  }
0x26: {  	[smem:$0x3F9F] =	sst s1;
	(tag) =	ssettag s2;
	_ =	strace s9  }
0x27: {  	s1 =	sld [smem:$0x3FAF]  }
0x28: {  	s2 =	sld [smem:$0x3FB0]  }
0x29: {  	s4 =	sld [smem:$0x3FB2]  }
0x2a: {  	p0 =	seq.s32 s5, $0x0;
	s5 =	sld [smem:$0x3FB3]  }
0x2b: {  	s6 =	sld [smem:$0x3FB4]  }
0x2c: {  	s7 =	sld [smem:$0x3FB5]  }
0x2d: {  	s3 =	simm.s32 $0x108;
	s8 =	sld [smem:$0x3FB6]  }
0x2e: {  	s3 =	simm.s32 @!p0 $0x1082;
	s9 =	sld [smem:$0x3FB7]  }
0x2f: {  	lr =	sadd.s32 s0, s3;
	s0 =	sld [smem:$0x3FAE]  }
0x30: {  	s3 =	sld [smem:$0x3FB1]  }
0x31: {  	[smem:$0x3FBA] =	sst s10  }
0x32: {  	s10 =	sld [smem:$0x3FB8];
	_ =	sdelay $0x3  }
0x33: {  	p0 =	seq.s32 s10, $0x1;
	s10 =	sld [smem:$0x3FBA];
	_ =	sdelay $0x3  }
0x34: {  	[smem:$0x3FBA] =	sst s10  }
0x35: {  	s10 =	sld [smem:$0x3FB9];
	_ =	sdelay $0x3  }
0x36: {  	p1 =	seq.s32 s10, $0x1;
	s10 =	sld [smem:$0x3FBA];
	_ =	sdelay $0x3  }
0x37: {  	[smem:$0x3FBA] =	sst s10  }
0x38: {  	s10 =	sld [smem:$0x3FBB]  }
0x39: {  	_ = 	snop;
	(pc) =	sbr.ind lr, $3  }
0x3a: {  	_ = 	snop  }
0x3b: {  	_ = 	snop  }
0x3c: {  	p2 =	seq.s32 s10, $0x1;
	s10 =	sld [smem:$0x3FBA]  }
0x3d: {  	_ =	shalt  }
0x3e: {  	_ =	shalt  }
0x3f: {  	_ =	shalt  }
0x40: {  	_ =	shalt  }
0x41: {  	_ =	shalt  }
0x42: {  	_ =	shalt  }
0x43: {  	_ =	shalt  }
0x44: {  	_ =	shalt  }
0x45: {  	_ =	shalt  }
0x46: {  	_ =	shalt  }
0x47: {  	_ =	shalt  }
0x48: {  	_ =	shalt  }
0x49: {  	_ =	shalt  }
0x4a: {  	_ =	shalt  }
0x4b: {  	_ =	shalt  }
0x4c: {  	_ =	shalt  }
0x4d: {  	_ =	shalt  }
0x4e: {  	_ =	shalt  }
0x4f: {  	_ =	shalt  }
0x50: {  	_ =	shalt  }
0x51: {  	_ =	shalt  }
0x52: {  	_ =	shalt  }
0x53: {  	_ =	shalt  }
0x54: {  	_ =	shalt  }
0x55: {  	_ =	shalt  }
0x56: {  	_ =	shalt  }
0x57: {  	_ =	shalt  }
0x58: {  	_ =	shalt  }
0x59: {  	_ =	shalt  }
0x5a: {  	_ =	shalt  }
0x5b: {  	_ =	shalt  }
0x5c: {  	_ =	shalt  }
0x5d: {  	_ =	shalt  }
0x5e: {  	_ =	shalt  }
0x5f: {  	_ =	shalt  }
0x60: {  	_ =	shalt  }
0x61: {  	_ =	shalt  }
0x62: {  	_ =	shalt  }
0x63: {  	_ =	shalt  }
0x64: {  	_ =	shalt  }
0x65: {  	_ =	shalt  }
0x66: {  	_ =	shalt  }
0x67: {  	_ =	shalt  }
0x68: {  	_ =	shalt  }
0x69: {  	_ =	shalt  }
0x6a: {  	_ =	shalt  }
0x6b: {  	_ =	shalt  }
0x6c: {  	_ =	shalt  }
0x6d: {  	_ =	shalt  }
0x6e: {  	_ =	shalt  }
0x6f: {  	_ =	shalt  }
0x70: {  	_ =	shalt  }
0x71: {  	_ =	shalt  }
0x72: {  	_ =	shalt  }
0x73: {  	_ =	shalt  }
0x74: {  	_ =	shalt  }
0x75: {  	_ =	shalt  }
0x76: {  	_ =	shalt  }
0x77: {  	_ =	shalt  }
0x78: {  	_ =	shalt  }
0x79: {  	_ =	shalt  }
0x7a: {  	_ =	shalt  }
0x7b: {  	_ =	shalt  }
0x7c: {  	_ =	shalt  }
0x7d: {  	_ =	shalt  }
0x7e: {  	_ =	shalt  }
0x7f: {  	_ =	shalt  }
0x80: {  	_ =	shalt  }
0x81: {  	_ =	shalt  }
0x82: {  	_ =	shalt  }
0x83: {  	_ =	shalt  }
0x84: {  	_ =	shalt  }
0x85: {  	_ =	shalt  }
0x86: {  	_ =	shalt  }
0x87: {  	_ =	shalt  }
.Lfunc_end0:
.L_simem_size_0:
called_computation_lowered:
.L_overlay_start_0:
0x88: {  	s2 =	sld [smem:$0x3FD9]  }
0x89: {  	s3 =	sld [smem:$0x3FFE];
	_ =	sdelay $0x1  }
0x8a: {  	s1 =	srdreg.scid  }
0x8b: {  	s0 =	sand.u32 $0x1, s1  }
0x8c: {  	s18 =	sshll.u32 s0, $0xA;
	s2 =	sadd.s32 s3, s2  }
0x8d: {  	s2 =	sadd.s32 s2, s18  }
0x8e: {  	[smem:$0x3FC6] =	sst s2  }
0x8f: {  	_ = 	snop  }
0x90: {  	s2 =	sld [smem:$0x3FC9]  }
0x91: {  	s19 =	sld [smem:$0x3FC8]  }
0x92: {  	s4 =	sld [smem:$0x3FD0];
	(tm) =	ssettm $0x1  }
0x93: {  	s5 =	sld [smem:$0x3FFB];
	_ =	sdelay $0x3  }
0x94: {  	_ =	strace s5  }
0x95: {  	s5 =	sld [smem:$0x3FFC];
	_ =	sdelay $0x3  }
0x96: {  	_ =	strace s5  }
0x97: {  	s5 =	sld [smem:$0x3FFD];
	_ =	sdelay $0x3  }
0x98: {  	_ =	strace s5  }
0x99: {  	_ =	strace $0x8FFFFFFF  }
0x9a: {  	s20 =	sld [smem:$0x3FDB];
	_ =	sdelay $0x1  }
0x9b: {  	s6 =	simm.s32 $_scs_section_size  }
0x9c: {  	s7 =	simm.s32 $_size__tile_overlayer_lowered;
	s8 =	simm.s32 $_tile_overlayer_lowered  }
0x9d: {  	s23 =	simm.s32 $0x1BFF;
	s22 =	sshll.u32 s8, $0x1;
	s5 =	sadd.s32 s6, s20  }
0x9e: {  	s9 =	simm.s32 $0x0;
	s21 =	sshll.u32 s7, $0x1;
	s7 =	sadd.s32 s22, s5  }
0x9f: {  	[timem:s9], [sflag:s23] =	dma.local [hbm:s7], s21  }
0xa0: {  	_ =	swait.ge [sflag:s23], s21  }
0xa1: {  	s6 =	ssub.s32 $0x0, s21;
	[sflag:s23] =	ssyncset.done $0x0  }
0xa2: {  	[sflag:s23] =	ssyncadd.s32 s6;
	_ =	sdelay $0x1  }
0xa3: {  	s24 =	simm.s32 $0x1B8B  }
0xa4: {  	_ =	swait.ge [sflag:s24], $0x1  }
0xa5: {  	[sflag:s24] =	ssyncset.done $0x0  }
0xa6: {  	s25 =	simm.s32 $0x1B8E;
	[sflag:s24] =	ssyncadd.s32 $0xFFFFFFFF  }
0xa7: {  	s26 =	simm.s32 $execute0_lowered;
	[smem:$0x3FD2] =	sst s25  }
0xa8: {  	s6 =	sshll.u32 s26, $0x1;
	_ =	strace $0x80000046;
	[dreg:$0x1] =	wrdreg $0xFFFFFFFF  }
0xa9: {  	s28 =	simm.s32 $_size_execute0_lowered;
	s5 =	sadd.s32 s5, s6;
	[dreg:$0x0] =	wrdreg $0x0  }
0xaa: {  	s6 =	sshll.u32 s28, $0x1;
	[dreg:$0x2] =	wrdreg s5  }
0xab: {  	[dreg:$0x3] =	wrdreg s6  }
0xac: {  	[dreg:$0x4] =	wrdreg $0xC0  }
0xad: {  	_ =	task [dreg:s9], $0x5FFFF  }
0xae: {  	[dreg:$0x1] =	wrdreg $0xFFFFFFFF  }
0xaf: {  	[dreg:$0x0] =	wrdreg $0x60  }
0xb0: {  	[dreg:$0x2] =	wrdreg s2  }
0xb1: {  	[dreg:$0x3] =	wrdreg s19  }
0xb2: {  	[dreg:$0x4] =	wrdreg s4  }
0xb3: {  	[dreg:$0x5] =	wrdreg $0x9  }
0xb4: {  	_ =	task.clear_ibuf [dreg:s9], $0x6FFFF;
	_ =	strace $0x90000046  }
0xb5: {  	s29 =	simm.s32 $0x9;
	_ =	strace $0x80000048  }
0xb6: {  	_ =	swait.ge [sflag:s29], $0x1  }
0xb7: {  	[sflag:s29] =	ssyncadd.s32 $0xFFFFFFFF  }
0xb8: {  	_ =	strace $0x90000048  }
0xb9: {  	_ =	sfence  }
0xba: {  	s30 =	sld [smem:$0x0];
	_ =	sdelay $0x2  }
0xbb: {  	s31 =	sshll.u32 s1, $0xD;
	s1 =	sshrl.u32 s1, $0x2  }
0xbc: {  	s3 =	sand.u32 $0x4000, s31;
	s1 =	sadd.s32 s1, s30  }
0xbd: {  	s0 =	sor.u32 s3, s0;
	s1 =	sshll.u32 s1, $0x11  }
0xbe: {  	s0 =	sor.u32 s1, s0  }
0xbf: {  	s0 =	sadd.s32 $0x8F2B, s0  }
0xc0: {  	[sflag:s0] =	ssyncadd.remote.s32 $0x1  }
0xc1: {  	_ =	sfence.sel $0xFFFF  }
0xc2: {  	[dreg:$0x0] =	wrdreg $0xFFFFFFFF;
	(pc) =	sbr.abs _section_cstart, $3  }
0xc3: {  	[dreg:$0x1] =	wrdreg $0xFFFFFFFF  }
0xc4: {  	_ =	task.clear_ibuf [dreg:s9], $0x2FFFF;
	_ =	strace $0x9FFFFFFF  }
0xc5: {  	(tm) =	ssettm $0x7FFFFFFF  }
tec
execute0_lowered:
.L_overlay_start_1:
0x0: {  	(tag) =	ssettag $0x1  }
0x1: {  	s1 =	rddreg [dreg:$0x0]  }
0x2: {  	s0 =	rddreg [dreg:$0x1]  }
0x3: {  	s2 =	rddreg [dreg:$0x2]  }
0x4: {  	s3 =	srdreg.scid;
	s5 =	stileid.u32;
	s17 =	simm.s32 $0x400  }
0x5: {  	s18 =	simm.s32 $0x2000;
	s19 =	simm.s32 $0x18700;
	s20 =	simm.s32 $0x19F00  }
0x6: {  	s21 =	simm.s32 $0x2;
	s22 =	simm.s32 $0x1A300;
	s30 =	simm.s32 $0x4  }
0x7: {  	s31 =	simm.s32 $0x0;
	s4 =	sand.u32 $0x1, s3;
	s23 =	sshll.u32 s5, $0x9  }
0x8: {  	s9 =	sshrl.u32 s5, $0x1;
	s3 =	simm.s32 $0x0;
	s5 =	sadd.s32 $0x1800, s1  }
0x9: {  	s8 =	sadd.s32 $0x180, s1;
	s10 =	sadd.s32 $0x280, s1;
	s12 =	sadd.s32 $0x380, s1  }
0xa: {  	s24 =	sshll.u32 s4, $0x8;
	s6 =	sand.u32 $0x200, s23;
	s7 =	smul.u32 $0xC3800, s9  }
0xb: {  	s4 =	ssub.s32 $0x2, s4;
	[smem:$0x7FF] =	sst s3;
	s28 =	sshll.u32 s9, $0xD  }
0xc: {  	s9 =	sadd.s32 $0x200, s1;
	s11 =	sor.u32 s24, s6;
	s25 =	sshrl.u32 s4, $0x1  }
0xd: {  	_ =	strace $0x80000047;
	s24 =	simm.s32 $0x1BB00;
	s6 =	sor.u32 s7, s11  }
0xe: {  	s13 =	ssub.s32 s4, s25;
	s7 =	sadd.s32 $0x100, s1;
	s25 =	simm.s32 $0x1  }
0xf: {  	s26 =	sshrl.u32 s6, $0x3;
	s6 =	sadd.s32 $0x80, s1;
	s29 =	smax.u32 s13, $0x1  }
0x10: {  	s4 =	sadd.s32 s0, s26;
	s0 =	sor.u32 s28, s11;
	[dreg:$0x6] =	wrdreg s29  }
0x11: {  	s0 =	sshrl.u32 s0, $0x3;
	[dreg:$0x7] =	wrdreg s4;
	s14 =	sadd.s32 $0x10, s4  }
0x12: {  	s11 =	sadd.s32 $0x300, s1;
	[dreg:$0x4] =	wrdreg s14;
	s0 =	sadd.s32 s2, s0  }
0x13: {  	s23 =	sadd.s32 $0x1800, s6;
	s26 =	simm.s32 $0x3;
	[dreg:$0x5] =	wrdreg s0  }
.LBB2_1:
0x14: {  	s0 =	simm.s32 $0x80;
	s2 =	rddreg [dreg:$0x7]  }
0x15: {  	[tilespmem:s3], [sflag:$0x1] =	stream.strided.gather [hbm4b:s2+s0], $0x18700, s17, s0, $0x38;
	[tilespmem:$0x1C700] =	vst v63  }
0x16: {  	_ = 	snop  }
0x17: {  	[tilespmem:s19], [sflag:$0x2] =	stream.strided.gather [hbm4b:s1+s17], $0x1800, s18, s17, $0x38;
	[tilespmem:$0x1C700] =	vst v63  }
0x18: {  	_ = 	snop  }
0x19: {  	[tilespmem:s20], [sflag:$0x2] =	stream.linear.gather [hbm4b:s5+s3], $0x100, $0x38;
	[tilespmem:$0x1C700] =	vst v63  }
0x1a: {  	_ =	swait.ge [sflag:s21], $0x1900  }
0x1b: {  	[sflag:s21] =	ssyncset.done $0x0  }
0x1c: {  	[sflag:s21] =	ssyncadd.s32 $0xFFFFE700  }
0x1d: {  	[tilespmem:s22], [sflag:$0x3] =	stream.strided.gather [hbm4b:s6+s17], $0x1800, s18, s17, $0x38;
	[tilespmem:$0x1C700] =	vst v63  }
0x1e: {  	_ = 	snop  }
0x1f: {  	[tilespmem:s24], [sflag:$0x3] =	stream.linear.gather [hbm4b:s23+s3], $0x100, $0x38;
	[tilespmem:$0x1C700] =	vst v63  }
0x20: {  	_ =	swait.ge [sflag:s25], $0x18700  }
0x21: {  	[sflag:s25] =	ssyncset.done $0x0  }
0x22: {  	s29 =	simm.s32 $0x0;
	[sflag:s25] =	ssyncadd.s32 $0xFFFE7900  }
0x23: {  	v0 =	vld [tilespmem:s29+$0x18770]  }
0x24: {  	v1 =	vld [tilespmem:s29+$0x18700]  }
0x25: {  	v2 =	vld [tilespmem:s29+$0x18710]  }
0x26: {  	v3 =	vld [tilespmem:s29+$0x18720]  }
0x27: {  	v4 =	vld [tilespmem:s29+$0x18730]  }
0x28: {  	v5 =	vld [tilespmem:s29+$0x18740]  }
0x29: {  	v6 =	vld [tilespmem:s29+$0x18750]  }
0x2a: {  	v11 =	vld [tilespmem:s29+$0x18760]  }
0x2b: {  	v0 =	vld.idx.msk [tilespmem:v0+s3+$0x0], $0xffff  }
0x2c: {  	v1 =	vld.idx.msk [tilespmem:v1+s3+$0x0], $0xffff  }
0x2d: {  	v13 =	vld.idx.msk [tilespmem:v2+s3+$0x0], $0xffff  }
0x2e: {  	v12 =	vld.idx.msk [tilespmem:v3+s3+$0x0], $0xffff  }
0x2f: {  	v10 =	vld.idx.msk [tilespmem:v4+s3+$0x0], $0xffff  }
0x30: {  	v7 =	vimm.f32 $0.0e+00;
	v2 =	vimm.f32 $0.0e+00;
	v9 =	vld.idx.msk [tilespmem:v5+s3+$0x0], $0xffff  }
0x31: {  	v8 =	vld.idx.msk [tilespmem:v6+s3+$0x0], $0xffff;
	v4 =	vimm.f32 $0.0e+00;
	v6 =	vimm.f32 $0.0e+00;
	v3 =	vimm.f32 $0.0e+00  }
0x32: {  	s2 =	simm.s32 $0x80;
	s0 =	simm.s32 $0x400;
	v11 =	vld.idx.msk [tilespmem:v11+s3+$0x0], $0xffff;
	v0 =	vadd.f32 v0, v2;
	v5 =	vadd.f32 v1, v2;
	v1 =	vimm.f32 $0.0e+00  }
.LBB2_2:
0x33: {  	p0 =	sne.s32 s0, $0x6200;
	v14 =	vld [tilespmem:s2+$0x18770];
	v2 =	vadd.f32 v13, v2  }
0x34: {  	v7 =	vadd.f32 v12, v7;
	v13 =	vld [tilespmem:s2+$0x18700]  }
0x35: {  	v4 =	vadd.f32 v10, v4;
	v12 =	vld [tilespmem:s2+$0x18710]  }
0x36: {  	v6 =	vadd.f32 v9, v6;
	v10 =	vld [tilespmem:s2+$0x18720]  }
0x37: {  	v3 =	vadd.f32 v8, v3;
	v9 =	vld [tilespmem:s2+$0x18730]  }
0x38: {  	v1 =	vadd.f32 v11, v1;
	v8 =	vld [tilespmem:s2+$0x18740]  }
0x39: {  	v11 =	vld [tilespmem:s2+$0x18750]  }
0x3a: {  	v15 =	vld [tilespmem:s2+$0x18760]  }
0x3b: {  	v14 =	vld.idx.msk [tilespmem:v14+s3+$0x0], $0xffff  }
0x3c: {  	v16 =	vld.idx.msk [tilespmem:v13+s3+$0x0], $0xffff  }
0x3d: {  	v13 =	vld.idx.msk [tilespmem:v12+s3+$0x0], $0xffff  }
.Ltmp0:
0x3e: {  	v12 =	vld.idx.msk [tilespmem:v10+s3+$0x0], $0xffff;
	(pc) =	sbr.rel @p0 .LBB2_2-.Ltmp0, $4  }
0x3f: {  	v10 =	vld.idx.msk [tilespmem:v9+s3+$0x0], $0xffff  }
0x40: {  	v9 =	vld.idx.msk [tilespmem:v8+s3+$0x0], $0xffff  }
0x41: {  	v0 =	vadd.f32 v14, v0;
	v8 =	vld.idx.msk [tilespmem:v11+s3+$0x0], $0xffff  }
0x42: {  	s2 =	sshra.s32 s0, $0x2;
	s0 =	sadd.s32 $0x200, s0;
	v5 =	vadd.f32 v16, v5;
	v11 =	vld.idx.msk [tilespmem:v15+s3+$0x0], $0xffff  }
0x43: {  	v14 =	vld [tilespmem:s2+$0x18700]  }
0x44: {  	v15 =	vld [tilespmem:s2+$0x18710]  }
0x45: {  	v20 =	vld [tilespmem:s2+$0x18760]  }
0x46: {  	v21 =	vld [tilespmem:s2+$0x18770]  }
0x47: {  	v16 =	vld [tilespmem:s2+$0x18720]  }
0x48: {  	v17 =	vld [tilespmem:s2+$0x18730]  }
0x49: {  	v18 =	vld [tilespmem:s2+$0x18740]  }
0x4a: {  	v19 =	vld [tilespmem:s2+$0x18750]  }
0x4b: {  	v14 =	vld.idx.msk [tilespmem:v14+s3+$0x0], $0xffff  }
0x4c: {  	v15 =	vld.idx.msk [tilespmem:v15+s3+$0x0], $0xffff  }
0x4d: {  	v4 =	vadd.f32 v10, v4;
	v10 =	vld.idx.msk [tilespmem:v20+s3+$0x0], $0xffff  }
0x4e: {  	v6 =	vadd.f32 v9, v6;
	v9 =	vld.idx.msk [tilespmem:v21+s3+$0x0], $0xffff  }
0x4f: {  	v2 =	vadd.f32 v13, v2;
	v16 =	vld.idx.msk [tilespmem:v16+s3+$0x0], $0xffff  }
0x50: {  	v1 =	vadd.f32 v11, v1;
	v17 =	vld.idx.msk [tilespmem:v17+s3+$0x0], $0xffff;
	v5 =	vadd.f32 v14, v5  }
0x51: {  	v13 =	vld.idx.msk [tilespmem:v18+s3+$0x0], $0xffff;
	v2 =	vadd.f32 v15, v2  }
0x52: {  	v7 =	vadd.f32 v12, v7;
	v12 =	vld.idx.msk [tilespmem:v19+s3+$0x0], $0xffff;
	v1 =	vadd.f32 v10, v1;
	v5 =	vmul.f32 $1.999999960e-02, v5  }
0x53: {  	v0 =	vadd.f32 v9, v0;
	v2 =	vmul.f32 $1.999999960e-02, v2  }
0x54: {  	v7 =	vadd.f32 v16, v7;
	v1 =	vmul.f32 $1.999999960e-02, v1;
	[tilespmem:$0x1BF00] =	vst v5  }
0x55: {  	v3 =	vadd.f32 v8, v3;
	v4 =	vadd.f32 v17, v4;
	v0 =	vmul.f32 $1.999999960e-02, v0;
	[tilespmem:$0x1BF10] =	vst v2  }
0x56: {  	v6 =	vadd.f32 v13, v6;
	v5 =	vmul.f32 $1.999999960e-02, v7;
	[tilespmem:$0x1BF60] =	vst v1  }
0x57: {  	v3 =	vadd.f32 v12, v3;
	v2 =	vmul.f32 $1.999999960e-02, v4;
	[tilespmem:$0x1BF70] =	vst v0  }
0x58: {  	v4 =	vmul.f32 $1.999999960e-02, v6;
	[tilespmem:$0x1BF20] =	vst v5  }
0x59: {  	[tilespmem:$0x1BF30] =	vst v2;
	v2 =	vmul.f32 $1.999999960e-02, v3  }
0x5a: {  	[tilespmem:$0x1BF40] =	vst v4  }
0x5b: {  	[tilespmem:$0x1BF50] =	vst v2  }
0x5c: {  	_ =	swait.ge [sflag:s26], $0x1900  }
0x5d: {  	[sflag:s26] =	ssyncset.done $0x0  }
0x5e: {  	[sflag:s26] =	ssyncadd.s32 $0xFFFFE700  }
0x5f: {  	[tilespmem:s19], [sflag:$0x2] =	stream.strided.gather [hbm4b:s7+s17], $0x1800, s18, s17, $0x38;
	[tilespmem:$0x1C700] =	vst v63  }
0x60: {  	s0 =	sadd.s32 $0x1800, s7;
	s28 =	simm.s32 $0x0;
	s29 =	simm.s32 $0x0  }
0x61: {  	[tilespmem:s20], [sflag:$0x2] =	stream.linear.gather [hbm4b:s0+s28], $0x100, $0x38;
	[tilespmem:$0x1C700] =	vst v63  }
0x62: {  	v0 =	vld [tilespmem:s29+$0x1A370]  }
0x63: {  	v1 =	vld [tilespmem:s29+$0x1A300]  }
0x64: {  	v2 =	vld [tilespmem:s29+$0x1A310]  }
0x65: {  	v3 =	vld [tilespmem:s29+$0x1A320]  }
0x66: {  	v4 =	vld [tilespmem:s29+$0x1A330]  }
0x67: {  	v5 =	vld [tilespmem:s29+$0x1A340]  }
0x68: {  	v6 =	vld [tilespmem:s29+$0x1A350]  }
0x69: {  	v11 =	vld [tilespmem:s29+$0x1A360]  }
0x6a: {  	v0 =	vld.idx.msk [tilespmem:v0+s3+$0x0], $0xffff  }
0x6b: {  	v1 =	vld.idx.msk [tilespmem:v1+s3+$0x0], $0xffff  }
0x6c: {  	v13 =	vld.idx.msk [tilespmem:v2+s3+$0x0], $0xffff  }
0x6d: {  	v12 =	vld.idx.msk [tilespmem:v3+s3+$0x0], $0xffff  }
0x6e: {  	v10 =	vld.idx.msk [tilespmem:v4+s3+$0x0], $0xffff  }
0x6f: {  	v7 =	vimm.f32 $0.0e+00;
	v2 =	vimm.f32 $0.0e+00;
	v9 =	vld.idx.msk [tilespmem:v5+s3+$0x0], $0xffff  }
0x70: {  	v8 =	vld.idx.msk [tilespmem:v6+s3+$0x0], $0xffff;
	v4 =	vimm.f32 $0.0e+00;
	v6 =	vimm.f32 $0.0e+00;
	v3 =	vimm.f32 $0.0e+00  }
0x71: {  	s13 =	simm.s32 $0x80;
	s2 =	simm.s32 $0x400;
	v11 =	vld.idx.msk [tilespmem:v11+s3+$0x0], $0xffff;
	v0 =	vadd.f32 v0, v2;
	v5 =	vadd.f32 v1, v2;
	v1 =	vimm.f32 $0.0e+00  }
.LBB2_4:
0x72: {  	p0 =	sne.s32 s2, $0x6200;
	v14 =	vld [tilespmem:s13+$0x1A370];
	v2 =	vadd.f32 v13, v2  }
0x73: {  	v7 =	vadd.f32 v12, v7;
	v13 =	vld [tilespmem:s13+$0x1A300]  }
0x74: {  	v4 =	vadd.f32 v10, v4;
	v12 =	vld [tilespmem:s13+$0x1A310]  }
0x75: {  	v6 =	vadd.f32 v9, v6;
	v10 =	vld [tilespmem:s13+$0x1A320]  }
0x76: {  	v3 =	vadd.f32 v8, v3;
	v9 =	vld [tilespmem:s13+$0x1A330]  }
0x77: {  	v1 =	vadd.f32 v11, v1;
	v8 =	vld [tilespmem:s13+$0x1A340]  }
0x78: {  	v11 =	vld [tilespmem:s13+$0x1A350]  }
0x79: {  	v15 =	vld [tilespmem:s13+$0x1A360]  }
0x7a: {  	v14 =	vld.idx.msk [tilespmem:v14+s3+$0x0], $0xffff  }
0x7b: {  	v16 =	vld.idx.msk [tilespmem:v13+s3+$0x0], $0xffff  }
0x7c: {  	v13 =	vld.idx.msk [tilespmem:v12+s3+$0x0], $0xffff  }
.Ltmp1:
0x7d: {  	v12 =	vld.idx.msk [tilespmem:v10+s3+$0x0], $0xffff;
	(pc) =	sbr.rel @p0 .LBB2_4-.Ltmp1, $4  }
0x7e: {  	v10 =	vld.idx.msk [tilespmem:v9+s3+$0x0], $0xffff  }
0x7f: {  	v9 =	vld.idx.msk [tilespmem:v8+s3+$0x0], $0xffff  }
0x80: {  	v0 =	vadd.f32 v14, v0;
	v8 =	vld.idx.msk [tilespmem:v11+s3+$0x0], $0xffff  }
0x81: {  	s13 =	sshra.s32 s2, $0x2;
	s2 =	sadd.s32 $0x200, s2;
	v5 =	vadd.f32 v16, v5;
	v11 =	vld.idx.msk [tilespmem:v15+s3+$0x0], $0xffff  }
0x82: {  	v14 =	vld [tilespmem:s13+$0x1A300]  }
0x83: {  	v15 =	vld [tilespmem:s13+$0x1A310]  }
0x84: {  	v20 =	vld [tilespmem:s13+$0x1A360]  }
0x85: {  	v21 =	vld [tilespmem:s13+$0x1A370]  }
0x86: {  	v16 =	vld [tilespmem:s13+$0x1A320]  }
0x87: {  	v17 =	vld [tilespmem:s13+$0x1A330]  }
0x88: {  	v18 =	vld [tilespmem:s13+$0x1A340]  }
0x89: {  	v19 =	vld [tilespmem:s13+$0x1A350]  }
0x8a: {  	v14 =	vld.idx.msk [tilespmem:v14+s3+$0x0], $0xffff  }
0x8b: {  	v15 =	vld.idx.msk [tilespmem:v15+s3+$0x0], $0xffff  }
0x8c: {  	v4 =	vadd.f32 v10, v4;
	v10 =	vld.idx.msk [tilespmem:v20+s3+$0x0], $0xffff  }
0x8d: {  	v6 =	vadd.f32 v9, v6;
	v9 =	vld.idx.msk [tilespmem:v21+s3+$0x0], $0xffff  }
0x8e: {  	v2 =	vadd.f32 v13, v2;
	v16 =	vld.idx.msk [tilespmem:v16+s3+$0x0], $0xffff  }
0x8f: {  	v1 =	vadd.f32 v11, v1;
	v17 =	vld.idx.msk [tilespmem:v17+s3+$0x0], $0xffff;
	v5 =	vadd.f32 v14, v5  }
0x90: {  	v13 =	vld.idx.msk [tilespmem:v18+s3+$0x0], $0xffff;
	v2 =	vadd.f32 v15, v2  }
0x91: {  	v7 =	vadd.f32 v12, v7;
	v12 =	vld.idx.msk [tilespmem:v19+s3+$0x0], $0xffff;
	v1 =	vadd.f32 v10, v1;
	v5 =	vmul.f32 $1.999999960e-02, v5  }
0x92: {  	v0 =	vadd.f32 v9, v0;
	v2 =	vmul.f32 $1.999999960e-02, v2  }
0x93: {  	v7 =	vadd.f32 v16, v7;
	v1 =	vmul.f32 $1.999999960e-02, v1;
	[tilespmem:$0x1C000] =	vst v5  }
0x94: {  	v3 =	vadd.f32 v8, v3;
	v4 =	vadd.f32 v17, v4;
	v0 =	vmul.f32 $1.999999960e-02, v0;
	[tilespmem:$0x1C010] =	vst v2  }
0x95: {  	v6 =	vadd.f32 v13, v6;
	v5 =	vmul.f32 $1.999999960e-02, v7;
	[tilespmem:$0x1C060] =	vst v1  }
0x96: {  	v3 =	vadd.f32 v12, v3;
	v2 =	vmul.f32 $1.999999960e-02, v4;
	[tilespmem:$0x1C070] =	vst v0  }
0x97: {  	v4 =	vmul.f32 $1.999999960e-02, v6;
	[tilespmem:$0x1C020] =	vst v5  }
0x98: {  	[tilespmem:$0x1C030] =	vst v2;
	v2 =	vmul.f32 $1.999999960e-02, v3  }
0x99: {  	[tilespmem:$0x1C040] =	vst v4  }
0x9a: {  	[tilespmem:$0x1C050] =	vst v2  }
0x9b: {  	_ =	swait.ge [sflag:s21], $0x1900  }
0x9c: {  	[sflag:s21] =	ssyncset.done $0x0  }
0x9d: {  	[sflag:s21] =	ssyncadd.s32 $0xFFFFE700  }
0x9e: {  	[tilespmem:s22], [sflag:$0x3] =	stream.strided.gather [hbm4b:s8+s17], $0x1800, s18, s17, $0x38;
	[tilespmem:$0x1C700] =	vst v63  }
0x9f: {  	s2 =	sadd.s32 $0x1800, s8;
	s28 =	simm.s32 $0x0;
	s29 =	simm.s32 $0x0  }
0xa0: {  	[tilespmem:s24], [sflag:$0x3] =	stream.linear.gather [hbm4b:s2+s28], $0x100, $0x38;
	[tilespmem:$0x1C700] =	vst v63  }
0xa1: {  	v0 =	vld [tilespmem:s29+$0x18770]  }
0xa2: {  	v1 =	vld [tilespmem:s29+$0x18700]  }
0xa3: {  	v2 =	vld [tilespmem:s29+$0x18710]  }
0xa4: {  	v3 =	vld [tilespmem:s29+$0x18720]  }
0xa5: {  	v4 =	vld [tilespmem:s29+$0x18730]  }
0xa6: {  	v5 =	vld [tilespmem:s29+$0x18740]  }
0xa7: {  	v6 =	vld [tilespmem:s29+$0x18750]  }
0xa8: {  	v11 =	vld [tilespmem:s29+$0x18760]  }
0xa9: {  	v0 =	vld.idx.msk [tilespmem:v0+s3+$0x0], $0xffff  }
0xaa: {  	v1 =	vld.idx.msk [tilespmem:v1+s3+$0x0], $0xffff  }
0xab: {  	v13 =	vld.idx.msk [tilespmem:v2+s3+$0x0], $0xffff  }
0xac: {  	v12 =	vld.idx.msk [tilespmem:v3+s3+$0x0], $0xffff  }
0xad: {  	v10 =	vld.idx.msk [tilespmem:v4+s3+$0x0], $0xffff  }
0xae: {  	v7 =	vimm.f32 $0.0e+00;
	v2 =	vimm.f32 $0.0e+00;
	v9 =	vld.idx.msk [tilespmem:v5+s3+$0x0], $0xffff  }
0xaf: {  	v8 =	vld.idx.msk [tilespmem:v6+s3+$0x0], $0xffff;
	v4 =	vimm.f32 $0.0e+00;
	v6 =	vimm.f32 $0.0e+00;
	v3 =	vimm.f32 $0.0e+00  }
0xb0: {  	s14 =	simm.s32 $0x80;
	s13 =	simm.s32 $0x400;
	v11 =	vld.idx.msk [tilespmem:v11+s3+$0x0], $0xffff;
	v0 =	vadd.f32 v0, v2;
	v5 =	vadd.f32 v1, v2;
	v1 =	vimm.f32 $0.0e+00  }
.LBB2_6:
0xb1: {  	p0 =	sne.s32 s13, $0x6200;
	v14 =	vld [tilespmem:s14+$0x18770];
	v2 =	vadd.f32 v13, v2  }
0xb2: {  	v7 =	vadd.f32 v12, v7;
	v13 =	vld [tilespmem:s14+$0x18700]  }
0xb3: {  	v4 =	vadd.f32 v10, v4;
	v12 =	vld [tilespmem:s14+$0x18710]  }
0xb4: {  	v6 =	vadd.f32 v9, v6;
	v10 =	vld [tilespmem:s14+$0x18720]  }
0xb5: {  	v3 =	vadd.f32 v8, v3;
	v9 =	vld [tilespmem:s14+$0x18730]  }
0xb6: {  	v1 =	vadd.f32 v11, v1;
	v8 =	vld [tilespmem:s14+$0x18740]  }
0xb7: {  	v11 =	vld [tilespmem:s14+$0x18750]  }
0xb8: {  	v15 =	vld [tilespmem:s14+$0x18760]  }
0xb9: {  	v14 =	vld.idx.msk [tilespmem:v14+s3+$0x0], $0xffff  }
0xba: {  	v16 =	vld.idx.msk [tilespmem:v13+s3+$0x0], $0xffff  }
0xbb: {  	v13 =	vld.idx.msk [tilespmem:v12+s3+$0x0], $0xffff  }
.Ltmp2:
0xbc: {  	v12 =	vld.idx.msk [tilespmem:v10+s3+$0x0], $0xffff;
	(pc) =	sbr.rel @p0 .LBB2_6-.Ltmp2, $4  }
0xbd: {  	v10 =	vld.idx.msk [tilespmem:v9+s3+$0x0], $0xffff  }
0xbe: {  	v9 =	vld.idx.msk [tilespmem:v8+s3+$0x0], $0xffff  }
0xbf: {  	v0 =	vadd.f32 v14, v0;
	v8 =	vld.idx.msk [tilespmem:v11+s3+$0x0], $0xffff  }
0xc0: {  	s14 =	sshra.s32 s13, $0x2;
	s13 =	sadd.s32 $0x200, s13;
	v5 =	vadd.f32 v16, v5;
	v11 =	vld.idx.msk [tilespmem:v15+s3+$0x0], $0xffff  }
0xc1: {  	v14 =	vld [tilespmem:s14+$0x18700]  }
0xc2: {  	v15 =	vld [tilespmem:s14+$0x18710]  }
0xc3: {  	v20 =	vld [tilespmem:s14+$0x18760]  }
0xc4: {  	v21 =	vld [tilespmem:s14+$0x18770]  }
0xc5: {  	v16 =	vld [tilespmem:s14+$0x18720]  }
0xc6: {  	v17 =	vld [tilespmem:s14+$0x18730]  }
0xc7: {  	v18 =	vld [tilespmem:s14+$0x18740]  }
0xc8: {  	v19 =	vld [tilespmem:s14+$0x18750]  }
0xc9: {  	v14 =	vld.idx.msk [tilespmem:v14+s3+$0x0], $0xffff  }
0xca: {  	v15 =	vld.idx.msk [tilespmem:v15+s3+$0x0], $0xffff  }
0xcb: {  	v4 =	vadd.f32 v10, v4;
	v10 =	vld.idx.msk [tilespmem:v20+s3+$0x0], $0xffff  }
0xcc: {  	v6 =	vadd.f32 v9, v6;
	v9 =	vld.idx.msk [tilespmem:v21+s3+$0x0], $0xffff  }
0xcd: {  	v2 =	vadd.f32 v13, v2;
	v16 =	vld.idx.msk [tilespmem:v16+s3+$0x0], $0xffff  }
0xce: {  	v1 =	vadd.f32 v11, v1;
	v17 =	vld.idx.msk [tilespmem:v17+s3+$0x0], $0xffff;
	v5 =	vadd.f32 v14, v5  }
0xcf: {  	v13 =	vld.idx.msk [tilespmem:v18+s3+$0x0], $0xffff;
	v2 =	vadd.f32 v15, v2  }
0xd0: {  	v7 =	vadd.f32 v12, v7;
	v12 =	vld.idx.msk [tilespmem:v19+s3+$0x0], $0xffff;
	v1 =	vadd.f32 v10, v1;
	v5 =	vmul.f32 $1.999999960e-02, v5  }
0xd1: {  	v0 =	vadd.f32 v9, v0;
	v2 =	vmul.f32 $1.999999960e-02, v2  }
0xd2: {  	v7 =	vadd.f32 v16, v7;
	v1 =	vmul.f32 $1.999999960e-02, v1;
	[tilespmem:$0x1C100] =	vst v5  }
0xd3: {  	v3 =	vadd.f32 v8, v3;
	v4 =	vadd.f32 v17, v4;
	v0 =	vmul.f32 $1.999999960e-02, v0;
	[tilespmem:$0x1C110] =	vst v2  }
0xd4: {  	v6 =	vadd.f32 v13, v6;
	v5 =	vmul.f32 $1.999999960e-02, v7;
	[tilespmem:$0x1C160] =	vst v1  }
0xd5: {  	v3 =	vadd.f32 v12, v3;
	v2 =	vmul.f32 $1.999999960e-02, v4;
	[tilespmem:$0x1C170] =	vst v0  }
0xd6: {  	v4 =	vmul.f32 $1.999999960e-02, v6;
	[tilespmem:$0x1C120] =	vst v5  }
0xd7: {  	[tilespmem:$0x1C130] =	vst v2;
	v2 =	vmul.f32 $1.999999960e-02, v3  }
0xd8: {  	[tilespmem:$0x1C140] =	vst v4  }
0xd9: {  	[tilespmem:$0x1C150] =	vst v2  }
0xda: {  	_ =	swait.ge [sflag:s26], $0x1900  }
0xdb: {  	[sflag:s26] =	ssyncset.done $0x0  }
0xdc: {  	[sflag:s26] =	ssyncadd.s32 $0xFFFFE700  }
0xdd: {  	[tilespmem:s19], [sflag:$0x2] =	stream.strided.gather [hbm4b:s9+s17], $0x1800, s18, s17, $0x38;
	[tilespmem:$0x1C700] =	vst v63  }
0xde: {  	s28 =	sadd.s32 $0x1800, s9;
	s13 =	simm.s32 $0x0;
	s29 =	simm.s32 $0x0  }
0xdf: {  	[tilespmem:s20], [sflag:$0x2] =	stream.linear.gather [hbm4b:s28+s13], $0x100, $0x38;
	[tilespmem:$0x1C700] =	vst v63  }
0xe0: {  	v0 =	vld [tilespmem:s29+$0x1A370]  }
0xe1: {  	v1 =	vld [tilespmem:s29+$0x1A300]  }
0xe2: {  	v2 =	vld [tilespmem:s29+$0x1A310]  }
0xe3: {  	v3 =	vld [tilespmem:s29+$0x1A320]  }
0xe4: {  	v4 =	vld [tilespmem:s29+$0x1A330]  }
0xe5: {  	v5 =	vld [tilespmem:s29+$0x1A340]  }
0xe6: {  	v6 =	vld [tilespmem:s29+$0x1A350]  }
0xe7: {  	v11 =	vld [tilespmem:s29+$0x1A360]  }
0xe8: {  	v0 =	vld.idx.msk [tilespmem:v0+s3+$0x0], $0xffff  }
0xe9: {  	v1 =	vld.idx.msk [tilespmem:v1+s3+$0x0], $0xffff  }
0xea: {  	v13 =	vld.idx.msk [tilespmem:v2+s3+$0x0], $0xffff  }
0xeb: {  	v12 =	vld.idx.msk [tilespmem:v3+s3+$0x0], $0xffff  }
0xec: {  	v10 =	vld.idx.msk [tilespmem:v4+s3+$0x0], $0xffff  }
0xed: {  	v7 =	vimm.f32 $0.0e+00;
	v2 =	vimm.f32 $0.0e+00;
	v9 =	vld.idx.msk [tilespmem:v5+s3+$0x0], $0xffff  }
0xee: {  	v8 =	vld.idx.msk [tilespmem:v6+s3+$0x0], $0xffff;
	v4 =	vimm.f32 $0.0e+00;
	v6 =	vimm.f32 $0.0e+00;
	v3 =	vimm.f32 $0.0e+00  }
0xef: {  	s14 =	simm.s32 $0x80;
	s13 =	simm.s32 $0x400;
	v11 =	vld.idx.msk [tilespmem:v11+s3+$0x0], $0xffff;
	v0 =	vadd.f32 v0, v2;
	v5 =	vadd.f32 v1, v2;
	v1 =	vimm.f32 $0.0e+00  }
.LBB2_8:
0xf0: {  	p0 =	sne.s32 s13, $0x6200;
	v14 =	vld [tilespmem:s14+$0x1A370];
	v2 =	vadd.f32 v13, v2  }
0xf1: {  	v7 =	vadd.f32 v12, v7;
	v13 =	vld [tilespmem:s14+$0x1A300]  }
0xf2: {  	v4 =	vadd.f32 v10, v4;
	v12 =	vld [tilespmem:s14+$0x1A310]  }
0xf3: {  	v6 =	vadd.f32 v9, v6;
	v10 =	vld [tilespmem:s14+$0x1A320]  }
0xf4: {  	v3 =	vadd.f32 v8, v3;
	v9 =	vld [tilespmem:s14+$0x1A330]  }
0xf5: {  	v1 =	vadd.f32 v11, v1;
	v8 =	vld [tilespmem:s14+$0x1A340]  }
0xf6: {  	v11 =	vld [tilespmem:s14+$0x1A350]  }
0xf7: {  	v15 =	vld [tilespmem:s14+$0x1A360]  }
0xf8: {  	v14 =	vld.idx.msk [tilespmem:v14+s3+$0x0], $0xffff  }
0xf9: {  	v16 =	vld.idx.msk [tilespmem:v13+s3+$0x0], $0xffff  }
0xfa: {  	v13 =	vld.idx.msk [tilespmem:v12+s3+$0x0], $0xffff  }
.Ltmp3:
0xfb: {  	v12 =	vld.idx.msk [tilespmem:v10+s3+$0x0], $0xffff;
	(pc) =	sbr.rel @p0 .LBB2_8-.Ltmp3, $4  }
0xfc: {  	v10 =	vld.idx.msk [tilespmem:v9+s3+$0x0], $0xffff  }
0xfd: {  	v9 =	vld.idx.msk [tilespmem:v8+s3+$0x0], $0xffff  }
0xfe: {  	v0 =	vadd.f32 v14, v0;
	v8 =	vld.idx.msk [tilespmem:v11+s3+$0x0], $0xffff  }
0xff: {  	s14 =	sshra.s32 s13, $0x2;
	s13 =	sadd.s32 $0x200, s13;
	v5 =	vadd.f32 v16, v5;
	v11 =	vld.idx.msk [tilespmem:v15+s3+$0x0], $0xffff  }
0x100: {  	v14 =	vld [tilespmem:s14+$0x1A300]  }
0x101: {  	v15 =	vld [tilespmem:s14+$0x1A310]  }
0x102: {  	v20 =	vld [tilespmem:s14+$0x1A360]  }
0x103: {  	v21 =	vld [tilespmem:s14+$0x1A370]  }
0x104: {  	v16 =	vld [tilespmem:s14+$0x1A320]  }
0x105: {  	v17 =	vld [tilespmem:s14+$0x1A330]  }
0x106: {  	v18 =	vld [tilespmem:s14+$0x1A340]  }
0x107: {  	v19 =	vld [tilespmem:s14+$0x1A350]  }
0x108: {  	v14 =	vld.idx.msk [tilespmem:v14+s3+$0x0], $0xffff  }
0x109: {  	v15 =	vld.idx.msk [tilespmem:v15+s3+$0x0], $0xffff  }
0x10a: {  	v4 =	vadd.f32 v10, v4;
	v10 =	vld.idx.msk [tilespmem:v20+s3+$0x0], $0xffff  }
0x10b: {  	v6 =	vadd.f32 v9, v6;
	v9 =	vld.idx.msk [tilespmem:v21+s3+$0x0], $0xffff  }
0x10c: {  	v2 =	vadd.f32 v13, v2;
	v16 =	vld.idx.msk [tilespmem:v16+s3+$0x0], $0xffff  }
0x10d: {  	v1 =	vadd.f32 v11, v1;
	v17 =	vld.idx.msk [tilespmem:v17+s3+$0x0], $0xffff;
	v5 =	vadd.f32 v14, v5  }
0x10e: {  	v13 =	vld.idx.msk [tilespmem:v18+s3+$0x0], $0xffff;
	v2 =	vadd.f32 v15, v2  }
0x10f: {  	v7 =	vadd.f32 v12, v7;
	v12 =	vld.idx.msk [tilespmem:v19+s3+$0x0], $0xffff;
	v1 =	vadd.f32 v10, v1;
	v5 =	vmul.f32 $1.999999960e-02, v5  }
0x110: {  	v0 =	vadd.f32 v9, v0;
	v2 =	vmul.f32 $1.999999960e-02, v2  }
0x111: {  	v7 =	vadd.f32 v16, v7;
	v1 =	vmul.f32 $1.999999960e-02, v1;
	[tilespmem:$0x1C200] =	vst v5  }
0x112: {  	v3 =	vadd.f32 v8, v3;
	v4 =	vadd.f32 v17, v4;
	v0 =	vmul.f32 $1.999999960e-02, v0;
	[tilespmem:$0x1C210] =	vst v2  }
0x113: {  	v6 =	vadd.f32 v13, v6;
	v5 =	vmul.f32 $1.999999960e-02, v7;
	[tilespmem:$0x1C260] =	vst v1  }
0x114: {  	v3 =	vadd.f32 v12, v3;
	v2 =	vmul.f32 $1.999999960e-02, v4;
	[tilespmem:$0x1C270] =	vst v0  }
0x115: {  	v4 =	vmul.f32 $1.999999960e-02, v6;
	[tilespmem:$0x1C220] =	vst v5  }
0x116: {  	[tilespmem:$0x1C230] =	vst v2;
	v2 =	vmul.f32 $1.999999960e-02, v3  }
0x117: {  	[tilespmem:$0x1C240] =	vst v4  }
0x118: {  	[tilespmem:$0x1C250] =	vst v2  }
0x119: {  	_ =	swait.ge [sflag:s21], $0x1900  }
0x11a: {  	[sflag:s21] =	ssyncset.done $0x0  }
0x11b: {  	[sflag:s21] =	ssyncadd.s32 $0xFFFFE700  }
0x11c: {  	[tilespmem:s22], [sflag:$0x3] =	stream.strided.gather [hbm4b:s10+s17], $0x1800, s18, s17, $0x38;
	[tilespmem:$0x1C700] =	vst v63  }
0x11d: {  	s29 =	sadd.s32 $0x1800, s10;
	s13 =	simm.s32 $0x0;
	s16 =	simm.s32 $0x0  }
0x11e: {  	[tilespmem:s24], [sflag:$0x3] =	stream.linear.gather [hbm4b:s29+s13], $0x100, $0x38;
	[tilespmem:$0x1C700] =	vst v63  }
0x11f: {  	v0 =	vld [tilespmem:s16+$0x18770]  }
0x120: {  	v1 =	vld [tilespmem:s16+$0x18700]  }
0x121: {  	v2 =	vld [tilespmem:s16+$0x18710]  }
0x122: {  	v3 =	vld [tilespmem:s16+$0x18720]  }
0x123: {  	v4 =	vld [tilespmem:s16+$0x18730]  }
0x124: {  	v5 =	vld [tilespmem:s16+$0x18740]  }
0x125: {  	v6 =	vld [tilespmem:s16+$0x18750]  }
0x126: {  	v11 =	vld [tilespmem:s16+$0x18760]  }
0x127: {  	v0 =	vld.idx.msk [tilespmem:v0+s3+$0x0], $0xffff  }
0x128: {  	v1 =	vld.idx.msk [tilespmem:v1+s3+$0x0], $0xffff  }
0x129: {  	v13 =	vld.idx.msk [tilespmem:v2+s3+$0x0], $0xffff  }
0x12a: {  	v12 =	vld.idx.msk [tilespmem:v3+s3+$0x0], $0xffff  }
0x12b: {  	v10 =	vld.idx.msk [tilespmem:v4+s3+$0x0], $0xffff  }
0x12c: {  	v7 =	vimm.f32 $0.0e+00;
	v2 =	vimm.f32 $0.0e+00;
	v9 =	vld.idx.msk [tilespmem:v5+s3+$0x0], $0xffff  }
0x12d: {  	v8 =	vld.idx.msk [tilespmem:v6+s3+$0x0], $0xffff;
	v4 =	vimm.f32 $0.0e+00;
	v6 =	vimm.f32 $0.0e+00;
	v3 =	vimm.f32 $0.0e+00  }
0x12e: {  	s14 =	simm.s32 $0x80;
	s13 =	simm.s32 $0x400;
	v11 =	vld.idx.msk [tilespmem:v11+s3+$0x0], $0xffff;
	v0 =	vadd.f32 v0, v2;
	v5 =	vadd.f32 v1, v2;
	v1 =	vimm.f32 $0.0e+00  }
.LBB2_10:
0x12f: {  	p0 =	sne.s32 s13, $0x6200;
	v14 =	vld [tilespmem:s14+$0x18770];
	v2 =	vadd.f32 v13, v2  }
0x130: {  	v7 =	vadd.f32 v12, v7;
	v13 =	vld [tilespmem:s14+$0x18700]  }
0x131: {  	v4 =	vadd.f32 v10, v4;
	v12 =	vld [tilespmem:s14+$0x18710]  }
0x132: {  	v6 =	vadd.f32 v9, v6;
	v10 =	vld [tilespmem:s14+$0x18720]  }
0x133: {  	v3 =	vadd.f32 v8, v3;
	v9 =	vld [tilespmem:s14+$0x18730]  }
0x134: {  	v1 =	vadd.f32 v11, v1;
	v8 =	vld [tilespmem:s14+$0x18740]  }
0x135: {  	v11 =	vld [tilespmem:s14+$0x18750]  }
0x136: {  	v15 =	vld [tilespmem:s14+$0x18760]  }
0x137: {  	v14 =	vld.idx.msk [tilespmem:v14+s3+$0x0], $0xffff  }
0x138: {  	v16 =	vld.idx.msk [tilespmem:v13+s3+$0x0], $0xffff  }
0x139: {  	v13 =	vld.idx.msk [tilespmem:v12+s3+$0x0], $0xffff  }
.Ltmp4:
0x13a: {  	v12 =	vld.idx.msk [tilespmem:v10+s3+$0x0], $0xffff;
	(pc) =	sbr.rel @p0 .LBB2_10-.Ltmp4, $4  }
0x13b: {  	v10 =	vld.idx.msk [tilespmem:v9+s3+$0x0], $0xffff  }
0x13c: {  	v9 =	vld.idx.msk [tilespmem:v8+s3+$0x0], $0xffff  }
0x13d: {  	v0 =	vadd.f32 v14, v0;
	v8 =	vld.idx.msk [tilespmem:v11+s3+$0x0], $0xffff  }
0x13e: {  	s14 =	sshra.s32 s13, $0x2;
	s13 =	sadd.s32 $0x200, s13;
	v5 =	vadd.f32 v16, v5;
	v11 =	vld.idx.msk [tilespmem:v15+s3+$0x0], $0xffff  }
0x13f: {  	v14 =	vld [tilespmem:s14+$0x18700]  }
0x140: {  	v15 =	vld [tilespmem:s14+$0x18710]  }
0x141: {  	v20 =	vld [tilespmem:s14+$0x18760]  }
0x142: {  	v21 =	vld [tilespmem:s14+$0x18770]  }
0x143: {  	v16 =	vld [tilespmem:s14+$0x18720]  }
0x144: {  	v17 =	vld [tilespmem:s14+$0x18730]  }
0x145: {  	v18 =	vld [tilespmem:s14+$0x18740]  }
0x146: {  	v19 =	vld [tilespmem:s14+$0x18750]  }
0x147: {  	v14 =	vld.idx.msk [tilespmem:v14+s3+$0x0], $0xffff  }
0x148: {  	v15 =	vld.idx.msk [tilespmem:v15+s3+$0x0], $0xffff  }
0x149: {  	v4 =	vadd.f32 v10, v4;
	v10 =	vld.idx.msk [tilespmem:v20+s3+$0x0], $0xffff  }
0x14a: {  	v6 =	vadd.f32 v9, v6;
	v9 =	vld.idx.msk [tilespmem:v21+s3+$0x0], $0xffff  }
0x14b: {  	v2 =	vadd.f32 v13, v2;
	v16 =	vld.idx.msk [tilespmem:v16+s3+$0x0], $0xffff  }
0x14c: {  	v1 =	vadd.f32 v11, v1;
	v17 =	vld.idx.msk [tilespmem:v17+s3+$0x0], $0xffff;
	v5 =	vadd.f32 v14, v5  }
0x14d: {  	v13 =	vld.idx.msk [tilespmem:v18+s3+$0x0], $0xffff;
	v2 =	vadd.f32 v15, v2  }
0x14e: {  	v7 =	vadd.f32 v12, v7;
	v12 =	vld.idx.msk [tilespmem:v19+s3+$0x0], $0xffff;
	v1 =	vadd.f32 v10, v1;
	v5 =	vmul.f32 $1.999999960e-02, v5  }
0x14f: {  	v0 =	vadd.f32 v9, v0;
	v2 =	vmul.f32 $1.999999960e-02, v2  }
0x150: {  	v7 =	vadd.f32 v16, v7;
	v1 =	vmul.f32 $1.999999960e-02, v1;
	[tilespmem:$0x1C300] =	vst v5  }
0x151: {  	v3 =	vadd.f32 v8, v3;
	v4 =	vadd.f32 v17, v4;
	v0 =	vmul.f32 $1.999999960e-02, v0;
	[tilespmem:$0x1C310] =	vst v2  }
0x152: {  	v6 =	vadd.f32 v13, v6;
	v5 =	vmul.f32 $1.999999960e-02, v7;
	[tilespmem:$0x1C360] =	vst v1  }
0x153: {  	v3 =	vadd.f32 v12, v3;
	v2 =	vmul.f32 $1.999999960e-02, v4;
	[tilespmem:$0x1C370] =	vst v0  }
0x154: {  	v4 =	vmul.f32 $1.999999960e-02, v6;
	[tilespmem:$0x1C320] =	vst v5  }
0x155: {  	[tilespmem:$0x1C330] =	vst v2;
	v2 =	vmul.f32 $1.999999960e-02, v3  }
0x156: {  	[tilespmem:$0x1C340] =	vst v4  }
0x157: {  	[tilespmem:$0x1C350] =	vst v2  }
0x158: {  	_ =	swait.ge [sflag:s26], $0x1900  }
0x159: {  	[sflag:s26] =	ssyncset.done $0x0  }
0x15a: {  	[sflag:s26] =	ssyncadd.s32 $0xFFFFE700  }
0x15b: {  	[tilespmem:s19], [sflag:$0x2] =	stream.strided.gather [hbm4b:s11+s17], $0x1800, s18, s17, $0x38;
	[tilespmem:$0x1C700] =	vst v63  }
0x15c: {  	s16 =	sadd.s32 $0x1800, s11;
	s13 =	simm.s32 $0x0;
	s15 =	simm.s32 $0x0  }
0x15d: {  	[tilespmem:s20], [sflag:$0x2] =	stream.linear.gather [hbm4b:s16+s13], $0x100, $0x38;
	[tilespmem:$0x1C700] =	vst v63  }
0x15e: {  	v0 =	vld [tilespmem:s15+$0x1A370]  }
0x15f: {  	v1 =	vld [tilespmem:s15+$0x1A300]  }
0x160: {  	v2 =	vld [tilespmem:s15+$0x1A310]  }
0x161: {  	v3 =	vld [tilespmem:s15+$0x1A320]  }
0x162: {  	v4 =	vld [tilespmem:s15+$0x1A330]  }
0x163: {  	v5 =	vld [tilespmem:s15+$0x1A340]  }
0x164: {  	v6 =	vld [tilespmem:s15+$0x1A350]  }
0x165: {  	v11 =	vld [tilespmem:s15+$0x1A360]  }
0x166: {  	v0 =	vld.idx.msk [tilespmem:v0+s3+$0x0], $0xffff  }
0x167: {  	v1 =	vld.idx.msk [tilespmem:v1+s3+$0x0], $0xffff  }
0x168: {  	v13 =	vld.idx.msk [tilespmem:v2+s3+$0x0], $0xffff  }
0x169: {  	v12 =	vld.idx.msk [tilespmem:v3+s3+$0x0], $0xffff  }
0x16a: {  	v10 =	vld.idx.msk [tilespmem:v4+s3+$0x0], $0xffff  }
0x16b: {  	v7 =	vimm.f32 $0.0e+00;
	v2 =	vimm.f32 $0.0e+00;
	v9 =	vld.idx.msk [tilespmem:v5+s3+$0x0], $0xffff  }
0x16c: {  	v8 =	vld.idx.msk [tilespmem:v6+s3+$0x0], $0xffff;
	v4 =	vimm.f32 $0.0e+00;
	v6 =	vimm.f32 $0.0e+00;
	v3 =	vimm.f32 $0.0e+00  }
0x16d: {  	s14 =	simm.s32 $0x80;
	s13 =	simm.s32 $0x400;
	v11 =	vld.idx.msk [tilespmem:v11+s3+$0x0], $0xffff;
	v0 =	vadd.f32 v0, v2;
	v5 =	vadd.f32 v1, v2;
	v1 =	vimm.f32 $0.0e+00  }
.LBB2_12:
0x16e: {  	p0 =	sne.s32 s13, $0x6200;
	v14 =	vld [tilespmem:s14+$0x1A370];
	v2 =	vadd.f32 v13, v2  }
0x16f: {  	v7 =	vadd.f32 v12, v7;
	v13 =	vld [tilespmem:s14+$0x1A300]  }
0x170: {  	v4 =	vadd.f32 v10, v4;
	v12 =	vld [tilespmem:s14+$0x1A310]  }
0x171: {  	v6 =	vadd.f32 v9, v6;
	v10 =	vld [tilespmem:s14+$0x1A320]  }
0x172: {  	v3 =	vadd.f32 v8, v3;
	v9 =	vld [tilespmem:s14+$0x1A330]  }
0x173: {  	v1 =	vadd.f32 v11, v1;
	v8 =	vld [tilespmem:s14+$0x1A340]  }
0x174: {  	v11 =	vld [tilespmem:s14+$0x1A350]  }
0x175: {  	v15 =	vld [tilespmem:s14+$0x1A360]  }
0x176: {  	v14 =	vld.idx.msk [tilespmem:v14+s3+$0x0], $0xffff  }
0x177: {  	v16 =	vld.idx.msk [tilespmem:v13+s3+$0x0], $0xffff  }
0x178: {  	v13 =	vld.idx.msk [tilespmem:v12+s3+$0x0], $0xffff  }
.Ltmp5:
0x179: {  	v12 =	vld.idx.msk [tilespmem:v10+s3+$0x0], $0xffff;
	(pc) =	sbr.rel @p0 .LBB2_12-.Ltmp5, $4  }
0x17a: {  	v10 =	vld.idx.msk [tilespmem:v9+s3+$0x0], $0xffff  }
0x17b: {  	v9 =	vld.idx.msk [tilespmem:v8+s3+$0x0], $0xffff  }
0x17c: {  	v0 =	vadd.f32 v14, v0;
	v8 =	vld.idx.msk [tilespmem:v11+s3+$0x0], $0xffff  }
0x17d: {  	s14 =	sshra.s32 s13, $0x2;
	s13 =	sadd.s32 $0x200, s13;
	v5 =	vadd.f32 v16, v5;
	v11 =	vld.idx.msk [tilespmem:v15+s3+$0x0], $0xffff  }
0x17e: {  	v14 =	vld [tilespmem:s14+$0x1A300]  }
0x17f: {  	v15 =	vld [tilespmem:s14+$0x1A310]  }
0x180: {  	v20 =	vld [tilespmem:s14+$0x1A360]  }
0x181: {  	v21 =	vld [tilespmem:s14+$0x1A370]  }
0x182: {  	v16 =	vld [tilespmem:s14+$0x1A320]  }
0x183: {  	v17 =	vld [tilespmem:s14+$0x1A330]  }
0x184: {  	v18 =	vld [tilespmem:s14+$0x1A340]  }
0x185: {  	v19 =	vld [tilespmem:s14+$0x1A350]  }
0x186: {  	v14 =	vld.idx.msk [tilespmem:v14+s3+$0x0], $0xffff  }
0x187: {  	v15 =	vld.idx.msk [tilespmem:v15+s3+$0x0], $0xffff  }
0x188: {  	v4 =	vadd.f32 v10, v4;
	v10 =	vld.idx.msk [tilespmem:v20+s3+$0x0], $0xffff  }
0x189: {  	v6 =	vadd.f32 v9, v6;
	v9 =	vld.idx.msk [tilespmem:v21+s3+$0x0], $0xffff  }
0x18a: {  	v2 =	vadd.f32 v13, v2;
	v16 =	vld.idx.msk [tilespmem:v16+s3+$0x0], $0xffff  }
0x18b: {  	v1 =	vadd.f32 v11, v1;
	v17 =	vld.idx.msk [tilespmem:v17+s3+$0x0], $0xffff;
	v5 =	vadd.f32 v14, v5  }
0x18c: {  	v13 =	vld.idx.msk [tilespmem:v18+s3+$0x0], $0xffff;
	v2 =	vadd.f32 v15, v2  }
0x18d: {  	v7 =	vadd.f32 v12, v7;
	v12 =	vld.idx.msk [tilespmem:v19+s3+$0x0], $0xffff;
	v1 =	vadd.f32 v10, v1;
	v5 =	vmul.f32 $1.999999960e-02, v5  }
0x18e: {  	v0 =	vadd.f32 v9, v0;
	v2 =	vmul.f32 $1.999999960e-02, v2  }
0x18f: {  	v7 =	vadd.f32 v16, v7;
	v1 =	vmul.f32 $1.999999960e-02, v1;
	[tilespmem:$0x1C400] =	vst v5  }
0x190: {  	v3 =	vadd.f32 v8, v3;
	v4 =	vadd.f32 v17, v4;
	v0 =	vmul.f32 $1.999999960e-02, v0;
	[tilespmem:$0x1C410] =	vst v2  }
0x191: {  	v6 =	vadd.f32 v13, v6;
	v5 =	vmul.f32 $1.999999960e-02, v7;
	[tilespmem:$0x1C460] =	vst v1  }
0x192: {  	v3 =	vadd.f32 v12, v3;
	v2 =	vmul.f32 $1.999999960e-02, v4;
	[tilespmem:$0x1C470] =	vst v0  }
0x193: {  	v4 =	vmul.f32 $1.999999960e-02, v6;
	[tilespmem:$0x1C420] =	vst v5  }
0x194: {  	[tilespmem:$0x1C430] =	vst v2;
	v2 =	vmul.f32 $1.999999960e-02, v3  }
0x195: {  	[tilespmem:$0x1C440] =	vst v4  }
0x196: {  	[tilespmem:$0x1C450] =	vst v2  }
0x197: {  	_ =	swait.ge [sflag:s21], $0x1900  }
0x198: {  	[sflag:s21] =	ssyncset.done $0x0  }
0x199: {  	[sflag:s21] =	ssyncadd.s32 $0xFFFFE700  }
0x19a: {  	[tilespmem:s22], [sflag:$0x3] =	stream.strided.gather [hbm4b:s12+s17], $0x1800, s18, s17, $0x38;
	[tilespmem:$0x1C700] =	vst v63  }
0x19b: {  	s13 =	sadd.s32 $0x1800, s12;
	s4 =	simm.s32 $0x0;
	s15 =	simm.s32 $0x0  }
0x19c: {  	[tilespmem:s24], [sflag:$0x3] =	stream.linear.gather [hbm4b:s13+s4], $0x100, $0x38;
	[tilespmem:$0x1C700] =	vst v63  }
0x19d: {  	v0 =	vld [tilespmem:s15+$0x18770]  }
0x19e: {  	v1 =	vld [tilespmem:s15+$0x18700]  }
0x19f: {  	v2 =	vld [tilespmem:s15+$0x18710]  }
0x1a0: {  	v3 =	vld [tilespmem:s15+$0x18720]  }
0x1a1: {  	v4 =	vld [tilespmem:s15+$0x18730]  }
0x1a2: {  	v5 =	vld [tilespmem:s15+$0x18740]  }
0x1a3: {  	v6 =	vld [tilespmem:s15+$0x18750]  }
0x1a4: {  	v11 =	vld [tilespmem:s15+$0x18760]  }
0x1a5: {  	v0 =	vld.idx.msk [tilespmem:v0+s3+$0x0], $0xffff  }
0x1a6: {  	v1 =	vld.idx.msk [tilespmem:v1+s3+$0x0], $0xffff  }
0x1a7: {  	v13 =	vld.idx.msk [tilespmem:v2+s3+$0x0], $0xffff  }
0x1a8: {  	v12 =	vld.idx.msk [tilespmem:v3+s3+$0x0], $0xffff  }
0x1a9: {  	v10 =	vld.idx.msk [tilespmem:v4+s3+$0x0], $0xffff  }
0x1aa: {  	v7 =	vimm.f32 $0.0e+00;
	v2 =	vimm.f32 $0.0e+00;
	v9 =	vld.idx.msk [tilespmem:v5+s3+$0x0], $0xffff  }
0x1ab: {  	v8 =	vld.idx.msk [tilespmem:v6+s3+$0x0], $0xffff;
	v4 =	vimm.f32 $0.0e+00;
	v6 =	vimm.f32 $0.0e+00;
	v3 =	vimm.f32 $0.0e+00  }
0x1ac: {  	s14 =	simm.s32 $0x400;
	s15 =	simm.s32 $0x80;
	v11 =	vld.idx.msk [tilespmem:v11+s3+$0x0], $0xffff;
	v0 =	vadd.f32 v0, v2;
	v5 =	vadd.f32 v1, v2;
	v1 =	vimm.f32 $0.0e+00  }
.LBB2_14:
0x1ad: {  	p0 =	sne.s32 s14, $0x6200;
	v14 =	vld [tilespmem:s15+$0x18770];
	v2 =	vadd.f32 v13, v2  }
0x1ae: {  	v7 =	vadd.f32 v12, v7;
	v13 =	vld [tilespmem:s15+$0x18700]  }
0x1af: {  	v4 =	vadd.f32 v10, v4;
	v12 =	vld [tilespmem:s15+$0x18710]  }
0x1b0: {  	v6 =	vadd.f32 v9, v6;
	v10 =	vld [tilespmem:s15+$0x18720]  }
0x1b1: {  	v3 =	vadd.f32 v8, v3;
	v9 =	vld [tilespmem:s15+$0x18730]  }
0x1b2: {  	v1 =	vadd.f32 v11, v1;
	v8 =	vld [tilespmem:s15+$0x18740]  }
0x1b3: {  	v11 =	vld [tilespmem:s15+$0x18750]  }
0x1b4: {  	v15 =	vld [tilespmem:s15+$0x18760]  }
0x1b5: {  	v14 =	vld.idx.msk [tilespmem:v14+s3+$0x0], $0xffff  }
0x1b6: {  	v16 =	vld.idx.msk [tilespmem:v13+s3+$0x0], $0xffff  }
0x1b7: {  	v13 =	vld.idx.msk [tilespmem:v12+s3+$0x0], $0xffff  }
.Ltmp6:
0x1b8: {  	v12 =	vld.idx.msk [tilespmem:v10+s3+$0x0], $0xffff;
	(pc) =	sbr.rel @p0 .LBB2_14-.Ltmp6, $4  }
0x1b9: {  	v10 =	vld.idx.msk [tilespmem:v9+s3+$0x0], $0xffff  }
0x1ba: {  	v9 =	vld.idx.msk [tilespmem:v8+s3+$0x0], $0xffff  }
0x1bb: {  	v0 =	vadd.f32 v14, v0;
	v8 =	vld.idx.msk [tilespmem:v11+s3+$0x0], $0xffff  }
0x1bc: {  	s15 =	sshra.s32 s14, $0x2;
	s14 =	sadd.s32 $0x200, s14;
	v5 =	vadd.f32 v16, v5;
	v11 =	vld.idx.msk [tilespmem:v15+s3+$0x0], $0xffff  }
0x1bd: {  	v14 =	vld [tilespmem:s15+$0x18700]  }
0x1be: {  	v15 =	vld [tilespmem:s15+$0x18710]  }
0x1bf: {  	v20 =	vld [tilespmem:s15+$0x18760]  }
0x1c0: {  	v21 =	vld [tilespmem:s15+$0x18770]  }
0x1c1: {  	v16 =	vld [tilespmem:s15+$0x18720]  }
0x1c2: {  	v17 =	vld [tilespmem:s15+$0x18730]  }
0x1c3: {  	v18 =	vld [tilespmem:s15+$0x18740]  }
0x1c4: {  	v19 =	vld [tilespmem:s15+$0x18750]  }
0x1c5: {  	v14 =	vld.idx.msk [tilespmem:v14+s3+$0x0], $0xffff  }
0x1c6: {  	v15 =	vld.idx.msk [tilespmem:v15+s3+$0x0], $0xffff  }
0x1c7: {  	v4 =	vadd.f32 v10, v4;
	v10 =	vld.idx.msk [tilespmem:v20+s3+$0x0], $0xffff  }
0x1c8: {  	v6 =	vadd.f32 v9, v6;
	v9 =	vld.idx.msk [tilespmem:v21+s3+$0x0], $0xffff  }
0x1c9: {  	v2 =	vadd.f32 v13, v2;
	v16 =	vld.idx.msk [tilespmem:v16+s3+$0x0], $0xffff  }
0x1ca: {  	v1 =	vadd.f32 v11, v1;
	v17 =	vld.idx.msk [tilespmem:v17+s3+$0x0], $0xffff;
	v5 =	vadd.f32 v14, v5  }
0x1cb: {  	v13 =	vld.idx.msk [tilespmem:v18+s3+$0x0], $0xffff;
	v2 =	vadd.f32 v15, v2  }
0x1cc: {  	v7 =	vadd.f32 v12, v7;
	v12 =	vld.idx.msk [tilespmem:v19+s3+$0x0], $0xffff;
	v1 =	vadd.f32 v10, v1;
	v5 =	vmul.f32 $1.999999960e-02, v5  }
0x1cd: {  	v0 =	vadd.f32 v9, v0;
	v2 =	vmul.f32 $1.999999960e-02, v2  }
0x1ce: {  	v7 =	vadd.f32 v16, v7;
	v1 =	vmul.f32 $1.999999960e-02, v1;
	[tilespmem:$0x1C500] =	vst v5  }
0x1cf: {  	v3 =	vadd.f32 v8, v3;
	v4 =	vadd.f32 v17, v4;
	v0 =	vmul.f32 $1.999999960e-02, v0;
	[tilespmem:$0x1C510] =	vst v2  }
0x1d0: {  	v6 =	vadd.f32 v13, v6;
	v5 =	vmul.f32 $1.999999960e-02, v7;
	[tilespmem:$0x1C560] =	vst v1  }
0x1d1: {  	v3 =	vadd.f32 v12, v3;
	v2 =	vmul.f32 $1.999999960e-02, v4;
	[tilespmem:$0x1C570] =	vst v0  }
0x1d2: {  	v4 =	vmul.f32 $1.999999960e-02, v6;
	[tilespmem:$0x1C520] =	vst v5  }
0x1d3: {  	[tilespmem:$0x1C530] =	vst v2;
	v2 =	vmul.f32 $1.999999960e-02, v3  }
0x1d4: {  	[tilespmem:$0x1C540] =	vst v4  }
0x1d5: {  	[tilespmem:$0x1C550] =	vst v2  }
0x1d6: {  	_ =	swait.ge [sflag:s26], $0x1900  }
0x1d7: {  	[sflag:s26] =	ssyncset.done $0x0  }
0x1d8: {  	s14 =	simm.s32 $0x0;
	[sflag:s26] =	ssyncadd.s32 $0xFFFFE700  }
0x1d9: {  	v0 =	vld [tilespmem:s14+$0x1A370]  }
0x1da: {  	v1 =	vld [tilespmem:s14+$0x1A300]  }
0x1db: {  	v2 =	vld [tilespmem:s14+$0x1A310]  }
0x1dc: {  	v3 =	vld [tilespmem:s14+$0x1A320]  }
0x1dd: {  	v4 =	vld [tilespmem:s14+$0x1A330]  }
0x1de: {  	v5 =	vld [tilespmem:s14+$0x1A340]  }
0x1df: {  	v6 =	vld [tilespmem:s14+$0x1A350]  }
0x1e0: {  	v11 =	vld [tilespmem:s14+$0x1A360]  }
0x1e1: {  	v0 =	vld.idx.msk [tilespmem:v0+s3+$0x0], $0xffff  }
0x1e2: {  	v1 =	vld.idx.msk [tilespmem:v1+s3+$0x0], $0xffff  }
0x1e3: {  	v13 =	vld.idx.msk [tilespmem:v2+s3+$0x0], $0xffff  }
0x1e4: {  	v12 =	vld.idx.msk [tilespmem:v3+s3+$0x0], $0xffff  }
0x1e5: {  	v10 =	vld.idx.msk [tilespmem:v4+s3+$0x0], $0xffff  }
0x1e6: {  	v7 =	vimm.f32 $0.0e+00;
	v2 =	vimm.f32 $0.0e+00;
	v9 =	vld.idx.msk [tilespmem:v5+s3+$0x0], $0xffff  }
0x1e7: {  	v8 =	vld.idx.msk [tilespmem:v6+s3+$0x0], $0xffff;
	v4 =	vimm.f32 $0.0e+00;
	v6 =	vimm.f32 $0.0e+00;
	v3 =	vimm.f32 $0.0e+00  }
0x1e8: {  	s15 =	simm.s32 $0x80;
	s14 =	simm.s32 $0x400;
	v11 =	vld.idx.msk [tilespmem:v11+s3+$0x0], $0xffff;
	v0 =	vadd.f32 v0, v2;
	v5 =	vadd.f32 v1, v2;
	v1 =	vimm.f32 $0.0e+00  }
.LBB2_16:
0x1e9: {  	p0 =	sne.s32 s14, $0x6200;
	v14 =	vld [tilespmem:s15+$0x1A370];
	v2 =	vadd.f32 v13, v2  }
0x1ea: {  	v7 =	vadd.f32 v12, v7;
	v13 =	vld [tilespmem:s15+$0x1A300]  }
0x1eb: {  	v4 =	vadd.f32 v10, v4;
	v12 =	vld [tilespmem:s15+$0x1A310]  }
0x1ec: {  	v6 =	vadd.f32 v9, v6;
	v10 =	vld [tilespmem:s15+$0x1A320]  }
0x1ed: {  	v3 =	vadd.f32 v8, v3;
	v9 =	vld [tilespmem:s15+$0x1A330]  }
0x1ee: {  	v1 =	vadd.f32 v11, v1;
	v8 =	vld [tilespmem:s15+$0x1A340]  }
0x1ef: {  	v11 =	vld [tilespmem:s15+$0x1A350]  }
0x1f0: {  	v15 =	vld [tilespmem:s15+$0x1A360]  }
0x1f1: {  	v14 =	vld.idx.msk [tilespmem:v14+s3+$0x0], $0xffff  }
0x1f2: {  	v16 =	vld.idx.msk [tilespmem:v13+s3+$0x0], $0xffff  }
0x1f3: {  	v13 =	vld.idx.msk [tilespmem:v12+s3+$0x0], $0xffff  }
.Ltmp7:
0x1f4: {  	v12 =	vld.idx.msk [tilespmem:v10+s3+$0x0], $0xffff;
	(pc) =	sbr.rel @p0 .LBB2_16-.Ltmp7, $4  }
0x1f5: {  	v10 =	vld.idx.msk [tilespmem:v9+s3+$0x0], $0xffff  }
0x1f6: {  	v9 =	vld.idx.msk [tilespmem:v8+s3+$0x0], $0xffff  }
0x1f7: {  	v0 =	vadd.f32 v14, v0;
	v8 =	vld.idx.msk [tilespmem:v11+s3+$0x0], $0xffff  }
0x1f8: {  	s15 =	sshra.s32 s14, $0x2;
	s14 =	sadd.s32 $0x200, s14;
	v5 =	vadd.f32 v16, v5;
	v11 =	vld.idx.msk [tilespmem:v15+s3+$0x0], $0xffff  }
0x1f9: {  	v14 =	vld [tilespmem:s15+$0x1A300]  }
0x1fa: {  	v15 =	vld [tilespmem:s15+$0x1A310]  }
0x1fb: {  	v20 =	vld [tilespmem:s15+$0x1A360]  }
0x1fc: {  	v21 =	vld [tilespmem:s15+$0x1A370]  }
0x1fd: {  	v16 =	vld [tilespmem:s15+$0x1A320]  }
0x1fe: {  	v17 =	vld [tilespmem:s15+$0x1A330]  }
0x1ff: {  	v18 =	vld [tilespmem:s15+$0x1A340]  }
0x200: {  	v19 =	vld [tilespmem:s15+$0x1A350]  }
0x201: {  	v14 =	vld.idx.msk [tilespmem:v14+s3+$0x0], $0xffff  }
0x202: {  	v15 =	vld.idx.msk [tilespmem:v15+s3+$0x0], $0xffff  }
0x203: {  	v4 =	vadd.f32 v10, v4;
	v10 =	vld.idx.msk [tilespmem:v20+s3+$0x0], $0xffff  }
0x204: {  	v6 =	vadd.f32 v9, v6;
	v9 =	vld.idx.msk [tilespmem:v21+s3+$0x0], $0xffff  }
0x205: {  	v2 =	vadd.f32 v13, v2;
	v16 =	vld.idx.msk [tilespmem:v16+s3+$0x0], $0xffff  }
0x206: {  	v1 =	vadd.f32 v11, v1;
	v17 =	vld.idx.msk [tilespmem:v17+s3+$0x0], $0xffff;
	v5 =	vadd.f32 v14, v5  }
0x207: {  	v13 =	vld.idx.msk [tilespmem:v18+s3+$0x0], $0xffff;
	v2 =	vadd.f32 v15, v2  }
0x208: {  	v7 =	vadd.f32 v12, v7;
	v12 =	vld.idx.msk [tilespmem:v19+s3+$0x0], $0xffff;
	v1 =	vadd.f32 v10, v1;
	v5 =	vmul.f32 $1.999999960e-02, v5  }
0x209: {  	v0 =	vadd.f32 v9, v0;
	v2 =	vmul.f32 $1.999999960e-02, v2  }
0x20a: {  	v7 =	vadd.f32 v16, v7;
	v1 =	vmul.f32 $1.999999960e-02, v1;
	[tilespmem:$0x1C600] =	vst v5  }
0x20b: {  	v3 =	vadd.f32 v8, v3;
	v4 =	vadd.f32 v17, v4;
	v0 =	vmul.f32 $1.999999960e-02, v0;
	[tilespmem:$0x1C610] =	vst v2  }
0x20c: {  	v6 =	vadd.f32 v13, v6;
	v5 =	vmul.f32 $1.999999960e-02, v7;
	[tilespmem:$0x1C660] =	vst v1  }
0x20d: {  	v3 =	vadd.f32 v12, v3;
	v2 =	vmul.f32 $1.999999960e-02, v4;
	[tilespmem:$0x1C670] =	vst v0  }
0x20e: {  	v4 =	vmul.f32 $1.999999960e-02, v6;
	[tilespmem:$0x1C620] =	vst v5  }
0x20f: {  	[tilespmem:$0x1C630] =	vst v2;
	v2 =	vmul.f32 $1.999999960e-02, v3  }
0x210: {  	[tilespmem:$0x1C640] =	vst v4  }
0x211: {  	s14 =	simm.s32 $0x0;
	s15 =	rddreg [dreg:$0x4];
	s4 =	simm.s32 $0x80;
	[tilespmem:$0x1C650] =	vst v2  }
0x212: {  	[tilespmem:s14], [sflag:$0x1] =	stream.strided.gather [hbm4b:s15+s4], $0x18700, s17, s4, $0x38;
	[tilespmem:$0x1C700] =	vst v63  }
0x213: {  	_ = 	snop  }
0x214: {  	[tilespmem:s19], [sflag:$0x2] =	stream.strided.gather [hbm4b:s1+s17], $0x1800, s18, s17, $0x38;
	[tilespmem:$0x1C700] =	vst v63  }
0x215: {  	_ = 	snop  }
0x216: {  	[tilespmem:s20], [sflag:$0x2] =	stream.linear.gather [hbm4b:s5+s14], $0x100, $0x38;
	[tilespmem:$0x1C700] =	vst v63  }
0x217: {  	_ =	swait.ge [sflag:s21], $0x1900  }
0x218: {  	[sflag:s21] =	ssyncset.done $0x0  }
0x219: {  	[sflag:s21] =	ssyncadd.s32 $0xFFFFE700  }
0x21a: {  	[tilespmem:s22], [sflag:$0x3] =	stream.strided.gather [hbm4b:s6+s17], $0x1800, s18, s17, $0x38;
	[tilespmem:$0x1C700] =	vst v63  }
0x21b: {  	_ = 	snop  }
0x21c: {  	[tilespmem:s24], [sflag:$0x3] =	stream.linear.gather [hbm4b:s23+s14], $0x100, $0x38;
	[tilespmem:$0x1C700] =	vst v63  }
0x21d: {  	_ =	swait.ge [sflag:s25], $0x18700  }
0x21e: {  	[sflag:s25] =	ssyncset.done $0x0  }
0x21f: {  	s15 =	simm.s32 $0x0;
	[sflag:s25] =	ssyncadd.s32 $0xFFFE7900  }
0x220: {  	v0 =	vld [tilespmem:s15+$0x18770]  }
0x221: {  	v1 =	vld [tilespmem:s15+$0x18700]  }
0x222: {  	v2 =	vld [tilespmem:s15+$0x18710]  }
0x223: {  	v3 =	vld [tilespmem:s15+$0x18720]  }
0x224: {  	v4 =	vld [tilespmem:s15+$0x18730]  }
0x225: {  	v5 =	vld [tilespmem:s15+$0x18740]  }
0x226: {  	v6 =	vld [tilespmem:s15+$0x18750]  }
0x227: {  	v11 =	vld [tilespmem:s15+$0x18760]  }
0x228: {  	v0 =	vld.idx.msk [tilespmem:v0+s3+$0x0], $0xffff  }
0x229: {  	v1 =	vld.idx.msk [tilespmem:v1+s3+$0x0], $0xffff  }
0x22a: {  	v13 =	vld.idx.msk [tilespmem:v2+s3+$0x0], $0xffff  }
0x22b: {  	v12 =	vld.idx.msk [tilespmem:v3+s3+$0x0], $0xffff  }
0x22c: {  	v10 =	vld.idx.msk [tilespmem:v4+s3+$0x0], $0xffff  }
0x22d: {  	v7 =	vimm.f32 $0.0e+00;
	v2 =	vimm.f32 $0.0e+00;
	v9 =	vld.idx.msk [tilespmem:v5+s3+$0x0], $0xffff  }
0x22e: {  	v8 =	vld.idx.msk [tilespmem:v6+s3+$0x0], $0xffff;
	v4 =	vimm.f32 $0.0e+00;
	v6 =	vimm.f32 $0.0e+00;
	v3 =	vimm.f32 $0.0e+00  }
0x22f: {  	s14 =	simm.s32 $0x400;
	s15 =	simm.s32 $0x80;
	v11 =	vld.idx.msk [tilespmem:v11+s3+$0x0], $0xffff;
	v0 =	vadd.f32 v0, v2;
	v5 =	vadd.f32 v1, v2;
	v1 =	vimm.f32 $0.0e+00  }
.LBB2_18:
0x230: {  	p0 =	sne.s32 s14, $0x6200;
	v14 =	vld [tilespmem:s15+$0x18770];
	v2 =	vadd.f32 v13, v2  }
0x231: {  	v7 =	vadd.f32 v12, v7;
	v13 =	vld [tilespmem:s15+$0x18700]  }
0x232: {  	v4 =	vadd.f32 v10, v4;
	v12 =	vld [tilespmem:s15+$0x18710]  }
0x233: {  	v6 =	vadd.f32 v9, v6;
	v10 =	vld [tilespmem:s15+$0x18720]  }
0x234: {  	v3 =	vadd.f32 v8, v3;
	v9 =	vld [tilespmem:s15+$0x18730]  }
0x235: {  	v1 =	vadd.f32 v11, v1;
	v8 =	vld [tilespmem:s15+$0x18740]  }
0x236: {  	v11 =	vld [tilespmem:s15+$0x18750]  }
0x237: {  	v15 =	vld [tilespmem:s15+$0x18760]  }
0x238: {  	v14 =	vld.idx.msk [tilespmem:v14+s3+$0x0], $0xffff  }
0x239: {  	v16 =	vld.idx.msk [tilespmem:v13+s3+$0x0], $0xffff  }
0x23a: {  	v13 =	vld.idx.msk [tilespmem:v12+s3+$0x0], $0xffff  }
.Ltmp8:
0x23b: {  	v12 =	vld.idx.msk [tilespmem:v10+s3+$0x0], $0xffff;
	(pc) =	sbr.rel @p0 .LBB2_18-.Ltmp8, $4  }
0x23c: {  	v10 =	vld.idx.msk [tilespmem:v9+s3+$0x0], $0xffff  }
0x23d: {  	v9 =	vld.idx.msk [tilespmem:v8+s3+$0x0], $0xffff  }
0x23e: {  	v0 =	vadd.f32 v14, v0;
	v8 =	vld.idx.msk [tilespmem:v11+s3+$0x0], $0xffff  }
0x23f: {  	s15 =	sshra.s32 s14, $0x2;
	s14 =	sadd.s32 $0x200, s14;
	v5 =	vadd.f32 v16, v5;
	v11 =	vld.idx.msk [tilespmem:v15+s3+$0x0], $0xffff  }
0x240: {  	v14 =	vld [tilespmem:s15+$0x18700]  }
0x241: {  	v15 =	vld [tilespmem:s15+$0x18710]  }
0x242: {  	v20 =	vld [tilespmem:s15+$0x18760]  }
0x243: {  	v21 =	vld [tilespmem:s15+$0x18770]  }
0x244: {  	v16 =	vld [tilespmem:s15+$0x18720]  }
0x245: {  	v17 =	vld [tilespmem:s15+$0x18730]  }
0x246: {  	v18 =	vld [tilespmem:s15+$0x18740]  }
0x247: {  	v19 =	vld [tilespmem:s15+$0x18750]  }
0x248: {  	v14 =	vld.idx.msk [tilespmem:v14+s3+$0x0], $0xffff  }
0x249: {  	v15 =	vld.idx.msk [tilespmem:v15+s3+$0x0], $0xffff  }
0x24a: {  	v4 =	vadd.f32 v10, v4;
	v10 =	vld.idx.msk [tilespmem:v20+s3+$0x0], $0xffff  }
0x24b: {  	v6 =	vadd.f32 v9, v6;
	v9 =	vld.idx.msk [tilespmem:v21+s3+$0x0], $0xffff  }
0x24c: {  	v2 =	vadd.f32 v13, v2;
	v16 =	vld.idx.msk [tilespmem:v16+s3+$0x0], $0xffff  }
0x24d: {  	v1 =	vadd.f32 v11, v1;
	v17 =	vld.idx.msk [tilespmem:v17+s3+$0x0], $0xffff;
	v5 =	vadd.f32 v14, v5  }
0x24e: {  	v13 =	vld.idx.msk [tilespmem:v18+s3+$0x0], $0xffff;
	v2 =	vadd.f32 v15, v2  }
0x24f: {  	v7 =	vadd.f32 v12, v7;
	v12 =	vld.idx.msk [tilespmem:v19+s3+$0x0], $0xffff;
	v1 =	vadd.f32 v10, v1;
	v5 =	vmul.f32 $1.999999960e-02, v5  }
0x250: {  	v0 =	vadd.f32 v9, v0;
	v2 =	vmul.f32 $1.999999960e-02, v2  }
0x251: {  	v7 =	vadd.f32 v16, v7;
	v1 =	vmul.f32 $1.999999960e-02, v1;
	[tilespmem:$0x1BF80] =	vst v5  }
0x252: {  	v3 =	vadd.f32 v8, v3;
	v4 =	vadd.f32 v17, v4;
	v0 =	vmul.f32 $1.999999960e-02, v0;
	[tilespmem:$0x1BF90] =	vst v2  }
0x253: {  	v6 =	vadd.f32 v13, v6;
	v5 =	vmul.f32 $1.999999960e-02, v7;
	[tilespmem:$0x1BFE0] =	vst v1  }
0x254: {  	v3 =	vadd.f32 v12, v3;
	v2 =	vmul.f32 $1.999999960e-02, v4;
	[tilespmem:$0x1BFF0] =	vst v0  }
0x255: {  	v4 =	vmul.f32 $1.999999960e-02, v6;
	[tilespmem:$0x1BFA0] =	vst v5  }
0x256: {  	[tilespmem:$0x1BFB0] =	vst v2;
	v2 =	vmul.f32 $1.999999960e-02, v3  }
0x257: {  	[tilespmem:$0x1BFC0] =	vst v4  }
0x258: {  	[tilespmem:$0x1BFD0] =	vst v2  }
0x259: {  	_ =	swait.ge [sflag:s26], $0x1900  }
0x25a: {  	[sflag:s26] =	ssyncset.done $0x0  }
0x25b: {  	[sflag:s26] =	ssyncadd.s32 $0xFFFFE700  }
0x25c: {  	[tilespmem:s19], [sflag:$0x2] =	stream.strided.gather [hbm4b:s7+s17], $0x1800, s18, s17, $0x38;
	[tilespmem:$0x1C700] =	vst v63  }
0x25d: {  	s14 =	simm.s32 $0x0;
	s15 =	simm.s32 $0x0  }
0x25e: {  	[tilespmem:s20], [sflag:$0x2] =	stream.linear.gather [hbm4b:s0+s14], $0x100, $0x38;
	[tilespmem:$0x1C700] =	vst v63  }
0x25f: {  	v0 =	vld [tilespmem:s15+$0x1A370]  }
0x260: {  	v1 =	vld [tilespmem:s15+$0x1A300]  }
0x261: {  	v2 =	vld [tilespmem:s15+$0x1A310]  }
0x262: {  	v3 =	vld [tilespmem:s15+$0x1A320]  }
0x263: {  	v4 =	vld [tilespmem:s15+$0x1A330]  }
0x264: {  	v5 =	vld [tilespmem:s15+$0x1A340]  }
0x265: {  	v6 =	vld [tilespmem:s15+$0x1A350]  }
0x266: {  	v11 =	vld [tilespmem:s15+$0x1A360]  }
0x267: {  	v0 =	vld.idx.msk [tilespmem:v0+s3+$0x0], $0xffff  }
0x268: {  	v1 =	vld.idx.msk [tilespmem:v1+s3+$0x0], $0xffff  }
0x269: {  	v13 =	vld.idx.msk [tilespmem:v2+s3+$0x0], $0xffff  }
0x26a: {  	v12 =	vld.idx.msk [tilespmem:v3+s3+$0x0], $0xffff  }
0x26b: {  	v10 =	vld.idx.msk [tilespmem:v4+s3+$0x0], $0xffff  }
0x26c: {  	v7 =	vimm.f32 $0.0e+00;
	v2 =	vimm.f32 $0.0e+00;
	v9 =	vld.idx.msk [tilespmem:v5+s3+$0x0], $0xffff  }
0x26d: {  	v8 =	vld.idx.msk [tilespmem:v6+s3+$0x0], $0xffff;
	v4 =	vimm.f32 $0.0e+00;
	v6 =	vimm.f32 $0.0e+00;
	v3 =	vimm.f32 $0.0e+00  }
0x26e: {  	s14 =	simm.s32 $0x80;
	s0 =	simm.s32 $0x400;
	v11 =	vld.idx.msk [tilespmem:v11+s3+$0x0], $0xffff;
	v0 =	vadd.f32 v0, v2;
	v5 =	vadd.f32 v1, v2;
	v1 =	vimm.f32 $0.0e+00  }
.LBB2_20:
0x26f: {  	p0 =	sne.s32 s0, $0x6200;
	v14 =	vld [tilespmem:s14+$0x1A370];
	v2 =	vadd.f32 v13, v2  }
0x270: {  	v7 =	vadd.f32 v12, v7;
	v13 =	vld [tilespmem:s14+$0x1A300]  }
0x271: {  	v4 =	vadd.f32 v10, v4;
	v12 =	vld [tilespmem:s14+$0x1A310]  }
0x272: {  	v6 =	vadd.f32 v9, v6;
	v10 =	vld [tilespmem:s14+$0x1A320]  }
0x273: {  	v3 =	vadd.f32 v8, v3;
	v9 =	vld [tilespmem:s14+$0x1A330]  }
0x274: {  	v1 =	vadd.f32 v11, v1;
	v8 =	vld [tilespmem:s14+$0x1A340]  }
0x275: {  	v11 =	vld [tilespmem:s14+$0x1A350]  }
0x276: {  	v15 =	vld [tilespmem:s14+$0x1A360]  }
0x277: {  	v14 =	vld.idx.msk [tilespmem:v14+s3+$0x0], $0xffff  }
0x278: {  	v16 =	vld.idx.msk [tilespmem:v13+s3+$0x0], $0xffff  }
0x279: {  	v13 =	vld.idx.msk [tilespmem:v12+s3+$0x0], $0xffff  }
.Ltmp9:
0x27a: {  	v12 =	vld.idx.msk [tilespmem:v10+s3+$0x0], $0xffff;
	(pc) =	sbr.rel @p0 .LBB2_20-.Ltmp9, $4  }
0x27b: {  	v10 =	vld.idx.msk [tilespmem:v9+s3+$0x0], $0xffff  }
0x27c: {  	v9 =	vld.idx.msk [tilespmem:v8+s3+$0x0], $0xffff  }
0x27d: {  	v0 =	vadd.f32 v14, v0;
	v8 =	vld.idx.msk [tilespmem:v11+s3+$0x0], $0xffff  }
0x27e: {  	s14 =	sshra.s32 s0, $0x2;
	s0 =	sadd.s32 $0x200, s0;
	v5 =	vadd.f32 v16, v5;
	v11 =	vld.idx.msk [tilespmem:v15+s3+$0x0], $0xffff  }
0x27f: {  	v14 =	vld [tilespmem:s14+$0x1A300]  }
0x280: {  	v15 =	vld [tilespmem:s14+$0x1A310]  }
0x281: {  	v20 =	vld [tilespmem:s14+$0x1A360]  }
0x282: {  	v21 =	vld [tilespmem:s14+$0x1A370]  }
0x283: {  	v16 =	vld [tilespmem:s14+$0x1A320]  }
0x284: {  	v17 =	vld [tilespmem:s14+$0x1A330]  }
0x285: {  	v18 =	vld [tilespmem:s14+$0x1A340]  }
0x286: {  	v19 =	vld [tilespmem:s14+$0x1A350]  }
0x287: {  	v14 =	vld.idx.msk [tilespmem:v14+s3+$0x0], $0xffff  }
0x288: {  	v15 =	vld.idx.msk [tilespmem:v15+s3+$0x0], $0xffff  }
0x289: {  	v4 =	vadd.f32 v10, v4;
	v10 =	vld.idx.msk [tilespmem:v20+s3+$0x0], $0xffff  }
0x28a: {  	v6 =	vadd.f32 v9, v6;
	v9 =	vld.idx.msk [tilespmem:v21+s3+$0x0], $0xffff  }
0x28b: {  	v2 =	vadd.f32 v13, v2;
	v16 =	vld.idx.msk [tilespmem:v16+s3+$0x0], $0xffff  }
0x28c: {  	v1 =	vadd.f32 v11, v1;
	v17 =	vld.idx.msk [tilespmem:v17+s3+$0x0], $0xffff;
	v5 =	vadd.f32 v14, v5  }
0x28d: {  	v13 =	vld.idx.msk [tilespmem:v18+s3+$0x0], $0xffff;
	v2 =	vadd.f32 v15, v2  }
0x28e: {  	v7 =	vadd.f32 v12, v7;
	v12 =	vld.idx.msk [tilespmem:v19+s3+$0x0], $0xffff;
	v1 =	vadd.f32 v10, v1;
	v5 =	vmul.f32 $1.999999960e-02, v5  }
0x28f: {  	v0 =	vadd.f32 v9, v0;
	v2 =	vmul.f32 $1.999999960e-02, v2  }
0x290: {  	v7 =	vadd.f32 v16, v7;
	v1 =	vmul.f32 $1.999999960e-02, v1;
	[tilespmem:$0x1C080] =	vst v5  }
0x291: {  	v3 =	vadd.f32 v8, v3;
	v4 =	vadd.f32 v17, v4;
	v0 =	vmul.f32 $1.999999960e-02, v0;
	[tilespmem:$0x1C090] =	vst v2  }
0x292: {  	v6 =	vadd.f32 v13, v6;
	v5 =	vmul.f32 $1.999999960e-02, v7;
	[tilespmem:$0x1C0E0] =	vst v1  }
0x293: {  	v3 =	vadd.f32 v12, v3;
	v2 =	vmul.f32 $1.999999960e-02, v4;
	[tilespmem:$0x1C0F0] =	vst v0  }
0x294: {  	v4 =	vmul.f32 $1.999999960e-02, v6;
	[tilespmem:$0x1C0A0] =	vst v5  }
0x295: {  	[tilespmem:$0x1C0B0] =	vst v2;
	v2 =	vmul.f32 $1.999999960e-02, v3  }
0x296: {  	[tilespmem:$0x1C0C0] =	vst v4  }
0x297: {  	[tilespmem:$0x1C0D0] =	vst v2  }
0x298: {  	_ =	swait.ge [sflag:s21], $0x1900  }
0x299: {  	[sflag:s21] =	ssyncset.done $0x0  }
0x29a: {  	[sflag:s21] =	ssyncadd.s32 $0xFFFFE700  }
0x29b: {  	[tilespmem:s22], [sflag:$0x3] =	stream.strided.gather [hbm4b:s8+s17], $0x1800, s18, s17, $0x38;
	[tilespmem:$0x1C700] =	vst v63  }
0x29c: {  	s0 =	simm.s32 $0x0;
	s15 =	simm.s32 $0x0  }
0x29d: {  	[tilespmem:s24], [sflag:$0x3] =	stream.linear.gather [hbm4b:s2+s0], $0x100, $0x38;
	[tilespmem:$0x1C700] =	vst v63  }
0x29e: {  	v0 =	vld [tilespmem:s15+$0x18770]  }
0x29f: {  	v1 =	vld [tilespmem:s15+$0x18700]  }
0x2a0: {  	v2 =	vld [tilespmem:s15+$0x18710]  }
0x2a1: {  	v3 =	vld [tilespmem:s15+$0x18720]  }
0x2a2: {  	v4 =	vld [tilespmem:s15+$0x18730]  }
0x2a3: {  	v5 =	vld [tilespmem:s15+$0x18740]  }
0x2a4: {  	v6 =	vld [tilespmem:s15+$0x18750]  }
0x2a5: {  	v11 =	vld [tilespmem:s15+$0x18760]  }
0x2a6: {  	v0 =	vld.idx.msk [tilespmem:v0+s3+$0x0], $0xffff  }
0x2a7: {  	v1 =	vld.idx.msk [tilespmem:v1+s3+$0x0], $0xffff  }
0x2a8: {  	v13 =	vld.idx.msk [tilespmem:v2+s3+$0x0], $0xffff  }
0x2a9: {  	v12 =	vld.idx.msk [tilespmem:v3+s3+$0x0], $0xffff  }
0x2aa: {  	v10 =	vld.idx.msk [tilespmem:v4+s3+$0x0], $0xffff  }
0x2ab: {  	v7 =	vimm.f32 $0.0e+00;
	v2 =	vimm.f32 $0.0e+00;
	v9 =	vld.idx.msk [tilespmem:v5+s3+$0x0], $0xffff  }
0x2ac: {  	v8 =	vld.idx.msk [tilespmem:v6+s3+$0x0], $0xffff;
	v4 =	vimm.f32 $0.0e+00;
	v6 =	vimm.f32 $0.0e+00;
	v3 =	vimm.f32 $0.0e+00  }
0x2ad: {  	s2 =	simm.s32 $0x80;
	s0 =	simm.s32 $0x400;
	v11 =	vld.idx.msk [tilespmem:v11+s3+$0x0], $0xffff;
	v0 =	vadd.f32 v0, v2;
	v5 =	vadd.f32 v1, v2;
	v1 =	vimm.f32 $0.0e+00  }
.LBB2_22:
0x2ae: {  	p0 =	sne.s32 s0, $0x6200;
	v14 =	vld [tilespmem:s2+$0x18770];
	v2 =	vadd.f32 v13, v2  }
0x2af: {  	v7 =	vadd.f32 v12, v7;
	v13 =	vld [tilespmem:s2+$0x18700]  }
0x2b0: {  	v4 =	vadd.f32 v10, v4;
	v12 =	vld [tilespmem:s2+$0x18710]  }
0x2b1: {  	v6 =	vadd.f32 v9, v6;
	v10 =	vld [tilespmem:s2+$0x18720]  }
0x2b2: {  	v3 =	vadd.f32 v8, v3;
	v9 =	vld [tilespmem:s2+$0x18730]  }
0x2b3: {  	v1 =	vadd.f32 v11, v1;
	v8 =	vld [tilespmem:s2+$0x18740]  }
0x2b4: {  	v11 =	vld [tilespmem:s2+$0x18750]  }
0x2b5: {  	v15 =	vld [tilespmem:s2+$0x18760]  }
0x2b6: {  	v14 =	vld.idx.msk [tilespmem:v14+s3+$0x0], $0xffff  }
0x2b7: {  	v16 =	vld.idx.msk [tilespmem:v13+s3+$0x0], $0xffff  }
0x2b8: {  	v13 =	vld.idx.msk [tilespmem:v12+s3+$0x0], $0xffff  }
.Ltmp10:
0x2b9: {  	v12 =	vld.idx.msk [tilespmem:v10+s3+$0x0], $0xffff;
	(pc) =	sbr.rel @p0 .LBB2_22-.Ltmp10, $4  }
0x2ba: {  	v10 =	vld.idx.msk [tilespmem:v9+s3+$0x0], $0xffff  }
0x2bb: {  	v9 =	vld.idx.msk [tilespmem:v8+s3+$0x0], $0xffff  }
0x2bc: {  	v0 =	vadd.f32 v14, v0;
	v8 =	vld.idx.msk [tilespmem:v11+s3+$0x0], $0xffff  }
0x2bd: {  	s2 =	sshra.s32 s0, $0x2;
	s0 =	sadd.s32 $0x200, s0;
	v5 =	vadd.f32 v16, v5;
	v11 =	vld.idx.msk [tilespmem:v15+s3+$0x0], $0xffff  }
0x2be: {  	v14 =	vld [tilespmem:s2+$0x18700]  }
0x2bf: {  	v15 =	vld [tilespmem:s2+$0x18710]  }
0x2c0: {  	v20 =	vld [tilespmem:s2+$0x18760]  }
0x2c1: {  	v21 =	vld [tilespmem:s2+$0x18770]  }
0x2c2: {  	v16 =	vld [tilespmem:s2+$0x18720]  }
0x2c3: {  	v17 =	vld [tilespmem:s2+$0x18730]  }
0x2c4: {  	v18 =	vld [tilespmem:s2+$0x18740]  }
0x2c5: {  	v19 =	vld [tilespmem:s2+$0x18750]  }
0x2c6: {  	v14 =	vld.idx.msk [tilespmem:v14+s3+$0x0], $0xffff  }
0x2c7: {  	v15 =	vld.idx.msk [tilespmem:v15+s3+$0x0], $0xffff  }
0x2c8: {  	v4 =	vadd.f32 v10, v4;
	v10 =	vld.idx.msk [tilespmem:v20+s3+$0x0], $0xffff  }
0x2c9: {  	v6 =	vadd.f32 v9, v6;
	v9 =	vld.idx.msk [tilespmem:v21+s3+$0x0], $0xffff  }
0x2ca: {  	v2 =	vadd.f32 v13, v2;
	v16 =	vld.idx.msk [tilespmem:v16+s3+$0x0], $0xffff  }
0x2cb: {  	v1 =	vadd.f32 v11, v1;
	v17 =	vld.idx.msk [tilespmem:v17+s3+$0x0], $0xffff;
	v5 =	vadd.f32 v14, v5  }
0x2cc: {  	v13 =	vld.idx.msk [tilespmem:v18+s3+$0x0], $0xffff;
	v2 =	vadd.f32 v15, v2  }
0x2cd: {  	v7 =	vadd.f32 v12, v7;
	v12 =	vld.idx.msk [tilespmem:v19+s3+$0x0], $0xffff;
	v1 =	vadd.f32 v10, v1;
	v5 =	vmul.f32 $1.999999960e-02, v5  }
0x2ce: {  	v0 =	vadd.f32 v9, v0;
	v2 =	vmul.f32 $1.999999960e-02, v2  }
0x2cf: {  	v7 =	vadd.f32 v16, v7;
	v1 =	vmul.f32 $1.999999960e-02, v1;
	[tilespmem:$0x1C180] =	vst v5  }
0x2d0: {  	v3 =	vadd.f32 v8, v3;
	v4 =	vadd.f32 v17, v4;
	v0 =	vmul.f32 $1.999999960e-02, v0;
	[tilespmem:$0x1C190] =	vst v2  }
0x2d1: {  	v6 =	vadd.f32 v13, v6;
	v5 =	vmul.f32 $1.999999960e-02, v7;
	[tilespmem:$0x1C1E0] =	vst v1  }
0x2d2: {  	v3 =	vadd.f32 v12, v3;
	v2 =	vmul.f32 $1.999999960e-02, v4;
	[tilespmem:$0x1C1F0] =	vst v0  }
0x2d3: {  	v4 =	vmul.f32 $1.999999960e-02, v6;
	[tilespmem:$0x1C1A0] =	vst v5  }
0x2d4: {  	[tilespmem:$0x1C1B0] =	vst v2;
	v2 =	vmul.f32 $1.999999960e-02, v3  }
0x2d5: {  	[tilespmem:$0x1C1C0] =	vst v4  }
0x2d6: {  	[tilespmem:$0x1C1D0] =	vst v2  }
0x2d7: {  	_ =	swait.ge [sflag:s26], $0x1900  }
0x2d8: {  	[sflag:s26] =	ssyncset.done $0x0  }
0x2d9: {  	[sflag:s26] =	ssyncadd.s32 $0xFFFFE700  }
0x2da: {  	[tilespmem:s19], [sflag:$0x2] =	stream.strided.gather [hbm4b:s9+s17], $0x1800, s18, s17, $0x38;
	[tilespmem:$0x1C700] =	vst v63  }
0x2db: {  	s0 =	simm.s32 $0x0  }
0x2dc: {  	[tilespmem:s20], [sflag:$0x2] =	stream.linear.gather [hbm4b:s28+s0], $0x100, $0x38;
	[tilespmem:$0x1C700] =	vst v63  }
0x2dd: {  	s28 =	simm.s32 $0x0  }
0x2de: {  	v0 =	vld [tilespmem:s28+$0x1A370]  }
0x2df: {  	v1 =	vld [tilespmem:s28+$0x1A300]  }
0x2e0: {  	v2 =	vld [tilespmem:s28+$0x1A310]  }
0x2e1: {  	v3 =	vld [tilespmem:s28+$0x1A320]  }
0x2e2: {  	v4 =	vld [tilespmem:s28+$0x1A330]  }
0x2e3: {  	v5 =	vld [tilespmem:s28+$0x1A340]  }
0x2e4: {  	v6 =	vld [tilespmem:s28+$0x1A350]  }
0x2e5: {  	v11 =	vld [tilespmem:s28+$0x1A360]  }
0x2e6: {  	v0 =	vld.idx.msk [tilespmem:v0+s3+$0x0], $0xffff  }
0x2e7: {  	v1 =	vld.idx.msk [tilespmem:v1+s3+$0x0], $0xffff  }
0x2e8: {  	v13 =	vld.idx.msk [tilespmem:v2+s3+$0x0], $0xffff  }
0x2e9: {  	v12 =	vld.idx.msk [tilespmem:v3+s3+$0x0], $0xffff  }
0x2ea: {  	v10 =	vld.idx.msk [tilespmem:v4+s3+$0x0], $0xffff  }
0x2eb: {  	v7 =	vimm.f32 $0.0e+00;
	v2 =	vimm.f32 $0.0e+00;
	v9 =	vld.idx.msk [tilespmem:v5+s3+$0x0], $0xffff  }
0x2ec: {  	v8 =	vld.idx.msk [tilespmem:v6+s3+$0x0], $0xffff;
	v4 =	vimm.f32 $0.0e+00;
	v6 =	vimm.f32 $0.0e+00;
	v3 =	vimm.f32 $0.0e+00  }
0x2ed: {  	s2 =	simm.s32 $0x80;
	s0 =	simm.s32 $0x400;
	v11 =	vld.idx.msk [tilespmem:v11+s3+$0x0], $0xffff;
	v0 =	vadd.f32 v0, v2;
	v5 =	vadd.f32 v1, v2;
	v1 =	vimm.f32 $0.0e+00  }
.LBB2_24:
0x2ee: {  	p0 =	sne.s32 s0, $0x6200;
	v14 =	vld [tilespmem:s2+$0x1A370];
	v2 =	vadd.f32 v13, v2  }
0x2ef: {  	v7 =	vadd.f32 v12, v7;
	v13 =	vld [tilespmem:s2+$0x1A300]  }
0x2f0: {  	v4 =	vadd.f32 v10, v4;
	v12 =	vld [tilespmem:s2+$0x1A310]  }
0x2f1: {  	v6 =	vadd.f32 v9, v6;
	v10 =	vld [tilespmem:s2+$0x1A320]  }
0x2f2: {  	v3 =	vadd.f32 v8, v3;
	v9 =	vld [tilespmem:s2+$0x1A330]  }
0x2f3: {  	v1 =	vadd.f32 v11, v1;
	v8 =	vld [tilespmem:s2+$0x1A340]  }
0x2f4: {  	v11 =	vld [tilespmem:s2+$0x1A350]  }
0x2f5: {  	v15 =	vld [tilespmem:s2+$0x1A360]  }
0x2f6: {  	v14 =	vld.idx.msk [tilespmem:v14+s3+$0x0], $0xffff  }
0x2f7: {  	v16 =	vld.idx.msk [tilespmem:v13+s3+$0x0], $0xffff  }
0x2f8: {  	v13 =	vld.idx.msk [tilespmem:v12+s3+$0x0], $0xffff  }
.Ltmp11:
0x2f9: {  	v12 =	vld.idx.msk [tilespmem:v10+s3+$0x0], $0xffff;
	(pc) =	sbr.rel @p0 .LBB2_24-.Ltmp11, $4  }
0x2fa: {  	v10 =	vld.idx.msk [tilespmem:v9+s3+$0x0], $0xffff  }
0x2fb: {  	v9 =	vld.idx.msk [tilespmem:v8+s3+$0x0], $0xffff  }
0x2fc: {  	v0 =	vadd.f32 v14, v0;
	v8 =	vld.idx.msk [tilespmem:v11+s3+$0x0], $0xffff  }
0x2fd: {  	s2 =	sshra.s32 s0, $0x2;
	s0 =	sadd.s32 $0x200, s0;
	v5 =	vadd.f32 v16, v5;
	v11 =	vld.idx.msk [tilespmem:v15+s3+$0x0], $0xffff  }
0x2fe: {  	v14 =	vld [tilespmem:s2+$0x1A300]  }
0x2ff: {  	v15 =	vld [tilespmem:s2+$0x1A310]  }
0x300: {  	v20 =	vld [tilespmem:s2+$0x1A360]  }
0x301: {  	v21 =	vld [tilespmem:s2+$0x1A370]  }
0x302: {  	v16 =	vld [tilespmem:s2+$0x1A320]  }
0x303: {  	v17 =	vld [tilespmem:s2+$0x1A330]  }
0x304: {  	v18 =	vld [tilespmem:s2+$0x1A340]  }
0x305: {  	v19 =	vld [tilespmem:s2+$0x1A350]  }
0x306: {  	v14 =	vld.idx.msk [tilespmem:v14+s3+$0x0], $0xffff  }
0x307: {  	v15 =	vld.idx.msk [tilespmem:v15+s3+$0x0], $0xffff  }
0x308: {  	v4 =	vadd.f32 v10, v4;
	v10 =	vld.idx.msk [tilespmem:v20+s3+$0x0], $0xffff  }
0x309: {  	v6 =	vadd.f32 v9, v6;
	v9 =	vld.idx.msk [tilespmem:v21+s3+$0x0], $0xffff  }
0x30a: {  	v2 =	vadd.f32 v13, v2;
	v16 =	vld.idx.msk [tilespmem:v16+s3+$0x0], $0xffff  }
0x30b: {  	v1 =	vadd.f32 v11, v1;
	v17 =	vld.idx.msk [tilespmem:v17+s3+$0x0], $0xffff;
	v5 =	vadd.f32 v14, v5  }
0x30c: {  	v13 =	vld.idx.msk [tilespmem:v18+s3+$0x0], $0xffff;
	v2 =	vadd.f32 v15, v2  }
0x30d: {  	v7 =	vadd.f32 v12, v7;
	v12 =	vld.idx.msk [tilespmem:v19+s3+$0x0], $0xffff;
	v1 =	vadd.f32 v10, v1;
	v5 =	vmul.f32 $1.999999960e-02, v5  }
0x30e: {  	v0 =	vadd.f32 v9, v0;
	v2 =	vmul.f32 $1.999999960e-02, v2  }
0x30f: {  	v7 =	vadd.f32 v16, v7;
	v1 =	vmul.f32 $1.999999960e-02, v1;
	[tilespmem:$0x1C280] =	vst v5  }
0x310: {  	v3 =	vadd.f32 v8, v3;
	v4 =	vadd.f32 v17, v4;
	v0 =	vmul.f32 $1.999999960e-02, v0;
	[tilespmem:$0x1C290] =	vst v2  }
0x311: {  	v6 =	vadd.f32 v13, v6;
	v5 =	vmul.f32 $1.999999960e-02, v7;
	[tilespmem:$0x1C2E0] =	vst v1  }
0x312: {  	v3 =	vadd.f32 v12, v3;
	v2 =	vmul.f32 $1.999999960e-02, v4;
	[tilespmem:$0x1C2F0] =	vst v0  }
0x313: {  	v4 =	vmul.f32 $1.999999960e-02, v6;
	[tilespmem:$0x1C2A0] =	vst v5  }
0x314: {  	[tilespmem:$0x1C2B0] =	vst v2;
	v2 =	vmul.f32 $1.999999960e-02, v3  }
0x315: {  	[tilespmem:$0x1C2C0] =	vst v4  }
0x316: {  	[tilespmem:$0x1C2D0] =	vst v2  }
0x317: {  	_ =	swait.ge [sflag:s21], $0x1900  }
0x318: {  	[sflag:s21] =	ssyncset.done $0x0  }
0x319: {  	[sflag:s21] =	ssyncadd.s32 $0xFFFFE700  }
0x31a: {  	[tilespmem:s22], [sflag:$0x3] =	stream.strided.gather [hbm4b:s10+s17], $0x1800, s18, s17, $0x38;
	[tilespmem:$0x1C700] =	vst v63  }
0x31b: {  	s0 =	simm.s32 $0x0  }
0x31c: {  	[tilespmem:s24], [sflag:$0x3] =	stream.linear.gather [hbm4b:s29+s0], $0x100, $0x38;
	[tilespmem:$0x1C700] =	vst v63  }
0x31d: {  	s29 =	simm.s32 $0x0  }
0x31e: {  	v0 =	vld [tilespmem:s29+$0x18770]  }
0x31f: {  	v1 =	vld [tilespmem:s29+$0x18700]  }
0x320: {  	v2 =	vld [tilespmem:s29+$0x18710]  }
0x321: {  	v3 =	vld [tilespmem:s29+$0x18720]  }
0x322: {  	v4 =	vld [tilespmem:s29+$0x18730]  }
0x323: {  	v5 =	vld [tilespmem:s29+$0x18740]  }
0x324: {  	v6 =	vld [tilespmem:s29+$0x18750]  }
0x325: {  	v11 =	vld [tilespmem:s29+$0x18760]  }
0x326: {  	v0 =	vld.idx.msk [tilespmem:v0+s3+$0x0], $0xffff  }
0x327: {  	v1 =	vld.idx.msk [tilespmem:v1+s3+$0x0], $0xffff  }
0x328: {  	v13 =	vld.idx.msk [tilespmem:v2+s3+$0x0], $0xffff  }
0x329: {  	v12 =	vld.idx.msk [tilespmem:v3+s3+$0x0], $0xffff  }
0x32a: {  	v10 =	vld.idx.msk [tilespmem:v4+s3+$0x0], $0xffff  }
0x32b: {  	v7 =	vimm.f32 $0.0e+00;
	v2 =	vimm.f32 $0.0e+00;
	v9 =	vld.idx.msk [tilespmem:v5+s3+$0x0], $0xffff  }
0x32c: {  	v8 =	vld.idx.msk [tilespmem:v6+s3+$0x0], $0xffff;
	v4 =	vimm.f32 $0.0e+00;
	v6 =	vimm.f32 $0.0e+00;
	v3 =	vimm.f32 $0.0e+00  }
0x32d: {  	s2 =	simm.s32 $0x80;
	s0 =	simm.s32 $0x400;
	v11 =	vld.idx.msk [tilespmem:v11+s3+$0x0], $0xffff;
	v0 =	vadd.f32 v0, v2;
	v5 =	vadd.f32 v1, v2;
	v1 =	vimm.f32 $0.0e+00  }
.LBB2_26:
0x32e: {  	p0 =	sne.s32 s0, $0x6200;
	v14 =	vld [tilespmem:s2+$0x18770];
	v2 =	vadd.f32 v13, v2  }
0x32f: {  	v7 =	vadd.f32 v12, v7;
	v13 =	vld [tilespmem:s2+$0x18700]  }
0x330: {  	v4 =	vadd.f32 v10, v4;
	v12 =	vld [tilespmem:s2+$0x18710]  }
0x331: {  	v6 =	vadd.f32 v9, v6;
	v10 =	vld [tilespmem:s2+$0x18720]  }
0x332: {  	v3 =	vadd.f32 v8, v3;
	v9 =	vld [tilespmem:s2+$0x18730]  }
0x333: {  	v1 =	vadd.f32 v11, v1;
	v8 =	vld [tilespmem:s2+$0x18740]  }
0x334: {  	v11 =	vld [tilespmem:s2+$0x18750]  }
0x335: {  	v15 =	vld [tilespmem:s2+$0x18760]  }
0x336: {  	v14 =	vld.idx.msk [tilespmem:v14+s3+$0x0], $0xffff  }
0x337: {  	v16 =	vld.idx.msk [tilespmem:v13+s3+$0x0], $0xffff  }
0x338: {  	v13 =	vld.idx.msk [tilespmem:v12+s3+$0x0], $0xffff  }
.Ltmp12:
0x339: {  	v12 =	vld.idx.msk [tilespmem:v10+s3+$0x0], $0xffff;
	(pc) =	sbr.rel @p0 .LBB2_26-.Ltmp12, $4  }
0x33a: {  	v10 =	vld.idx.msk [tilespmem:v9+s3+$0x0], $0xffff  }
0x33b: {  	v9 =	vld.idx.msk [tilespmem:v8+s3+$0x0], $0xffff  }
0x33c: {  	v0 =	vadd.f32 v14, v0;
	v8 =	vld.idx.msk [tilespmem:v11+s3+$0x0], $0xffff  }
0x33d: {  	s2 =	sshra.s32 s0, $0x2;
	s0 =	sadd.s32 $0x200, s0;
	v5 =	vadd.f32 v16, v5;
	v11 =	vld.idx.msk [tilespmem:v15+s3+$0x0], $0xffff  }
0x33e: {  	v14 =	vld [tilespmem:s2+$0x18700]  }
0x33f: {  	v15 =	vld [tilespmem:s2+$0x18710]  }
0x340: {  	v20 =	vld [tilespmem:s2+$0x18760]  }
0x341: {  	v21 =	vld [tilespmem:s2+$0x18770]  }
0x342: {  	v16 =	vld [tilespmem:s2+$0x18720]  }
0x343: {  	v17 =	vld [tilespmem:s2+$0x18730]  }
0x344: {  	v18 =	vld [tilespmem:s2+$0x18740]  }
0x345: {  	v19 =	vld [tilespmem:s2+$0x18750]  }
0x346: {  	v14 =	vld.idx.msk [tilespmem:v14+s3+$0x0], $0xffff  }
0x347: {  	v15 =	vld.idx.msk [tilespmem:v15+s3+$0x0], $0xffff  }
0x348: {  	v4 =	vadd.f32 v10, v4;
	v10 =	vld.idx.msk [tilespmem:v20+s3+$0x0], $0xffff  }
0x349: {  	v6 =	vadd.f32 v9, v6;
	v9 =	vld.idx.msk [tilespmem:v21+s3+$0x0], $0xffff  }
0x34a: {  	v2 =	vadd.f32 v13, v2;
	v16 =	vld.idx.msk [tilespmem:v16+s3+$0x0], $0xffff  }
0x34b: {  	v1 =	vadd.f32 v11, v1;
	v17 =	vld.idx.msk [tilespmem:v17+s3+$0x0], $0xffff;
	v5 =	vadd.f32 v14, v5  }
0x34c: {  	v13 =	vld.idx.msk [tilespmem:v18+s3+$0x0], $0xffff;
	v2 =	vadd.f32 v15, v2  }
0x34d: {  	v7 =	vadd.f32 v12, v7;
	v12 =	vld.idx.msk [tilespmem:v19+s3+$0x0], $0xffff;
	v1 =	vadd.f32 v10, v1;
	v5 =	vmul.f32 $1.999999960e-02, v5  }
0x34e: {  	v0 =	vadd.f32 v9, v0;
	v2 =	vmul.f32 $1.999999960e-02, v2  }
0x34f: {  	v7 =	vadd.f32 v16, v7;
	v1 =	vmul.f32 $1.999999960e-02, v1;
	[tilespmem:$0x1C380] =	vst v5  }
0x350: {  	v3 =	vadd.f32 v8, v3;
	v4 =	vadd.f32 v17, v4;
	v0 =	vmul.f32 $1.999999960e-02, v0;
	[tilespmem:$0x1C390] =	vst v2  }
0x351: {  	v6 =	vadd.f32 v13, v6;
	v5 =	vmul.f32 $1.999999960e-02, v7;
	[tilespmem:$0x1C3E0] =	vst v1  }
0x352: {  	v3 =	vadd.f32 v12, v3;
	v2 =	vmul.f32 $1.999999960e-02, v4;
	[tilespmem:$0x1C3F0] =	vst v0  }
0x353: {  	v4 =	vmul.f32 $1.999999960e-02, v6;
	[tilespmem:$0x1C3A0] =	vst v5  }
0x354: {  	[tilespmem:$0x1C3B0] =	vst v2;
	v2 =	vmul.f32 $1.999999960e-02, v3  }
0x355: {  	[tilespmem:$0x1C3C0] =	vst v4  }
0x356: {  	[tilespmem:$0x1C3D0] =	vst v2  }
0x357: {  	_ =	swait.ge [sflag:s26], $0x1900  }
0x358: {  	[sflag:s26] =	ssyncset.done $0x0  }
0x359: {  	[sflag:s26] =	ssyncadd.s32 $0xFFFFE700  }
0x35a: {  	[tilespmem:s19], [sflag:$0x2] =	stream.strided.gather [hbm4b:s11+s17], $0x1800, s18, s17, $0x38;
	[tilespmem:$0x1C700] =	vst v63  }
0x35b: {  	s0 =	simm.s32 $0x0;
	s29 =	simm.s32 $0x0  }
0x35c: {  	[tilespmem:s20], [sflag:$0x2] =	stream.linear.gather [hbm4b:s16+s0], $0x100, $0x38;
	[tilespmem:$0x1C700] =	vst v63  }
0x35d: {  	v0 =	vld [tilespmem:s29+$0x1A370]  }
0x35e: {  	v1 =	vld [tilespmem:s29+$0x1A300]  }
0x35f: {  	v2 =	vld [tilespmem:s29+$0x1A310]  }
0x360: {  	v3 =	vld [tilespmem:s29+$0x1A320]  }
0x361: {  	v4 =	vld [tilespmem:s29+$0x1A330]  }
0x362: {  	v5 =	vld [tilespmem:s29+$0x1A340]  }
0x363: {  	v6 =	vld [tilespmem:s29+$0x1A350]  }
0x364: {  	v11 =	vld [tilespmem:s29+$0x1A360]  }
0x365: {  	v0 =	vld.idx.msk [tilespmem:v0+s3+$0x0], $0xffff  }
0x366: {  	v1 =	vld.idx.msk [tilespmem:v1+s3+$0x0], $0xffff  }
0x367: {  	v13 =	vld.idx.msk [tilespmem:v2+s3+$0x0], $0xffff  }
0x368: {  	v12 =	vld.idx.msk [tilespmem:v3+s3+$0x0], $0xffff  }
0x369: {  	v10 =	vld.idx.msk [tilespmem:v4+s3+$0x0], $0xffff  }
0x36a: {  	v7 =	vimm.f32 $0.0e+00;
	v2 =	vimm.f32 $0.0e+00;
	v9 =	vld.idx.msk [tilespmem:v5+s3+$0x0], $0xffff  }
0x36b: {  	v8 =	vld.idx.msk [tilespmem:v6+s3+$0x0], $0xffff;
	v4 =	vimm.f32 $0.0e+00;
	v6 =	vimm.f32 $0.0e+00;
	v3 =	vimm.f32 $0.0e+00  }
0x36c: {  	s2 =	simm.s32 $0x80;
	s0 =	simm.s32 $0x400;
	v11 =	vld.idx.msk [tilespmem:v11+s3+$0x0], $0xffff;
	v0 =	vadd.f32 v0, v2;
	v5 =	vadd.f32 v1, v2;
	v1 =	vimm.f32 $0.0e+00  }
.LBB2_28:
0x36d: {  	p0 =	sne.s32 s0, $0x6200;
	v14 =	vld [tilespmem:s2+$0x1A370];
	v2 =	vadd.f32 v13, v2  }
0x36e: {  	v7 =	vadd.f32 v12, v7;
	v13 =	vld [tilespmem:s2+$0x1A300]  }
0x36f: {  	v4 =	vadd.f32 v10, v4;
	v12 =	vld [tilespmem:s2+$0x1A310]  }
0x370: {  	v6 =	vadd.f32 v9, v6;
	v10 =	vld [tilespmem:s2+$0x1A320]  }
0x371: {  	v3 =	vadd.f32 v8, v3;
	v9 =	vld [tilespmem:s2+$0x1A330]  }
0x372: {  	v1 =	vadd.f32 v11, v1;
	v8 =	vld [tilespmem:s2+$0x1A340]  }
0x373: {  	v11 =	vld [tilespmem:s2+$0x1A350]  }
0x374: {  	v15 =	vld [tilespmem:s2+$0x1A360]  }
0x375: {  	v14 =	vld.idx.msk [tilespmem:v14+s3+$0x0], $0xffff  }
0x376: {  	v16 =	vld.idx.msk [tilespmem:v13+s3+$0x0], $0xffff  }
0x377: {  	v13 =	vld.idx.msk [tilespmem:v12+s3+$0x0], $0xffff  }
.Ltmp13:
0x378: {  	v12 =	vld.idx.msk [tilespmem:v10+s3+$0x0], $0xffff;
	(pc) =	sbr.rel @p0 .LBB2_28-.Ltmp13, $4  }
0x379: {  	v10 =	vld.idx.msk [tilespmem:v9+s3+$0x0], $0xffff  }
0x37a: {  	v9 =	vld.idx.msk [tilespmem:v8+s3+$0x0], $0xffff  }
0x37b: {  	v0 =	vadd.f32 v14, v0;
	v8 =	vld.idx.msk [tilespmem:v11+s3+$0x0], $0xffff  }
0x37c: {  	s2 =	sshra.s32 s0, $0x2;
	s0 =	sadd.s32 $0x200, s0;
	v5 =	vadd.f32 v16, v5;
	v11 =	vld.idx.msk [tilespmem:v15+s3+$0x0], $0xffff  }
0x37d: {  	v14 =	vld [tilespmem:s2+$0x1A300]  }
0x37e: {  	v15 =	vld [tilespmem:s2+$0x1A310]  }
0x37f: {  	v20 =	vld [tilespmem:s2+$0x1A360]  }
0x380: {  	v21 =	vld [tilespmem:s2+$0x1A370]  }
0x381: {  	v16 =	vld [tilespmem:s2+$0x1A320]  }
0x382: {  	v17 =	vld [tilespmem:s2+$0x1A330]  }
0x383: {  	v18 =	vld [tilespmem:s2+$0x1A340]  }
0x384: {  	v19 =	vld [tilespmem:s2+$0x1A350]  }
0x385: {  	v14 =	vld.idx.msk [tilespmem:v14+s3+$0x0], $0xffff  }
0x386: {  	v15 =	vld.idx.msk [tilespmem:v15+s3+$0x0], $0xffff  }
0x387: {  	v4 =	vadd.f32 v10, v4;
	v10 =	vld.idx.msk [tilespmem:v20+s3+$0x0], $0xffff  }
0x388: {  	v6 =	vadd.f32 v9, v6;
	v9 =	vld.idx.msk [tilespmem:v21+s3+$0x0], $0xffff  }
0x389: {  	v2 =	vadd.f32 v13, v2;
	v16 =	vld.idx.msk [tilespmem:v16+s3+$0x0], $0xffff  }
0x38a: {  	v1 =	vadd.f32 v11, v1;
	v17 =	vld.idx.msk [tilespmem:v17+s3+$0x0], $0xffff;
	v5 =	vadd.f32 v14, v5  }
0x38b: {  	v13 =	vld.idx.msk [tilespmem:v18+s3+$0x0], $0xffff;
	v2 =	vadd.f32 v15, v2  }
0x38c: {  	v7 =	vadd.f32 v12, v7;
	v12 =	vld.idx.msk [tilespmem:v19+s3+$0x0], $0xffff;
	v1 =	vadd.f32 v10, v1;
	v5 =	vmul.f32 $1.999999960e-02, v5  }
0x38d: {  	v0 =	vadd.f32 v9, v0;
	v2 =	vmul.f32 $1.999999960e-02, v2  }
0x38e: {  	v7 =	vadd.f32 v16, v7;
	v1 =	vmul.f32 $1.999999960e-02, v1;
	[tilespmem:$0x1C480] =	vst v5  }
0x38f: {  	v3 =	vadd.f32 v8, v3;
	v4 =	vadd.f32 v17, v4;
	v0 =	vmul.f32 $1.999999960e-02, v0;
	[tilespmem:$0x1C490] =	vst v2  }
0x390: {  	v6 =	vadd.f32 v13, v6;
	v5 =	vmul.f32 $1.999999960e-02, v7;
	[tilespmem:$0x1C4E0] =	vst v1  }
0x391: {  	v3 =	vadd.f32 v12, v3;
	v2 =	vmul.f32 $1.999999960e-02, v4;
	[tilespmem:$0x1C4F0] =	vst v0  }
0x392: {  	v4 =	vmul.f32 $1.999999960e-02, v6;
	[tilespmem:$0x1C4A0] =	vst v5  }
0x393: {  	[tilespmem:$0x1C4B0] =	vst v2;
	v2 =	vmul.f32 $1.999999960e-02, v3  }
0x394: {  	[tilespmem:$0x1C4C0] =	vst v4  }
0x395: {  	[tilespmem:$0x1C4D0] =	vst v2  }
0x396: {  	_ =	swait.ge [sflag:s21], $0x1900  }
0x397: {  	[sflag:s21] =	ssyncset.done $0x0  }
0x398: {  	[sflag:s21] =	ssyncadd.s32 $0xFFFFE700  }
0x399: {  	[tilespmem:s22], [sflag:$0x3] =	stream.strided.gather [hbm4b:s12+s17], $0x1800, s18, s17, $0x38;
	[tilespmem:$0x1C700] =	vst v63  }
0x39a: {  	s0 =	simm.s32 $0x0;
	s29 =	simm.s32 $0x0  }
0x39b: {  	[tilespmem:s24], [sflag:$0x3] =	stream.linear.gather [hbm4b:s13+s0], $0x100, $0x38;
	[tilespmem:$0x1C700] =	vst v63  }
0x39c: {  	v0 =	vld [tilespmem:s29+$0x18770]  }
0x39d: {  	v1 =	vld [tilespmem:s29+$0x18700]  }
0x39e: {  	v2 =	vld [tilespmem:s29+$0x18710]  }
0x39f: {  	v3 =	vld [tilespmem:s29+$0x18720]  }
0x3a0: {  	v4 =	vld [tilespmem:s29+$0x18730]  }
0x3a1: {  	v5 =	vld [tilespmem:s29+$0x18740]  }
0x3a2: {  	v6 =	vld [tilespmem:s29+$0x18750]  }
0x3a3: {  	v11 =	vld [tilespmem:s29+$0x18760]  }
0x3a4: {  	v0 =	vld.idx.msk [tilespmem:v0+s3+$0x0], $0xffff  }
0x3a5: {  	v1 =	vld.idx.msk [tilespmem:v1+s3+$0x0], $0xffff  }
0x3a6: {  	v13 =	vld.idx.msk [tilespmem:v2+s3+$0x0], $0xffff  }
0x3a7: {  	v12 =	vld.idx.msk [tilespmem:v3+s3+$0x0], $0xffff  }
0x3a8: {  	v10 =	vld.idx.msk [tilespmem:v4+s3+$0x0], $0xffff  }
0x3a9: {  	v7 =	vimm.f32 $0.0e+00;
	v2 =	vimm.f32 $0.0e+00;
	v9 =	vld.idx.msk [tilespmem:v5+s3+$0x0], $0xffff  }
0x3aa: {  	v8 =	vld.idx.msk [tilespmem:v6+s3+$0x0], $0xffff;
	v4 =	vimm.f32 $0.0e+00;
	v6 =	vimm.f32 $0.0e+00;
	v3 =	vimm.f32 $0.0e+00  }
0x3ab: {  	s2 =	simm.s32 $0x80;
	s0 =	simm.s32 $0x400;
	v11 =	vld.idx.msk [tilespmem:v11+s3+$0x0], $0xffff;
	v0 =	vadd.f32 v0, v2;
	v5 =	vadd.f32 v1, v2;
	v1 =	vimm.f32 $0.0e+00  }
.LBB2_30:
0x3ac: {  	p0 =	sne.s32 s0, $0x6200;
	v14 =	vld [tilespmem:s2+$0x18770];
	v2 =	vadd.f32 v13, v2  }
0x3ad: {  	v7 =	vadd.f32 v12, v7;
	v13 =	vld [tilespmem:s2+$0x18700]  }
0x3ae: {  	v4 =	vadd.f32 v10, v4;
	v12 =	vld [tilespmem:s2+$0x18710]  }
0x3af: {  	v6 =	vadd.f32 v9, v6;
	v10 =	vld [tilespmem:s2+$0x18720]  }
0x3b0: {  	v3 =	vadd.f32 v8, v3;
	v9 =	vld [tilespmem:s2+$0x18730]  }
0x3b1: {  	v1 =	vadd.f32 v11, v1;
	v8 =	vld [tilespmem:s2+$0x18740]  }
0x3b2: {  	v11 =	vld [tilespmem:s2+$0x18750]  }
0x3b3: {  	v15 =	vld [tilespmem:s2+$0x18760]  }
0x3b4: {  	v14 =	vld.idx.msk [tilespmem:v14+s3+$0x0], $0xffff  }
0x3b5: {  	v16 =	vld.idx.msk [tilespmem:v13+s3+$0x0], $0xffff  }
0x3b6: {  	v13 =	vld.idx.msk [tilespmem:v12+s3+$0x0], $0xffff  }
.Ltmp14:
0x3b7: {  	v12 =	vld.idx.msk [tilespmem:v10+s3+$0x0], $0xffff;
	(pc) =	sbr.rel @p0 .LBB2_30-.Ltmp14, $4  }
0x3b8: {  	v10 =	vld.idx.msk [tilespmem:v9+s3+$0x0], $0xffff  }
0x3b9: {  	v9 =	vld.idx.msk [tilespmem:v8+s3+$0x0], $0xffff  }
0x3ba: {  	v0 =	vadd.f32 v14, v0;
	v8 =	vld.idx.msk [tilespmem:v11+s3+$0x0], $0xffff  }
0x3bb: {  	s2 =	sshra.s32 s0, $0x2;
	s0 =	sadd.s32 $0x200, s0;
	v5 =	vadd.f32 v16, v5;
	v11 =	vld.idx.msk [tilespmem:v15+s3+$0x0], $0xffff  }
0x3bc: {  	v14 =	vld [tilespmem:s2+$0x18700]  }
0x3bd: {  	v15 =	vld [tilespmem:s2+$0x18710]  }
0x3be: {  	v20 =	vld [tilespmem:s2+$0x18760]  }
0x3bf: {  	v21 =	vld [tilespmem:s2+$0x18770]  }
0x3c0: {  	v16 =	vld [tilespmem:s2+$0x18720]  }
0x3c1: {  	v17 =	vld [tilespmem:s2+$0x18730]  }
0x3c2: {  	v18 =	vld [tilespmem:s2+$0x18740]  }
0x3c3: {  	v19 =	vld [tilespmem:s2+$0x18750]  }
0x3c4: {  	v14 =	vld.idx.msk [tilespmem:v14+s3+$0x0], $0xffff  }
0x3c5: {  	v15 =	vld.idx.msk [tilespmem:v15+s3+$0x0], $0xffff  }
0x3c6: {  	v4 =	vadd.f32 v10, v4;
	v10 =	vld.idx.msk [tilespmem:v20+s3+$0x0], $0xffff  }
0x3c7: {  	v6 =	vadd.f32 v9, v6;
	v9 =	vld.idx.msk [tilespmem:v21+s3+$0x0], $0xffff  }
0x3c8: {  	v2 =	vadd.f32 v13, v2;
	v16 =	vld.idx.msk [tilespmem:v16+s3+$0x0], $0xffff  }
0x3c9: {  	v1 =	vadd.f32 v11, v1;
	v17 =	vld.idx.msk [tilespmem:v17+s3+$0x0], $0xffff;
	v5 =	vadd.f32 v14, v5  }
0x3ca: {  	v13 =	vld.idx.msk [tilespmem:v18+s3+$0x0], $0xffff;
	v2 =	vadd.f32 v15, v2  }
0x3cb: {  	v7 =	vadd.f32 v12, v7;
	v12 =	vld.idx.msk [tilespmem:v19+s3+$0x0], $0xffff;
	v1 =	vadd.f32 v10, v1;
	v5 =	vmul.f32 $1.999999960e-02, v5  }
0x3cc: {  	v0 =	vadd.f32 v9, v0;
	v2 =	vmul.f32 $1.999999960e-02, v2  }
0x3cd: {  	v7 =	vadd.f32 v16, v7;
	v1 =	vmul.f32 $1.999999960e-02, v1;
	[tilespmem:$0x1C580] =	vst v5  }
0x3ce: {  	v3 =	vadd.f32 v8, v3;
	v4 =	vadd.f32 v17, v4;
	v0 =	vmul.f32 $1.999999960e-02, v0;
	[tilespmem:$0x1C590] =	vst v2  }
0x3cf: {  	v6 =	vadd.f32 v13, v6;
	v5 =	vmul.f32 $1.999999960e-02, v7;
	[tilespmem:$0x1C5E0] =	vst v1  }
0x3d0: {  	v3 =	vadd.f32 v12, v3;
	v2 =	vmul.f32 $1.999999960e-02, v4;
	[tilespmem:$0x1C5F0] =	vst v0  }
0x3d1: {  	v4 =	vmul.f32 $1.999999960e-02, v6;
	[tilespmem:$0x1C5A0] =	vst v5  }
0x3d2: {  	[tilespmem:$0x1C5B0] =	vst v2;
	v2 =	vmul.f32 $1.999999960e-02, v3  }
0x3d3: {  	[tilespmem:$0x1C5C0] =	vst v4  }
0x3d4: {  	[tilespmem:$0x1C5D0] =	vst v2  }
0x3d5: {  	_ =	swait.ge [sflag:s26], $0x1900  }
0x3d6: {  	[sflag:s26] =	ssyncset.done $0x0  }
0x3d7: {  	s0 =	simm.s32 $0x0;
	[sflag:s26] =	ssyncadd.s32 $0xFFFFE700  }
0x3d8: {  	v0 =	vld [tilespmem:s0+$0x1A370]  }
0x3d9: {  	v1 =	vld [tilespmem:s0+$0x1A300]  }
0x3da: {  	v2 =	vld [tilespmem:s0+$0x1A310]  }
0x3db: {  	v3 =	vld [tilespmem:s0+$0x1A320]  }
0x3dc: {  	v4 =	vld [tilespmem:s0+$0x1A330]  }
0x3dd: {  	v5 =	vld [tilespmem:s0+$0x1A340]  }
0x3de: {  	v6 =	vld [tilespmem:s0+$0x1A350]  }
0x3df: {  	v11 =	vld [tilespmem:s0+$0x1A360]  }
0x3e0: {  	v0 =	vld.idx.msk [tilespmem:v0+s3+$0x0], $0xffff  }
0x3e1: {  	v1 =	vld.idx.msk [tilespmem:v1+s3+$0x0], $0xffff  }
0x3e2: {  	v13 =	vld.idx.msk [tilespmem:v2+s3+$0x0], $0xffff  }
0x3e3: {  	v12 =	vld.idx.msk [tilespmem:v3+s3+$0x0], $0xffff  }
0x3e4: {  	v10 =	vld.idx.msk [tilespmem:v4+s3+$0x0], $0xffff  }
0x3e5: {  	v7 =	vimm.f32 $0.0e+00;
	v2 =	vimm.f32 $0.0e+00;
	v9 =	vld.idx.msk [tilespmem:v5+s3+$0x0], $0xffff  }
0x3e6: {  	v8 =	vld.idx.msk [tilespmem:v6+s3+$0x0], $0xffff;
	v4 =	vimm.f32 $0.0e+00;
	v6 =	vimm.f32 $0.0e+00;
	v3 =	vimm.f32 $0.0e+00  }
0x3e7: {  	s2 =	simm.s32 $0x80;
	s0 =	simm.s32 $0x400;
	v11 =	vld.idx.msk [tilespmem:v11+s3+$0x0], $0xffff;
	v0 =	vadd.f32 v0, v2;
	v5 =	vadd.f32 v1, v2;
	v1 =	vimm.f32 $0.0e+00  }
.LBB2_32:
0x3e8: {  	p0 =	sne.s32 s0, $0x6200;
	v14 =	vld [tilespmem:s2+$0x1A370];
	v2 =	vadd.f32 v13, v2  }
0x3e9: {  	v7 =	vadd.f32 v12, v7;
	v13 =	vld [tilespmem:s2+$0x1A300]  }
0x3ea: {  	v4 =	vadd.f32 v10, v4;
	v12 =	vld [tilespmem:s2+$0x1A310]  }
0x3eb: {  	v6 =	vadd.f32 v9, v6;
	v10 =	vld [tilespmem:s2+$0x1A320]  }
0x3ec: {  	v3 =	vadd.f32 v8, v3;
	v9 =	vld [tilespmem:s2+$0x1A330]  }
0x3ed: {  	v1 =	vadd.f32 v11, v1;
	v8 =	vld [tilespmem:s2+$0x1A340]  }
0x3ee: {  	v11 =	vld [tilespmem:s2+$0x1A350]  }
0x3ef: {  	v15 =	vld [tilespmem:s2+$0x1A360]  }
0x3f0: {  	v14 =	vld.idx.msk [tilespmem:v14+s3+$0x0], $0xffff  }
0x3f1: {  	v16 =	vld.idx.msk [tilespmem:v13+s3+$0x0], $0xffff  }
0x3f2: {  	v13 =	vld.idx.msk [tilespmem:v12+s3+$0x0], $0xffff  }
.Ltmp15:
0x3f3: {  	v12 =	vld.idx.msk [tilespmem:v10+s3+$0x0], $0xffff;
	(pc) =	sbr.rel @p0 .LBB2_32-.Ltmp15, $4  }
0x3f4: {  	v10 =	vld.idx.msk [tilespmem:v9+s3+$0x0], $0xffff  }
0x3f5: {  	v9 =	vld.idx.msk [tilespmem:v8+s3+$0x0], $0xffff  }
0x3f6: {  	v0 =	vadd.f32 v14, v0;
	v8 =	vld.idx.msk [tilespmem:v11+s3+$0x0], $0xffff  }
0x3f7: {  	s2 =	sshra.s32 s0, $0x2;
	s0 =	sadd.s32 $0x200, s0;
	v5 =	vadd.f32 v16, v5;
	v11 =	vld.idx.msk [tilespmem:v15+s3+$0x0], $0xffff  }
0x3f8: {  	v14 =	vld [tilespmem:s2+$0x1A300]  }
0x3f9: {  	v15 =	vld [tilespmem:s2+$0x1A310]  }
0x3fa: {  	v16 =	vld [tilespmem:s2+$0x1A320]  }
0x3fb: {  	v17 =	vld [tilespmem:s2+$0x1A330]  }
0x3fc: {  	v18 =	vld [tilespmem:s2+$0x1A340]  }
0x3fd: {  	v19 =	vld [tilespmem:s2+$0x1A350]  }
0x3fe: {  	v20 =	vld [tilespmem:s2+$0x1A360]  }
0x3ff: {  	v21 =	vld [tilespmem:s2+$0x1A370]  }
0x400: {  	v14 =	vld.idx.msk [tilespmem:v14+s3+$0x0], $0xffff  }
0x401: {  	v15 =	vld.idx.msk [tilespmem:v15+s3+$0x0], $0xffff  }
0x402: {  	v16 =	vld.idx.msk [tilespmem:v16+s3+$0x0], $0xffff  }
0x403: {  	v17 =	vld.idx.msk [tilespmem:v17+s3+$0x0], $0xffff  }
0x404: {  	v2 =	vadd.f32 v13, v2;
	v56 =	vld.idx.msk [tilespmem:v18+s3+$0x0], $0xffff  }
0x405: {  	v7 =	vadd.f32 v12, v7;
	v57 =	vld.idx.msk [tilespmem:v19+s3+$0x0], $0xffff;
	v5 =	vadd.f32 v14, v5  }
0x406: {  	v4 =	vadd.f32 v10, v4;
	v58 =	vld.idx.msk [tilespmem:v20+s3+$0x0], $0xffff;
	v2 =	vadd.f32 v15, v2  }
0x407: {  	v6 =	vadd.f32 v9, v6;
	v59 =	vld.idx.msk [tilespmem:v21+s3+$0x0], $0xffff;
	v7 =	vadd.f32 v16, v7;
	v5 =	vmul.f32 $1.999999960e-02, v5  }
0x408: {  	v3 =	vadd.f32 v8, v3;
	v4 =	vadd.f32 v17, v4;
	v2 =	vmul.f32 $1.999999960e-02, v2  }
0x409: {  	v1 =	vadd.f32 v11, v1;
	v6 =	vadd.f32 v56, v6;
	v60 =	vmul.f32 $1.999999960e-02, v7;
	[tilespmem:$0x1C680] =	vst v5  }
0x40a: {  	v3 =	vadd.f32 v57, v3;
	v61 =	vmul.f32 $1.999999960e-02, v4;
	[tilespmem:$0x1C690] =	vst v2  }
0x40b: {  	v1 =	vadd.f32 v58, v1;
	v62 =	vmul.f32 $1.999999960e-02, v6;
	[tilespmem:$0x1C6A0] =	vst v60  }
0x40c: {  	v0 =	vadd.f32 v59, v0;
	v63 =	vmul.f32 $1.999999960e-02, v3;
	[tilespmem:$0x1C6B0] =	vst v61  }
0x40d: {  	v1 =	vmul.f32 $1.999999960e-02, v1;
	[tilespmem:$0x1C6C0] =	vst v62  }
0x40e: {  	v0 =	vmul.f32 $1.999999960e-02, v0;
	[tilespmem:$0x1C6D0] =	vst v63  }
0x40f: {  	[tilespmem:$0x1C6E0] =	vst v1  }
0x410: {  	s0 =	rddreg [dreg:$0x5];
	s28 =	simm.s32 $0x100;
	s4 =	simm.s32 $0x1BF00;
	[tilespmem:$0x1C6F0] =	vst v0  }
0x411: {  	[hbm4b:s0+s28] =	stream.strided.scatter [tilespmem:s4], [sflag:$0x4], $0x800, s17, s28, $0x38;
	[tilespmem:$0x1C700] =	vst v63  }
0x412: {  	_ =	swait.ge [sflag:s30], $0x800  }
0x413: {  	s31 =	sadd.s32 $0x1, s31;
	s29 =	rddreg [dreg:$0x6]  }
0x414: {  	p0 =	sne.s32 s31, s29  }
.Ltmp16:
0x415: {  	_ = 	snop;
	(pc) =	sbr.rel @p0 .LBB2_1-.Ltmp16, $3  }
0x416: {  	_ =	sdelay $0x1  }
0x417: {  	[sflag:s30] =	ssyncset.done $0x0  }
0x418: {  	[sflag:s30] =	ssyncadd.s32 $0xFFFFF800  }
0x419: {  	_ =	sfence.sel $0x180000  }
0x41a: {  	[bflag:$0x0] =	sbarrier.arrive $0xFFFF  }
0x41b: {  	_ =	strace $0x90000047  }
0x41c: {  	s0 =	stileid.u32;
	[bflag:$0x2] =	sbarrier.arrive $0xFFFF  }
0x41d: {  	p0 =	sne.s32 s0, $0x0;
	s0 =	rddreg [dreg:$0x3]  }
0x41e: {  	s0 =	sadd.s32 @!p0 $0x100000, s0  }
0x41f: {  	[sflag:s0] =	ssyncadd.tile.s32 @!p0 $0x1;
	_ =	shalt  }
.Lfunc_end2:
_tile_overlayer_lowered:
.L_overlay_start_2:
0x420: {  	(tag) =	ssettag $0x2  }
0x421: {  	s0 =	rddreg [dreg:$0x0];
	s2 =	stileid.u32  }
0x422: {  	s1 =	rddreg [dreg:$0x1];
	p0 =	sne.s32 s2, $0x0  }
0x423: {  	s3 =	rddreg [dreg:$0x2];
	[bflag:$0x3] =	sbarrier.arrive $0xFFFF;
	s2 =	simm.s32 @!p0 $0x1C04  }
0x424: {  	[timem:s3], [sflag:s2] =	dma.local @!p0 [hbm:s0], s1  }
0x425: {  	s0 =	simm.s32 @!p0 $0x4  }
0x426: {  	_ =	swait.ge @!p0 [sflag:s0], s1  }
0x427: {  	s1 =	ssub.s32 @!p0 $0x0, s1;
	[sflag:s0] =	ssyncset.done @!p0 $0x0  }
0x428: {  	[sflag:s0] =	ssyncadd.s32 @!p0 s1  }
0x429: {  	[bflag:$0x3] =	sbarrier.arrive $0xFFFF  }
0x42a: {  	_ =	shalt  }

</sc_bundles>
